<compile_context>
chip_gen: v7x
topology: tpu7x:2x2x1
jax: 0.10.2.dev20260603
libtpu: 0.0.44.dev20260713+nightly
codegen_flags: <defaults>
</compile_context>

<pallas_src>
import functools

import jax
import jax.numpy as jnp
from jax import lax
from jax.experimental import pallas as pl
from jax.experimental.pallas import tpu as pltpu
from jax.experimental.pallas import tpu_sc as plsc

B = 4096
CTX = 20
D = 128
V = 100000

NC = 2
NS = 16
NW = NC * NS
BPW = B // NW
CH = 4
NCHUNK = BPW // CH
IPC = CH * CTX


def _gather_mean_sc(idx_flat, emb):
  mesh = plsc.VectorSubcoreMesh(core_axis_name="c", subcore_axis_name="s")

  @functools.partial(
      pl.kernel,
      mesh=mesh,
      out_type=jax.ShapeDtypeStruct((B, D), jnp.float32),
      scratch_types=[
          pltpu.VMEM((BPW * CTX,), jnp.int32),
          pltpu.VMEM((2, IPC, D), jnp.float32),
          pltpu.VMEM((BPW, D), jnp.float32),
          pltpu.SemaphoreType.DMA,
          pltpu.SemaphoreType.DMA,
      ],
      compiler_params=pltpu.CompilerParams(use_tc_tiling_on_sc=True),
  )
  def k(idx_hbm, emb_hbm, ctx_hbm, idx_v, rows_v, acc_v, sem_a, sem_b):
    wid = lax.axis_index("s") * NC + lax.axis_index("c")
    base = wid * BPW
    pltpu.sync_copy(idx_hbm.at[pl.ds(base * CTX, BPW * CTX)], idx_v)
    pltpu.async_copy(
        emb_hbm.at[idx_v.at[pl.ds(0, IPC)]], rows_v.at[0], sem_a)

    def accumulate(buf, k_chunk):
      def per_row(r, _):
        src = r * CTX
        for dd in range(D // 16):
          sl = pl.ds(dd * 16, 16)
          a = rows_v[buf, src, sl]
          for ci in range(1, CTX):
            a = a + rows_v[buf, src + ci, sl]
          acc_v[k_chunk * CH + r, sl] = a * (1.0 / CTX)
        return 0
      lax.fori_loop(0, CH, per_row, 0)

    def body(i, _):
      k0 = 2 * i
      k1 = k0 + 1
      pltpu.async_copy(
          emb_hbm.at[idx_v.at[pl.ds(k1 * IPC, IPC)]], rows_v.at[1], sem_b)
      pltpu.make_async_copy(
          emb_hbm.at[idx_v.at[pl.ds(k0 * IPC, IPC)]], rows_v.at[0],
          sem_a).wait()
      accumulate(0, k0)

      @pl.when(k0 + 2 < NCHUNK)
      def _():
        pltpu.async_copy(
            emb_hbm.at[idx_v.at[pl.ds((k0 + 2) * IPC, IPC)]], rows_v.at[0],
            sem_a)

      pltpu.make_async_copy(
          emb_hbm.at[idx_v.at[pl.ds(k1 * IPC, IPC)]], rows_v.at[1],
          sem_b).wait()
      accumulate(1, k1)
      return 0

    lax.fori_loop(0, NCHUNK // 2, body, 0)
    pltpu.sync_copy(acc_v, ctx_hbm.at[pl.ds(base, BPW)])

  return k(idx_flat, emb)


BN = 1792
GRID_N = pl.cdiv(V, BN)


def _proj_kernel(w_ref, ctx_ref, b_ref, out_ref):
  c = ctx_ref[...].astype(jnp.bfloat16)
  w = w_ref[...].astype(jnp.bfloat16)
  acc = lax.dot_general(w, c, (((1,), (1,)), ((), ())),
                        preferred_element_type=jnp.float32)
  b_col = jnp.transpose(b_ref[...], (1, 0))[:, 0:1]
  out_ref[...] = acc + b_col


def _project_t(ctx, W, b_col):
  return pl.pallas_call(
      _proj_kernel,
      grid=(GRID_N,),
      in_specs=[
          pl.BlockSpec((BN, D), lambda n: (n, 0)),
          pl.BlockSpec((B, D), lambda n: (0, 0)),
          pl.BlockSpec((8, BN), lambda n: (0, n)),
      ],
      out_specs=pl.BlockSpec((BN, B), lambda n: (n, 0)),
      out_shape=jax.ShapeDtypeStruct((V, B), jnp.float32),
      compiler_params=pltpu.CompilerParams(
          dimension_semantics=("parallel",),
          vmem_limit_bytes=63 * 1024 * 1024),
  )(W, ctx, b_col)


def kernel(X, emb, W, b):
  idx = X.astype(jnp.int32).reshape(-1)
  ctx = _gather_mean_sc(idx, emb)
  b8 = jnp.broadcast_to(b.reshape(1, V), (8, V))
  return _project_t(ctx, W, b8).T

# --- scband reference (transcript-rebuilt; emitter-appended) ---
"""Pipeline reference for scband-cbow-72473278153235 (READ-ONLY COPY).

The authoritative reference and input builder live on the scoring server;
editing this copy changes nothing except your own understanding.
"""

import jax, jax.numpy as jnp
import numpy as np

VOCAB = 100000
DIM = 128
BATCH = 4096
CTX = 20

def setup_inputs(seed: int = 0) -> dict:
    key = jax.random.key(seed)
    k1, k2, k3, k4 = jax.random.split(key, 4)
    X = jax.random.randint(k1, (BATCH, CTX), 0, VOCAB, dtype=jnp.int64)
    emb = jax.random.normal(k2, (VOCAB, DIM), dtype=jnp.float32) * 0.02
    W = jax.random.normal(k3, (VOCAB, DIM), dtype=jnp.float32) * 0.02
    b = jnp.zeros((VOCAB,), dtype=jnp.float32)
    return {"X": X, "emb": emb, "W": W, "b": b}

def reference(X, emb, W, b):
    # nn.Embedding lookup: gather rows of the embedding table
    looked = jnp.take(emb, X, axis=0)          # [B, CTX, DIM]
    context = looked.mean(axis=1)               # [B, DIM]
    # nn.Linear(dim_embed, vocab_size): y = context @ W^T + b
    logits = context @ W.T + b                   # [B, VOCAB]
    return logits

if __name__ == "__main__":
    import jax
    _d = setup_inputs()
    print(jax.jit(kernel)(*tuple(_d.values())))

</pallas_src>

<mosaic_0001>
#map = affine_map<(d0, d1) -> (0)>
#map1 = affine_map<(d0, d1) -> (0, 0)>
module attributes {stable_mosaic.version = 14 : i64} {
  func.func @k(%arg0: i32, %arg1: i32, %arg2: memref<81920xi32, #tpu.memory_space<hbm>>, %arg3: memref<100000x128xf32, #tpu.memory_space<hbm>>, %arg4: memref<4096x128xf32, #tpu.memory_space<hbm>>, %arg5: memref<2560xi32, #tpu.memory_space<vmem>>, %arg6: memref<2x80x128xf32, #tpu.memory_space<vmem>>, %arg7: memref<128x128xf32, #tpu.memory_space<vmem>>, %arg8: memref<!tpu.dma_semaphore, #tpu.memory_space<semaphore_mem>>, %arg9: memref<!tpu.dma_semaphore, #tpu.memory_space<semaphore_mem>>) attributes {dimension_semantics = [#tpu.dimension_semantics<core_parallel>, #tpu.dimension_semantics<subcore_parallel>], iteration_bounds = array<i64: 2, 16>, scalar_prefetch = 0 : i64, scratch_operands = 5 : i64, tpu.core_type = #tpu.core_type<sc_vector_subcore>, window_params = [{transform_indices = #map}, {transform_indices = #map1}, {transform_indices = #map1}]} {
    %mul3A = arith.constant 2 : i32
    %mul3A_0 = arith.muli %arg1, %mul3A : i32
    %add3A = arith.addi %mul3A_0, %arg0 : i32
    %mul3A_1 = arith.constant 128 : i32
    %mul3A_2 = arith.muli %add3A, %mul3A_1 : i32
    %mul3A_3 = arith.constant 20 : i32
    %mul3A_4 = arith.muli %mul3A_2, %mul3A_3 : i32
    "tpu.region"() ({
      %run_scoped3A = tpu.sem_alloc : memref<!tpu.dma_semaphore, #tpu.memory_space<semaphore_mem>>
      %dma_start3A_20 = tpu.memref_slice %arg2[%mul3A_4] : memref<81920xi32, #tpu.memory_space<hbm>> -> memref<2560xi32, #tpu.memory_space<hbm>>
      %dma_start3A_21 = tpu.memref_slice %arg2[%mul3A_4] : memref<81920xi32, #tpu.memory_space<hbm>> -> memref<2560xi32, #tpu.memory_space<hbm>>
      tpu.enqueue_dma source(%dma_start3A_21 : memref<2560xi32, #tpu.memory_space<hbm>>) target(%arg5 : memref<2560xi32, #tpu.memory_space<vmem>>) target_semaphore(%run_scoped3A : memref<!tpu.dma_semaphore, #tpu.memory_space<semaphore_mem>>)
      %dma_wait3A = tpu.memref_slice %arg2[%mul3A_4] : memref<81920xi32, #tpu.memory_space<hbm>> -> memref<2560xi32, #tpu.memory_space<hbm>>
      %dma_wait3A_22 = tpu.memref_slice %arg2[%mul3A_4] : memref<81920xi32, #tpu.memory_space<hbm>> -> memref<2560xi32, #tpu.memory_space<hbm>>
      tpu.wait_dma2 semaphore(%run_scoped3A : memref<!tpu.dma_semaphore, #tpu.memory_space<semaphore_mem>>) src(%dma_wait3A_22 : memref<2560xi32, #tpu.memory_space<hbm>>) dst(%arg5 : memref<2560xi32, #tpu.memory_space<vmem>>)
      tpu.yield
    }) : () -> ()
    %dma_start3A = arith.constant 0 : i32
    %dma_start3A_5 = arith.constant 0 : i32
    %dma_start3A_6 = arith.constant 0 : i32
    %dma_start3A_7 = tpu.memref_slice %arg6[%dma_start3A, %dma_start3A_5, %dma_start3A_6] : memref<2x80x128xf32, #tpu.memory_space<vmem>> -> memref<1x80x128xf32, #tpu.memory_space<vmem>>
    %dma_start3A_8 = tpu.memref_squeeze %dma_start3A_7 : memref<1x80x128xf32, #tpu.memory_space<vmem>> -> memref<80x128xf32, #tpu.memory_space<vmem>>
    %dma_start3A_9 = arith.constant 0 : i32
    %dma_start3A_10 = tpu.memref_slice %arg5[%dma_start3A_9] : memref<2560xi32, #tpu.memory_space<vmem>> -> memref<80xi32, #tpu.memory_space<vmem>>
    %dma_start3A_11 = arith.constant 0 : i32
    %dma_start3A_12 = arith.constant 0 : i32
    %dma_start3A_13 = tpu.memref_slice %arg3[%dma_start3A_11, %dma_start3A_12] : memref<100000x128xf32, #tpu.memory_space<hbm>> -> memref<100000x128xf32, #tpu.memory_space<hbm>>
    tpu.enqueue_indirect_dma source(%dma_start3A_13 : memref<100000x128xf32, #tpu.memory_space<hbm>>) target(%dma_start3A_8 : memref<80x128xf32, #tpu.memory_space<vmem>>) offsets(%dma_start3A_10 : memref<80xi32, #tpu.memory_space<vmem>>) semaphore(%arg8 : memref<!tpu.dma_semaphore, #tpu.memory_space<semaphore_mem>>)
    %scan3A = arith.constant 0 : i32
    %scan3A_14 = arith.constant 0 : i32
    %scan3A_15 = arith.constant 16 : i32
    %scan3A_16 = arith.addi %scan3A_14, %scan3A_15 : i32
    %scan3A_17 = arith.constant 1 : i32
    %scan3A_18 = scf.for %scan3A_20 = %scan3A_14 to %scan3A_16 step %scan3A_17 iter_args(%scan3A_21 = %scan3A) -> (i32)  : i32 {
      %mul3A_22 = arith.constant 2 : i32
      %mul3A_23 = arith.muli %mul3A_22, %scan3A_20 : i32
      %add3A_24 = arith.constant 1 : i32
      %add3A_25 = arith.addi %mul3A_23, %add3A_24 : i32
      %mul3A_26 = arith.constant 80 : i32
      %mul3A_27 = arith.muli %add3A_25, %mul3A_26 : i32
      %dma_start3A_28 = arith.constant 1 : i32
      %dma_start3A_29 = arith.constant 0 : i32
      %dma_start3A_30 = arith.constant 0 : i32
      %dma_start3A_31 = tpu.memref_slice %arg6[%dma_start3A_28, %dma_start3A_29, %dma_start3A_30] : memref<2x80x128xf32, #tpu.memory_space<vmem>> -> memref<1x80x128xf32, #tpu.memory_space<vmem>>
      %dma_start3A_32 = tpu.memref_squeeze %dma_start3A_31 : memref<1x80x128xf32, #tpu.memory_space<vmem>> -> memref<80x128xf32, #tpu.memory_space<vmem>>
      %dma_start3A_33 = tpu.memref_slice %arg5[%mul3A_27] : memref<2560xi32, #tpu.memory_space<vmem>> -> memref<80xi32, #tpu.memory_space<vmem>>
      %dma_start3A_34 = arith.constant 0 : i32
      %dma_start3A_35 = arith.constant 0 : i32
      %dma_start3A_36 = tpu.memref_slice %arg3[%dma_start3A_34, %dma_start3A_35] : memref<100000x128xf32, #tpu.memory_space<hbm>> -> memref<100000x128xf32, #tpu.memory_space<hbm>>
      tpu.enqueue_indirect_dma source(%dma_start3A_36 : memref<100000x128xf32, #tpu.memory_space<hbm>>) target(%dma_start3A_32 : memref<80x128xf32, #tpu.memory_space<vmem>>) offsets(%dma_start3A_33 : memref<80xi32, #tpu.memory_space<vmem>>) semaphore(%arg9 : memref<!tpu.dma_semaphore, #tpu.memory_space<semaphore_mem>>)
      %mul3A_37 = arith.constant 80 : i32
      %mul3A_38 = arith.muli %mul3A_23, %mul3A_37 : i32
      %dma_wait3A = arith.constant 0 : i32
      %dma_wait3A_39 = arith.constant 0 : i32
      %dma_wait3A_40 = arith.constant 0 : i32
      %dma_wait3A_41 = tpu.memref_slice %arg6[%dma_wait3A, %dma_wait3A_39, %dma_wait3A_40] : memref<2x80x128xf32, #tpu.memory_space<vmem>> -> memref<1x80x128xf32, #tpu.memory_space<vmem>>
      %dma_wait3A_42 = tpu.memref_squeeze %dma_wait3A_41 : memref<1x80x128xf32, #tpu.memory_space<vmem>> -> memref<80x128xf32, #tpu.memory_space<vmem>>
      %dma_wait3A_43 = tpu.memref_slice %arg5[%mul3A_38] : memref<2560xi32, #tpu.memory_space<vmem>> -> memref<80xi32, #tpu.memory_space<vmem>>
      %dma_wait3A_44 = arith.constant 0 : i32
      %dma_wait3A_45 = arith.constant 0 : i32
      %dma_wait3A_46 = tpu.memref_slice %arg3[%dma_wait3A_44, %dma_wait3A_45] : memref<100000x128xf32, #tpu.memory_space<hbm>> -> memref<100000x128xf32, #tpu.memory_space<hbm>>
      tpu.wait_indirect_dma semaphore(%arg8 : memref<!tpu.dma_semaphore, #tpu.memory_space<semaphore_mem>>) src(%dma_wait3A_46 : memref<100000x128xf32, #tpu.memory_space<hbm>>) dst(%dma_wait3A_42 : memref<80x128xf32, #tpu.memory_space<vmem>>)
      %scan3A_47 = arith.constant 0 : i32
      %scan3A_48 = arith.constant 0 : i32
      %scan3A_49 = arith.constant 4 : i32
      %scan3A_50 = arith.addi %scan3A_48, %scan3A_49 : i32
      %scan3A_51 = arith.constant 1 : i32
      %scan3A_52 = scf.for %scan3A_77 = %scan3A_48 to %scan3A_50 step %scan3A_51 iter_args(%scan3A_78 = %scan3A_47) -> (i32)  : i32 {
        %mul3A_79 = arith.constant 20 : i32
        %mul3A_80 = arith.muli %scan3A_77, %mul3A_79 : i32
        %get3A = arith.constant 0 : i32
        %get3A_81 = arith.index_cast %get3A : i32 to index
        %get3A_82 = arith.index_cast %mul3A_80 : i32 to index
        %get3A_83 = arith.constant 0 : index
        %get3A_84 = tpu.vector_load %arg6[%get3A_81, %get3A_82, %get3A_83] {strides = array<i32>} : memref<2x80x128xf32, #tpu.memory_space<vmem>>, vector<1x1x16xf32>,
        %get3A_85 = vector.shape_cast %get3A_84 : vector<1x1x16xf32> to vector<16xf32>
        %add3A_86 = arith.constant 1 : i32
        %add3A_87 = arith.addi %mul3A_80, %add3A_86 : i32
        %get3A_88 = arith.constant 0 : i32
        %get3A_89 = arith.index_cast %get3A_88 : i32 to index
        %get3A_90 = arith.index_cast %add3A_87 : i32 to index
        %get3A_91 = arith.constant 0 : index
        %get3A_92 = tpu.vector_load %arg6[%get3A_89, %get3A_90, %get3A_91] {strides = array<i32>} : memref<2x80x128xf32, #tpu.memory_space<vmem>>, vector<1x1x16xf32>,
        %get3A_93 = vector.shape_cast %get3A_92 : vector<1x1x16xf32> to vector<16xf32>
        %add3A_94 = arith.addf %get3A_85, %get3A_93 : vector<16xf32>
        %add3A_95 = arith.constant 2 : i32
        %add3A_96 = arith.addi %mul3A_80, %add3A_95 : i32
        %get3A_97 = arith.constant 0 : i32
        %get3A_98 = arith.index_cast %get3A_97 : i32 to index
        %get3A_99 = arith.index_cast %add3A_96 : i32 to index
        %get3A_100 = arith.constant 0 : index
        %get3A_101 = tpu.vector_load %arg6[%get3A_98, %get3A_99, %get3A_100] {strides = array<i32>} : memref<2x80x128xf32, #tpu.memory_space<vmem>>, vector<1x1x16xf32>,
        %get3A_102 = vector.shape_cast %get3A_101 : vector<1x1x16xf32> to vector<16xf32>
        %add3A_103 = arith.addf %add3A_94, %get3A_102 : vector<16xf32>
        %add3A_104 = arith.constant 3 : i32
        %add3A_105 = arith.addi %mul3A_80, %add3A_104 : i32
        %get3A_106 = arith.constant 0 : i32
        %get3A_107 = arith.index_cast %get3A_106 : i32 to index
        %get3A_108 = arith.index_cast %add3A_105 : i32 to index
        %get3A_109 = arith.constant 0 : index
        %get3A_110 = tpu.vector_load %arg6[%get3A_107, %get3A_108, %get3A_109] {strides = array<i32>} : memref<2x80x128xf32, #tpu.memory_space<vmem>>, vector<1x1x16xf32>,
        %get3A_111 = vector.shape_cast %get3A_110 : vector<1x1x16xf32> to vector<16xf32>
        %add3A_112 = arith.addf %add3A_103, %get3A_111 : vector<16xf32>
        %add3A_113 = arith.constant 4 : i32
        %add3A_114 = arith.addi %mul3A_80, %add3A_113 : i32
        %get3A_115 = arith.constant 0 : i32
        %get3A_116 = arith.index_cast %get3A_115 : i32 to index
        %get3A_117 = arith.index_cast %add3A_114 : i32 to index
        %get3A_118 = arith.constant 0 : index
        %get3A_119 = tpu.vector_load %arg6[%get3A_116, %get3A_117, %get3A_118] {strides = array<i32>} : memref<2x80x128xf32, #tpu.memory_space<vmem>>, vector<1x1x16xf32>,
        %get3A_120 = vector.shape_cast %get3A_119 : vector<1x1x16xf32> to vector<16xf32>
        %add3A_121 = arith.addf %add3A_112, %get3A_120 : vector<16xf32>
        %add3A_122 = arith.constant 5 : i32
        %add3A_123 = arith.addi %mul3A_80, %add3A_122 : i32
        %get3A_124 = arith.constant 0 : i32
        %get3A_125 = arith.index_cast %get3A_124 : i32 to index
        %get3A_126 = arith.index_cast %add3A_123 : i32 to index
        %get3A_127 = arith.constant 0 : index
        %get3A_128 = tpu.vector_load %arg6[%get3A_125, %get3A_126, %get3A_127] {strides = array<i32>} : memref<2x80x128xf32, #tpu.memory_space<vmem>>, vector<1x1x16xf32>,
        %get3A_129 = vector.shape_cast %get3A_128 : vector<1x1x16xf32> to vector<16xf32>
        %add3A_130 = arith.addf %add3A_121, %get3A_129 : vector<16xf32>
        %add3A_131 = arith.constant 6 : i32
        %add3A_132 = arith.addi %mul3A_80, %add3A_131 : i32
        %get3A_133 = arith.constant 0 : i32
        %get3A_134 = arith.index_cast %get3A_133 : i32 to index
        %get3A_135 = arith.index_cast %add3A_132 : i32 to index
        %get3A_136 = arith.constant 0 : index
        %get3A_137 = tpu.vector_load %arg6[%get3A_134, %get3A_135, %get3A_136] {strides = array<i32>} : memref<2x80x128xf32, #tpu.memory_space<vmem>>, vector<1x1x16xf32>,
        %get3A_138 = vector.shape_cast %get3A_137 : vector<1x1x16xf32> to vector<16xf32>
        %add3A_139 = arith.addf %add3A_130, %get3A_138 : vector<16xf32>
        %add3A_140 = arith.constant 7 : i32
        %add3A_141 = arith.addi %mul3A_80, %add3A_140 : i32
        %get3A_142 = arith.constant 0 : i32
        %get3A_143 = arith.index_cast %get3A_142 : i32 to index
        %get3A_144 = arith.index_cast %add3A_141 : i32 to index
        %get3A_145 = arith.constant 0 : index
        %get3A_146 = tpu.vector_load %arg6[%get3A_143, %get3A_144, %get3A_145] {strides = array<i32>} : memref<2x80x128xf32, #tpu.memory_space<vmem>>, vector<1x1x16xf32>,
        %get3A_147 = vector.shape_cast %get3A_146 : vector<1x1x16xf32> to vector<16xf32>
        %add3A_148 = arith.addf %add3A_139, %get3A_147 : vector<16xf32>
        %add3A_149 = arith.constant 8 : i32
        %add3A_150 = arith.addi %mul3A_80, %add3A_149 : i32
        %get3A_151 = arith.constant 0 : i32
        %get3A_152 = arith.index_cast %get3A_151 : i32 to index
        %get3A_153 = arith.index_cast %add3A_150 : i32 to index
        %get3A_154 = arith.constant 0 : index
        %get3A_155 = tpu.vector_load %arg6[%get3A_152, %get3A_153, %get3A_154] {strides = array<i32>} : memref<2x80x128xf32, #tpu.memory_space<vmem>>, vector<1x1x16xf32>,
        %get3A_156 = vector.shape_cast %get3A_155 : vector<1x1x16xf32> to vector<16xf32>
        %add3A_157 = arith.addf %add3A_148, %get3A_156 : vector<16xf32>
        %add3A_158 = arith.constant 9 : i32
        %add3A_159 = arith.addi %mul3A_80, %add3A_158 : i32
        %get3A_160 = arith.constant 0 : i32
        %get3A_161 = arith.index_cast %get3A_160 : i32 to index
        %get3A_162 = arith.index_cast %add3A_159 : i32 to index
        %get3A_163 = arith.constant 0 : index
        %get3A_164 = tpu.vector_load %arg6[%get3A_161, %get3A_162, %get3A_163] {strides = array<i32>} : memref<2x80x128xf32, #tpu.memory_space<vmem>>, vector<1x1x16xf32>,
        %get3A_165 = vector.shape_cast %get3A_164 : vector<1x1x16xf32> to vector<16xf32>
        %add3A_166 = arith.addf %add3A_157, %get3A_165 : vector<16xf32>
        %add3A_167 = arith.constant 10 : i32
        %add3A_168 = arith.addi %mul3A_80, %add3A_167 : i32
        %get3A_169 = arith.constant 0 : i32
        %get3A_170 = arith.index_cast %get3A_169 : i32 to index
        %get3A_171 = arith.index_cast %add3A_168 : i32 to index
        %get3A_172 = arith.constant 0 : index
        %get3A_173 = tpu.vector_load %arg6[%get3A_170, %get3A_171, %get3A_172] {strides = array<i32>} : memref<2x80x128xf32, #tpu.memory_space<vmem>>, vector<1x1x16xf32>,
        %get3A_174 = vector.shape_cast %get3A_173 : vector<1x1x16xf32> to vector<16xf32>
        %add3A_175 = arith.addf %add3A_166, %get3A_174 : vector<16xf32>
        %add3A_176 = arith.constant 11 : i32
        %add3A_177 = arith.addi %mul3A_80, %add3A_176 : i32
        %get3A_178 = arith.constant 0 : i32
        %get3A_179 = arith.index_cast %get3A_178 : i32 to index
        %get3A_180 = arith.index_cast %add3A_177 : i32 to index
        %get3A_181 = arith.constant 0 : index
        %get3A_182 = tpu.vector_load %arg6[%get3A_179, %get3A_180, %get3A_181] {strides = array<i32>} : memref<2x80x128xf32, #tpu.memory_space<vmem>>, vector<1x1x16xf32>,
        %get3A_183 = vector.shape_cast %get3A_182 : vector<1x1x16xf32> to vector<16xf32>
        %add3A_184 = arith.addf %add3A_175, %get3A_183 : vector<16xf32>
        %add3A_185 = arith.constant 12 : i32
        %add3A_186 = arith.addi %mul3A_80, %add3A_185 : i32
        %get3A_187 = arith.constant 0 : i32
        %get3A_188 = arith.index_cast %get3A_187 : i32 to index
        %get3A_189 = arith.index_cast %add3A_186 : i32 to index
        %get3A_190 = arith.constant 0 : index
        %get3A_191 = tpu.vector_load %arg6[%get3A_188, %get3A_189, %get3A_190] {strides = array<i32>} : memref<2x80x128xf32, #tpu.memory_space<vmem>>, vector<1x1x16xf32>,
        %get3A_192 = vector.shape_cast %get3A_191 : vector<1x1x16xf32> to vector<16xf32>
        %add3A_193 = arith.addf %add3A_184, %get3A_192 : vector<16xf32>
        %add3A_194 = arith.constant 13 : i32
        %add3A_195 = arith.addi %mul3A_80, %add3A_194 : i32
        %get3A_196 = arith.constant 0 : i32
        %get3A_197 = arith.index_cast %get3A_196 : i32 to index
        %get3A_198 = arith.index_cast %add3A_195 : i32 to index
        %get3A_199 = arith.constant 0 : index
        %get3A_200 = tpu.vector_load %arg6[%get3A_197, %get3A_198, %get3A_199] {strides = array<i32>} : memref<2x80x128xf32, #tpu.memory_space<vmem>>, vector<1x1x16xf32>,
        %get3A_201 = vector.shape_cast %get3A_200 : vector<1x1x16xf32> to vector<16xf32>
        %add3A_202 = arith.addf %add3A_193, %get3A_201 : vector<16xf32>
        %add3A_203 = arith.constant 14 : i32
        %add3A_204 = arith.addi %mul3A_80, %add3A_203 : i32
        %get3A_205 = arith.constant 0 : i32
        %get3A_206 = arith.index_cast %get3A_205 : i32 to index
        %get3A_207 = arith.index_cast %add3A_204 : i32 to index
        %get3A_208 = arith.constant 0 : index
        %get3A_209 = tpu.vector_load %arg6[%get3A_206, %get3A_207, %get3A_208] {strides = array<i32>} : memref<2x80x128xf32, #tpu.memory_space<vmem>>, vector<1x1x16xf32>,
        %get3A_210 = vector.shape_cast %get3A_209 : vector<1x1x16xf32> to vector<16xf32>
        %add3A_211 = arith.addf %add3A_202, %get3A_210 : vector<16xf32>
        %add3A_212 = arith.constant 15 : i32
        %add3A_213 = arith.addi %mul3A_80, %add3A_212 : i32
        %get3A_214 = arith.constant 0 : i32
        %get3A_215 = arith.index_cast %get3A_214 : i32 to index
        %get3A_216 = arith.index_cast %add3A_213 : i32 to index
        %get3A_217 = arith.constant 0 : index
        %get3A_218 = tpu.vector_load %arg6[%get3A_215, %get3A_216, %get3A_217] {strides = array<i32>} : memref<2x80x128xf32, #tpu.memory_space<vmem>>, vector<1x1x16xf32>,
        %get3A_219 = vector.shape_cast %get3A_218 : vector<1x1x16xf32> to vector<16xf32>
        %add3A_220 = arith.addf %add3A_211, %get3A_219 : vector<16xf32>
        %add3A_221 = arith.constant 16 : i32
        %add3A_222 = arith.addi %mul3A_80, %add3A_221 : i32
        %get3A_223 = arith.constant 0 : i32
        %get3A_224 = arith.index_cast %get3A_223 : i32 to index
        %get3A_225 = arith.index_cast %add3A_222 : i32 to index
        %get3A_226 = arith.constant 0 : index
        %get3A_227 = tpu.vector_load %arg6[%get3A_224, %get3A_225, %get3A_226] {strides = array<i32>} : memref<2x80x128xf32, #tpu.memory_space<vmem>>, vector<1x1x16xf32>,
        %get3A_228 = vector.shape_cast %get3A_227 : vector<1x1x16xf32> to vector<16xf32>
        %add3A_229 = arith.addf %add3A_220, %get3A_228 : vector<16xf32>
        %add3A_230 = arith.constant 17 : i32
        %add3A_231 = arith.addi %mul3A_80, %add3A_230 : i32
        %get3A_232 = arith.constant 0 : i32
        %get3A_233 = arith.index_cast %get3A_232 : i32 to index
        %get3A_234 = arith.index_cast %add3A_231 : i32 to index
        %get3A_235 = arith.constant 0 : index
        %get3A_236 = tpu.vector_load %arg6[%get3A_233, %get3A_234, %get3A_235] {strides = array<i32>} : memref<2x80x128xf32, #tpu.memory_space<vmem>>, vector<1x1x16xf32>,
        %get3A_237 = vector.shape_cast %get3A_236 : vector<1x1x16xf32> to vector<16xf32>
        %add3A_238 = arith.addf %add3A_229, %get3A_237 : vector<16xf32>
        %add3A_239 = arith.constant 18 : i32
        %add3A_240 = arith.addi %mul3A_80, %add3A_239 : i32
        %get3A_241 = arith.constant 0 : i32
        %get3A_242 = arith.index_cast %get3A_241 : i32 to index
        %get3A_243 = arith.index_cast %add3A_240 : i32 to index
        %get3A_244 = arith.constant 0 : index
        %get3A_245 = tpu.vector_load %arg6[%get3A_242, %get3A_243, %get3A_244] {strides = array<i32>} : memref<2x80x128xf32, #tpu.memory_space<vmem>>, vector<1x1x16xf32>,
        %get3A_246 = vector.shape_cast %get3A_245 : vector<1x1x16xf32> to vector<16xf32>
        %add3A_247 = arith.addf %add3A_238, %get3A_246 : vector<16xf32>
        %add3A_248 = arith.constant 19 : i32
        %add3A_249 = arith.addi %mul3A_80, %add3A_248 : i32
        %get3A_250 = arith.constant 0 : i32
        %get3A_251 = arith.index_cast %get3A_250 : i32 to index
        %get3A_252 = arith.index_cast %add3A_249 : i32 to index
        %get3A_253 = arith.constant 0 : index
        %get3A_254 = tpu.vector_load %arg6[%get3A_251, %get3A_252, %get3A_253] {strides = array<i32>} : memref<2x80x128xf32, #tpu.memory_space<vmem>>, vector<1x1x16xf32>,
        %get3A_255 = vector.shape_cast %get3A_254 : vector<1x1x16xf32> to vector<16xf32>
        %add3A_256 = arith.addf %add3A_247, %get3A_255 : vector<16xf32>
        %mul3A_257 = arith.constant 5.000000e-02 : f32
        %mul3A_258 = vector.broadcast %mul3A_257 : f32 to vector<16xf32>
        %mul3A_259 = arith.mulf %add3A_256, %mul3A_258 : vector<16xf32>
        %mul3A_260 = arith.constant 4 : i32
        %mul3A_261 = arith.muli %mul3A_23, %mul3A_260 : i32
        %add3A_262 = arith.addi %mul3A_261, %scan3A_77 : i32
        %swap3A = arith.index_cast %add3A_262 : i32 to index
        %swap3A_263 = arith.constant 0 : index
        %swap3A_264 = tpu.vector_load %arg7[%swap3A, %swap3A_263] {strides = array<i32>} : memref<128x128xf32, #tpu.memory_space<vmem>>, vector<1x16xf32>,
        %swap3A_265 = vector.shape_cast %swap3A_264 : vector<1x16xf32> to vector<16xf32>
        %swap3A_266 = vector.shape_cast %mul3A_259 : vector<16xf32> to vector<1x16xf32>
        tpu.vector_store %arg7[%swap3A, %swap3A_263], %swap3A_266 {strides = array<i32>} : memref<128x128xf32, #tpu.memory_space<vmem>>, vector<1x16xf32>,
        %get3A_267 = arith.constant 0 : i32
        %get3A_268 = arith.index_cast %get3A_267 : i32 to index
        %get3A_269 = arith.index_cast %mul3A_80 : i32 to index
        %get3A_270 = arith.constant 16 : index
        %get3A_271 = tpu.vector_load %arg6[%get3A_268, %get3A_269, %get3A_270] {strides = array<i32>} : memref<2x80x128xf32, #tpu.memory_space<vmem>>, vector<1x1x16xf32>,
        %get3A_272 = vector.shape_cast %get3A_271 : vector<1x1x16xf32> to vector<16xf32>
        %add3A_273 = arith.constant 1 : i32
        %add3A_274 = arith.addi %mul3A_80, %add3A_273 : i32
        %get3A_275 = arith.constant 0 : i32
        %get3A_276 = arith.index_cast %get3A_275 : i32 to index
        %get3A_277 = arith.index_cast %add3A_274 : i32 to index
        %get3A_278 = arith.constant 16 : index
        %get3A_279 = tpu.vector_load %arg6[%get3A_276, %get3A_277, %get3A_278] {strides = array<i32>} : memref<2x80x128xf32, #tpu.memory_space<vmem>>, vector<1x1x16xf32>,
        %get3A_280 = vector.shape_cast %get3A_279 : vector<1x1x16xf32> to vector<16xf32>
        %add3A_281 = arith.addf %get3A_272, %get3A_280 : vector<16xf32>
        %add3A_282 = arith.constant 2 : i32
        %add3A_283 = arith.addi %mul3A_80, %add3A_282 : i32
        %get3A_284 = arith.constant 0 : i32
        %get3A_285 = arith.index_cast %get3A_284 : i32 to index
        %get3A_286 = arith.index_cast %add3A_283 : i32 to index
        %get3A_287 = arith.constant 16 : index
        %get3A_288 = tpu.vector_load %arg6[%get3A_285, %get3A_286, %get3A_287] {strides = array<i32>} : memref<2x80x128xf32, #tpu.memory_space<vmem>>, vector<1x1x16xf32>,
        %get3A_289 = vector.shape_cast %get3A_288 : vector<1x1x16xf32> to vector<16xf32>
        %add3A_290 = arith.addf %add3A_281, %get3A_289 : vector<16xf32>
        %add3A_291 = arith.constant 3 : i32
        %add3A_292 = arith.addi %mul3A_80, %add3A_291 : i32
        %get3A_293 = arith.constant 0 : i32
        %get3A_294 = arith.index_cast %get3A_293 : i32 to index
        %get3A_295 = arith.index_cast %add3A_292 : i32 to index
        %get3A_296 = arith.constant 16 : index
        %get3A_297 = tpu.vector_load %arg6[%get3A_294, %get3A_295, %get3A_296] {strides = array<i32>} : memref<2x80x128xf32, #tpu.memory_space<vmem>>, vector<1x1x16xf32>,
        %get3A_298 = vector.shape_cast %get3A_297 : vector<1x1x16xf32> to vector<16xf32>
        %add3A_299 = arith.addf %add3A_290, %get3A_298 : vector<16xf32>
        %add3A_300 = arith.constant 4 : i32
        %add3A_301 = arith.addi %mul3A_80, %add3A_300 : i32
        %get3A_302 = arith.constant 0 : i32
        %get3A_303 = arith.index_cast %get3A_302 : i32 to index
        %get3A_304 = arith.index_cast %add3A_301 : i32 to index
        %get3A_305 = arith.constant 16 : index
        %get3A_306 = tpu.vector_load %arg6[%get3A_303, %get3A_304, %get3A_305] {strides = array<i32>} : memref<2x80x128xf32, #tpu.memory_space<vmem>>, vector<1x1x16xf32>,
        %get3A_307 = vector.shape_cast %get3A_306 : vector<1x1x16xf32> to vector<16xf32>
        %add3A_308 = arith.addf %add3A_299, %get3A_307 : vector<16xf32>
        %add3A_309 = arith.constant 5 : i32
        %add3A_310 = arith.addi %mul3A_80, %add3A_309 : i32
        %get3A_311 = arith.constant 0 : i32
        %get3A_312 = arith.index_cast %get3A_311 : i32 to index
        %get3A_313 = arith.index_cast %add3A_310 : i32 to index
        %get3A_314 = arith.constant 16 : index
        %get3A_315 = tpu.vector_load %arg6[%get3A_312, %get3A_313, %get3A_314] {strides = array<i32>} : memref<2x80x128xf32, #tpu.memory_space<vmem>>, vector<1x1x16xf32>,
        %get3A_316 = vector.shape_cast %get3A_315 : vector<1x1x16xf32> to vector<16xf32>
        %add3A_317 = arith.addf %add3A_308, %get3A_316 : vector<16xf32>
        %add3A_318 = arith.constant 6 : i32
        %add3A_319 = arith.addi %mul3A_80, %add3A_318 : i32
        %get3A_320 = arith.constant 0 : i32
        %get3A_321 = arith.index_cast %get3A_320 : i32 to index
        %get3A_322 = arith.index_cast %add3A_319 : i32 to index
        %get3A_323 = arith.constant 16 : index
        %get3A_324 = tpu.vector_load %arg6[%get3A_321, %get3A_322, %get3A_323] {strides = array<i32>} : memref<2x80x128xf32, #tpu.memory_space<vmem>>, vector<1x1x16xf32>,
        %get3A_325 = vector.shape_cast %get3A_324 : vector<1x1x16xf32> to vector<16xf32>
        %add3A_326 = arith.addf %add3A_317, %get3A_325 : vector<16xf32>
        %add3A_327 = arith.constant 7 : i32
        %add3A_328 = arith.addi %mul3A_80, %add3A_327 : i32
        %get3A_329 = arith.constant 0 : i32
        %get3A_330 = arith.index_cast %get3A_329 : i32 to index
        %get3A_331 = arith.index_cast %add3A_328 : i32 to index
        %get3A_332 = arith.constant 16 : index
        %get3A_333 = tpu.vector_load %arg6[%get3A_330, %get3A_331, %get3A_332] {strides = array<i32>} : memref<2x80x128xf32, #tpu.memory_space<vmem>>, vector<1x1x16xf32>,
        %get3A_334 = vector.shape_cast %get3A_333 : vector<1x1x16xf32> to vector<16xf32>
        %add3A_335 = arith.addf %add3A_326, %get3A_334 : vector<16xf32>
        %add3A_336 = arith.constant 8 : i32
        %add3A_337 = arith.addi %mul3A_80, %add3A_336 : i32
        %get3A_338 = arith.constant 0 : i32
        %get3A_339 = arith.index_cast %get3A_338 : i32 to index
        %get3A_340 = arith.index_cast %add3A_337 : i32 to index
        %get3A_341 = arith.constant 16 : index
        %get3A_342 = tpu.vector_load %arg6[%get3A_339, %get3A_340, %get3A_341] {strides = array<i32>} : memref<2x80x128xf32, #tpu.memory_space<vmem>>, vector<1x1x16xf32>,
        %get3A_343 = vector.shape_cast %get3A_342 : vector<1x1x16xf32> to vector<16xf32>
        %add3A_344 = arith.addf %add3A_335, %get3A_343 : vector<16xf32>
        %add3A_345 = arith.constant 9 : i32
        %add3A_346 = arith.addi %mul3A_80, %add3A_345 : i32
        %get3A_347 = arith.constant 0 : i32
        %get3A_348 = arith.index_cast %get3A_347 : i32 to index
        %get3A_349 = arith.index_cast %add3A_346 : i32 to index
        %get3A_350 = arith.constant 16 : index
        %get3A_351 = tpu.vector_load %arg6[%get3A_348, %get3A_349, %get3A_350] {strides = array<i32>} : memref<2x80x128xf32, #tpu.memory_space<vmem>>, vector<1x1x16xf32>,
        %get3A_352 = vector.shape_cast %get3A_351 : vector<1x1x16xf32> to vector<16xf32>
        %add3A_353 = arith.addf %add3A_344, %get3A_352 : vector<16xf32>
        %add3A_354 = arith.constant 10 : i32
        %add3A_355 = arith.addi %mul3A_80, %add3A_354 : i32
        %get3A_356 = arith.constant 0 : i32
        %get3A_357 = arith.index_cast %get3A_356 : i32 to index
        %get3A_358 = arith.index_cast %add3A_355 : i32 to index
        %get3A_359 = arith.constant 16 : index
        %get3A_360 = tpu.vector_load %arg6[%get3A_357, %get3A_358, %get3A_359] {strides = array<i32>} : memref<2x80x128xf32, #tpu.memory_space<vmem>>, vector<1x1x16xf32>,
        %get3A_361 = vector.shape_cast %get3A_360 : vector<1x1x16xf32> to vector<16xf32>
        %add3A_362 = arith.addf %add3A_353, %get3A_361 : vector<16xf32>
        %add3A_363 = arith.constant 11 : i32
        %add3A_364 = arith.addi %mul3A_80, %add3A_363 : i32
        %get3A_365 = arith.constant 0 : i32
        %get3A_366 = arith.index_cast %get3A_365 : i32 to index
        %get3A_367 = arith.index_cast %add3A_364 : i32 to index
        %get3A_368 = arith.constant 16 : index
        %get3A_369 = tpu.vector_load %arg6[%get3A_366, %get3A_367, %get3A_368] {strides = array<i32>} : memref<2x80x128xf32, #tpu.memory_space<vmem>>, vector<1x1x16xf32>,
        %get3A_370 = vector.shape_cast %get3A_369 : vector<1x1x16xf32> to vector<16xf32>
        %add3A_371 = arith.addf %add3A_362, %get3A_370 : vector<16xf32>
        %add3A_372 = arith.constant 12 : i32
        %add3A_373 = arith.addi %mul3A_80, %add3A_372 : i32
        %get3A_374 = arith.constant 0 : i32
        %get3A_375 = arith.index_cast %get3A_374 : i32 to index
        %get3A_376 = arith.index_cast %add3A_373 : i32 to index
        %get3A_377 = arith.constant 16 : index
        %get3A_378 = tpu.vector_load %arg6[%get3A_375, %get3A_376, %get3A_377] {strides = array<i32>} : memref<2x80x128xf32, #tpu.memory_space<vmem>>, vector<1x1x16xf32>,
        %get3A_379 = vector.shape_cast %get3A_378 : vector<1x1x16xf32> to vector<16xf32>
        %add3A_380 = arith.addf %add3A_371, %get3A_379 : vector<16xf32>
        %add3A_381 = arith.constant 13 : i32
        %add3A_382 = arith.addi %mul3A_80, %add3A_381 : i32
        %get3A_383 = arith.constant 0 : i32
        %get3A_384 = arith.index_cast %get3A_383 : i32 to index
        %get3A_385 = arith.index_cast %add3A_382 : i32 to index
        %get3A_386 = arith.constant 16 : index
        %get3A_387 = tpu.vector_load %arg6[%get3A_384, %get3A_385, %get3A_386] {strides = array<i32>} : memref<2x80x128xf32, #tpu.memory_space<vmem>>, vector<1x1x16xf32>,
        %get3A_388 = vector.shape_cast %get3A_387 : vector<1x1x16xf32> to vector<16xf32>
        %add3A_389 = arith.addf %add3A_380, %get3A_388 : vector<16xf32>
        %add3A_390 = arith.constant 14 : i32
        %add3A_391 = arith.addi %mul3A_80, %add3A_390 : i32
        %get3A_392 = arith.constant 0 : i32
        %get3A_393 = arith.index_cast %get3A_392 : i32 to index
        %get3A_394 = arith.index_cast %add3A_391 : i32 to index
        %get3A_395 = arith.constant 16 : index
        %get3A_396 = tpu.vector_load %arg6[%get3A_393, %get3A_394, %get3A_395] {strides = array<i32>} : memref<2x80x128xf32, #tpu.memory_space<vmem>>, vector<1x1x16xf32>,
        %get3A_397 = vector.shape_cast %get3A_396 : vector<1x1x16xf32> to vector<16xf32>
        %add3A_398 = arith.addf %add3A_389, %get3A_397 : vector<16xf32>
        %add3A_399 = arith.constant 15 : i32
        %add3A_400 = arith.addi %mul3A_80, %add3A_399 : i32
        %get3A_401 = arith.constant 0 : i32
        %get3A_402 = arith.index_cast %get3A_401 : i32 to index
        %get3A_403 = arith.index_cast %add3A_400 : i32 to index
        %get3A_404 = arith.constant 16 : index
        %get3A_405 = tpu.vector_load %arg6[%get3A_402, %get3A_403, %get3A_404] {strides = array<i32>} : memref<2x80x128xf32, #tpu.memory_space<vmem>>, vector<1x1x16xf32>,
        %get3A_406 = vector.shape_cast %get3A_405 : vector<1x1x16xf32> to vector<16xf32>
        %add3A_407 = arith.addf %add3A_398, %get3A_406 : vector<16xf32>
        %add3A_408 = arith.constant 16 : i32
        %add3A_409 = arith.addi %mul3A_80, %add3A_408 : i32
        %get3A_410 = arith.constant 0 : i32
        %get3A_411 = arith.index_cast %get3A_410 : i32 to index
        %get3A_412 = arith.index_cast %add3A_409 : i32 to index
        %get3A_413 = arith.constant 16 : index
        %get3A_414 = tpu.vector_load %arg6[%get3A_411, %get3A_412, %get3A_413] {strides = array<i32>} : memref<2x80x128xf32, #tpu.memory_space<vmem>>, vector<1x1x16xf32>,
        %get3A_415 = vector.shape_cast %get3A_414 : vector<1x1x16xf32> to vector<16xf32>
        %add3A_416 = arith.addf %add3A_407, %get3A_415 : vector<16xf32>
        %add3A_417 = arith.constant 17 : i32
        %add3A_418 = arith.addi %mul3A_80, %add3A_417 : i32
        %get3A_419 = arith.constant 0 : i32
        %get3A_420 = arith.index_cast %get3A_419 : i32 to index
        %get3A_421 = arith.index_cast %add3A_418 : i32 to index
        %get3A_422 = arith.constant 16 : index
        %get3A_423 = tpu.vector_load %arg6[%get3A_420, %get3A_421, %get3A_422] {strides = array<i32>} : memref<2x80x128xf32, #tpu.memory_space<vmem>>, vector<1x1x16xf32>,
        %get3A_424 = vector.shape_cast %get3A_423 : vector<1x1x16xf32> to vector<16xf32>
        %add3A_425 = arith.addf %add3A_416, %get3A_424 : vector<16xf32>
        %add3A_426 = arith.constant 18 : i32
        %add3A_427 = arith.addi %mul3A_80, %add3A_426 : i32
        %get3A_428 = arith.constant 0 : i32
        %get3A_429 = arith.index_cast %get3A_428 : i32 to index
        %get3A_430 = arith.index_cast %add3A_427 : i32 to index
        %get3A_431 = arith.constant 16 : index
        %get3A_432 = tpu.vector_load %arg6[%get3A_429, %get3A_430, %get3A_431] {strides = array<i32>} : memref<2x80x128xf32, #tpu.memory_space<vmem>>, vector<1x1x16xf32>,
        %get3A_433 = vector.shape_cast %get3A_432 : vector<1x1x16xf32> to vector<16xf32>
        %add3A_434 = arith.addf %add3A_425, %get3A_433 : vector<16xf32>
        %add3A_435 = arith.constant 19 : i32
        %add3A_436 = arith.addi %mul3A_80, %add3A_435 : i32
        %get3A_437 = arith.constant 0 : i32
        %get3A_438 = arith.index_cast %get3A_437 : i32 to index
        %get3A_439 = arith.index_cast %add3A_436 : i32 to index
        %get3A_440 = arith.constant 16 : index
        %get3A_441 = tpu.vector_load %arg6[%get3A_438, %get3A_439, %get3A_440] {strides = array<i32>} : memref<2x80x128xf32, #tpu.memory_space<vmem>>, vector<1x1x16xf32>,
        %get3A_442 = vector.shape_cast %get3A_441 : vector<1x1x16xf32> to vector<16xf32>
        %add3A_443 = arith.addf %add3A_434, %get3A_442 : vector<16xf32>
        %mul3A_444 = arith.constant 5.000000e-02 : f32
        %mul3A_445 = vector.broadcast %mul3A_444 : f32 to vector<16xf32>
        %mul3A_446 = arith.mulf %add3A_443, %mul3A_445 : vector<16xf32>
        %mul3A_447 = arith.constant 4 : i32
        %mul3A_448 = arith.muli %mul3A_23, %mul3A_447 : i32
        %add3A_449 = arith.addi %mul3A_448, %scan3A_77 : i32
        %swap3A_450 = arith.index_cast %add3A_449 : i32 to index
        %swap3A_451 = arith.constant 16 : index
        %swap3A_452 = tpu.vector_load %arg7[%swap3A_450, %swap3A_451] {strides = array<i32>} : memref<128x128xf32, #tpu.memory_space<vmem>>, vector<1x16xf32>,
        %swap3A_453 = vector.shape_cast %swap3A_452 : vector<1x16xf32> to vector<16xf32>
        %swap3A_454 = vector.shape_cast %mul3A_446 : vector<16xf32> to vector<1x16xf32>
        tpu.vector_store %arg7[%swap3A_450, %swap3A_451], %swap3A_454 {strides = array<i32>} : memref<128x128xf32, #tpu.memory_space<vmem>>, vector<1x16xf32>,
        %get3A_455 = arith.constant 0 : i32
        %get3A_456 = arith.index_cast %get3A_455 : i32 to index
        %get3A_457 = arith.index_cast %mul3A_80 : i32 to index
        %get3A_458 = arith.constant 32 : index
        %get3A_459 = tpu.vector_load %arg6[%get3A_456, %get3A_457, %get3A_458] {strides = array<i32>} : memref<2x80x128xf32, #tpu.memory_space<vmem>>, vector<1x1x16xf32>,
        %get3A_460 = vector.shape_cast %get3A_459 : vector<1x1x16xf32> to vector<16xf32>
        %add3A_461 = arith.constant 1 : i32
        %add3A_462 = arith.addi %mul3A_80, %add3A_461 : i32
        %get3A_463 = arith.constant 0 : i32
        %get3A_464 = arith.index_cast %get3A_463 : i32 to index
        %get3A_465 = arith.index_cast %add3A_462 : i32 to index
        %get3A_466 = arith.constant 32 : index
        %get3A_467 = tpu.vector_load %arg6[%get3A_464, %get3A_465, %get3A_466] {strides = array<i32>} : memref<2x80x128xf32, #tpu.memory_space<vmem>>, vector<1x1x16xf32>,
        %get3A_468 = vector.shape_cast %get3A_467 : vector<1x1x16xf32> to vector<16xf32>
        %add3A_469 = arith.addf %get3A_460, %get3A_468 : vector<16xf32>
        %add3A_470 = arith.constant 2 : i32
        %add3A_471 = arith.addi %mul3A_80, %add3A_470 : i32
        %get3A_472 = arith.constant 0 : i32
        %get3A_473 = arith.index_cast %get3A_472 : i32 to index
        %get3A_474 = arith.index_cast %add3A_471 : i32 to index
        %get3A_475 = arith.constant 32 : index
        %get3A_476 = tpu.vector_load %arg6[%get3A_473, %get3A_474, %get3A_475] {strides = array<i32>} : memref<2x80x128xf32, #tpu.memory_space<vmem>>, vector<1x1x16xf32>,
        %get3A_477 = vector.shape_cast %get3A_476 : vector<1x1x16xf32> to vector<16xf32>
        %add3A_478 = arith.addf %add3A_469, %get3A_477 : vector<16xf32>
        %add3A_479 = arith.constant 3 : i32
        %add3A_480 = arith.addi %mul3A_80, %add3A_479 : i32
        %get3A_481 = arith.constant 0 : i32
        %get3A_482 = arith.index_cast %get3A_481 : i32 to index
        %get3A_483 = arith.index_cast %add3A_480 : i32 to index
        %get3A_484 = arith.constant 32 : index
        %get3A_485 = tpu.vector_load %arg6[%get3A_482, %get3A_483, %get3A_484] {strides = array<i32>} : memref<2x80x128xf32, #tpu.memory_space<vmem>>, vector<1x1x16xf32>,
        %get3A_486 = vector.shape_cast %get3A_485 : vector<1x1x16xf32> to vector<16xf32>
        %add3A_487 = arith.addf %add3A_478, %get3A_486 : vector<16xf32>
        %add3A_488 = arith.constant 4 : i32
        %add3A_489 = arith.addi %mul3A_80, %add3A_488 : i32
        %get3A_490 = arith.constant 0 : i32
        %get3A_491 = arith.index_cast %get3A_490 : i32 to index
        %get3A_492 = arith.index_cast %add3A_489 : i32 to index
        %get3A_493 = arith.constant 32 : index
        %get3A_494 = tpu.vector_load %arg6[%get3A_491, %get3A_492, %get3A_493] {strides = array<i32>} : memref<2x80x128xf32, #tpu.memory_space<vmem>>, vector<1x1x16xf32>,
        %get3A_495 = vector.shape_cast %get3A_494 : vector<1x1x16xf32> to vector<16xf32>
        %add3A_496 = arith.addf %add3A_487, %get3A_495 : vector<16xf32>
        %add3A_497 = arith.constant 5 : i32
        %add3A_498 = arith.addi %mul3A_80, %add3A_497 : i32
        %get3A_499 = arith.constant 0 : i32
        %get3A_500 = arith.index_cast %get3A_499 : i32 to index
        %get3A_501 = arith.index_cast %add3A_498 : i32 to index
        %get3A_502 = arith.constant 32 : index
        %get3A_503 = tpu.vector_load %arg6[%get3A_500, %get3A_501, %get3A_502] {strides = array<i32>} : memref<2x80x128xf32, #tpu.memory_space<vmem>>, vector<1x1x16xf32>,
        %get3A_504 = vector.shape_cast %get3A_503 : vector<1x1x16xf32> to vector<16xf32>
        %add3A_505 = arith.addf %add3A_496, %get3A_504 : vector<16xf32>
        %add3A_506 = arith.constant 6 : i32
        %add3A_507 = arith.addi %mul3A_80, %add3A_506 : i32
        %get3A_508 = arith.constant 0 : i32
        %get3A_509 = arith.index_cast %get3A_508 : i32 to index
        %get3A_510 = arith.index_cast %add3A_507 : i32 to index
        %get3A_511 = arith.constant 32 : index
        %get3A_512 = tpu.vector_load %arg6[%get3A_509, %get3A_510, %get3A_511] {strides = array<i32>} : memref<2x80x128xf32, #tpu.memory_space<vmem>>, vector<1x1x16xf32>,
        %get3A_513 = vector.shape_cast %get3A_512 : vector<1x1x16xf32> to vector<16xf32>
        %add3A_514 = arith.addf %add3A_505, %get3A_513 : vector<16xf32>
        %add3A_515 = arith.constant 7 : i32
        %add3A_516 = arith.addi %mul3A_80, %add3A_515 : i32
        %get3A_517 = arith.constant 0 : i32
        %get3A_518 = arith.index_cast %get3A_517 : i32 to index
        %get3A_519 = arith.index_cast %add3A_516 : i32 to index
        %get3A_520 = arith.constant 32 : index
        %get3A_521 = tpu.vector_load %arg6[%get3A_518, %get3A_519, %get3A_520] {strides = array<i32>} : memref<2x80x128xf32, #tpu.memory_space<vmem>>, vector<1x1x16xf32>,
        %get3A_522 = vector.shape_cast %get3A_521 : vector<1x1x16xf32> to vector<16xf32>
        %add3A_523 = arith.addf %add3A_514, %get3A_522 : vector<16xf32>
        %add3A_524 = arith.constant 8 : i32
        %add3A_525 = arith.addi %mul3A_80, %add3A_524 : i32
        %get3A_526 = arith.constant 0 : i32
        %get3A_527 = arith.index_cast %get3A_526 : i32 to index
        %get3A_528 = arith.index_cast %add3A_525 : i32 to index
        %get3A_529 = arith.constant 32 : index
        %get3A_530 = tpu.vector_load %arg6[%get3A_527, %get3A_528, %get3A_529] {strides = array<i32>} : memref<2x80x128xf32, #tpu.memory_space<vmem>>, vector<1x1x16xf32>,
        %get3A_531 = vector.shape_cast %get3A_530 : vector<1x1x16xf32> to vector<16xf32>
        %add3A_532 = arith.addf %add3A_523, %get3A_531 : vector<16xf32>
        %add3A_533 = arith.constant 9 : i32
        %add3A_534 = arith.addi %mul3A_80, %add3A_533 : i32
        %get3A_535 = arith.constant 0 : i32
        %get3A_536 = arith.index_cast %get3A_535 : i32 to index
        %get3A_537 = arith.index_cast %add3A_534 : i32 to index
        %get3A_538 = arith.constant 32 : index
        %get3A_539 = tpu.vector_load %arg6[%get3A_536, %get3A_537, %get3A_538] {strides = array<i32>} : memref<2x80x128xf32, #tpu.memory_space<vmem>>, vector<1x1x16xf32>,
        %get3A_540 = vector.shape_cast %get3A_539 : vector<1x1x16xf32> to vector<16xf32>
        %add3A_541 = arith.addf %add3A_532, %get3A_540 : vector<16xf32>
        %add3A_542 = arith.constant 10 : i32
        %add3A_543 = arith.addi %mul3A_80, %add3A_542 : i32
        %get3A_544 = arith.constant 0 : i32
        %get3A_545 = arith.index_cast %get3A_544 : i32 to index
        %get3A_546 = arith.index_cast %add3A_543 : i32 to index
        %get3A_547 = arith.constant 32 : index
        %get3A_548 = tpu.vector_load %arg6[%get3A_545, %get3A_546, %get3A_547] {strides = array<i32>} : memref<2x80x128xf32, #tpu.memory_space<vmem>>, vector<1x1x16xf32>,
        %get3A_549 = vector.shape_cast %get3A_548 : vector<1x1x16xf32> to vector<16xf32>
        %add3A_550 = arith.addf %add3A_541, %get3A_549 : vector<16xf32>
        %add3A_551 = arith.constant 11 : i32
        %add3A_552 = arith.addi %mul3A_80, %add3A_551 : i32
        %get3A_553 = arith.constant 0 : i32
        %get3A_554 = arith.index_cast %get3A_553 : i32 to index
        %get3A_555 = arith.index_cast %add3A_552 : i32 to index
        %get3A_556 = arith.constant 32 : index
        %get3A_557 = tpu.vector_load %arg6[%get3A_554, %get3A_555, %get3A_556] {strides = array<i32>} : memref<2x80x128xf32, #tpu.memory_space<vmem>>, vector<1x1x16xf32>,
        %get3A_558 = vector.shape_cast %get3A_557 : vector<1x1x16xf32> to vector<16xf32>
        %add3A_559 = arith.addf %add3A_550, %get3A_558 : vector<16xf32>
        %add3A_560 = arith.constant 12 : i32
        %add3A_561 = arith.addi %mul3A_80, %add3A_560 : i32
        %get3A_562 = arith.constant 0 : i32
        %get3A_563 = arith.index_cast %get3A_562 : i32 to index
        %get3A_564 = arith.index_cast %add3A_561 : i32 to index
        %get3A_565 = arith.constant 32 : index
        %get3A_566 = tpu.vector_load %arg6[%get3A_563, %get3A_564, %get3A_565] {strides = array<i32>} : memref<2x80x128xf32, #tpu.memory_space<vmem>>, vector<1x1x16xf32>,
        %get3A_567 = vector.shape_cast %get3A_566 : vector<1x1x16xf32> to vector<16xf32>
        %add3A_568 = arith.addf %add3A_559, %get3A_567 : vector<16xf32>
        %add3A_569 = arith.constant 13 : i32
        %add3A_570 = arith.addi %mul3A_80, %add3A_569 : i32
        %get3A_571 = arith.constant 0 : i32
        %get3A_572 = arith.index_cast %get3A_571 : i32 to index
        %get3A_573 = arith.index_cast %add3A_570 : i32 to index
        %get3A_574 = arith.constant 32 : index
        %get3A_575 = tpu.vector_load %arg6[%get3A_572, %get3A_573, %get3A_574] {strides = array<i32>} : memref<2x80x128xf32, #tpu.memory_space<vmem>>, vector<1x1x16xf32>,
        %get3A_576 = vector.shape_cast %get3A_575 : vector<1x1x16xf32> to vector<16xf32>
        %add3A_577 = arith.addf %add3A_568, %get3A_576 : vector<16xf32>
        %add3A_578 = arith.constant 14 : i32
        %add3A_579 = arith.addi %mul3A_80, %add3A_578 : i32
        %get3A_580 = arith.constant 0 : i32
        %get3A_581 = arith.index_cast %get3A_580 : i32 to index
        %get3A_582 = arith.index_cast %add3A_579 : i32 to index
        %get3A_583 = arith.constant 32 : index
        %get3A_584 = tpu.vector_load %arg6[%get3A_581, %get3A_582, %get3A_583] {strides = array<i32>} : memref<2x80x128xf32, #tpu.memory_space<vmem>>, vector<1x1x16xf32>,
        %get3A_585 = vector.shape_cast %get3A_584 : vector<1x1x16xf32> to vector<16xf32>
        %add3A_586 = arith.addf %add3A_577, %get3A_585 : vector<16xf32>
        %add3A_587 = arith.constant 15 : i32
        %add3A_588 = arith.addi %mul3A_80, %add3A_587 : i32
        %get3A_589 = arith.constant 0 : i32
        %get3A_590 = arith.index_cast %get3A_589 : i32 to index
        %get3A_591 = arith.index_cast %add3A_588 : i32 to index
        %get3A_592 = arith.constant 32 : index
        %get3A_593 = tpu.vector_load %arg6[%get3A_590, %get3A_591, %get3A_592] {strides = array<i32>} : memref<2x80x128xf32, #tpu.memory_space<vmem>>, vector<1x1x16xf32>,
        %get3A_594 = vector.shape_cast %get3A_593 : vector<1x1x16xf32> to vector<16xf32>
        %add3A_595 = arith.addf %add3A_586, %get3A_594 : vector<16xf32>
        %add3A_596 = arith.constant 16 : i32
        %add3A_597 = arith.addi %mul3A_80, %add3A_596 : i32
        %get3A_598 = arith.constant 0 : i32
        %get3A_599 = arith.index_cast %get3A_598 : i32 to index
        %get3A_600 = arith.index_cast %add3A_597 : i32 to index
        %get3A_601 = arith.constant 32 : index
        %get3A_602 = tpu.vector_load %arg6[%get3A_599, %get3A_600, %get3A_601] {strides = array<i32>} : memref<2x80x128xf32, #tpu.memory_space<vmem>>, vector<1x1x16xf32>,
        %get3A_603 = vector.shape_cast %get3A_602 : vector<1x1x16xf32> to vector<16xf32>
        %add3A_604 = arith.addf %add3A_595, %get3A_603 : vector<16xf32>
        %add3A_605 = arith.constant 17 : i32
        %add3A_606 = arith.addi %mul3A_80, %add3A_605 : i32
        %get3A_607 = arith.constant 0 : i32
        %get3A_608 = arith.index_cast %get3A_607 : i32 to index
        %get3A_609 = arith.index_cast %add3A_606 : i32 to index
        %get3A_610 = arith.constant 32 : index
        %get3A_611 = tpu.vector_load %arg6[%get3A_608, %get3A_609, %get3A_610] {strides = array<i32>} : memref<2x80x128xf32, #tpu.memory_space<vmem>>, vector<1x1x16xf32>,
        %get3A_612 = vector.shape_cast %get3A_611 : vector<1x1x16xf32> to vector<16xf32>
        %add3A_613 = arith.addf %add3A_604, %get3A_612 : vector<16xf32>
        %add3A_614 = arith.constant 18 : i32
        %add3A_615 = arith.addi %mul3A_80, %add3A_614 : i32
        %get3A_616 = arith.constant 0 : i32
        %get3A_617 = arith.index_cast %get3A_616 : i32 to index
        %get3A_618 = arith.index_cast %add3A_615 : i32 to index
        %get3A_619 = arith.constant 32 : index
        %get3A_620 = tpu.vector_load %arg6[%get3A_617, %get3A_618, %get3A_619] {strides = array<i32>} : memref<2x80x128xf32, #tpu.memory_space<vmem>>, vector<1x1x16xf32>,
        %get3A_621 = vector.shape_cast %get3A_620 : vector<1x1x16xf32> to vector<16xf32>
        %add3A_622 = arith.addf %add3A_613, %get3A_621 : vector<16xf32>
        %add3A_623 = arith.constant 19 : i32
        %add3A_624 = arith.addi %mul3A_80, %add3A_623 : i32
        %get3A_625 = arith.constant 0 : i32
        %get3A_626 = arith.index_cast %get3A_625 : i32 to index
        %get3A_627 = arith.index_cast %add3A_624 : i32 to index
        %get3A_628 = arith.constant 32 : index
        %get3A_629 = tpu.vector_load %arg6[%get3A_626, %get3A_627, %get3A_628] {strides = array<i32>} : memref<2x80x128xf32, #tpu.memory_space<vmem>>, vector<1x1x16xf32>,
        %get3A_630 = vector.shape_cast %get3A_629 : vector<1x1x16xf32> to vector<16xf32>
        %add3A_631 = arith.addf %add3A_622, %get3A_630 : vector<16xf32>
        %mul3A_632 = arith.constant 5.000000e-02 : f32
        %mul3A_633 = vector.broadcast %mul3A_632 : f32 to vector<16xf32>
        %mul3A_634 = arith.mulf %add3A_631, %mul3A_633 : vector<16xf32>
        %mul3A_635 = arith.constant 4 : i32
        %mul3A_636 = arith.muli %mul3A_23, %mul3A_635 : i32
        %add3A_637 = arith.addi %mul3A_636, %scan3A_77 : i32
        %swap3A_638 = arith.index_cast %add3A_637 : i32 to index
        %swap3A_639 = arith.constant 32 : index
        %swap3A_640 = tpu.vector_load %arg7[%swap3A_638, %swap3A_639] {strides = array<i32>} : memref<128x128xf32, #tpu.memory_space<vmem>>, vector<1x16xf32>,
        %swap3A_641 = vector.shape_cast %swap3A_640 : vector<1x16xf32> to vector<16xf32>
        %swap3A_642 = vector.shape_cast %mul3A_634 : vector<16xf32> to vector<1x16xf32>
        tpu.vector_store %arg7[%swap3A_638, %swap3A_639], %swap3A_642 {strides = array<i32>} : memref<128x128xf32, #tpu.memory_space<vmem>>, vector<1x16xf32>,
        %get3A_643 = arith.constant 0 : i32
        %get3A_644 = arith.index_cast %get3A_643 : i32 to index
        %get3A_645 = arith.index_cast %mul3A_80 : i32 to index
        %get3A_646 = arith.constant 48 : index
        %get3A_647 = tpu.vector_load %arg6[%get3A_644, %get3A_645, %get3A_646] {strides = array<i32>} : memref<2x80x128xf32, #tpu.memory_space<vmem>>, vector<1x1x16xf32>,
        %get3A_648 = vector.shape_cast %get3A_647 : vector<1x1x16xf32> to vector<16xf32>
        %add3A_649 = arith.constant 1 : i32
        %add3A_650 = arith.addi %mul3A_80, %add3A_649 : i32
        %get3A_651 = arith.constant 0 : i32
        %get3A_652 = arith.index_cast %get3A_651 : i32 to index
        %get3A_653 = arith.index_cast %add3A_650 : i32 to index
        %get3A_654 = arith.constant 48 : index
        %get3A_655 = tpu.vector_load %arg6[%get3A_652, %get3A_653, %get3A_654] {strides = array<i32>} : memref<2x80x128xf32, #tpu.memory_space<vmem>>, vector<1x1x16xf32>,
        %get3A_656 = vector.shape_cast %get3A_655 : vector<1x1x16xf32> to vector<16xf32>
        %add3A_657 = arith.addf %get3A_648, %get3A_656 : vector<16xf32>
        %add3A_658 = arith.constant 2 : i32
        %add3A_659 = arith.addi %mul3A_80, %add3A_658 : i32
        %get3A_660 = arith.constant 0 : i32
        %get3A_661 = arith.index_cast %get3A_660 : i32 to index
        %get3A_662 = arith.index_cast %add3A_659 : i32 to index
        %get3A_663 = arith.constant 48 : index
        %get3A_664 = tpu.vector_load %arg6[%get3A_661, %get3A_662, %get3A_663] {strides = array<i32>} : memref<2x80x128xf32, #tpu.memory_space<vmem>>, vector<1x1x16xf32>,
        %get3A_665 = vector.shape_cast %get3A_664 : vector<1x1x16xf32> to vector<16xf32>
        %add3A_666 = arith.addf %add3A_657, %get3A_665 : vector<16xf32>
        %add3A_667 = arith.constant 3 : i32
        %add3A_668 = arith.addi %mul3A_80, %add3A_667 : i32
        %get3A_669 = arith.constant 0 : i32
        %get3A_670 = arith.index_cast %get3A_669 : i32 to index
        %get3A_671 = arith.index_cast %add3A_668 : i32 to index
        %get3A_672 = arith.constant 48 : index
        %get3A_673 = tpu.vector_load %arg6[%get3A_670, %get3A_671, %get3A_672] {strides = array<i32>} : memref<2x80x128xf32, #tpu.memory_space<vmem>>, vector<1x1x16xf32>,
        %get3A_674 = vector.shape_cast %get3A_673 : vector<1x1x16xf32> to vector<16xf32>
        %add3A_675 = arith.addf %add3A_666, %get3A_674 : vector<16xf32>
        %add3A_676 = arith.constant 4 : i32
        %add3A_677 = arith.addi %mul3A_80, %add3A_676 : i32
        %get3A_678 = arith.constant 0 : i32
        %get3A_679 = arith.index_cast %get3A_678 : i32 to index
        %get3A_680 = arith.index_cast %add3A_677 : i32 to index
        %get3A_681 = arith.constant 48 : index
        %get3A_682 = tpu.vector_load %arg6[%get3A_679, %get3A_680, %get3A_681] {strides = array<i32>} : memref<2x80x128xf32, #tpu.memory_space<vmem>>, vector<1x1x16xf32>,
        %get3A_683 = vector.shape_cast %get3A_682 : vector<1x1x16xf32> to vector<16xf32>
        %add3A_684 = arith.addf %add3A_675, %get3A_683 : vector<16xf32>
        %add3A_685 = arith.constant 5 : i32
        %add3A_686 = arith.addi %mul3A_80, %add3A_685 : i32
        %get3A_687 = arith.constant 0 : i32
        %get3A_688 = arith.index_cast %get3A_687 : i32 to index
        %get3A_689 = arith.index_cast %add3A_686 : i32 to index
        %get3A_690 = arith.constant 48 : index
        %get3A_691 = tpu.vector_load %arg6[%get3A_688, %get3A_689, %get3A_690] {strides = array<i32>} : memref<2x80x128xf32, #tpu.memory_space<vmem>>, vector<1x1x16xf32>,
        %get3A_692 = vector.shape_cast %get3A_691 : vector<1x1x16xf32> to vector<16xf32>
        %add3A_693 = arith.addf %add3A_684, %get3A_692 : vector<16xf32>
        %add3A_694 = arith.constant 6 : i32
        %add3A_695 = arith.addi %mul3A_80, %add3A_694 : i32
        %get3A_696 = arith.constant 0 : i32
        %get3A_697 = arith.index_cast %get3A_696 : i32 to index
        %get3A_698 = arith.index_cast %add3A_695 : i32 to index
        %get3A_699 = arith.constant 48 : index
        %get3A_700 = tpu.vector_load %arg6[%get3A_697, %get3A_698, %get3A_699] {strides = array<i32>} : memref<2x80x128xf32, #tpu.memory_space<vmem>>, vector<1x1x16xf32>,
        %get3A_701 = vector.shape_cast %get3A_700 : vector<1x1x16xf32> to vector<16xf32>
        %add3A_702 = arith.addf %add3A_693, %get3A_701 : vector<16xf32>
        %add3A_703 = arith.constant 7 : i32
        %add3A_704 = arith.addi %mul3A_80, %add3A_703 : i32
        %get3A_705 = arith.constant 0 : i32
        %get3A_706 = arith.index_cast %get3A_705 : i32 to index
        %get3A_707 = arith.index_cast %add3A_704 : i32 to index
        %get3A_708 = arith.constant 48 : index
        %get3A_709 = tpu.vector_load %arg6[%get3A_706, %get3A_707, %get3A_708] {strides = array<i32>} : memref<2x80x128xf32, #tpu.memory_space<vmem>>, vector<1x1x16xf32>,
        %get3A_710 = vector.shape_cast %get3A_709 : vector<1x1x16xf32> to vector<16xf32>
        %add3A_711 = arith.addf %add3A_702, %get3A_710 : vector<16xf32>
        %add3A_712 = arith.constant 8 : i32
        %add3A_713 = arith.addi %mul3A_80, %add3A_712 : i32
        %get3A_714 = arith.constant 0 : i32
        %get3A_715 = arith.index_cast %get3A_714 : i32 to index
        %get3A_716 = arith.index_cast %add3A_713 : i32 to index
        %get3A_717 = arith.constant 48 : index
        %get3A_718 = tpu.vector_load %arg6[%get3A_715, %get3A_716, %get3A_717] {strides = array<i32>} : memref<2x80x128xf32, #tpu.memory_space<vmem>>, vector<1x1x16xf32>,
        %get3A_719 = vector.shape_cast %get3A_718 : vector<1x1x16xf32> to vector<16xf32>
        %add3A_720 = arith.addf %add3A_711, %get3A_719 : vector<16xf32>
        %add3A_721 = arith.constant 9 : i32
        %add3A_722 = arith.addi %mul3A_80, %add3A_721 : i32
        %get3A_723 = arith.constant 0 : i32
        %get3A_724 = arith.index_cast %get3A_723 : i32 to index
        %get3A_725 = arith.index_cast %add3A_722 : i32 to index
        %get3A_726 = arith.constant 48 : index
        %get3A_727 = tpu.vector_load %arg6[%get3A_724, %get3A_725, %get3A_726] {strides = array<i32>} : memref<2x80x128xf32, #tpu.memory_space<vmem>>, vector<1x1x16xf32>,
        %get3A_728 = vector.shape_cast %get3A_727 : vector<1x1x16xf32> to vector<16xf32>
        %add3A_729 = arith.addf %add3A_720, %get3A_728 : vector<16xf32>
        %add3A_730 = arith.constant 10 : i32
        %add3A_731 = arith.addi %mul3A_80, %add3A_730 : i32
        %get3A_732 = arith.constant 0 : i32
        %get3A_733 = arith.index_cast %get3A_732 : i32 to index
        %get3A_734 = arith.index_cast %add3A_731 : i32 to index
        %get3A_735 = arith.constant 48 : index
        %get3A_736 = tpu.vector_load %arg6[%get3A_733, %get3A_734, %get3A_735] {strides = array<i32>} : memref<2x80x128xf32, #tpu.memory_space<vmem>>, vector<1x1x16xf32>,
        %get3A_737 = vector.shape_cast %get3A_736 : vector<1x1x16xf32> to vector<16xf32>
        %add3A_738 = arith.addf %add3A_729, %get3A_737 : vector<16xf32>
        %add3A_739 = arith.constant 11 : i32
        %add3A_740 = arith.addi %mul3A_80, %add3A_739 : i32
        %get3A_741 = arith.constant 0 : i32
        %get3A_742 = arith.index_cast %get3A_741 : i32 to index
        %get3A_743 = arith.index_cast %add3A_740 : i32 to index
        %get3A_744 = arith.constant 48 : index
        %get3A_745 = tpu.vector_load %arg6[%get3A_742, %get3A_743, %get3A_744] {strides = array<i32>} : memref<2x80x128xf32, #tpu.memory_space<vmem>>, vector<1x1x16xf32>,
        %get3A_746 = vector.shape_cast %get3A_745 : vector<1x1x16xf32> to vector<16xf32>
        %add3A_747 = arith.addf %add3A_738, %get3A_746 : vector<16xf32>
        %add3A_748 = arith.constant 12 : i32
        %add3A_749 = arith.addi %mul3A_80, %add3A_748 : i32
        %get3A_750 = arith.constant 0 : i32
        %get3A_751 = arith.index_cast %get3A_750 : i32 to index
        %get3A_752 = arith.index_cast %add3A_749 : i32 to index
        %get3A_753 = arith.constant 48 : index
        %get3A_754 = tpu.vector_load %arg6[%get3A_751, %get3A_752, %get3A_753] {strides = array<i32>} : memref<2x80x128xf32, #tpu.memory_space<vmem>>, vector<1x1x16xf32>,
        %get3A_755 = vector.shape_cast %get3A_754 : vector<1x1x16xf32> to vector<16xf32>
        %add3A_756 = arith.addf %add3A_747, %get3A_755 : vector<16xf32>
        %add3A_757 = arith.constant 13 : i32
        %add3A_758 = arith.addi %mul3A_80, %add3A_757 : i32
        %get3A_759 = arith.constant 0 : i32
        %get3A_760 = arith.index_cast %get3A_759 : i32 to index
        %get3A_761 = arith.index_cast %add3A_758 : i32 to index
        %get3A_762 = arith.constant 48 : index
        %get3A_763 = tpu.vector_load %arg6[%get3A_760, %get3A_761, %get3A_762] {strides = array<i32>} : memref<2x80x128xf32, #tpu.memory_space<vmem>>, vector<1x1x16xf32>,
        %get3A_764 = vector.shape_cast %get3A_763 : vector<1x1x16xf32> to vector<16xf32>
        %add3A_765 = arith.addf %add3A_756, %get3A_764 : vector<16xf32>
        %add3A_766 = arith.constant 14 : i32
        %add3A_767 = arith.addi %mul3A_80, %add3A_766 : i32
        %get3A_768 = arith.constant 0 : i32
        %get3A_769 = arith.index_cast %get3A_768 : i32 to index
        %get3A_770 = arith.index_cast %add3A_767 : i32 to index
        %get3A_771 = arith.constant 48 : index
        %get3A_772 = tpu.vector_load %arg6[%get3A_769, %get3A_770, %get3A_771] {strides = array<i32>} : memref<2x80x128xf32, #tpu.memory_space<vmem>>, vector<1x1x16xf32>,
        %get3A_773 = vector.shape_cast %get3A_772 : vector<1x1x16xf32> to vector<16xf32>
        %add3A_774 = arith.addf %add3A_765, %get3A_773 : vector<16xf32>
        %add3A_775 = arith.constant 15 : i32
        %add3A_776 = arith.addi %mul3A_80, %add3A_775 : i32
        %get3A_777 = arith.constant 0 : i32
        %get3A_778 = arith.index_cast %get3A_777 : i32 to index
        %get3A_779 = arith.index_cast %add3A_776 : i32 to index
        %get3A_780 = arith.constant 48 : index
        %get3A_781 = tpu.vector_load %arg6[%get3A_778, %get3A_779, %get3A_780] {strides = array<i32>} : memref<2x80x128xf32, #tpu.memory_space<vmem>>, vector<1x1x16xf32>,
        %get3A_782 = vector.shape_cast %get3A_781 : vector<1x1x16xf32> to vector<16xf32>
        %add3A_783 = arith.addf %add3A_774, %get3A_782 : vector<16xf32>
        %add3A_784 = arith.constant 16 : i32
        %add3A_785 = arith.addi %mul3A_80, %add3A_784 : i32
        %get3A_786 = arith.constant 0 : i32
        %get3A_787 = arith.index_cast %get3A_786 : i32 to index
        %get3A_788 = arith.index_cast %add3A_785 : i32 to index
        %get3A_789 = arith.constant 48 : index
        %get3A_790 = tpu.vector_load %arg6[%get3A_787, %get3A_788, %get3A_789] {strides = array<i32>} : memref<2x80x128xf32, #tpu.memory_space<vmem>>, vector<1x1x16xf32>,
        %get3A_791 = vector.shape_cast %get3A_790 : vector<1x1x16xf32> to vector<16xf32>
        %add3A_792 = arith.addf %add3A_783, %get3A_791 : vector<16xf32>
        %add3A_793 = arith.constant 17 : i32
        %add3A_794 = arith.addi %mul3A_80, %add3A_793 : i32
        %get3A_795 = arith.constant 0 : i32
        %get3A_796 = arith.index_cast %get3A_795 : i32 to index
        %get3A_797 = arith.index_cast %add3A_794 : i32 to index
        %get3A_798 = arith.constant 48 : index
        %get3A_799 = tpu.vector_load %arg6[%get3A_796, %get3A_797, %get3A_798] {strides = array<i32>} : memref<2x80x128xf32, #tpu.memory_space<vmem>>, vector<1x1x16xf32>,
        %get3A_800 = vector.shape_cast %get3A_799 : vector<1x1x16xf32> to vector<16xf32>
        %add3A_801 = arith.addf %add3A_792, %get3A_800 : vector<16xf32>
        %add3A_802 = arith.constant 18 : i32
        %add3A_803 = arith.addi %mul3A_80, %add3A_802 : i32
        %get3A_804 = arith.constant 0 : i32
        %get3A_805 = arith.index_cast %get3A_804 : i32 to index
        %get3A_806 = arith.index_cast %add3A_803 : i32 to index
        %get3A_807 = arith.constant 48 : index
        %get3A_808 = tpu.vector_load %arg6[%get3A_805, %get3A_806, %get3A_807] {strides = array<i32>} : memref<2x80x128xf32, #tpu.memory_space<vmem>>, vector<1x1x16xf32>,
        %get3A_809 = vector.shape_cast %get3A_808 : vector<1x1x16xf32> to vector<16xf32>
        %add3A_810 = arith.addf %add3A_801, %get3A_809 : vector<16xf32>
        %add3A_811 = arith.constant 19 : i32
        %add3A_812 = arith.addi %mul3A_80, %add3A_811 : i32
        %get3A_813 = arith.constant 0 : i32
        %get3A_814 = arith.index_cast %get3A_813 : i32 to index
        %get3A_815 = arith.index_cast %add3A_812 : i32 to index
        %get3A_816 = arith.constant 48 : index
        %get3A_817 = tpu.vector_load %arg6[%get3A_814, %get3A_815, %get3A_816] {strides = array<i32>} : memref<2x80x128xf32, #tpu.memory_space<vmem>>, vector<1x1x16xf32>,
        %get3A_818 = vector.shape_cast %get3A_817 : vector<1x1x16xf32> to vector<16xf32>
        %add3A_819 = arith.addf %add3A_810, %get3A_818 : vector<16xf32>
        %mul3A_820 = arith.constant 5.000000e-02 : f32
        %mul3A_821 = vector.broadcast %mul3A_820 : f32 to vector<16xf32>
        %mul3A_822 = arith.mulf %add3A_819, %mul3A_821 : vector<16xf32>
        %mul3A_823 = arith.constant 4 : i32
        %mul3A_824 = arith.muli %mul3A_23, %mul3A_823 : i32
        %add3A_825 = arith.addi %mul3A_824, %scan3A_77 : i32
        %swap3A_826 = arith.index_cast %add3A_825 : i32 to index
        %swap3A_827 = arith.constant 48 : index
        %swap3A_828 = tpu.vector_load %arg7[%swap3A_826, %swap3A_827] {strides = array<i32>} : memref<128x128xf32, #tpu.memory_space<vmem>>, vector<1x16xf32>,
        %swap3A_829 = vector.shape_cast %swap3A_828 : vector<1x16xf32> to vector<16xf32>
        %swap3A_830 = vector.shape_cast %mul3A_822 : vector<16xf32> to vector<1x16xf32>
        tpu.vector_store %arg7[%swap3A_826, %swap3A_827], %swap3A_830 {strides = array<i32>} : memref<128x128xf32, #tpu.memory_space<vmem>>, vector<1x16xf32>,
        %get3A_831 = arith.constant 0 : i32
        %get3A_832 = arith.index_cast %get3A_831 : i32 to index
        %get3A_833 = arith.index_cast %mul3A_80 : i32 to index
        %get3A_834 = arith.constant 64 : index
        %get3A_835 = tpu.vector_load %arg6[%get3A_832, %get3A_833, %get3A_834] {strides = array<i32>} : memref<2x80x128xf32, #tpu.memory_space<vmem>>, vector<1x1x16xf32>,
        %get3A_836 = vector.shape_cast %get3A_835 : vector<1x1x16xf32> to vector<16xf32>
        %add3A_837 = arith.constant 1 : i32
        %add3A_838 = arith.addi %mul3A_80, %add3A_837 : i32
        %get3A_839 = arith.constant 0 : i32
        %get3A_840 = arith.index_cast %get3A_839 : i32 to index
        %get3A_841 = arith.index_cast %add3A_838 : i32 to index
        %get3A_842 = arith.constant 64 : index
        %get3A_843 = tpu.vector_load %arg6[%get3A_840, %get3A_841, %get3A_842] {strides = array<i32>} : memref<2x80x128xf32, #tpu.memory_space<vmem>>, vector<1x1x16xf32>,
        %get3A_844 = vector.shape_cast %get3A_843 : vector<1x1x16xf32> to vector<16xf32>
        %add3A_845 = arith.addf %get3A_836, %get3A_844 : vector<16xf32>
        %add3A_846 = arith.constant 2 : i32
        %add3A_847 = arith.addi %mul3A_80, %add3A_846 : i32
        %get3A_848 = arith.constant 0 : i32
        %get3A_849 = arith.index_cast %get3A_848 : i32 to index
        %get3A_850 = arith.index_cast %add3A_847 : i32 to index
        %get3A_851 = arith.constant 64 : index
        %get3A_852 = tpu.vector_load %arg6[%get3A_849, %get3A_850, %get3A_851] {strides = array<i32>} : memref<2x80x128xf32, #tpu.memory_space<vmem>>, vector<1x1x16xf32>,
        %get3A_853 = vector.shape_cast %get3A_852 : vector<1x1x16xf32> to vector<16xf32>
        %add3A_854 = arith.addf %add3A_845, %get3A_853 : vector<16xf32>
        %add3A_855 = arith.constant 3 : i32
        %add3A_856 = arith.addi %mul3A_80, %add3A_855 : i32
        %get3A_857 = arith.constant 0 : i32
        %get3A_858 = arith.index_cast %get3A_857 : i32 to index
        %get3A_859 = arith.index_cast %add3A_856 : i32 to index
        %get3A_860 = arith.constant 64 : index
        %get3A_861 = tpu.vector_load %arg6[%get3A_858, %get3A_859, %get3A_860] {strides = array<i32>} : memref<2x80x128xf32, #tpu.memory_space<vmem>>, vector<1x1x16xf32>,
        %get3A_862 = vector.shape_cast %get3A_861 : vector<1x1x16xf32> to vector<16xf32>
        %add3A_863 = arith.addf %add3A_854, %get3A_862 : vector<16xf32>
        %add3A_864 = arith.constant 4 : i32
        %add3A_865 = arith.addi %mul3A_80, %add3A_864 : i32
        %get3A_866 = arith.constant 0 : i32
        %get3A_867 = arith.index_cast %get3A_866 : i32 to index
        %get3A_868 = arith.index_cast %add3A_865 : i32 to index
        %get3A_869 = arith.constant 64 : index
        %get3A_870 = tpu.vector_load %arg6[%get3A_867, %get3A_868, %get3A_869] {strides = array<i32>} : memref<2x80x128xf32, #tpu.memory_space<vmem>>, vector<1x1x16xf32>,
        %get3A_871 = vector.shape_cast %get3A_870 : vector<1x1x16xf32> to vector<16xf32>
        %add3A_872 = arith.addf %add3A_863, %get3A_871 : vector<16xf32>
        %add3A_873 = arith.constant 5 : i32
        %add3A_874 = arith.addi %mul3A_80, %add3A_873 : i32
        %get3A_875 = arith.constant 0 : i32
        %get3A_876 = arith.index_cast %get3A_875 : i32 to index
        %get3A_877 = arith.index_cast %add3A_874 : i32 to index
        %get3A_878 = arith.constant 64 : index
        %get3A_879 = tpu.vector_load %arg6[%get3A_876, %get3A_877, %get3A_878] {strides = array<i32>} : memref<2x80x128xf32, #tpu.memory_space<vmem>>, vector<1x1x16xf32>,
        %get3A_880 = vector.shape_cast %get3A_879 : vector<1x1x16xf32> to vector<16xf32>
        %add3A_881 = arith.addf %add3A_872, %get3A_880 : vector<16xf32>
        %add3A_882 = arith.constant 6 : i32
        %add3A_883 = arith.addi %mul3A_80, %add3A_882 : i32
        %get3A_884 = arith.constant 0 : i32
        %get3A_885 = arith.index_cast %get3A_884 : i32 to index
        %get3A_886 = arith.index_cast %add3A_883 : i32 to index
        %get3A_887 = arith.constant 64 : index
        %get3A_888 = tpu.vector_load %arg6[%get3A_885, %get3A_886, %get3A_887] {strides = array<i32>} : memref<2x80x128xf32, #tpu.memory_space<vmem>>, vector<1x1x16xf32>,
        %get3A_889 = vector.shape_cast %get3A_888 : vector<1x1x16xf32> to vector<16xf32>
        %add3A_890 = arith.addf %add3A_881, %get3A_889 : vector<16xf32>
        %add3A_891 = arith.constant 7 : i32
        %add3A_892 = arith.addi %mul3A_80, %add3A_891 : i32
        %get3A_893 = arith.constant 0 : i32
        %get3A_894 = arith.index_cast %get3A_893 : i32 to index
        %get3A_895 = arith.index_cast %add3A_892 : i32 to index
        %get3A_896 = arith.constant 64 : index
        %get3A_897 = tpu.vector_load %arg6[%get3A_894, %get3A_895, %get3A_896] {strides = array<i32>} : memref<2x80x128xf32, #tpu.memory_space<vmem>>, vector<1x1x16xf32>,
        %get3A_898 = vector.shape_cast %get3A_897 : vector<1x1x16xf32> to vector<16xf32>
        %add3A_899 = arith.addf %add3A_890, %get3A_898 : vector<16xf32>
        %add3A_900 = arith.constant 8 : i32
        %add3A_901 = arith.addi %mul3A_80, %add3A_900 : i32
        %get3A_902 = arith.constant 0 : i32
        %get3A_903 = arith.index_cast %get3A_902 : i32 to index
        %get3A_904 = arith.index_cast %add3A_901 : i32 to index
        %get3A_905 = arith.constant 64 : index
        %get3A_906 = tpu.vector_load %arg6[%get3A_903, %get3A_904, %get3A_905] {strides = array<i32>} : memref<2x80x128xf32, #tpu.memory_space<vmem>>, vector<1x1x16xf32>,
        %get3A_907 = vector.shape_cast %get3A_906 : vector<1x1x16xf32> to vector<16xf32>
        %add3A_908 = arith.addf %add3A_899, %get3A_907 : vector<16xf32>
        %add3A_909 = arith.constant 9 : i32
        %add3A_910 = arith.addi %mul3A_80, %add3A_909 : i32
        %get3A_911 = arith.constant 0 : i32
        %get3A_912 = arith.index_cast %get3A_911 : i32 to index
        %get3A_913 = arith.index_cast %add3A_910 : i32 to index
        %get3A_914 = arith.constant 64 : index
        %get3A_915 = tpu.vector_load %arg6[%get3A_912, %get3A_913, %get3A_914] {strides = array<i32>} : memref<2x80x128xf32, #tpu.memory_space<vmem>>, vector<1x1x16xf32>,
        %get3A_916 = vector.shape_cast %get3A_915 : vector<1x1x16xf32> to vector<16xf32>
        %add3A_917 = arith.addf %add3A_908, %get3A_916 : vector<16xf32>
        %add3A_918 = arith.constant 10 : i32
        %add3A_919 = arith.addi %mul3A_80, %add3A_918 : i32
        %get3A_920 = arith.constant 0 : i32
        %get3A_921 = arith.index_cast %get3A_920 : i32 to index
        %get3A_922 = arith.index_cast %add3A_919 : i32 to index
        %get3A_923 = arith.constant 64 : index
        %get3A_924 = tpu.vector_load %arg6[%get3A_921, %get3A_922, %get3A_923] {strides = array<i32>} : memref<2x80x128xf32, #tpu.memory_space<vmem>>, vector<1x1x16xf32>,
        %get3A_925 = vector.shape_cast %get3A_924 : vector<1x1x16xf32> to vector<16xf32>
        %add3A_926 = arith.addf %add3A_917, %get3A_925 : vector<16xf32>
        %add3A_927 = arith.constant 11 : i32
        %add3A_928 = arith.addi %mul3A_80, %add3A_927 : i32
        %get3A_929 = arith.constant 0 : i32
        %get3A_930 = arith.index_cast %get3A_929 : i32 to index
        %get3A_931 = arith.index_cast %add3A_928 : i32 to index
        %get3A_932 = arith.constant 64 : index
        %get3A_933 = tpu.vector_load %arg6[%get3A_930, %get3A_931, %get3A_932] {strides = array<i32>} : memref<2x80x128xf32, #tpu.memory_space<vmem>>, vector<1x1x16xf32>,
        %get3A_934 = vector.shape_cast %get3A_933 : vector<1x1x16xf32> to vector<16xf32>
        %add3A_935 = arith.addf %add3A_926, %get3A_934 : vector<16xf32>
        %add3A_936 = arith.constant 12 : i32
        %add3A_937 = arith.addi %mul3A_80, %add3A_936 : i32
        %get3A_938 = arith.constant 0 : i32
        %get3A_939 = arith.index_cast %get3A_938 : i32 to index
        %get3A_940 = arith.index_cast %add3A_937 : i32 to index
        %get3A_941 = arith.constant 64 : index
        %get3A_942 = tpu.vector_load %arg6[%get3A_939, %get3A_940, %get3A_941] {strides = array<i32>} : memref<2x80x128xf32, #tpu.memory_space<vmem>>, vector<1x1x16xf32>,
        %get3A_943 = vector.shape_cast %get3A_942 : vector<1x1x16xf32> to vector<16xf32>
        %add3A_944 = arith.addf %add3A_935, %get3A_943 : vector<16xf32>
        %add3A_945 = arith.constant 13 : i32
        %add3A_946 = arith.addi %mul3A_80, %add3A_945 : i32
        %get3A_947 = arith.constant 0 : i32
        %get3A_948 = arith.index_cast %get3A_947 : i32 to index
        %get3A_949 = arith.index_cast %add3A_946 : i32 to index
        %get3A_950 = arith.constant 64 : index
        %get3A_951 = tpu.vector_load %arg6[%get3A_948, %get3A_949, %get3A_950] {strides = array<i32>} : memref<2x80x128xf32, #tpu.memory_space<vmem>>, vector<1x1x16xf32>,
        %get3A_952 = vector.shape_cast %get3A_951 : vector<1x1x16xf32> to vector<16xf32>
        %add3A_953 = arith.addf %add3A_944, %get3A_952 : vector<16xf32>
        %add3A_954 = arith.constant 14 : i32
        %add3A_955 = arith.addi %mul3A_80, %add3A_954 : i32
        %get3A_956 = arith.constant 0 : i32
        %get3A_957 = arith.index_cast %get3A_956 : i32 to index
        %get3A_958 = arith.index_cast %add3A_955 : i32 to index
        %get3A_959 = arith.constant 64 : index
        %get3A_960 = tpu.vector_load %arg6[%get3A_957, %get3A_958, %get3A_959] {strides = array<i32>} : memref<2x80x128xf32, #tpu.memory_space<vmem>>, vector<1x1x16xf32>,
        %get3A_961 = vector.shape_cast %get3A_960 : vector<1x1x16xf32> to vector<16xf32>
        %add3A_962 = arith.addf %add3A_953, %get3A_961 : vector<16xf32>
        %add3A_963 = arith.constant 15 : i32
        %add3A_964 = arith.addi %mul3A_80, %add3A_963 : i32
        %get3A_965 = arith.constant 0 : i32
        %get3A_966 = arith.index_cast %get3A_965 : i32 to index
        %get3A_967 = arith.index_cast %add3A_964 : i32 to index
        %get3A_968 = arith.constant 64 : index
        %get3A_969 = tpu.vector_load %arg6[%get3A_966, %get3A_967, %get3A_968] {strides = array<i32>} : memref<2x80x128xf32, #tpu.memory_space<vmem>>, vector<1x1x16xf32>,
        %get3A_970 = vector.shape_cast %get3A_969 : vector<1x1x16xf32> to vector<16xf32>
        %add3A_971 = arith.addf %add3A_962, %get3A_970 : vector<16xf32>
        %add3A_972 = arith.constant 16 : i32
        %add3A_973 = arith.addi %mul3A_80, %add3A_972 : i32
        %get3A_974 = arith.constant 0 : i32
        %get3A_975 = arith.index_cast %get3A_974 : i32 to index
        %get3A_976 = arith.index_cast %add3A_973 : i32 to index
        %get3A_977 = arith.constant 64 : index
        %get3A_978 = tpu.vector_load %arg6[%get3A_975, %get3A_976, %get3A_977] {strides = array<i32>} : memref<2x80x128xf32, #tpu.memory_space<vmem>>, vector<1x1x16xf32>,
        %get3A_979 = vector.shape_cast %get3A_978 : vector<1x1x16xf32> to vector<16xf32>
        %add3A_980 = arith.addf %add3A_971, %get3A_979 : vector<16xf32>
        %add3A_981 = arith.constant 17 : i32
        %add3A_982 = arith.addi %mul3A_80, %add3A_981 : i32
        %get3A_983 = arith.constant 0 : i32
        %get3A_984 = arith.index_cast %get3A_983 : i32 to index
        %get3A_985 = arith.index_cast %add3A_982 : i32 to index
        %get3A_986 = arith.constant 64 : index
        %get3A_987 = tpu.vector_load %arg6[%get3A_984, %get3A_985, %get3A_986] {strides = array<i32>} : memref<2x80x128xf32, #tpu.memory_space<vmem>>, vector<1x1x16xf32>,
        %get3A_988 = vector.shape_cast %get3A_987 : vector<1x1x16xf32> to vector<16xf32>
        %add3A_989 = arith.addf %add3A_980, %get3A_988 : vector<16xf32>
        %add3A_990 = arith.constant 18 : i32
        %add3A_991 = arith.addi %mul3A_80, %add3A_990 : i32
        %get3A_992 = arith.constant 0 : i32
        %get3A_993 = arith.index_cast %get3A_992 : i32 to index
        %get3A_994 = arith.index_cast %add3A_991 : i32 to index
        %get3A_995 = arith.constant 64 : index
        %get3A_996 = tpu.vector_load %arg6[%get3A_993, %get3A_994, %get3A_995] {strides = array<i32>} : memref<2x80x128xf32, #tpu.memory_space<vmem>>, vector<1x1x16xf32>,
        %get3A_997 = vector.shape_cast %get3A_996 : vector<1x1x16xf32> to vector<16xf32>
        %add3A_998 = arith.addf %add3A_989, %get3A_997 : vector<16xf32>
        %add3A_999 = arith.constant 19 : i32
        %add3A_1000 = arith.addi %mul3A_80, %add3A_999 : i32
        %get3A_1001 = arith.constant 0 : i32
        %get3A_1002 = arith.index_cast %get3A_1001 : i32 to index
        %get3A_1003 = arith.index_cast %add3A_1000 : i32 to index
        %get3A_1004 = arith.constant 64 : index
        %get3A_1005 = tpu.vector_load %arg6[%get3A_1002, %get3A_1003, %get3A_1004] {strides = array<i32>} : memref<2x80x128xf32, #tpu.memory_space<vmem>>, vector<1x1x16xf32>,
        %get3A_1006 = vector.shape_cast %get3A_1005 : vector<1x1x16xf32> to vector<16xf32>
        %add3A_1007 = arith.addf %add3A_998, %get3A_1006 : vector<16xf32>
        %mul3A_1008 = arith.constant 5.000000e-02 : f32
        %mul3A_1009 = vector.broadcast %mul3A_1008 : f32 to vector<16xf32>
        %mul3A_1010 = arith.mulf %add3A_1007, %mul3A_1009 : vector<16xf32>
        %mul3A_1011 = arith.constant 4 : i32
        %mul3A_1012 = arith.muli %mul3A_23, %mul3A_1011 : i32
        %add3A_1013 = arith.addi %mul3A_1012, %scan3A_77 : i32
        %swap3A_1014 = arith.index_cast %add3A_1013 : i32 to index
        %swap3A_1015 = arith.constant 64 : index
        %swap3A_1016 = tpu.vector_load %arg7[%swap3A_1014, %swap3A_1015] {strides = array<i32>} : memref<128x128xf32, #tpu.memory_space<vmem>>, vector<1x16xf32>,
        %swap3A_1017 = vector.shape_cast %swap3A_1016 : vector<1x16xf32> to vector<16xf32>
        %swap3A_1018 = vector.shape_cast %mul3A_1010 : vector<16xf32> to vector<1x16xf32>
        tpu.vector_store %arg7[%swap3A_1014, %swap3A_1015], %swap3A_1018 {strides = array<i32>} : memref<128x128xf32, #tpu.memory_space<vmem>>, vector<1x16xf32>,
        %get3A_1019 = arith.constant 0 : i32
        %get3A_1020 = arith.index_cast %get3A_1019 : i32 to index
        %get3A_1021 = arith.index_cast %mul3A_80 : i32 to index
        %get3A_1022 = arith.constant 80 : index
        %get3A_1023 = tpu.vector_load %arg6[%get3A_1020, %get3A_1021, %get3A_1022] {strides = array<i32>} : memref<2x80x128xf32, #tpu.memory_space<vmem>>, vector<1x1x16xf32>,
        %get3A_1024 = vector.shape_cast %get3A_1023 : vector<1x1x16xf32> to vector<16xf32>
        %add3A_1025 = arith.constant 1 : i32
        %add3A_1026 = arith.addi %mul3A_80, %add3A_1025 : i32
        %get3A_1027 = arith.constant 0 : i32
        %get3A_1028 = arith.index_cast %get3A_1027 : i32 to index
        %get3A_1029 = arith.index_cast %add3A_1026 : i32 to index
        %get3A_1030 = arith.constant 80 : index
        %get3A_1031 = tpu.vector_load %arg6[%get3A_1028, %get3A_1029, %get3A_1030] {strides = array<i32>} : memref<2x80x128xf32, #tpu.memory_space<vmem>>, vector<1x1x16xf32>,
        %get3A_1032 = vector.shape_cast %get3A_1031 : vector<1x1x16xf32> to vector<16xf32>
        %add3A_1033 = arith.addf %get3A_1024, %get3A_1032 : vector<16xf32>
        %add3A_1034 = arith.constant 2 : i32
        %add3A_1035 = arith.addi %mul3A_80, %add3A_1034 : i32
        %get3A_1036 = arith.constant 0 : i32
        %get3A_1037 = arith.index_cast %get3A_1036 : i32 to index
        %get3A_1038 = arith.index_cast %add3A_1035 : i32 to index
        %get3A_1039 = arith.constant 80 : index
        %get3A_1040 = tpu.vector_load %arg6[%get3A_1037, %get3A_1038, %get3A_1039] {strides = array<i32>} : memref<2x80x128xf32, #tpu.memory_space<vmem>>, vector<1x1x16xf32>,
        %get3A_1041 = vector.shape_cast %get3A_1040 : vector<1x1x16xf32> to vector<16xf32>
        %add3A_1042 = arith.addf %add3A_1033, %get3A_1041 : vector<16xf32>
        %add3A_1043 = arith.constant 3 : i32
        %add3A_1044 = arith.addi %mul3A_80, %add3A_1043 : i32
        %get3A_1045 = arith.constant 0 : i32
        %get3A_1046 = arith.index_cast %get3A_1045 : i32 to index
        %get3A_1047 = arith.index_cast %add3A_1044 : i32 to index
        %get3A_1048 = arith.constant 80 : index
        %get3A_1049 = tpu.vector_load %arg6[%get3A_1046, %get3A_1047, %get3A_1048] {strides = array<i32>} : memref<2x80x128xf32, #tpu.memory_space<vmem>>, vector<1x1x16xf32>,
        %get3A_1050 = vector.shape_cast %get3A_1049 : vector<1x1x16xf32> to vector<16xf32>
        %add3A_1051 = arith.addf %add3A_1042, %get3A_1050 : vector<16xf32>
        %add3A_1052 = arith.constant 4 : i32
        %add3A_1053 = arith.addi %mul3A_80, %add3A_1052 : i32
        %get3A_1054 = arith.constant 0 : i32
        %get3A_1055 = arith.index_cast %get3A_1054 : i32 to index
        %get3A_1056 = arith.index_cast %add3A_1053 : i32 to index
        %get3A_1057 = arith.constant 80 : index
        %get3A_1058 = tpu.vector_load %arg6[%get3A_1055, %get3A_1056, %get3A_1057] {strides = array<i32>} : memref<2x80x128xf32, #tpu.memory_space<vmem>>, vector<1x1x16xf32>,
        %get3A_1059 = vector.shape_cast %get3A_1058 : vector<1x1x16xf32> to vector<16xf32>
        %add3A_1060 = arith.addf %add3A_1051, %get3A_1059 : vector<16xf32>
        %add3A_1061 = arith.constant 5 : i32
        %add3A_1062 = arith.addi %mul3A_80, %add3A_1061 : i32
        %get3A_1063 = arith.constant 0 : i32
        %get3A_1064 = arith.index_cast %get3A_1063 : i32 to index
        %get3A_1065 = arith.index_cast %add3A_1062 : i32 to index
        %get3A_1066 = arith.constant 80 : index
        %get3A_1067 = tpu.vector_load %arg6[%get3A_1064, %get3A_1065, %get3A_1066] {strides = array<i32>} : memref<2x80x128xf32, #tpu.memory_space<vmem>>, vector<1x1x16xf32>,
        %get3A_1068 = vector.shape_cast %get3A_1067 : vector<1x1x16xf32> to vector<16xf32>
        %add3A_1069 = arith.addf %add3A_1060, %get3A_1068 : vector<16xf32>
        %add3A_1070 = arith.constant 6 : i32
        %add3A_1071 = arith.addi %mul3A_80, %add3A_1070 : i32
        %get3A_1072 = arith.constant 0 : i32
        %get3A_1073 = arith.index_cast %get3A_1072 : i32 to index
        %get3A_1074 = arith.index_cast %add3A_1071 : i32 to index
        %get3A_1075 = arith.constant 80 : index
        %get3A_1076 = tpu.vector_load %arg6[%get3A_1073, %get3A_1074, %get3A_1075] {strides = array<i32>} : memref<2x80x128xf32, #tpu.memory_space<vmem>>, vector<1x1x16xf32>,
        %get3A_1077 = vector.shape_cast %get3A_1076 : vector<1x1x16xf32> to vector<16xf32>
        %add3A_1078 = arith.addf %add3A_1069, %get3A_1077 : vector<16xf32>
        %add3A_1079 = arith.constant 7 : i32
        %add3A_1080 = arith.addi %mul3A_80, %add3A_1079 : i32
        %get3A_1081 = arith.constant 0 : i32
        %get3A_1082 = arith.index_cast %get3A_1081 : i32 to index
        %get3A_1083 = arith.index_cast %add3A_1080 : i32 to index
        %get3A_1084 = arith.constant 80 : index
        %get3A_1085 = tpu.vector_load %arg6[%get3A_1082, %get3A_1083, %get3A_1084] {strides = array<i32>} : memref<2x80x128xf32, #tpu.memory_space<vmem>>, vector<1x1x16xf32>,
        %get3A_1086 = vector.shape_cast %get3A_1085 : vector<1x1x16xf32> to vector<16xf32>
        %add3A_1087 = arith.addf %add3A_1078, %get3A_1086 : vector<16xf32>
        %add3A_1088 = arith.constant 8 : i32
        %add3A_1089 = arith.addi %mul3A_80, %add3A_1088 : i32
        %get3A_1090 = arith.constant 0 : i32
        %get3A_1091 = arith.index_cast %get3A_1090 : i32 to index
        %get3A_1092 = arith.index_cast %add3A_1089 : i32 to index
        %get3A_1093 = arith.constant 80 : index
        %get3A_1094 = tpu.vector_load %arg6[%get3A_1091, %get3A_1092, %get3A_1093] {strides = array<i32>} : memref<2x80x128xf32, #tpu.memory_space<vmem>>, vector<1x1x16xf32>,
        %get3A_1095 = vector.shape_cast %get3A_1094 : vector<1x1x16xf32> to vector<16xf32>
        %add3A_1096 = arith.addf %add3A_1087, %get3A_1095 : vector<16xf32>
        %add3A_1097 = arith.constant 9 : i32
        %add3A_1098 = arith.addi %mul3A_80, %add3A_1097 : i32
        %get3A_1099 = arith.constant 0 : i32
        %get3A_1100 = arith.index_cast %get3A_1099 : i32 to index
        %get3A_1101 = arith.index_cast %add3A_1098 : i32 to index
        %get3A_1102 = arith.constant 80 : index
        %get3A_1103 = tpu.vector_load %arg6[%get3A_1100, %get3A_1101, %get3A_1102] {strides = array<i32>} : memref<2x80x128xf32, #tpu.memory_space<vmem>>, vector<1x1x16xf32>,
        %get3A_1104 = vector.shape_cast %get3A_1103 : vector<1x1x16xf32> to vector<16xf32>
        %add3A_1105 = arith.addf %add3A_1096, %get3A_1104 : vector<16xf32>
        %add3A_1106 = arith.constant 10 : i32
        %add3A_1107 = arith.addi %mul3A_80, %add3A_1106 : i32
        %get3A_1108 = arith.constant 0 : i32
        %get3A_1109 = arith.index_cast %get3A_1108 : i32 to index
        %get3A_1110 = arith.index_cast %add3A_1107 : i32 to index
        %get3A_1111 = arith.constant 80 : index
        %get3A_1112 = tpu.vector_load %arg6[%get3A_1109, %get3A_1110, %get3A_1111] {strides = array<i32>} : memref<2x80x128xf32, #tpu.memory_space<vmem>>, vector<1x1x16xf32>,
        %get3A_1113 = vector.shape_cast %get3A_1112 : vector<1x1x16xf32> to vector<16xf32>
        %add3A_1114 = arith.addf %add3A_1105, %get3A_1113 : vector<16xf32>
        %add3A_1115 = arith.constant 11 : i32
        %add3A_1116 = arith.addi %mul3A_80, %add3A_1115 : i32
        %get3A_1117 = arith.constant 0 : i32
        %get3A_1118 = arith.index_cast %get3A_1117 : i32 to index
        %get3A_1119 = arith.index_cast %add3A_1116 : i32 to index
        %get3A_1120 = arith.constant 80 : index
        %get3A_1121 = tpu.vector_load %arg6[%get3A_1118, %get3A_1119, %get3A_1120] {strides = array<i32>} : memref<2x80x128xf32, #tpu.memory_space<vmem>>, vector<1x1x16xf32>,
        %get3A_1122 = vector.shape_cast %get3A_1121 : vector<1x1x16xf32> to vector<16xf32>
        %add3A_1123 = arith.addf %add3A_1114, %get3A_1122 : vector<16xf32>
        %add3A_1124 = arith.constant 12 : i32
        %add3A_1125 = arith.addi %mul3A_80, %add3A_1124 : i32
        %get3A_1126 = arith.constant 0 : i32
        %get3A_1127 = arith.index_cast %get3A_1126 : i32 to index
        %get3A_1128 = arith.index_cast %add3A_1125 : i32 to index
        %get3A_1129 = arith.constant 80 : index
        %get3A_1130 = tpu.vector_load %arg6[%get3A_1127, %get3A_1128, %get3A_1129] {strides = array<i32>} : memref<2x80x128xf32, #tpu.memory_space<vmem>>, vector<1x1x16xf32>,
        %get3A_1131 = vector.shape_cast %get3A_1130 : vector<1x1x16xf32> to vector<16xf32>
        %add3A_1132 = arith.addf %add3A_1123, %get3A_1131 : vector<16xf32>
        %add3A_1133 = arith.constant 13 : i32
        %add3A_1134 = arith.addi %mul3A_80, %add3A_1133 : i32
        %get3A_1135 = arith.constant 0 : i32
        %get3A_1136 = arith.index_cast %get3A_1135 : i32 to index
        %get3A_1137 = arith.index_cast %add3A_1134 : i32 to index
        %get3A_1138 = arith.constant 80 : index
        %get3A_1139 = tpu.vector_load %arg6[%get3A_1136, %get3A_1137, %get3A_1138] {strides = array<i32>} : memref<2x80x128xf32, #tpu.memory_space<vmem>>, vector<1x1x16xf32>,
        %get3A_1140 = vector.shape_cast %get3A_1139 : vector<1x1x16xf32> to vector<16xf32>
        %add3A_1141 = arith.addf %add3A_1132, %get3A_1140 : vector<16xf32>
        %add3A_1142 = arith.constant 14 : i32
        %add3A_1143 = arith.addi %mul3A_80, %add3A_1142 : i32
        %get3A_1144 = arith.constant 0 : i32
        %get3A_1145 = arith.index_cast %get3A_1144 : i32 to index
        %get3A_1146 = arith.index_cast %add3A_1143 : i32 to index
        %get3A_1147 = arith.constant 80 : index
        %get3A_1148 = tpu.vector_load %arg6[%get3A_1145, %get3A_1146, %get3A_1147] {strides = array<i32>} : memref<2x80x128xf32, #tpu.memory_space<vmem>>, vector<1x1x16xf32>,
        %get3A_1149 = vector.shape_cast %get3A_1148 : vector<1x1x16xf32> to vector<16xf32>
        %add3A_1150 = arith.addf %add3A_1141, %get3A_1149 : vector<16xf32>
        %add3A_1151 = arith.constant 15 : i32
        %add3A_1152 = arith.addi %mul3A_80, %add3A_1151 : i32
        %get3A_1153 = arith.constant 0 : i32
        %get3A_1154 = arith.index_cast %get3A_1153 : i32 to index
        %get3A_1155 = arith.index_cast %add3A_1152 : i32 to index
        %get3A_1156 = arith.constant 80 : index
        %get3A_1157 = tpu.vector_load %arg6[%get3A_1154, %get3A_1155, %get3A_1156] {strides = array<i32>} : memref<2x80x128xf32, #tpu.memory_space<vmem>>, vector<1x1x16xf32>,
        %get3A_1158 = vector.shape_cast %get3A_1157 : vector<1x1x16xf32> to vector<16xf32>
        %add3A_1159 = arith.addf %add3A_1150, %get3A_1158 : vector<16xf32>
        %add3A_1160 = arith.constant 16 : i32
        %add3A_1161 = arith.addi %mul3A_80, %add3A_1160 : i32
        %get3A_1162 = arith.constant 0 : i32
        %get3A_1163 = arith.index_cast %get3A_1162 : i32 to index
        %get3A_1164 = arith.index_cast %add3A_1161 : i32 to index
        %get3A_1165 = arith.constant 80 : index
        %get3A_1166 = tpu.vector_load %arg6[%get3A_1163, %get3A_1164, %get3A_1165] {strides = array<i32>} : memref<2x80x128xf32, #tpu.memory_space<vmem>>, vector<1x1x16xf32>,
        %get3A_1167 = vector.shape_cast %get3A_1166 : vector<1x1x16xf32> to vector<16xf32>
        %add3A_1168 = arith.addf %add3A_1159, %get3A_1167 : vector<16xf32>
        %add3A_1169 = arith.constant 17 : i32
        %add3A_1170 = arith.addi %mul3A_80, %add3A_1169 : i32
        %get3A_1171 = arith.constant 0 : i32
        %get3A_1172 = arith.index_cast %get3A_1171 : i32 to index
        %get3A_1173 = arith.index_cast %add3A_1170 : i32 to index
        %get3A_1174 = arith.constant 80 : index
        %get3A_1175 = tpu.vector_load %arg6[%get3A_1172, %get3A_1173, %get3A_1174] {strides = array<i32>} : memref<2x80x128xf32, #tpu.memory_space<vmem>>, vector<1x1x16xf32>,
        %get3A_1176 = vector.shape_cast %get3A_1175 : vector<1x1x16xf32> to vector<16xf32>
        %add3A_1177 = arith.addf %add3A_1168, %get3A_1176 : vector<16xf32>
        %add3A_1178 = arith.constant 18 : i32
        %add3A_1179 = arith.addi %mul3A_80, %add3A_1178 : i32
        %get3A_1180 = arith.constant 0 : i32
        %get3A_1181 = arith.index_cast %get3A_1180 : i32 to index
        %get3A_1182 = arith.index_cast %add3A_1179 : i32 to index
        %get3A_1183 = arith.constant 80 : index
        %get3A_1184 = tpu.vector_load %arg6[%get3A_1181, %get3A_1182, %get3A_1183] {strides = array<i32>} : memref<2x80x128xf32, #tpu.memory_space<vmem>>, vector<1x1x16xf32>,
        %get3A_1185 = vector.shape_cast %get3A_1184 : vector<1x1x16xf32> to vector<16xf32>
        %add3A_1186 = arith.addf %add3A_1177, %get3A_1185 : vector<16xf32>
        %add3A_1187 = arith.constant 19 : i32
        %add3A_1188 = arith.addi %mul3A_80, %add3A_1187 : i32
        %get3A_1189 = arith.constant 0 : i32
        %get3A_1190 = arith.index_cast %get3A_1189 : i32 to index
        %get3A_1191 = arith.index_cast %add3A_1188 : i32 to index
        %get3A_1192 = arith.constant 80 : index
        %get3A_1193 = tpu.vector_load %arg6[%get3A_1190, %get3A_1191, %get3A_1192] {strides = array<i32>} : memref<2x80x128xf32, #tpu.memory_space<vmem>>, vector<1x1x16xf32>,
        %get3A_1194 = vector.shape_cast %get3A_1193 : vector<1x1x16xf32> to vector<16xf32>
        %add3A_1195 = arith.addf %add3A_1186, %get3A_1194 : vector<16xf32>
        %mul3A_1196 = arith.constant 5.000000e-02 : f32
        %mul3A_1197 = vector.broadcast %mul3A_1196 : f32 to vector<16xf32>
        %mul3A_1198 = arith.mulf %add3A_1195, %mul3A_1197 : vector<16xf32>
        %mul3A_1199 = arith.constant 4 : i32
        %mul3A_1200 = arith.muli %mul3A_23, %mul3A_1199 : i32
        %add3A_1201 = arith.addi %mul3A_1200, %scan3A_77 : i32
        %swap3A_1202 = arith.index_cast %add3A_1201 : i32 to index
        %swap3A_1203 = arith.constant 80 : index
        %swap3A_1204 = tpu.vector_load %arg7[%swap3A_1202, %swap3A_1203] {strides = array<i32>} : memref<128x128xf32, #tpu.memory_space<vmem>>, vector<1x16xf32>,
        %swap3A_1205 = vector.shape_cast %swap3A_1204 : vector<1x16xf32> to vector<16xf32>
        %swap3A_1206 = vector.shape_cast %mul3A_1198 : vector<16xf32> to vector<1x16xf32>
        tpu.vector_store %arg7[%swap3A_1202, %swap3A_1203], %swap3A_1206 {strides = array<i32>} : memref<128x128xf32, #tpu.memory_space<vmem>>, vector<1x16xf32>,
        %get3A_1207 = arith.constant 0 : i32
        %get3A_1208 = arith.index_cast %get3A_1207 : i32 to index
        %get3A_1209 = arith.index_cast %mul3A_80 : i32 to index
        %get3A_1210 = arith.constant 96 : index
        %get3A_1211 = tpu.vector_load %arg6[%get3A_1208, %get3A_1209, %get3A_1210] {strides = array<i32>} : memref<2x80x128xf32, #tpu.memory_space<vmem>>, vector<1x1x16xf32>,
        %get3A_1212 = vector.shape_cast %get3A_1211 : vector<1x1x16xf32> to vector<16xf32>
        %add3A_1213 = arith.constant 1 : i32
        %add3A_1214 = arith.addi %mul3A_80, %add3A_1213 : i32
        %get3A_1215 = arith.constant 0 : i32
        %get3A_1216 = arith.index_cast %get3A_1215 : i32 to index
        %get3A_1217 = arith.index_cast %add3A_1214 : i32 to index
        %get3A_1218 = arith.constant 96 : index
        %get3A_1219 = tpu.vector_load %arg6[%get3A_1216, %get3A_1217, %get3A_1218] {strides = array<i32>} : memref<2x80x128xf32, #tpu.memory_space<vmem>>, vector<1x1x16xf32>,
        %get3A_1220 = vector.shape_cast %get3A_1219 : vector<1x1x16xf32> to vector<16xf32>
        %add3A_1221 = arith.addf %get3A_1212, %get3A_1220 : vector<16xf32>
        %add3A_1222 = arith.constant 2 : i32
        %add3A_1223 = arith.addi %mul3A_80, %add3A_1222 : i32
        %get3A_1224 = arith.constant 0 : i32
        %get3A_1225 = arith.index_cast %get3A_1224 : i32 to index
        %get3A_1226 = arith.index_cast %add3A_1223 : i32 to index
        %get3A_1227 = arith.constant 96 : index
        %get3A_1228 = tpu.vector_load %arg6[%get3A_1225, %get3A_1226, %get3A_1227] {strides = array<i32>} : memref<2x80x128xf32, #tpu.memory_space<vmem>>, vector<1x1x16xf32>,
        %get3A_1229 = vector.shape_cast %get3A_1228 : vector<1x1x16xf32> to vector<16xf32>
        %add3A_1230 = arith.addf %add3A_1221, %get3A_1229 : vector<16xf32>
        %add3A_1231 = arith.constant 3 : i32
        %add3A_1232 = arith.addi %mul3A_80, %add3A_1231 : i32
        %get3A_1233 = arith.constant 0 : i32
        %get3A_1234 = arith.index_cast %get3A_1233 : i32 to index
        %get3A_1235 = arith.index_cast %add3A_1232 : i32 to index
        %get3A_1236 = arith.constant 96 : index
        %get3A_1237 = tpu.vector_load %arg6[%get3A_1234, %get3A_1235, %get3A_1236] {strides = array<i32>} : memref<2x80x128xf32, #tpu.memory_space<vmem>>, vector<1x1x16xf32>,
        %get3A_1238 = vector.shape_cast %get3A_1237 : vector<1x1x16xf32> to vector<16xf32>
        %add3A_1239 = arith.addf %add3A_1230, %get3A_1238 : vector<16xf32>
        %add3A_1240 = arith.constant 4 : i32
        %add3A_1241 = arith.addi %mul3A_80, %add3A_1240 : i32
        %get3A_1242 = arith.constant 0 : i32
        %get3A_1243 = arith.index_cast %get3A_1242 : i32 to index
        %get3A_1244 = arith.index_cast %add3A_1241 : i32 to index
        %get3A_1245 = arith.constant 96 : index
        %get3A_1246 = tpu.vector_load %arg6[%get3A_1243, %get3A_1244, %get3A_1245] {strides = array<i32>} : memref<2x80x128xf32, #tpu.memory_space<vmem>>, vector<1x1x16xf32>,
        %get3A_1247 = vector.shape_cast %get3A_1246 : vector<1x1x16xf32> to vector<16xf32>
        %add3A_1248 = arith.addf %add3A_1239, %get3A_1247 : vector<16xf32>
        %add3A_1249 = arith.constant 5 : i32
        %add3A_1250 = arith.addi %mul3A_80, %add3A_1249 : i32
        %get3A_1251 = arith.constant 0 : i32
        %get3A_1252 = arith.index_cast %get3A_1251 : i32 to index
        %get3A_1253 = arith.index_cast %add3A_1250 : i32 to index
        %get3A_1254 = arith.constant 96 : index
        %get3A_1255 = tpu.vector_load %arg6[%get3A_1252, %get3A_1253, %get3A_1254] {strides = array<i32>} : memref<2x80x128xf32, #tpu.memory_space<vmem>>, vector<1x1x16xf32>,
        %get3A_1256 = vector.shape_cast %get3A_1255 : vector<1x1x16xf32> to vector<16xf32>
        %add3A_1257 = arith.addf %add3A_1248, %get3A_1256 : vector<16xf32>
        %add3A_1258 = arith.constant 6 : i32
        %add3A_1259 = arith.addi %mul3A_80, %add3A_1258 : i32
        %get3A_1260 = arith.constant 0 : i32
        %get3A_1261 = arith.index_cast %get3A_1260 : i32 to index
        %get3A_1262 = arith.index_cast %add3A_1259 : i32 to index
        %get3A_1263 = arith.constant 96 : index
        %get3A_1264 = tpu.vector_load %arg6[%get3A_1261, %get3A_1262, %get3A_1263] {strides = array<i32>} : memref<2x80x128xf32, #tpu.memory_space<vmem>>, vector<1x1x16xf32>,
        %get3A_1265 = vector.shape_cast %get3A_1264 : vector<1x1x16xf32> to vector<16xf32>
        %add3A_1266 = arith.addf %add3A_1257, %get3A_1265 : vector<16xf32>
        %add3A_1267 = arith.constant 7 : i32
        %add3A_1268 = arith.addi %mul3A_80, %add3A_1267 : i32
        %get3A_1269 = arith.constant 0 : i32
        %get3A_1270 = arith.index_cast %get3A_1269 : i32 to index
        %get3A_1271 = arith.index_cast %add3A_1268 : i32 to index
        %get3A_1272 = arith.constant 96 : index
        %get3A_1273 = tpu.vector_load %arg6[%get3A_1270, %get3A_1271, %get3A_1272] {strides = array<i32>} : memref<2x80x128xf32, #tpu.memory_space<vmem>>, vector<1x1x16xf32>,
        %get3A_1274 = vector.shape_cast %get3A_1273 : vector<1x1x16xf32> to vector<16xf32>
        %add3A_1275 = arith.addf %add3A_1266, %get3A_1274 : vector<16xf32>
        %add3A_1276 = arith.constant 8 : i32
        %add3A_1277 = arith.addi %mul3A_80, %add3A_1276 : i32
        %get3A_1278 = arith.constant 0 : i32
        %get3A_1279 = arith.index_cast %get3A_1278 : i32 to index
        %get3A_1280 = arith.index_cast %add3A_1277 : i32 to index
        %get3A_1281 = arith.constant 96 : index
        %get3A_1282 = tpu.vector_load %arg6[%get3A_1279, %get3A_1280, %get3A_1281] {strides = array<i32>} : memref<2x80x128xf32, #tpu.memory_space<vmem>>, vector<1x1x16xf32>,
        %get3A_1283 = vector.shape_cast %get3A_1282 : vector<1x1x16xf32> to vector<16xf32>
        %add3A_1284 = arith.addf %add3A_1275, %get3A_1283 : vector<16xf32>
        %add3A_1285 = arith.constant 9 : i32
        %add3A_1286 = arith.addi %mul3A_80, %add3A_1285 : i32
        %get3A_1287 = arith.constant 0 : i32
        %get3A_1288 = arith.index_cast %get3A_1287 : i32 to index
        %get3A_1289 = arith.index_cast %add3A_1286 : i32 to index
        %get3A_1290 = arith.constant 96 : index
        %get3A_1291 = tpu.vector_load %arg6[%get3A_1288, %get3A_1289, %get3A_1290] {strides = array<i32>} : memref<2x80x128xf32, #tpu.memory_space<vmem>>, vector<1x1x16xf32>,
        %get3A_1292 = vector.shape_cast %get3A_1291 : vector<1x1x16xf32> to vector<16xf32>
        %add3A_1293 = arith.addf %add3A_1284, %get3A_1292 : vector<16xf32>
        %add3A_1294 = arith.constant 10 : i32
        %add3A_1295 = arith.addi %mul3A_80, %add3A_1294 : i32
        %get3A_1296 = arith.constant 0 : i32
        %get3A_1297 = arith.index_cast %get3A_1296 : i32 to index
        %get3A_1298 = arith.index_cast %add3A_1295 : i32 to index
        %get3A_1299 = arith.constant 96 : index
        %get3A_1300 = tpu.vector_load %arg6[%get3A_1297, %get3A_1298, %get3A_1299] {strides = array<i32>} : memref<2x80x128xf32, #tpu.memory_space<vmem>>, vector<1x1x16xf32>,
        %get3A_1301 = vector.shape_cast %get3A_1300 : vector<1x1x16xf32> to vector<16xf32>
        %add3A_1302 = arith.addf %add3A_1293, %get3A_1301 : vector<16xf32>
        %add3A_1303 = arith.constant 11 : i32
        %add3A_1304 = arith.addi %mul3A_80, %add3A_1303 : i32
        %get3A_1305 = arith.constant 0 : i32
        %get3A_1306 = arith.index_cast %get3A_1305 : i32 to index
        %get3A_1307 = arith.index_cast %add3A_1304 : i32 to index
        %get3A_1308 = arith.constant 96 : index
        %get3A_1309 = tpu.vector_load %arg6[%get3A_1306, %get3A_1307, %get3A_1308] {strides = array<i32>} : memref<2x80x128xf32, #tpu.memory_space<vmem>>, vector<1x1x16xf32>,
        %get3A_1310 = vector.shape_cast %get3A_1309 : vector<1x1x16xf32> to vector<16xf32>
        %add3A_1311 = arith.addf %add3A_1302, %get3A_1310 : vector<16xf32>
        %add3A_1312 = arith.constant 12 : i32
        %add3A_1313 = arith.addi %mul3A_80, %add3A_1312 : i32
        %get3A_1314 = arith.constant 0 : i32
        %get3A_1315 = arith.index_cast %get3A_1314 : i32 to index
        %get3A_1316 = arith.index_cast %add3A_1313 : i32 to index
        %get3A_1317 = arith.constant 96 : index
        %get3A_1318 = tpu.vector_load %arg6[%get3A_1315, %get3A_1316, %get3A_1317] {strides = array<i32>} : memref<2x80x128xf32, #tpu.memory_space<vmem>>, vector<1x1x16xf32>,
        %get3A_1319 = vector.shape_cast %get3A_1318 : vector<1x1x16xf32> to vector<16xf32>
        %add3A_1320 = arith.addf %add3A_1311, %get3A_1319 : vector<16xf32>
        %add3A_1321 = arith.constant 13 : i32
        %add3A_1322 = arith.addi %mul3A_80, %add3A_1321 : i32
        %get3A_1323 = arith.constant 0 : i32
        %get3A_1324 = arith.index_cast %get3A_1323 : i32 to index
        %get3A_1325 = arith.index_cast %add3A_1322 : i32 to index
        %get3A_1326 = arith.constant 96 : index
        %get3A_1327 = tpu.vector_load %arg6[%get3A_1324, %get3A_1325, %get3A_1326] {strides = array<i32>} : memref<2x80x128xf32, #tpu.memory_space<vmem>>, vector<1x1x16xf32>,
        %get3A_1328 = vector.shape_cast %get3A_1327 : vector<1x1x16xf32> to vector<16xf32>
        %add3A_1329 = arith.addf %add3A_1320, %get3A_1328 : vector<16xf32>
        %add3A_1330 = arith.constant 14 : i32
        %add3A_1331 = arith.addi %mul3A_80, %add3A_1330 : i32
        %get3A_1332 = arith.constant 0 : i32
        %get3A_1333 = arith.index_cast %get3A_1332 : i32 to index
        %get3A_1334 = arith.index_cast %add3A_1331 : i32 to index
        %get3A_1335 = arith.constant 96 : index
        %get3A_1336 = tpu.vector_load %arg6[%get3A_1333, %get3A_1334, %get3A_1335] {strides = array<i32>} : memref<2x80x128xf32, #tpu.memory_space<vmem>>, vector<1x1x16xf32>,
        %get3A_1337 = vector.shape_cast %get3A_1336 : vector<1x1x16xf32> to vector<16xf32>
        %add3A_1338 = arith.addf %add3A_1329, %get3A_1337 : vector<16xf32>
        %add3A_1339 = arith.constant 15 : i32
        %add3A_1340 = arith.addi %mul3A_80, %add3A_1339 : i32
        %get3A_1341 = arith.constant 0 : i32
        %get3A_1342 = arith.index_cast %get3A_1341 : i32 to index
        %get3A_1343 = arith.index_cast %add3A_1340 : i32 to index
        %get3A_1344 = arith.constant 96 : index
        %get3A_1345 = tpu.vector_load %arg6[%get3A_1342, %get3A_1343, %get3A_1344] {strides = array<i32>} : memref<2x80x128xf32, #tpu.memory_space<vmem>>, vector<1x1x16xf32>,
        %get3A_1346 = vector.shape_cast %get3A_1345 : vector<1x1x16xf32> to vector<16xf32>
        %add3A_1347 = arith.addf %add3A_1338, %get3A_1346 : vector<16xf32>
        %add3A_1348 = arith.constant 16 : i32
        %add3A_1349 = arith.addi %mul3A_80, %add3A_1348 : i32
        %get3A_1350 = arith.constant 0 : i32
        %get3A_1351 = arith.index_cast %get3A_1350 : i32 to index
        %get3A_1352 = arith.index_cast %add3A_1349 : i32 to index
        %get3A_1353 = arith.constant 96 : index
        %get3A_1354 = tpu.vector_load %arg6[%get3A_1351, %get3A_1352, %get3A_1353] {strides = array<i32>} : memref<2x80x128xf32, #tpu.memory_space<vmem>>, vector<1x1x16xf32>,
        %get3A_1355 = vector.shape_cast %get3A_1354 : vector<1x1x16xf32> to vector<16xf32>
        %add3A_1356 = arith.addf %add3A_1347, %get3A_1355 : vector<16xf32>
        %add3A_1357 = arith.constant 17 : i32
        %add3A_1358 = arith.addi %mul3A_80, %add3A_1357 : i32
        %get3A_1359 = arith.constant 0 : i32
        %get3A_1360 = arith.index_cast %get3A_1359 : i32 to index
        %get3A_1361 = arith.index_cast %add3A_1358 : i32 to index
        %get3A_1362 = arith.constant 96 : index
        %get3A_1363 = tpu.vector_load %arg6[%get3A_1360, %get3A_1361, %get3A_1362] {strides = array<i32>} : memref<2x80x128xf32, #tpu.memory_space<vmem>>, vector<1x1x16xf32>,
        %get3A_1364 = vector.shape_cast %get3A_1363 : vector<1x1x16xf32> to vector<16xf32>
        %add3A_1365 = arith.addf %add3A_1356, %get3A_1364 : vector<16xf32>
        %add3A_1366 = arith.constant 18 : i32
        %add3A_1367 = arith.addi %mul3A_80, %add3A_1366 : i32
        %get3A_1368 = arith.constant 0 : i32
        %get3A_1369 = arith.index_cast %get3A_1368 : i32 to index
        %get3A_1370 = arith.index_cast %add3A_1367 : i32 to index
        %get3A_1371 = arith.constant 96 : index
        %get3A_1372 = tpu.vector_load %arg6[%get3A_1369, %get3A_1370, %get3A_1371] {strides = array<i32>} : memref<2x80x128xf32, #tpu.memory_space<vmem>>, vector<1x1x16xf32>,
        %get3A_1373 = vector.shape_cast %get3A_1372 : vector<1x1x16xf32> to vector<16xf32>
        %add3A_1374 = arith.addf %add3A_1365, %get3A_1373 : vector<16xf32>
        %add3A_1375 = arith.constant 19 : i32
        %add3A_1376 = arith.addi %mul3A_80, %add3A_1375 : i32
        %get3A_1377 = arith.constant 0 : i32
        %get3A_1378 = arith.index_cast %get3A_1377 : i32 to index
        %get3A_1379 = arith.index_cast %add3A_1376 : i32 to index
        %get3A_1380 = arith.constant 96 : index
        %get3A_1381 = tpu.vector_load %arg6[%get3A_1378, %get3A_1379, %get3A_1380] {strides = array<i32>} : memref<2x80x128xf32, #tpu.memory_space<vmem>>, vector<1x1x16xf32>,
        %get3A_1382 = vector.shape_cast %get3A_1381 : vector<1x1x16xf32> to vector<16xf32>
        %add3A_1383 = arith.addf %add3A_1374, %get3A_1382 : vector<16xf32>
        %mul3A_1384 = arith.constant 5.000000e-02 : f32
        %mul3A_1385 = vector.broadcast %mul3A_1384 : f32 to vector<16xf32>
        %mul3A_1386 = arith.mulf %add3A_1383, %mul3A_1385 : vector<16xf32>
        %mul3A_1387 = arith.constant 4 : i32
        %mul3A_1388 = arith.muli %mul3A_23, %mul3A_1387 : i32
        %add3A_1389 = arith.addi %mul3A_1388, %scan3A_77 : i32
        %swap3A_1390 = arith.index_cast %add3A_1389 : i32 to index
        %swap3A_1391 = arith.constant 96 : index
        %swap3A_1392 = tpu.vector_load %arg7[%swap3A_1390, %swap3A_1391] {strides = array<i32>} : memref<128x128xf32, #tpu.memory_space<vmem>>, vector<1x16xf32>,
        %swap3A_1393 = vector.shape_cast %swap3A_1392 : vector<1x16xf32> to vector<16xf32>
        %swap3A_1394 = vector.shape_cast %mul3A_1386 : vector<16xf32> to vector<1x16xf32>
        tpu.vector_store %arg7[%swap3A_1390, %swap3A_1391], %swap3A_1394 {strides = array<i32>} : memref<128x128xf32, #tpu.memory_space<vmem>>, vector<1x16xf32>,
        %get3A_1395 = arith.constant 0 : i32
        %get3A_1396 = arith.index_cast %get3A_1395 : i32 to index
        %get3A_1397 = arith.index_cast %mul3A_80 : i32 to index
        %get3A_1398 = arith.constant 112 : index
        %get3A_1399 = tpu.vector_load %arg6[%get3A_1396, %get3A_1397, %get3A_1398] {strides = array<i32>} : memref<2x80x128xf32, #tpu.memory_space<vmem>>, vector<1x1x16xf32>,
        %get3A_1400 = vector.shape_cast %get3A_1399 : vector<1x1x16xf32> to vector<16xf32>
        %add3A_1401 = arith.constant 1 : i32
        %add3A_1402 = arith.addi %mul3A_80, %add3A_1401 : i32
        %get3A_1403 = arith.constant 0 : i32
        %get3A_1404 = arith.index_cast %get3A_1403 : i32 to index
        %get3A_1405 = arith.index_cast %add3A_1402 : i32 to index
        %get3A_1406 = arith.constant 112 : index
        %get3A_1407 = tpu.vector_load %arg6[%get3A_1404, %get3A_1405, %get3A_1406] {strides = array<i32>} : memref<2x80x128xf32, #tpu.memory_space<vmem>>, vector<1x1x16xf32>,
        %get3A_1408 = vector.shape_cast %get3A_1407 : vector<1x1x16xf32> to vector<16xf32>
        %add3A_1409 = arith.addf %get3A_1400, %get3A_1408 : vector<16xf32>
        %add3A_1410 = arith.constant 2 : i32
        %add3A_1411 = arith.addi %mul3A_80, %add3A_1410 : i32
        %get3A_1412 = arith.constant 0 : i32
        %get3A_1413 = arith.index_cast %get3A_1412 : i32 to index
        %get3A_1414 = arith.index_cast %add3A_1411 : i32 to index
        %get3A_1415 = arith.constant 112 : index
        %get3A_1416 = tpu.vector_load %arg6[%get3A_1413, %get3A_1414, %get3A_1415] {strides = array<i32>} : memref<2x80x128xf32, #tpu.memory_space<vmem>>, vector<1x1x16xf32>,
        %get3A_1417 = vector.shape_cast %get3A_1416 : vector<1x1x16xf32> to vector<16xf32>
        %add3A_1418 = arith.addf %add3A_1409, %get3A_1417 : vector<16xf32>
        %add3A_1419 = arith.constant 3 : i32
        %add3A_1420 = arith.addi %mul3A_80, %add3A_1419 : i32
        %get3A_1421 = arith.constant 0 : i32
        %get3A_1422 = arith.index_cast %get3A_1421 : i32 to index
        %get3A_1423 = arith.index_cast %add3A_1420 : i32 to index
        %get3A_1424 = arith.constant 112 : index
        %get3A_1425 = tpu.vector_load %arg6[%get3A_1422, %get3A_1423, %get3A_1424] {strides = array<i32>} : memref<2x80x128xf32, #tpu.memory_space<vmem>>, vector<1x1x16xf32>,
        %get3A_1426 = vector.shape_cast %get3A_1425 : vector<1x1x16xf32> to vector<16xf32>
        %add3A_1427 = arith.addf %add3A_1418, %get3A_1426 : vector<16xf32>
        %add3A_1428 = arith.constant 4 : i32
        %add3A_1429 = arith.addi %mul3A_80, %add3A_1428 : i32
        %get3A_1430 = arith.constant 0 : i32
        %get3A_1431 = arith.index_cast %get3A_1430 : i32 to index
        %get3A_1432 = arith.index_cast %add3A_1429 : i32 to index
        %get3A_1433 = arith.constant 112 : index
        %get3A_1434 = tpu.vector_load %arg6[%get3A_1431, %get3A_1432, %get3A_1433] {strides = array<i32>} : memref<2x80x128xf32, #tpu.memory_space<vmem>>, vector<1x1x16xf32>,
        %get3A_1435 = vector.shape_cast %get3A_1434 : vector<1x1x16xf32> to vector<16xf32>
        %add3A_1436 = arith.addf %add3A_1427, %get3A_1435 : vector<16xf32>
        %add3A_1437 = arith.constant 5 : i32
        %add3A_1438 = arith.addi %mul3A_80, %add3A_1437 : i32
        %get3A_1439 = arith.constant 0 : i32
        %get3A_1440 = arith.index_cast %get3A_1439 : i32 to index
        %get3A_1441 = arith.index_cast %add3A_1438 : i32 to index
        %get3A_1442 = arith.constant 112 : index
        %get3A_1443 = tpu.vector_load %arg6[%get3A_1440, %get3A_1441, %get3A_1442] {strides = array<i32>} : memref<2x80x128xf32, #tpu.memory_space<vmem>>, vector<1x1x16xf32>,
        %get3A_1444 = vector.shape_cast %get3A_1443 : vector<1x1x16xf32> to vector<16xf32>
        %add3A_1445 = arith.addf %add3A_1436, %get3A_1444 : vector<16xf32>
        %add3A_1446 = arith.constant 6 : i32
        %add3A_1447 = arith.addi %mul3A_80, %add3A_1446 : i32
        %get3A_1448 = arith.constant 0 : i32
        %get3A_1449 = arith.index_cast %get3A_1448 : i32 to index
        %get3A_1450 = arith.index_cast %add3A_1447 : i32 to index
        %get3A_1451 = arith.constant 112 : index
        %get3A_1452 = tpu.vector_load %arg6[%get3A_1449, %get3A_1450, %get3A_1451] {strides = array<i32>} : memref<2x80x128xf32, #tpu.memory_space<vmem>>, vector<1x1x16xf32>,
        %get3A_1453 = vector.shape_cast %get3A_1452 : vector<1x1x16xf32> to vector<16xf32>
        %add3A_1454 = arith.addf %add3A_1445, %get3A_1453 : vector<16xf32>
        %add3A_1455 = arith.constant 7 : i32
        %add3A_1456 = arith.addi %mul3A_80, %add3A_1455 : i32
        %get3A_1457 = arith.constant 0 : i32
        %get3A_1458 = arith.index_cast %get3A_1457 : i32 to index
        %get3A_1459 = arith.index_cast %add3A_1456 : i32 to index
        %get3A_1460 = arith.constant 112 : index
        %get3A_1461 = tpu.vector_load %arg6[%get3A_1458, %get3A_1459, %get3A_1460] {strides = array<i32>} : memref<2x80x128xf32, #tpu.memory_space<vmem>>, vector<1x1x16xf32>,
        %get3A_1462 = vector.shape_cast %get3A_1461 : vector<1x1x16xf32> to vector<16xf32>
        %add3A_1463 = arith.addf %add3A_1454, %get3A_1462 : vector<16xf32>
        %add3A_1464 = arith.constant 8 : i32
        %add3A_1465 = arith.addi %mul3A_80, %add3A_1464 : i32
        %get3A_1466 = arith.constant 0 : i32
        %get3A_1467 = arith.index_cast %get3A_1466 : i32 to index
        %get3A_1468 = arith.index_cast %add3A_1465 : i32 to index
        %get3A_1469 = arith.constant 112 : index
        %get3A_1470 = tpu.vector_load %arg6[%get3A_1467, %get3A_1468, %get3A_1469] {strides = array<i32>} : memref<2x80x128xf32, #tpu.memory_space<vmem>>, vector<1x1x16xf32>,
        %get3A_1471 = vector.shape_cast %get3A_1470 : vector<1x1x16xf32> to vector<16xf32>
        %add3A_1472 = arith.addf %add3A_1463, %get3A_1471 : vector<16xf32>
        %add3A_1473 = arith.constant 9 : i32
        %add3A_1474 = arith.addi %mul3A_80, %add3A_1473 : i32
        %get3A_1475 = arith.constant 0 : i32
        %get3A_1476 = arith.index_cast %get3A_1475 : i32 to index
        %get3A_1477 = arith.index_cast %add3A_1474 : i32 to index
        %get3A_1478 = arith.constant 112 : index
        %get3A_1479 = tpu.vector_load %arg6[%get3A_1476, %get3A_1477, %get3A_1478] {strides = array<i32>} : memref<2x80x128xf32, #tpu.memory_space<vmem>>, vector<1x1x16xf32>,
        %get3A_1480 = vector.shape_cast %get3A_1479 : vector<1x1x16xf32> to vector<16xf32>
        %add3A_1481 = arith.addf %add3A_1472, %get3A_1480 : vector<16xf32>
        %add3A_1482 = arith.constant 10 : i32
        %add3A_1483 = arith.addi %mul3A_80, %add3A_1482 : i32
        %get3A_1484 = arith.constant 0 : i32
        %get3A_1485 = arith.index_cast %get3A_1484 : i32 to index
        %get3A_1486 = arith.index_cast %add3A_1483 : i32 to index
        %get3A_1487 = arith.constant 112 : index
        %get3A_1488 = tpu.vector_load %arg6[%get3A_1485, %get3A_1486, %get3A_1487] {strides = array<i32>} : memref<2x80x128xf32, #tpu.memory_space<vmem>>, vector<1x1x16xf32>,
        %get3A_1489 = vector.shape_cast %get3A_1488 : vector<1x1x16xf32> to vector<16xf32>
        %add3A_1490 = arith.addf %add3A_1481, %get3A_1489 : vector<16xf32>
        %add3A_1491 = arith.constant 11 : i32
        %add3A_1492 = arith.addi %mul3A_80, %add3A_1491 : i32
        %get3A_1493 = arith.constant 0 : i32
        %get3A_1494 = arith.index_cast %get3A_1493 : i32 to index
        %get3A_1495 = arith.index_cast %add3A_1492 : i32 to index
        %get3A_1496 = arith.constant 112 : index
        %get3A_1497 = tpu.vector_load %arg6[%get3A_1494, %get3A_1495, %get3A_1496] {strides = array<i32>} : memref<2x80x128xf32, #tpu.memory_space<vmem>>, vector<1x1x16xf32>,
        %get3A_1498 = vector.shape_cast %get3A_1497 : vector<1x1x16xf32> to vector<16xf32>
        %add3A_1499 = arith.addf %add3A_1490, %get3A_1498 : vector<16xf32>
        %add3A_1500 = arith.constant 12 : i32
        %add3A_1501 = arith.addi %mul3A_80, %add3A_1500 : i32
        %get3A_1502 = arith.constant 0 : i32
        %get3A_1503 = arith.index_cast %get3A_1502 : i32 to index
        %get3A_1504 = arith.index_cast %add3A_1501 : i32 to index
        %get3A_1505 = arith.constant 112 : index
        %get3A_1506 = tpu.vector_load %arg6[%get3A_1503, %get3A_1504, %get3A_1505] {strides = array<i32>} : memref<2x80x128xf32, #tpu.memory_space<vmem>>, vector<1x1x16xf32>,
        %get3A_1507 = vector.shape_cast %get3A_1506 : vector<1x1x16xf32> to vector<16xf32>
        %add3A_1508 = arith.addf %add3A_1499, %get3A_1507 : vector<16xf32>
        %add3A_1509 = arith.constant 13 : i32
        %add3A_1510 = arith.addi %mul3A_80, %add3A_1509 : i32
        %get3A_1511 = arith.constant 0 : i32
        %get3A_1512 = arith.index_cast %get3A_1511 : i32 to index
        %get3A_1513 = arith.index_cast %add3A_1510 : i32 to index
        %get3A_1514 = arith.constant 112 : index
        %get3A_1515 = tpu.vector_load %arg6[%get3A_1512, %get3A_1513, %get3A_1514] {strides = array<i32>} : memref<2x80x128xf32, #tpu.memory_space<vmem>>, vector<1x1x16xf32>,
        %get3A_1516 = vector.shape_cast %get3A_1515 : vector<1x1x16xf32> to vector<16xf32>
        %add3A_1517 = arith.addf %add3A_1508, %get3A_1516 : vector<16xf32>
        %add3A_1518 = arith.constant 14 : i32
        %add3A_1519 = arith.addi %mul3A_80, %add3A_1518 : i32
        %get3A_1520 = arith.constant 0 : i32
        %get3A_1521 = arith.index_cast %get3A_1520 : i32 to index
        %get3A_1522 = arith.index_cast %add3A_1519 : i32 to index
        %get3A_1523 = arith.constant 112 : index
        %get3A_1524 = tpu.vector_load %arg6[%get3A_1521, %get3A_1522, %get3A_1523] {strides = array<i32>} : memref<2x80x128xf32, #tpu.memory_space<vmem>>, vector<1x1x16xf32>,
        %get3A_1525 = vector.shape_cast %get3A_1524 : vector<1x1x16xf32> to vector<16xf32>
        %add3A_1526 = arith.addf %add3A_1517, %get3A_1525 : vector<16xf32>
        %add3A_1527 = arith.constant 15 : i32
        %add3A_1528 = arith.addi %mul3A_80, %add3A_1527 : i32
        %get3A_1529 = arith.constant 0 : i32
        %get3A_1530 = arith.index_cast %get3A_1529 : i32 to index
        %get3A_1531 = arith.index_cast %add3A_1528 : i32 to index
        %get3A_1532 = arith.constant 112 : index
        %get3A_1533 = tpu.vector_load %arg6[%get3A_1530, %get3A_1531, %get3A_1532] {strides = array<i32>} : memref<2x80x128xf32, #tpu.memory_space<vmem>>, vector<1x1x16xf32>,
        %get3A_1534 = vector.shape_cast %get3A_1533 : vector<1x1x16xf32> to vector<16xf32>
        %add3A_1535 = arith.addf %add3A_1526, %get3A_1534 : vector<16xf32>
        %add3A_1536 = arith.constant 16 : i32
        %add3A_1537 = arith.addi %mul3A_80, %add3A_1536 : i32
        %get3A_1538 = arith.constant 0 : i32
        %get3A_1539 = arith.index_cast %get3A_1538 : i32 to index
        %get3A_1540 = arith.index_cast %add3A_1537 : i32 to index
        %get3A_1541 = arith.constant 112 : index
        %get3A_1542 = tpu.vector_load %arg6[%get3A_1539, %get3A_1540, %get3A_1541] {strides = array<i32>} : memref<2x80x128xf32, #tpu.memory_space<vmem>>, vector<1x1x16xf32>,
        %get3A_1543 = vector.shape_cast %get3A_1542 : vector<1x1x16xf32> to vector<16xf32>
        %add3A_1544 = arith.addf %add3A_1535, %get3A_1543 : vector<16xf32>
        %add3A_1545 = arith.constant 17 : i32
        %add3A_1546 = arith.addi %mul3A_80, %add3A_1545 : i32
        %get3A_1547 = arith.constant 0 : i32
        %get3A_1548 = arith.index_cast %get3A_1547 : i32 to index
        %get3A_1549 = arith.index_cast %add3A_1546 : i32 to index
        %get3A_1550 = arith.constant 112 : index
        %get3A_1551 = tpu.vector_load %arg6[%get3A_1548, %get3A_1549, %get3A_1550] {strides = array<i32>} : memref<2x80x128xf32, #tpu.memory_space<vmem>>, vector<1x1x16xf32>,
        %get3A_1552 = vector.shape_cast %get3A_1551 : vector<1x1x16xf32> to vector<16xf32>
        %add3A_1553 = arith.addf %add3A_1544, %get3A_1552 : vector<16xf32>
        %add3A_1554 = arith.constant 18 : i32
        %add3A_1555 = arith.addi %mul3A_80, %add3A_1554 : i32
        %get3A_1556 = arith.constant 0 : i32
        %get3A_1557 = arith.index_cast %get3A_1556 : i32 to index
        %get3A_1558 = arith.index_cast %add3A_1555 : i32 to index
        %get3A_1559 = arith.constant 112 : index
        %get3A_1560 = tpu.vector_load %arg6[%get3A_1557, %get3A_1558, %get3A_1559] {strides = array<i32>} : memref<2x80x128xf32, #tpu.memory_space<vmem>>, vector<1x1x16xf32>,
        %get3A_1561 = vector.shape_cast %get3A_1560 : vector<1x1x16xf32> to vector<16xf32>
        %add3A_1562 = arith.addf %add3A_1553, %get3A_1561 : vector<16xf32>
        %add3A_1563 = arith.constant 19 : i32
        %add3A_1564 = arith.addi %mul3A_80, %add3A_1563 : i32
        %get3A_1565 = arith.constant 0 : i32
        %get3A_1566 = arith.index_cast %get3A_1565 : i32 to index
        %get3A_1567 = arith.index_cast %add3A_1564 : i32 to index
        %get3A_1568 = arith.constant 112 : index
        %get3A_1569 = tpu.vector_load %arg6[%get3A_1566, %get3A_1567, %get3A_1568] {strides = array<i32>} : memref<2x80x128xf32, #tpu.memory_space<vmem>>, vector<1x1x16xf32>,
        %get3A_1570 = vector.shape_cast %get3A_1569 : vector<1x1x16xf32> to vector<16xf32>
        %add3A_1571 = arith.addf %add3A_1562, %get3A_1570 : vector<16xf32>
        %mul3A_1572 = arith.constant 5.000000e-02 : f32
        %mul3A_1573 = vector.broadcast %mul3A_1572 : f32 to vector<16xf32>
        %mul3A_1574 = arith.mulf %add3A_1571, %mul3A_1573 : vector<16xf32>
        %mul3A_1575 = arith.constant 4 : i32
        %mul3A_1576 = arith.muli %mul3A_23, %mul3A_1575 : i32
        %add3A_1577 = arith.addi %mul3A_1576, %scan3A_77 : i32
        %swap3A_1578 = arith.index_cast %add3A_1577 : i32 to index
        %swap3A_1579 = arith.constant 112 : index
        %swap3A_1580 = tpu.vector_load %arg7[%swap3A_1578, %swap3A_1579] {strides = array<i32>} : memref<128x128xf32, #tpu.memory_space<vmem>>, vector<1x16xf32>,
        %swap3A_1581 = vector.shape_cast %swap3A_1580 : vector<1x16xf32> to vector<16xf32>
        %swap3A_1582 = vector.shape_cast %mul3A_1574 : vector<16xf32> to vector<1x16xf32>
        tpu.vector_store %arg7[%swap3A_1578, %swap3A_1579], %swap3A_1582 {strides = array<i32>} : memref<128x128xf32, #tpu.memory_space<vmem>>, vector<1x16xf32>,
        %scan3A_1583 = arith.constant 0 : i32
        scf.yield %scan3A_1583 : i32
      }
      %scan3A_53 = arith.constant 4 : i32
      %add3A_54 = arith.constant 2 : i32
      %add3A_55 = arith.addi %mul3A_23, %add3A_54 : i32
      %lt3A = arith.constant 32 : i32
      %lt3A_56 = arith.cmpi slt, %add3A_55, %lt3A : i32
      %convert_element_type3A = arith.extui %lt3A_56 : i1 to i32
      %cond3A = arith.constant 0 : i32
      %cond3A_57 = arith.cmpi ne, %convert_element_type3A, %cond3A : i32
      scf.if %cond3A_57 {
        %add3A_77 = arith.constant 2 : i32
        %add3A_78 = arith.addi %mul3A_23, %add3A_77 : i32
        %mul3A_79 = arith.constant 80 : i32
        %mul3A_80 = arith.muli %add3A_78, %mul3A_79 : i32
        %dma_start3A_81 = arith.constant 0 : i32
        %dma_start3A_82 = arith.constant 0 : i32
        %dma_start3A_83 = arith.constant 0 : i32
        %dma_start3A_84 = tpu.memref_slice %arg6[%dma_start3A_81, %dma_start3A_82, %dma_start3A_83] : memref<2x80x128xf32, #tpu.memory_space<vmem>> -> memref<1x80x128xf32, #tpu.memory_space<vmem>>
        %dma_start3A_85 = tpu.memref_squeeze %dma_start3A_84 : memref<1x80x128xf32, #tpu.memory_space<vmem>> -> memref<80x128xf32, #tpu.memory_space<vmem>>
        %dma_start3A_86 = tpu.memref_slice %arg5[%mul3A_80] : memref<2560xi32, #tpu.memory_space<vmem>> -> memref<80xi32, #tpu.memory_space<vmem>>
        %dma_start3A_87 = arith.constant 0 : i32
        %dma_start3A_88 = arith.constant 0 : i32
        %dma_start3A_89 = tpu.memref_slice %arg3[%dma_start3A_87, %dma_start3A_88] : memref<100000x128xf32, #tpu.memory_space<hbm>> -> memref<100000x128xf32, #tpu.memory_space<hbm>>
        tpu.enqueue_indirect_dma source(%dma_start3A_89 : memref<100000x128xf32, #tpu.memory_space<hbm>>) target(%dma_start3A_85 : memref<80x128xf32, #tpu.memory_space<vmem>>) offsets(%dma_start3A_86 : memref<80xi32, #tpu.memory_space<vmem>>) semaphore(%arg8 : memref<!tpu.dma_semaphore, #tpu.memory_space<semaphore_mem>>)
      } else {
      }
      %mul3A_58 = arith.constant 80 : i32
      %mul3A_59 = arith.muli %add3A_25, %mul3A_58 : i32
      %dma_wait3A_60 = arith.constant 1 : i32
      %dma_wait3A_61 = arith.constant 0 : i32
      %dma_wait3A_62 = arith.constant 0 : i32
      %dma_wait3A_63 = tpu.memref_slice %arg6[%dma_wait3A_60, %dma_wait3A_61, %dma_wait3A_62] : memref<2x80x128xf32, #tpu.memory_space<vmem>> -> memref<1x80x128xf32, #tpu.memory_space<vmem>>
      %dma_wait3A_64 = tpu.memref_squeeze %dma_wait3A_63 : memref<1x80x128xf32, #tpu.memory_space<vmem>> -> memref<80x128xf32, #tpu.memory_space<vmem>>
      %dma_wait3A_65 = tpu.memref_slice %arg5[%mul3A_59] : memref<2560xi32, #tpu.memory_space<vmem>> -> memref<80xi32, #tpu.memory_space<vmem>>
      %dma_wait3A_66 = arith.constant 0 : i32
      %dma_wait3A_67 = arith.constant 0 : i32
      %dma_wait3A_68 = tpu.memref_slice %arg3[%dma_wait3A_66, %dma_wait3A_67] : memref<100000x128xf32, #tpu.memory_space<hbm>> -> memref<100000x128xf32, #tpu.memory_space<hbm>>
      tpu.wait_indirect_dma semaphore(%arg9 : memref<!tpu.dma_semaphore, #tpu.memory_space<semaphore_mem>>) src(%dma_wait3A_68 : memref<100000x128xf32, #tpu.memory_space<hbm>>) dst(%dma_wait3A_64 : memref<80x128xf32, #tpu.memory_space<vmem>>)
      %scan3A_69 = arith.constant 0 : i32
      %scan3A_70 = arith.constant 0 : i32
      %scan3A_71 = arith.constant 4 : i32
      %scan3A_72 = arith.addi %scan3A_70, %scan3A_71 : i32
      %scan3A_73 = arith.constant 1 : i32
      %scan3A_74 = scf.for %scan3A_77 = %scan3A_70 to %scan3A_72 step %scan3A_73 iter_args(%scan3A_78 = %scan3A_69) -> (i32)  : i32 {
        %mul3A_79 = arith.constant 20 : i32
        %mul3A_80 = arith.muli %scan3A_77, %mul3A_79 : i32
        %get3A = arith.constant 1 : i32
        %get3A_81 = arith.index_cast %get3A : i32 to index
        %get3A_82 = arith.index_cast %mul3A_80 : i32 to index
        %get3A_83 = arith.constant 0 : index
        %get3A_84 = tpu.vector_load %arg6[%get3A_81, %get3A_82, %get3A_83] {strides = array<i32>} : memref<2x80x128xf32, #tpu.memory_space<vmem>>, vector<1x1x16xf32>,
        %get3A_85 = vector.shape_cast %get3A_84 : vector<1x1x16xf32> to vector<16xf32>
        %add3A_86 = arith.constant 1 : i32
        %add3A_87 = arith.addi %mul3A_80, %add3A_86 : i32
        %get3A_88 = arith.constant 1 : i32
        %get3A_89 = arith.index_cast %get3A_88 : i32 to index
        %get3A_90 = arith.index_cast %add3A_87 : i32 to index
        %get3A_91 = arith.constant 0 : index
        %get3A_92 = tpu.vector_load %arg6[%get3A_89, %get3A_90, %get3A_91] {strides = array<i32>} : memref<2x80x128xf32, #tpu.memory_space<vmem>>, vector<1x1x16xf32>,
        %get3A_93 = vector.shape_cast %get3A_92 : vector<1x1x16xf32> to vector<16xf32>
        %add3A_94 = arith.addf %get3A_85, %get3A_93 : vector<16xf32>
        %add3A_95 = arith.constant 2 : i32
        %add3A_96 = arith.addi %mul3A_80, %add3A_95 : i32
        %get3A_97 = arith.constant 1 : i32
        %get3A_98 = arith.index_cast %get3A_97 : i32 to index
        %get3A_99 = arith.index_cast %add3A_96 : i32 to index
        %get3A_100 = arith.constant 0 : index
        %get3A_101 = tpu.vector_load %arg6[%get3A_98, %get3A_99, %get3A_100] {strides = array<i32>} : memref<2x80x128xf32, #tpu.memory_space<vmem>>, vector<1x1x16xf32>,
        %get3A_102 = vector.shape_cast %get3A_101 : vector<1x1x16xf32> to vector<16xf32>
        %add3A_103 = arith.addf %add3A_94, %get3A_102 : vector<16xf32>
        %add3A_104 = arith.constant 3 : i32
        %add3A_105 = arith.addi %mul3A_80, %add3A_104 : i32
        %get3A_106 = arith.constant 1 : i32
        %get3A_107 = arith.index_cast %get3A_106 : i32 to index
        %get3A_108 = arith.index_cast %add3A_105 : i32 to index
        %get3A_109 = arith.constant 0 : index
        %get3A_110 = tpu.vector_load %arg6[%get3A_107, %get3A_108, %get3A_109] {strides = array<i32>} : memref<2x80x128xf32, #tpu.memory_space<vmem>>, vector<1x1x16xf32>,
        %get3A_111 = vector.shape_cast %get3A_110 : vector<1x1x16xf32> to vector<16xf32>
        %add3A_112 = arith.addf %add3A_103, %get3A_111 : vector<16xf32>
        %add3A_113 = arith.constant 4 : i32
        %add3A_114 = arith.addi %mul3A_80, %add3A_113 : i32
        %get3A_115 = arith.constant 1 : i32
        %get3A_116 = arith.index_cast %get3A_115 : i32 to index
        %get3A_117 = arith.index_cast %add3A_114 : i32 to index
        %get3A_118 = arith.constant 0 : index
        %get3A_119 = tpu.vector_load %arg6[%get3A_116, %get3A_117, %get3A_118] {strides = array<i32>} : memref<2x80x128xf32, #tpu.memory_space<vmem>>, vector<1x1x16xf32>,
        %get3A_120 = vector.shape_cast %get3A_119 : vector<1x1x16xf32> to vector<16xf32>
        %add3A_121 = arith.addf %add3A_112, %get3A_120 : vector<16xf32>
        %add3A_122 = arith.constant 5 : i32
        %add3A_123 = arith.addi %mul3A_80, %add3A_122 : i32
        %get3A_124 = arith.constant 1 : i32
        %get3A_125 = arith.index_cast %get3A_124 : i32 to index
        %get3A_126 = arith.index_cast %add3A_123 : i32 to index
        %get3A_127 = arith.constant 0 : index
        %get3A_128 = tpu.vector_load %arg6[%get3A_125, %get3A_126, %get3A_127] {strides = array<i32>} : memref<2x80x128xf32, #tpu.memory_space<vmem>>, vector<1x1x16xf32>,
        %get3A_129 = vector.shape_cast %get3A_128 : vector<1x1x16xf32> to vector<16xf32>
        %add3A_130 = arith.addf %add3A_121, %get3A_129 : vector<16xf32>
        %add3A_131 = arith.constant 6 : i32
        %add3A_132 = arith.addi %mul3A_80, %add3A_131 : i32
        %get3A_133 = arith.constant 1 : i32
        %get3A_134 = arith.index_cast %get3A_133 : i32 to index
        %get3A_135 = arith.index_cast %add3A_132 : i32 to index
        %get3A_136 = arith.constant 0 : index
        %get3A_137 = tpu.vector_load %arg6[%get3A_134, %get3A_135, %get3A_136] {strides = array<i32>} : memref<2x80x128xf32, #tpu.memory_space<vmem>>, vector<1x1x16xf32>,
        %get3A_138 = vector.shape_cast %get3A_137 : vector<1x1x16xf32> to vector<16xf32>
        %add3A_139 = arith.addf %add3A_130, %get3A_138 : vector<16xf32>
        %add3A_140 = arith.constant 7 : i32
        %add3A_141 = arith.addi %mul3A_80, %add3A_140 : i32
        %get3A_142 = arith.constant 1 : i32
        %get3A_143 = arith.index_cast %get3A_142 : i32 to index
        %get3A_144 = arith.index_cast %add3A_141 : i32 to index
        %get3A_145 = arith.constant 0 : index
        %get3A_146 = tpu.vector_load %arg6[%get3A_143, %get3A_144, %get3A_145] {strides = array<i32>} : memref<2x80x128xf32, #tpu.memory_space<vmem>>, vector<1x1x16xf32>,
        %get3A_147 = vector.shape_cast %get3A_146 : vector<1x1x16xf32> to vector<16xf32>
        %add3A_148 = arith.addf %add3A_139, %get3A_147 : vector<16xf32>
        %add3A_149 = arith.constant 8 : i32
        %add3A_150 = arith.addi %mul3A_80, %add3A_149 : i32
        %get3A_151 = arith.constant 1 : i32
        %get3A_152 = arith.index_cast %get3A_151 : i32 to index
        %get3A_153 = arith.index_cast %add3A_150 : i32 to index
        %get3A_154 = arith.constant 0 : index
        %get3A_155 = tpu.vector_load %arg6[%get3A_152, %get3A_153, %get3A_154] {strides = array<i32>} : memref<2x80x128xf32, #tpu.memory_space<vmem>>, vector<1x1x16xf32>,
        %get3A_156 = vector.shape_cast %get3A_155 : vector<1x1x16xf32> to vector<16xf32>
        %add3A_157 = arith.addf %add3A_148, %get3A_156 : vector<16xf32>
        %add3A_158 = arith.constant 9 : i32
        %add3A_159 = arith.addi %mul3A_80, %add3A_158 : i32
        %get3A_160 = arith.constant 1 : i32
        %get3A_161 = arith.index_cast %get3A_160 : i32 to index
        %get3A_162 = arith.index_cast %add3A_159 : i32 to index
        %get3A_163 = arith.constant 0 : index
        %get3A_164 = tpu.vector_load %arg6[%get3A_161, %get3A_162, %get3A_163] {strides = array<i32>} : memref<2x80x128xf32, #tpu.memory_space<vmem>>, vector<1x1x16xf32>,
        %get3A_165 = vector.shape_cast %get3A_164 : vector<1x1x16xf32> to vector<16xf32>
        %add3A_166 = arith.addf %add3A_157, %get3A_165 : vector<16xf32>
        %add3A_167 = arith.constant 10 : i32
        %add3A_168 = arith.addi %mul3A_80, %add3A_167 : i32
        %get3A_169 = arith.constant 1 : i32
        %get3A_170 = arith.index_cast %get3A_169 : i32 to index
        %get3A_171 = arith.index_cast %add3A_168 : i32 to index
        %get3A_172 = arith.constant 0 : index
        %get3A_173 = tpu.vector_load %arg6[%get3A_170, %get3A_171, %get3A_172] {strides = array<i32>} : memref<2x80x128xf32, #tpu.memory_space<vmem>>, vector<1x1x16xf32>,
        %get3A_174 = vector.shape_cast %get3A_173 : vector<1x1x16xf32> to vector<16xf32>
        %add3A_175 = arith.addf %add3A_166, %get3A_174 : vector<16xf32>
        %add3A_176 = arith.constant 11 : i32
        %add3A_177 = arith.addi %mul3A_80, %add3A_176 : i32
        %get3A_178 = arith.constant 1 : i32
        %get3A_179 = arith.index_cast %get3A_178 : i32 to index
        %get3A_180 = arith.index_cast %add3A_177 : i32 to index
        %get3A_181 = arith.constant 0 : index
        %get3A_182 = tpu.vector_load %arg6[%get3A_179, %get3A_180, %get3A_181] {strides = array<i32>} : memref<2x80x128xf32, #tpu.memory_space<vmem>>, vector<1x1x16xf32>,
        %get3A_183 = vector.shape_cast %get3A_182 : vector<1x1x16xf32> to vector<16xf32>
        %add3A_184 = arith.addf %add3A_175, %get3A_183 : vector<16xf32>
        %add3A_185 = arith.constant 12 : i32
        %add3A_186 = arith.addi %mul3A_80, %add3A_185 : i32
        %get3A_187 = arith.constant 1 : i32
        %get3A_188 = arith.index_cast %get3A_187 : i32 to index
        %get3A_189 = arith.index_cast %add3A_186 : i32 to index
        %get3A_190 = arith.constant 0 : index
        %get3A_191 = tpu.vector_load %arg6[%get3A_188, %get3A_189, %get3A_190] {strides = array<i32>} : memref<2x80x128xf32, #tpu.memory_space<vmem>>, vector<1x1x16xf32>,
        %get3A_192 = vector.shape_cast %get3A_191 : vector<1x1x16xf32> to vector<16xf32>
        %add3A_193 = arith.addf %add3A_184, %get3A_192 : vector<16xf32>
        %add3A_194 = arith.constant 13 : i32
        %add3A_195 = arith.addi %mul3A_80, %add3A_194 : i32
        %get3A_196 = arith.constant 1 : i32
        %get3A_197 = arith.index_cast %get3A_196 : i32 to index
        %get3A_198 = arith.index_cast %add3A_195 : i32 to index
        %get3A_199 = arith.constant 0 : index
        %get3A_200 = tpu.vector_load %arg6[%get3A_197, %get3A_198, %get3A_199] {strides = array<i32>} : memref<2x80x128xf32, #tpu.memory_space<vmem>>, vector<1x1x16xf32>,
        %get3A_201 = vector.shape_cast %get3A_200 : vector<1x1x16xf32> to vector<16xf32>
        %add3A_202 = arith.addf %add3A_193, %get3A_201 : vector<16xf32>
        %add3A_203 = arith.constant 14 : i32
        %add3A_204 = arith.addi %mul3A_80, %add3A_203 : i32
        %get3A_205 = arith.constant 1 : i32
        %get3A_206 = arith.index_cast %get3A_205 : i32 to index
        %get3A_207 = arith.index_cast %add3A_204 : i32 to index
        %get3A_208 = arith.constant 0 : index
        %get3A_209 = tpu.vector_load %arg6[%get3A_206, %get3A_207, %get3A_208] {strides = array<i32>} : memref<2x80x128xf32, #tpu.memory_space<vmem>>, vector<1x1x16xf32>,
        %get3A_210 = vector.shape_cast %get3A_209 : vector<1x1x16xf32> to vector<16xf32>
        %add3A_211 = arith.addf %add3A_202, %get3A_210 : vector<16xf32>
        %add3A_212 = arith.constant 15 : i32
        %add3A_213 = arith.addi %mul3A_80, %add3A_212 : i32
        %get3A_214 = arith.constant 1 : i32
        %get3A_215 = arith.index_cast %get3A_214 : i32 to index
        %get3A_216 = arith.index_cast %add3A_213 : i32 to index
        %get3A_217 = arith.constant 0 : index
        %get3A_218 = tpu.vector_load %arg6[%get3A_215, %get3A_216, %get3A_217] {strides = array<i32>} : memref<2x80x128xf32, #tpu.memory_space<vmem>>, vector<1x1x16xf32>,
        %get3A_219 = vector.shape_cast %get3A_218 : vector<1x1x16xf32> to vector<16xf32>
        %add3A_220 = arith.addf %add3A_211, %get3A_219 : vector<16xf32>
        %add3A_221 = arith.constant 16 : i32
        %add3A_222 = arith.addi %mul3A_80, %add3A_221 : i32
        %get3A_223 = arith.constant 1 : i32
        %get3A_224 = arith.index_cast %get3A_223 : i32 to index
        %get3A_225 = arith.index_cast %add3A_222 : i32 to index
        %get3A_226 = arith.constant 0 : index
        %get3A_227 = tpu.vector_load %arg6[%get3A_224, %get3A_225, %get3A_226] {strides = array<i32>} : memref<2x80x128xf32, #tpu.memory_space<vmem>>, vector<1x1x16xf32>,
        %get3A_228 = vector.shape_cast %get3A_227 : vector<1x1x16xf32> to vector<16xf32>
        %add3A_229 = arith.addf %add3A_220, %get3A_228 : vector<16xf32>
        %add3A_230 = arith.constant 17 : i32
        %add3A_231 = arith.addi %mul3A_80, %add3A_230 : i32
        %get3A_232 = arith.constant 1 : i32
        %get3A_233 = arith.index_cast %get3A_232 : i32 to index
        %get3A_234 = arith.index_cast %add3A_231 : i32 to index
        %get3A_235 = arith.constant 0 : index
        %get3A_236 = tpu.vector_load %arg6[%get3A_233, %get3A_234, %get3A_235] {strides = array<i32>} : memref<2x80x128xf32, #tpu.memory_space<vmem>>, vector<1x1x16xf32>,
        %get3A_237 = vector.shape_cast %get3A_236 : vector<1x1x16xf32> to vector<16xf32>
        %add3A_238 = arith.addf %add3A_229, %get3A_237 : vector<16xf32>
        %add3A_239 = arith.constant 18 : i32
        %add3A_240 = arith.addi %mul3A_80, %add3A_239 : i32
        %get3A_241 = arith.constant 1 : i32
        %get3A_242 = arith.index_cast %get3A_241 : i32 to index
        %get3A_243 = arith.index_cast %add3A_240 : i32 to index
        %get3A_244 = arith.constant 0 : index
        %get3A_245 = tpu.vector_load %arg6[%get3A_242, %get3A_243, %get3A_244] {strides = array<i32>} : memref<2x80x128xf32, #tpu.memory_space<vmem>>, vector<1x1x16xf32>,
        %get3A_246 = vector.shape_cast %get3A_245 : vector<1x1x16xf32> to vector<16xf32>
        %add3A_247 = arith.addf %add3A_238, %get3A_246 : vector<16xf32>
        %add3A_248 = arith.constant 19 : i32
        %add3A_249 = arith.addi %mul3A_80, %add3A_248 : i32
        %get3A_250 = arith.constant 1 : i32
        %get3A_251 = arith.index_cast %get3A_250 : i32 to index
        %get3A_252 = arith.index_cast %add3A_249 : i32 to index
        %get3A_253 = arith.constant 0 : index
        %get3A_254 = tpu.vector_load %arg6[%get3A_251, %get3A_252, %get3A_253] {strides = array<i32>} : memref<2x80x128xf32, #tpu.memory_space<vmem>>, vector<1x1x16xf32>,
        %get3A_255 = vector.shape_cast %get3A_254 : vector<1x1x16xf32> to vector<16xf32>
        %add3A_256 = arith.addf %add3A_247, %get3A_255 : vector<16xf32>
        %mul3A_257 = arith.constant 5.000000e-02 : f32
        %mul3A_258 = vector.broadcast %mul3A_257 : f32 to vector<16xf32>
        %mul3A_259 = arith.mulf %add3A_256, %mul3A_258 : vector<16xf32>
        %mul3A_260 = arith.constant 4 : i32
        %mul3A_261 = arith.muli %add3A_25, %mul3A_260 : i32
        %add3A_262 = arith.addi %mul3A_261, %scan3A_77 : i32
        %swap3A = arith.index_cast %add3A_262 : i32 to index
        %swap3A_263 = arith.constant 0 : index
        %swap3A_264 = tpu.vector_load %arg7[%swap3A, %swap3A_263] {strides = array<i32>} : memref<128x128xf32, #tpu.memory_space<vmem>>, vector<1x16xf32>,
        %swap3A_265 = vector.shape_cast %swap3A_264 : vector<1x16xf32> to vector<16xf32>
        %swap3A_266 = vector.shape_cast %mul3A_259 : vector<16xf32> to vector<1x16xf32>
        tpu.vector_store %arg7[%swap3A, %swap3A_263], %swap3A_266 {strides = array<i32>} : memref<128x128xf32, #tpu.memory_space<vmem>>, vector<1x16xf32>,
        %get3A_267 = arith.constant 1 : i32
        %get3A_268 = arith.index_cast %get3A_267 : i32 to index
        %get3A_269 = arith.index_cast %mul3A_80 : i32 to index
        %get3A_270 = arith.constant 16 : index
        %get3A_271 = tpu.vector_load %arg6[%get3A_268, %get3A_269, %get3A_270] {strides = array<i32>} : memref<2x80x128xf32, #tpu.memory_space<vmem>>, vector<1x1x16xf32>,
        %get3A_272 = vector.shape_cast %get3A_271 : vector<1x1x16xf32> to vector<16xf32>
        %add3A_273 = arith.constant 1 : i32
        %add3A_274 = arith.addi %mul3A_80, %add3A_273 : i32
        %get3A_275 = arith.constant 1 : i32
        %get3A_276 = arith.index_cast %get3A_275 : i32 to index
        %get3A_277 = arith.index_cast %add3A_274 : i32 to index
        %get3A_278 = arith.constant 16 : index
        %get3A_279 = tpu.vector_load %arg6[%get3A_276, %get3A_277, %get3A_278] {strides = array<i32>} : memref<2x80x128xf32, #tpu.memory_space<vmem>>, vector<1x1x16xf32>,
        %get3A_280 = vector.shape_cast %get3A_279 : vector<1x1x16xf32> to vector<16xf32>
        %add3A_281 = arith.addf %get3A_272, %get3A_280 : vector<16xf32>
        %add3A_282 = arith.constant 2 : i32
        %add3A_283 = arith.addi %mul3A_80, %add3A_282 : i32
        %get3A_284 = arith.constant 1 : i32
        %get3A_285 = arith.index_cast %get3A_284 : i32 to index
        %get3A_286 = arith.index_cast %add3A_283 : i32 to index
        %get3A_287 = arith.constant 16 : index
        %get3A_288 = tpu.vector_load %arg6[%get3A_285, %get3A_286, %get3A_287] {strides = array<i32>} : memref<2x80x128xf32, #tpu.memory_space<vmem>>, vector<1x1x16xf32>,
        %get3A_289 = vector.shape_cast %get3A_288 : vector<1x1x16xf32> to vector<16xf32>
        %add3A_290 = arith.addf %add3A_281, %get3A_289 : vector<16xf32>
        %add3A_291 = arith.constant 3 : i32
        %add3A_292 = arith.addi %mul3A_80, %add3A_291 : i32
        %get3A_293 = arith.constant 1 : i32
        %get3A_294 = arith.index_cast %get3A_293 : i32 to index
        %get3A_295 = arith.index_cast %add3A_292 : i32 to index
        %get3A_296 = arith.constant 16 : index
        %get3A_297 = tpu.vector_load %arg6[%get3A_294, %get3A_295, %get3A_296] {strides = array<i32>} : memref<2x80x128xf32, #tpu.memory_space<vmem>>, vector<1x1x16xf32>,
        %get3A_298 = vector.shape_cast %get3A_297 : vector<1x1x16xf32> to vector<16xf32>
        %add3A_299 = arith.addf %add3A_290, %get3A_298 : vector<16xf32>
        %add3A_300 = arith.constant 4 : i32
        %add3A_301 = arith.addi %mul3A_80, %add3A_300 : i32
        %get3A_302 = arith.constant 1 : i32
        %get3A_303 = arith.index_cast %get3A_302 : i32 to index
        %get3A_304 = arith.index_cast %add3A_301 : i32 to index
        %get3A_305 = arith.constant 16 : index
        %get3A_306 = tpu.vector_load %arg6[%get3A_303, %get3A_304, %get3A_305] {strides = array<i32>} : memref<2x80x128xf32, #tpu.memory_space<vmem>>, vector<1x1x16xf32>,
        %get3A_307 = vector.shape_cast %get3A_306 : vector<1x1x16xf32> to vector<16xf32>
        %add3A_308 = arith.addf %add3A_299, %get3A_307 : vector<16xf32>
        %add3A_309 = arith.constant 5 : i32
        %add3A_310 = arith.addi %mul3A_80, %add3A_309 : i32
        %get3A_311 = arith.constant 1 : i32
        %get3A_312 = arith.index_cast %get3A_311 : i32 to index
        %get3A_313 = arith.index_cast %add3A_310 : i32 to index
        %get3A_314 = arith.constant 16 : index
        %get3A_315 = tpu.vector_load %arg6[%get3A_312, %get3A_313, %get3A_314] {strides = array<i32>} : memref<2x80x128xf32, #tpu.memory_space<vmem>>, vector<1x1x16xf32>,
        %get3A_316 = vector.shape_cast %get3A_315 : vector<1x1x16xf32> to vector<16xf32>
        %add3A_317 = arith.addf %add3A_308, %get3A_316 : vector<16xf32>
        %add3A_318 = arith.constant 6 : i32
        %add3A_319 = arith.addi %mul3A_80, %add3A_318 : i32
        %get3A_320 = arith.constant 1 : i32
        %get3A_321 = arith.index_cast %get3A_320 : i32 to index
        %get3A_322 = arith.index_cast %add3A_319 : i32 to index
        %get3A_323 = arith.constant 16 : index
        %get3A_324 = tpu.vector_load %arg6[%get3A_321, %get3A_322, %get3A_323] {strides = array<i32>} : memref<2x80x128xf32, #tpu.memory_space<vmem>>, vector<1x1x16xf32>,
        %get3A_325 = vector.shape_cast %get3A_324 : vector<1x1x16xf32> to vector<16xf32>
        %add3A_326 = arith.addf %add3A_317, %get3A_325 : vector<16xf32>
        %add3A_327 = arith.constant 7 : i32
        %add3A_328 = arith.addi %mul3A_80, %add3A_327 : i32
        %get3A_329 = arith.constant 1 : i32
        %get3A_330 = arith.index_cast %get3A_329 : i32 to index
        %get3A_331 = arith.index_cast %add3A_328 : i32 to index
        %get3A_332 = arith.constant 16 : index
        %get3A_333 = tpu.vector_load %arg6[%get3A_330, %get3A_331, %get3A_332] {strides = array<i32>} : memref<2x80x128xf32, #tpu.memory_space<vmem>>, vector<1x1x16xf32>,
        %get3A_334 = vector.shape_cast %get3A_333 : vector<1x1x16xf32> to vector<16xf32>
        %add3A_335 = arith.addf %add3A_326, %get3A_334 : vector<16xf32>
        %add3A_336 = arith.constant 8 : i32
        %add3A_337 = arith.addi %mul3A_80, %add3A_336 : i32
        %get3A_338 = arith.constant 1 : i32
        %get3A_339 = arith.index_cast %get3A_338 : i32 to index
        %get3A_340 = arith.index_cast %add3A_337 : i32 to index
        %get3A_341 = arith.constant 16 : index
        %get3A_342 = tpu.vector_load %arg6[%get3A_339, %get3A_340, %get3A_341] {strides = array<i32>} : memref<2x80x128xf32, #tpu.memory_space<vmem>>, vector<1x1x16xf32>,
        %get3A_343 = vector.shape_cast %get3A_342 : vector<1x1x16xf32> to vector<16xf32>
        %add3A_344 = arith.addf %add3A_335, %get3A_343 : vector<16xf32>
        %add3A_345 = arith.constant 9 : i32
        %add3A_346 = arith.addi %mul3A_80, %add3A_345 : i32
        %get3A_347 = arith.constant 1 : i32
        %get3A_348 = arith.index_cast %get3A_347 : i32 to index
        %get3A_349 = arith.index_cast %add3A_346 : i32 to index
        %get3A_350 = arith.constant 16 : index
        %get3A_351 = tpu.vector_load %arg6[%get3A_348, %get3A_349, %get3A_350] {strides = array<i32>} : memref<2x80x128xf32, #tpu.memory_space<vmem>>, vector<1x1x16xf32>,
        %get3A_352 = vector.shape_cast %get3A_351 : vector<1x1x16xf32> to vector<16xf32>
        %add3A_353 = arith.addf %add3A_344, %get3A_352 : vector<16xf32>
        %add3A_354 = arith.constant 10 : i32
        %add3A_355 = arith.addi %mul3A_80, %add3A_354 : i32
        %get3A_356 = arith.constant 1 : i32
        %get3A_357 = arith.index_cast %get3A_356 : i32 to index
        %get3A_358 = arith.index_cast %add3A_355 : i32 to index
        %get3A_359 = arith.constant 16 : index
        %get3A_360 = tpu.vector_load %arg6[%get3A_357, %get3A_358, %get3A_359] {strides = array<i32>} : memref<2x80x128xf32, #tpu.memory_space<vmem>>, vector<1x1x16xf32>,
        %get3A_361 = vector.shape_cast %get3A_360 : vector<1x1x16xf32> to vector<16xf32>
        %add3A_362 = arith.addf %add3A_353, %get3A_361 : vector<16xf32>
        %add3A_363 = arith.constant 11 : i32
        %add3A_364 = arith.addi %mul3A_80, %add3A_363 : i32
        %get3A_365 = arith.constant 1 : i32
        %get3A_366 = arith.index_cast %get3A_365 : i32 to index
        %get3A_367 = arith.index_cast %add3A_364 : i32 to index
        %get3A_368 = arith.constant 16 : index
        %get3A_369 = tpu.vector_load %arg6[%get3A_366, %get3A_367, %get3A_368] {strides = array<i32>} : memref<2x80x128xf32, #tpu.memory_space<vmem>>, vector<1x1x16xf32>,
        %get3A_370 = vector.shape_cast %get3A_369 : vector<1x1x16xf32> to vector<16xf32>
        %add3A_371 = arith.addf %add3A_362, %get3A_370 : vector<16xf32>
        %add3A_372 = arith.constant 12 : i32
        %add3A_373 = arith.addi %mul3A_80, %add3A_372 : i32
        %get3A_374 = arith.constant 1 : i32
        %get3A_375 = arith.index_cast %get3A_374 : i32 to index
        %get3A_376 = arith.index_cast %add3A_373 : i32 to index
        %get3A_377 = arith.constant 16 : index
        %get3A_378 = tpu.vector_load %arg6[%get3A_375, %get3A_376, %get3A_377] {strides = array<i32>} : memref<2x80x128xf32, #tpu.memory_space<vmem>>, vector<1x1x16xf32>,
        %get3A_379 = vector.shape_cast %get3A_378 : vector<1x1x16xf32> to vector<16xf32>
        %add3A_380 = arith.addf %add3A_371, %get3A_379 : vector<16xf32>
        %add3A_381 = arith.constant 13 : i32
        %add3A_382 = arith.addi %mul3A_80, %add3A_381 : i32
        %get3A_383 = arith.constant 1 : i32
        %get3A_384 = arith.index_cast %get3A_383 : i32 to index
        %get3A_385 = arith.index_cast %add3A_382 : i32 to index
        %get3A_386 = arith.constant 16 : index
        %get3A_387 = tpu.vector_load %arg6[%get3A_384, %get3A_385, %get3A_386] {strides = array<i32>} : memref<2x80x128xf32, #tpu.memory_space<vmem>>, vector<1x1x16xf32>,
        %get3A_388 = vector.shape_cast %get3A_387 : vector<1x1x16xf32> to vector<16xf32>
        %add3A_389 = arith.addf %add3A_380, %get3A_388 : vector<16xf32>
        %add3A_390 = arith.constant 14 : i32
        %add3A_391 = arith.addi %mul3A_80, %add3A_390 : i32
        %get3A_392 = arith.constant 1 : i32
        %get3A_393 = arith.index_cast %get3A_392 : i32 to index
        %get3A_394 = arith.index_cast %add3A_391 : i32 to index
        %get3A_395 = arith.constant 16 : index
        %get3A_396 = tpu.vector_load %arg6[%get3A_393, %get3A_394, %get3A_395] {strides = array<i32>} : memref<2x80x128xf32, #tpu.memory_space<vmem>>, vector<1x1x16xf32>,
        %get3A_397 = vector.shape_cast %get3A_396 : vector<1x1x16xf32> to vector<16xf32>
        %add3A_398 = arith.addf %add3A_389, %get3A_397 : vector<16xf32>
        %add3A_399 = arith.constant 15 : i32
        %add3A_400 = arith.addi %mul3A_80, %add3A_399 : i32
        %get3A_401 = arith.constant 1 : i32
        %get3A_402 = arith.index_cast %get3A_401 : i32 to index
        %get3A_403 = arith.index_cast %add3A_400 : i32 to index
        %get3A_404 = arith.constant 16 : index
        %get3A_405 = tpu.vector_load %arg6[%get3A_402, %get3A_403, %get3A_404] {strides = array<i32>} : memref<2x80x128xf32, #tpu.memory_space<vmem>>, vector<1x1x16xf32>,
        %get3A_406 = vector.shape_cast %get3A_405 : vector<1x1x16xf32> to vector<16xf32>
        %add3A_407 = arith.addf %add3A_398, %get3A_406 : vector<16xf32>
        %add3A_408 = arith.constant 16 : i32
        %add3A_409 = arith.addi %mul3A_80, %add3A_408 : i32
        %get3A_410 = arith.constant 1 : i32
        %get3A_411 = arith.index_cast %get3A_410 : i32 to index
        %get3A_412 = arith.index_cast %add3A_409 : i32 to index
        %get3A_413 = arith.constant 16 : index
        %get3A_414 = tpu.vector_load %arg6[%get3A_411, %get3A_412, %get3A_413] {strides = array<i32>} : memref<2x80x128xf32, #tpu.memory_space<vmem>>, vector<1x1x16xf32>,
        %get3A_415 = vector.shape_cast %get3A_414 : vector<1x1x16xf32> to vector<16xf32>
        %add3A_416 = arith.addf %add3A_407, %get3A_415 : vector<16xf32>
        %add3A_417 = arith.constant 17 : i32
        %add3A_418 = arith.addi %mul3A_80, %add3A_417 : i32
        %get3A_419 = arith.constant 1 : i32
        %get3A_420 = arith.index_cast %get3A_419 : i32 to index
        %get3A_421 = arith.index_cast %add3A_418 : i32 to index
        %get3A_422 = arith.constant 16 : index
        %get3A_423 = tpu.vector_load %arg6[%get3A_420, %get3A_421, %get3A_422] {strides = array<i32>} : memref<2x80x128xf32, #tpu.memory_space<vmem>>, vector<1x1x16xf32>,
        %get3A_424 = vector.shape_cast %get3A_423 : vector<1x1x16xf32> to vector<16xf32>
        %add3A_425 = arith.addf %add3A_416, %get3A_424 : vector<16xf32>
        %add3A_426 = arith.constant 18 : i32
        %add3A_427 = arith.addi %mul3A_80, %add3A_426 : i32
        %get3A_428 = arith.constant 1 : i32
        %get3A_429 = arith.index_cast %get3A_428 : i32 to index
        %get3A_430 = arith.index_cast %add3A_427 : i32 to index
        %get3A_431 = arith.constant 16 : index
        %get3A_432 = tpu.vector_load %arg6[%get3A_429, %get3A_430, %get3A_431] {strides = array<i32>} : memref<2x80x128xf32, #tpu.memory_space<vmem>>, vector<1x1x16xf32>,
        %get3A_433 = vector.shape_cast %get3A_432 : vector<1x1x16xf32> to vector<16xf32>
        %add3A_434 = arith.addf %add3A_425, %get3A_433 : vector<16xf32>
        %add3A_435 = arith.constant 19 : i32
        %add3A_436 = arith.addi %mul3A_80, %add3A_435 : i32
        %get3A_437 = arith.constant 1 : i32
        %get3A_438 = arith.index_cast %get3A_437 : i32 to index
        %get3A_439 = arith.index_cast %add3A_436 : i32 to index
        %get3A_440 = arith.constant 16 : index
        %get3A_441 = tpu.vector_load %arg6[%get3A_438, %get3A_439, %get3A_440] {strides = array<i32>} : memref<2x80x128xf32, #tpu.memory_space<vmem>>, vector<1x1x16xf32>,
        %get3A_442 = vector.shape_cast %get3A_441 : vector<1x1x16xf32> to vector<16xf32>
        %add3A_443 = arith.addf %add3A_434, %get3A_442 : vector<16xf32>
        %mul3A_444 = arith.constant 5.000000e-02 : f32
        %mul3A_445 = vector.broadcast %mul3A_444 : f32 to vector<16xf32>
        %mul3A_446 = arith.mulf %add3A_443, %mul3A_445 : vector<16xf32>
        %mul3A_447 = arith.constant 4 : i32
        %mul3A_448 = arith.muli %add3A_25, %mul3A_447 : i32
        %add3A_449 = arith.addi %mul3A_448, %scan3A_77 : i32
        %swap3A_450 = arith.index_cast %add3A_449 : i32 to index
        %swap3A_451 = arith.constant 16 : index
        %swap3A_452 = tpu.vector_load %arg7[%swap3A_450, %swap3A_451] {strides = array<i32>} : memref<128x128xf32, #tpu.memory_space<vmem>>, vector<1x16xf32>,
        %swap3A_453 = vector.shape_cast %swap3A_452 : vector<1x16xf32> to vector<16xf32>
        %swap3A_454 = vector.shape_cast %mul3A_446 : vector<16xf32> to vector<1x16xf32>
        tpu.vector_store %arg7[%swap3A_450, %swap3A_451], %swap3A_454 {strides = array<i32>} : memref<128x128xf32, #tpu.memory_space<vmem>>, vector<1x16xf32>,
        %get3A_455 = arith.constant 1 : i32
        %get3A_456 = arith.index_cast %get3A_455 : i32 to index
        %get3A_457 = arith.index_cast %mul3A_80 : i32 to index
        %get3A_458 = arith.constant 32 : index
        %get3A_459 = tpu.vector_load %arg6[%get3A_456, %get3A_457, %get3A_458] {strides = array<i32>} : memref<2x80x128xf32, #tpu.memory_space<vmem>>, vector<1x1x16xf32>,
        %get3A_460 = vector.shape_cast %get3A_459 : vector<1x1x16xf32> to vector<16xf32>
        %add3A_461 = arith.constant 1 : i32
        %add3A_462 = arith.addi %mul3A_80, %add3A_461 : i32
        %get3A_463 = arith.constant 1 : i32
        %get3A_464 = arith.index_cast %get3A_463 : i32 to index
        %get3A_465 = arith.index_cast %add3A_462 : i32 to index
        %get3A_466 = arith.constant 32 : index
        %get3A_467 = tpu.vector_load %arg6[%get3A_464, %get3A_465, %get3A_466] {strides = array<i32>} : memref<2x80x128xf32, #tpu.memory_space<vmem>>, vector<1x1x16xf32>,
        %get3A_468 = vector.shape_cast %get3A_467 : vector<1x1x16xf32> to vector<16xf32>
        %add3A_469 = arith.addf %get3A_460, %get3A_468 : vector<16xf32>
        %add3A_470 = arith.constant 2 : i32
        %add3A_471 = arith.addi %mul3A_80, %add3A_470 : i32
        %get3A_472 = arith.constant 1 : i32
        %get3A_473 = arith.index_cast %get3A_472 : i32 to index
        %get3A_474 = arith.index_cast %add3A_471 : i32 to index
        %get3A_475 = arith.constant 32 : index
        %get3A_476 = tpu.vector_load %arg6[%get3A_473, %get3A_474, %get3A_475] {strides = array<i32>} : memref<2x80x128xf32, #tpu.memory_space<vmem>>, vector<1x1x16xf32>,
        %get3A_477 = vector.shape_cast %get3A_476 : vector<1x1x16xf32> to vector<16xf32>
        %add3A_478 = arith.addf %add3A_469, %get3A_477 : vector<16xf32>
        %add3A_479 = arith.constant 3 : i32
        %add3A_480 = arith.addi %mul3A_80, %add3A_479 : i32
        %get3A_481 = arith.constant 1 : i32
        %get3A_482 = arith.index_cast %get3A_481 : i32 to index
        %get3A_483 = arith.index_cast %add3A_480 : i32 to index
        %get3A_484 = arith.constant 32 : index
        %get3A_485 = tpu.vector_load %arg6[%get3A_482, %get3A_483, %get3A_484] {strides = array<i32>} : memref<2x80x128xf32, #tpu.memory_space<vmem>>, vector<1x1x16xf32>,
        %get3A_486 = vector.shape_cast %get3A_485 : vector<1x1x16xf32> to vector<16xf32>
        %add3A_487 = arith.addf %add3A_478, %get3A_486 : vector<16xf32>
        %add3A_488 = arith.constant 4 : i32
        %add3A_489 = arith.addi %mul3A_80, %add3A_488 : i32
        %get3A_490 = arith.constant 1 : i32
        %get3A_491 = arith.index_cast %get3A_490 : i32 to index
        %get3A_492 = arith.index_cast %add3A_489 : i32 to index
        %get3A_493 = arith.constant 32 : index
        %get3A_494 = tpu.vector_load %arg6[%get3A_491, %get3A_492, %get3A_493] {strides = array<i32>} : memref<2x80x128xf32, #tpu.memory_space<vmem>>, vector<1x1x16xf32>,
        %get3A_495 = vector.shape_cast %get3A_494 : vector<1x1x16xf32> to vector<16xf32>
        %add3A_496 = arith.addf %add3A_487, %get3A_495 : vector<16xf32>
        %add3A_497 = arith.constant 5 : i32
        %add3A_498 = arith.addi %mul3A_80, %add3A_497 : i32
        %get3A_499 = arith.constant 1 : i32
        %get3A_500 = arith.index_cast %get3A_499 : i32 to index
        %get3A_501 = arith.index_cast %add3A_498 : i32 to index
        %get3A_502 = arith.constant 32 : index
        %get3A_503 = tpu.vector_load %arg6[%get3A_500, %get3A_501, %get3A_502] {strides = array<i32>} : memref<2x80x128xf32, #tpu.memory_space<vmem>>, vector<1x1x16xf32>,
        %get3A_504 = vector.shape_cast %get3A_503 : vector<1x1x16xf32> to vector<16xf32>
        %add3A_505 = arith.addf %add3A_496, %get3A_504 : vector<16xf32>
        %add3A_506 = arith.constant 6 : i32
        %add3A_507 = arith.addi %mul3A_80, %add3A_506 : i32
        %get3A_508 = arith.constant 1 : i32
        %get3A_509 = arith.index_cast %get3A_508 : i32 to index
        %get3A_510 = arith.index_cast %add3A_507 : i32 to index
        %get3A_511 = arith.constant 32 : index
        %get3A_512 = tpu.vector_load %arg6[%get3A_509, %get3A_510, %get3A_511] {strides = array<i32>} : memref<2x80x128xf32, #tpu.memory_space<vmem>>, vector<1x1x16xf32>,
        %get3A_513 = vector.shape_cast %get3A_512 : vector<1x1x16xf32> to vector<16xf32>
        %add3A_514 = arith.addf %add3A_505, %get3A_513 : vector<16xf32>
        %add3A_515 = arith.constant 7 : i32
        %add3A_516 = arith.addi %mul3A_80, %add3A_515 : i32
        %get3A_517 = arith.constant 1 : i32
        %get3A_518 = arith.index_cast %get3A_517 : i32 to index
        %get3A_519 = arith.index_cast %add3A_516 : i32 to index
        %get3A_520 = arith.constant 32 : index
        %get3A_521 = tpu.vector_load %arg6[%get3A_518, %get3A_519, %get3A_520] {strides = array<i32>} : memref<2x80x128xf32, #tpu.memory_space<vmem>>, vector<1x1x16xf32>,
        %get3A_522 = vector.shape_cast %get3A_521 : vector<1x1x16xf32> to vector<16xf32>
        %add3A_523 = arith.addf %add3A_514, %get3A_522 : vector<16xf32>
        %add3A_524 = arith.constant 8 : i32
        %add3A_525 = arith.addi %mul3A_80, %add3A_524 : i32
        %get3A_526 = arith.constant 1 : i32
        %get3A_527 = arith.index_cast %get3A_526 : i32 to index
        %get3A_528 = arith.index_cast %add3A_525 : i32 to index
        %get3A_529 = arith.constant 32 : index
        %get3A_530 = tpu.vector_load %arg6[%get3A_527, %get3A_528, %get3A_529] {strides = array<i32>} : memref<2x80x128xf32, #tpu.memory_space<vmem>>, vector<1x1x16xf32>,
        %get3A_531 = vector.shape_cast %get3A_530 : vector<1x1x16xf32> to vector<16xf32>
        %add3A_532 = arith.addf %add3A_523, %get3A_531 : vector<16xf32>
        %add3A_533 = arith.constant 9 : i32
        %add3A_534 = arith.addi %mul3A_80, %add3A_533 : i32
        %get3A_535 = arith.constant 1 : i32
        %get3A_536 = arith.index_cast %get3A_535 : i32 to index
        %get3A_537 = arith.index_cast %add3A_534 : i32 to index
        %get3A_538 = arith.constant 32 : index
        %get3A_539 = tpu.vector_load %arg6[%get3A_536, %get3A_537, %get3A_538] {strides = array<i32>} : memref<2x80x128xf32, #tpu.memory_space<vmem>>, vector<1x1x16xf32>,
        %get3A_540 = vector.shape_cast %get3A_539 : vector<1x1x16xf32> to vector<16xf32>
        %add3A_541 = arith.addf %add3A_532, %get3A_540 : vector<16xf32>
        %add3A_542 = arith.constant 10 : i32
        %add3A_543 = arith.addi %mul3A_80, %add3A_542 : i32
        %get3A_544 = arith.constant 1 : i32
        %get3A_545 = arith.index_cast %get3A_544 : i32 to index
        %get3A_546 = arith.index_cast %add3A_543 : i32 to index
        %get3A_547 = arith.constant 32 : index
        %get3A_548 = tpu.vector_load %arg6[%get3A_545, %get3A_546, %get3A_547] {strides = array<i32>} : memref<2x80x128xf32, #tpu.memory_space<vmem>>, vector<1x1x16xf32>,
        %get3A_549 = vector.shape_cast %get3A_548 : vector<1x1x16xf32> to vector<16xf32>
        %add3A_550 = arith.addf %add3A_541, %get3A_549 : vector<16xf32>
        %add3A_551 = arith.constant 11 : i32
        %add3A_552 = arith.addi %mul3A_80, %add3A_551 : i32
        %get3A_553 = arith.constant 1 : i32
        %get3A_554 = arith.index_cast %get3A_553 : i32 to index
        %get3A_555 = arith.index_cast %add3A_552 : i32 to index
        %get3A_556 = arith.constant 32 : index
        %get3A_557 = tpu.vector_load %arg6[%get3A_554, %get3A_555, %get3A_556] {strides = array<i32>} : memref<2x80x128xf32, #tpu.memory_space<vmem>>, vector<1x1x16xf32>,
        %get3A_558 = vector.shape_cast %get3A_557 : vector<1x1x16xf32> to vector<16xf32>
        %add3A_559 = arith.addf %add3A_550, %get3A_558 : vector<16xf32>
        %add3A_560 = arith.constant 12 : i32
        %add3A_561 = arith.addi %mul3A_80, %add3A_560 : i32
        %get3A_562 = arith.constant 1 : i32
        %get3A_563 = arith.index_cast %get3A_562 : i32 to index
        %get3A_564 = arith.index_cast %add3A_561 : i32 to index
        %get3A_565 = arith.constant 32 : index
        %get3A_566 = tpu.vector_load %arg6[%get3A_563, %get3A_564, %get3A_565] {strides = array<i32>} : memref<2x80x128xf32, #tpu.memory_space<vmem>>, vector<1x1x16xf32>,
        %get3A_567 = vector.shape_cast %get3A_566 : vector<1x1x16xf32> to vector<16xf32>
        %add3A_568 = arith.addf %add3A_559, %get3A_567 : vector<16xf32>
        %add3A_569 = arith.constant 13 : i32
        %add3A_570 = arith.addi %mul3A_80, %add3A_569 : i32
        %get3A_571 = arith.constant 1 : i32
        %get3A_572 = arith.index_cast %get3A_571 : i32 to index
        %get3A_573 = arith.index_cast %add3A_570 : i32 to index
        %get3A_574 = arith.constant 32 : index
        %get3A_575 = tpu.vector_load %arg6[%get3A_572, %get3A_573, %get3A_574] {strides = array<i32>} : memref<2x80x128xf32, #tpu.memory_space<vmem>>, vector<1x1x16xf32>,
        %get3A_576 = vector.shape_cast %get3A_575 : vector<1x1x16xf32> to vector<16xf32>
        %add3A_577 = arith.addf %add3A_568, %get3A_576 : vector<16xf32>
        %add3A_578 = arith.constant 14 : i32
        %add3A_579 = arith.addi %mul3A_80, %add3A_578 : i32
        %get3A_580 = arith.constant 1 : i32
        %get3A_581 = arith.index_cast %get3A_580 : i32 to index
        %get3A_582 = arith.index_cast %add3A_579 : i32 to index
        %get3A_583 = arith.constant 32 : index
        %get3A_584 = tpu.vector_load %arg6[%get3A_581, %get3A_582, %get3A_583] {strides = array<i32>} : memref<2x80x128xf32, #tpu.memory_space<vmem>>, vector<1x1x16xf32>,
        %get3A_585 = vector.shape_cast %get3A_584 : vector<1x1x16xf32> to vector<16xf32>
        %add3A_586 = arith.addf %add3A_577, %get3A_585 : vector<16xf32>
        %add3A_587 = arith.constant 15 : i32
        %add3A_588 = arith.addi %mul3A_80, %add3A_587 : i32
        %get3A_589 = arith.constant 1 : i32
        %get3A_590 = arith.index_cast %get3A_589 : i32 to index
        %get3A_591 = arith.index_cast %add3A_588 : i32 to index
        %get3A_592 = arith.constant 32 : index
        %get3A_593 = tpu.vector_load %arg6[%get3A_590, %get3A_591, %get3A_592] {strides = array<i32>} : memref<2x80x128xf32, #tpu.memory_space<vmem>>, vector<1x1x16xf32>,
        %get3A_594 = vector.shape_cast %get3A_593 : vector<1x1x16xf32> to vector<16xf32>
        %add3A_595 = arith.addf %add3A_586, %get3A_594 : vector<16xf32>
        %add3A_596 = arith.constant 16 : i32
        %add3A_597 = arith.addi %mul3A_80, %add3A_596 : i32
        %get3A_598 = arith.constant 1 : i32
        %get3A_599 = arith.index_cast %get3A_598 : i32 to index
        %get3A_600 = arith.index_cast %add3A_597 : i32 to index
        %get3A_601 = arith.constant 32 : index
        %get3A_602 = tpu.vector_load %arg6[%get3A_599, %get3A_600, %get3A_601] {strides = array<i32>} : memref<2x80x128xf32, #tpu.memory_space<vmem>>, vector<1x1x16xf32>,
        %get3A_603 = vector.shape_cast %get3A_602 : vector<1x1x16xf32> to vector<16xf32>
        %add3A_604 = arith.addf %add3A_595, %get3A_603 : vector<16xf32>
        %add3A_605 = arith.constant 17 : i32
        %add3A_606 = arith.addi %mul3A_80, %add3A_605 : i32
        %get3A_607 = arith.constant 1 : i32
        %get3A_608 = arith.index_cast %get3A_607 : i32 to index
        %get3A_609 = arith.index_cast %add3A_606 : i32 to index
        %get3A_610 = arith.constant 32 : index
        %get3A_611 = tpu.vector_load %arg6[%get3A_608, %get3A_609, %get3A_610] {strides = array<i32>} : memref<2x80x128xf32, #tpu.memory_space<vmem>>, vector<1x1x16xf32>,
        %get3A_612 = vector.shape_cast %get3A_611 : vector<1x1x16xf32> to vector<16xf32>
        %add3A_613 = arith.addf %add3A_604, %get3A_612 : vector<16xf32>
        %add3A_614 = arith.constant 18 : i32
        %add3A_615 = arith.addi %mul3A_80, %add3A_614 : i32
        %get3A_616 = arith.constant 1 : i32
        %get3A_617 = arith.index_cast %get3A_616 : i32 to index
        %get3A_618 = arith.index_cast %add3A_615 : i32 to index
        %get3A_619 = arith.constant 32 : index
        %get3A_620 = tpu.vector_load %arg6[%get3A_617, %get3A_618, %get3A_619] {strides = array<i32>} : memref<2x80x128xf32, #tpu.memory_space<vmem>>, vector<1x1x16xf32>,
        %get3A_621 = vector.shape_cast %get3A_620 : vector<1x1x16xf32> to vector<16xf32>
        %add3A_622 = arith.addf %add3A_613, %get3A_621 : vector<16xf32>
        %add3A_623 = arith.constant 19 : i32
        %add3A_624 = arith.addi %mul3A_80, %add3A_623 : i32
        %get3A_625 = arith.constant 1 : i32
        %get3A_626 = arith.index_cast %get3A_625 : i32 to index
        %get3A_627 = arith.index_cast %add3A_624 : i32 to index
        %get3A_628 = arith.constant 32 : index
        %get3A_629 = tpu.vector_load %arg6[%get3A_626, %get3A_627, %get3A_628] {strides = array<i32>} : memref<2x80x128xf32, #tpu.memory_space<vmem>>, vector<1x1x16xf32>,
        %get3A_630 = vector.shape_cast %get3A_629 : vector<1x1x16xf32> to vector<16xf32>
        %add3A_631 = arith.addf %add3A_622, %get3A_630 : vector<16xf32>
        %mul3A_632 = arith.constant 5.000000e-02 : f32
        %mul3A_633 = vector.broadcast %mul3A_632 : f32 to vector<16xf32>
        %mul3A_634 = arith.mulf %add3A_631, %mul3A_633 : vector<16xf32>
        %mul3A_635 = arith.constant 4 : i32
        %mul3A_636 = arith.muli %add3A_25, %mul3A_635 : i32
        %add3A_637 = arith.addi %mul3A_636, %scan3A_77 : i32
        %swap3A_638 = arith.index_cast %add3A_637 : i32 to index
        %swap3A_639 = arith.constant 32 : index
        %swap3A_640 = tpu.vector_load %arg7[%swap3A_638, %swap3A_639] {strides = array<i32>} : memref<128x128xf32, #tpu.memory_space<vmem>>, vector<1x16xf32>,
        %swap3A_641 = vector.shape_cast %swap3A_640 : vector<1x16xf32> to vector<16xf32>
        %swap3A_642 = vector.shape_cast %mul3A_634 : vector<16xf32> to vector<1x16xf32>
        tpu.vector_store %arg7[%swap3A_638, %swap3A_639], %swap3A_642 {strides = array<i32>} : memref<128x128xf32, #tpu.memory_space<vmem>>, vector<1x16xf32>,
        %get3A_643 = arith.constant 1 : i32
        %get3A_644 = arith.index_cast %get3A_643 : i32 to index
        %get3A_645 = arith.index_cast %mul3A_80 : i32 to index
        %get3A_646 = arith.constant 48 : index
        %get3A_647 = tpu.vector_load %arg6[%get3A_644, %get3A_645, %get3A_646] {strides = array<i32>} : memref<2x80x128xf32, #tpu.memory_space<vmem>>, vector<1x1x16xf32>,
        %get3A_648 = vector.shape_cast %get3A_647 : vector<1x1x16xf32> to vector<16xf32>
        %add3A_649 = arith.constant 1 : i32
        %add3A_650 = arith.addi %mul3A_80, %add3A_649 : i32
        %get3A_651 = arith.constant 1 : i32
        %get3A_652 = arith.index_cast %get3A_651 : i32 to index
        %get3A_653 = arith.index_cast %add3A_650 : i32 to index
        %get3A_654 = arith.constant 48 : index
        %get3A_655 = tpu.vector_load %arg6[%get3A_652, %get3A_653, %get3A_654] {strides = array<i32>} : memref<2x80x128xf32, #tpu.memory_space<vmem>>, vector<1x1x16xf32>,
        %get3A_656 = vector.shape_cast %get3A_655 : vector<1x1x16xf32> to vector<16xf32>
        %add3A_657 = arith.addf %get3A_648, %get3A_656 : vector<16xf32>
        %add3A_658 = arith.constant 2 : i32
        %add3A_659 = arith.addi %mul3A_80, %add3A_658 : i32
        %get3A_660 = arith.constant 1 : i32
        %get3A_661 = arith.index_cast %get3A_660 : i32 to index
        %get3A_662 = arith.index_cast %add3A_659 : i32 to index
        %get3A_663 = arith.constant 48 : index
        %get3A_664 = tpu.vector_load %arg6[%get3A_661, %get3A_662, %get3A_663] {strides = array<i32>} : memref<2x80x128xf32, #tpu.memory_space<vmem>>, vector<1x1x16xf32>,
        %get3A_665 = vector.shape_cast %get3A_664 : vector<1x1x16xf32> to vector<16xf32>
        %add3A_666 = arith.addf %add3A_657, %get3A_665 : vector<16xf32>
        %add3A_667 = arith.constant 3 : i32
        %add3A_668 = arith.addi %mul3A_80, %add3A_667 : i32
        %get3A_669 = arith.constant 1 : i32
        %get3A_670 = arith.index_cast %get3A_669 : i32 to index
        %get3A_671 = arith.index_cast %add3A_668 : i32 to index
        %get3A_672 = arith.constant 48 : index
        %get3A_673 = tpu.vector_load %arg6[%get3A_670, %get3A_671, %get3A_672] {strides = array<i32>} : memref<2x80x128xf32, #tpu.memory_space<vmem>>, vector<1x1x16xf32>,
        %get3A_674 = vector.shape_cast %get3A_673 : vector<1x1x16xf32> to vector<16xf32>
        %add3A_675 = arith.addf %add3A_666, %get3A_674 : vector<16xf32>
        %add3A_676 = arith.constant 4 : i32
        %add3A_677 = arith.addi %mul3A_80, %add3A_676 : i32
        %get3A_678 = arith.constant 1 : i32
        %get3A_679 = arith.index_cast %get3A_678 : i32 to index
        %get3A_680 = arith.index_cast %add3A_677 : i32 to index
        %get3A_681 = arith.constant 48 : index
        %get3A_682 = tpu.vector_load %arg6[%get3A_679, %get3A_680, %get3A_681] {strides = array<i32>} : memref<2x80x128xf32, #tpu.memory_space<vmem>>, vector<1x1x16xf32>,
        %get3A_683 = vector.shape_cast %get3A_682 : vector<1x1x16xf32> to vector<16xf32>
        %add3A_684 = arith.addf %add3A_675, %get3A_683 : vector<16xf32>
        %add3A_685 = arith.constant 5 : i32
        %add3A_686 = arith.addi %mul3A_80, %add3A_685 : i32
        %get3A_687 = arith.constant 1 : i32
        %get3A_688 = arith.index_cast %get3A_687 : i32 to index
        %get3A_689 = arith.index_cast %add3A_686 : i32 to index
        %get3A_690 = arith.constant 48 : index
        %get3A_691 = tpu.vector_load %arg6[%get3A_688, %get3A_689, %get3A_690] {strides = array<i32>} : memref<2x80x128xf32, #tpu.memory_space<vmem>>, vector<1x1x16xf32>,
        %get3A_692 = vector.shape_cast %get3A_691 : vector<1x1x16xf32> to vector<16xf32>
        %add3A_693 = arith.addf %add3A_684, %get3A_692 : vector<16xf32>
        %add3A_694 = arith.constant 6 : i32
        %add3A_695 = arith.addi %mul3A_80, %add3A_694 : i32
        %get3A_696 = arith.constant 1 : i32
        %get3A_697 = arith.index_cast %get3A_696 : i32 to index
        %get3A_698 = arith.index_cast %add3A_695 : i32 to index
        %get3A_699 = arith.constant 48 : index
        %get3A_700 = tpu.vector_load %arg6[%get3A_697, %get3A_698, %get3A_699] {strides = array<i32>} : memref<2x80x128xf32, #tpu.memory_space<vmem>>, vector<1x1x16xf32>,
        %get3A_701 = vector.shape_cast %get3A_700 : vector<1x1x16xf32> to vector<16xf32>
        %add3A_702 = arith.addf %add3A_693, %get3A_701 : vector<16xf32>
        %add3A_703 = arith.constant 7 : i32
        %add3A_704 = arith.addi %mul3A_80, %add3A_703 : i32
        %get3A_705 = arith.constant 1 : i32
        %get3A_706 = arith.index_cast %get3A_705 : i32 to index
        %get3A_707 = arith.index_cast %add3A_704 : i32 to index
        %get3A_708 = arith.constant 48 : index
        %get3A_709 = tpu.vector_load %arg6[%get3A_706, %get3A_707, %get3A_708] {strides = array<i32>} : memref<2x80x128xf32, #tpu.memory_space<vmem>>, vector<1x1x16xf32>,
        %get3A_710 = vector.shape_cast %get3A_709 : vector<1x1x16xf32> to vector<16xf32>
        %add3A_711 = arith.addf %add3A_702, %get3A_710 : vector<16xf32>
        %add3A_712 = arith.constant 8 : i32
        %add3A_713 = arith.addi %mul3A_80, %add3A_712 : i32
        %get3A_714 = arith.constant 1 : i32
        %get3A_715 = arith.index_cast %get3A_714 : i32 to index
        %get3A_716 = arith.index_cast %add3A_713 : i32 to index
        %get3A_717 = arith.constant 48 : index
        %get3A_718 = tpu.vector_load %arg6[%get3A_715, %get3A_716, %get3A_717] {strides = array<i32>} : memref<2x80x128xf32, #tpu.memory_space<vmem>>, vector<1x1x16xf32>,
        %get3A_719 = vector.shape_cast %get3A_718 : vector<1x1x16xf32> to vector<16xf32>
        %add3A_720 = arith.addf %add3A_711, %get3A_719 : vector<16xf32>
        %add3A_721 = arith.constant 9 : i32
        %add3A_722 = arith.addi %mul3A_80, %add3A_721 : i32
        %get3A_723 = arith.constant 1 : i32
        %get3A_724 = arith.index_cast %get3A_723 : i32 to index
        %get3A_725 = arith.index_cast %add3A_722 : i32 to index
        %get3A_726 = arith.constant 48 : index
        %get3A_727 = tpu.vector_load %arg6[%get3A_724, %get3A_725, %get3A_726] {strides = array<i32>} : memref<2x80x128xf32, #tpu.memory_space<vmem>>, vector<1x1x16xf32>,
        %get3A_728 = vector.shape_cast %get3A_727 : vector<1x1x16xf32> to vector<16xf32>
        %add3A_729 = arith.addf %add3A_720, %get3A_728 : vector<16xf32>
        %add3A_730 = arith.constant 10 : i32
        %add3A_731 = arith.addi %mul3A_80, %add3A_730 : i32
        %get3A_732 = arith.constant 1 : i32
        %get3A_733 = arith.index_cast %get3A_732 : i32 to index
        %get3A_734 = arith.index_cast %add3A_731 : i32 to index
        %get3A_735 = arith.constant 48 : index
        %get3A_736 = tpu.vector_load %arg6[%get3A_733, %get3A_734, %get3A_735] {strides = array<i32>} : memref<2x80x128xf32, #tpu.memory_space<vmem>>, vector<1x1x16xf32>,
        %get3A_737 = vector.shape_cast %get3A_736 : vector<1x1x16xf32> to vector<16xf32>
        %add3A_738 = arith.addf %add3A_729, %get3A_737 : vector<16xf32>
        %add3A_739 = arith.constant 11 : i32
        %add3A_740 = arith.addi %mul3A_80, %add3A_739 : i32
        %get3A_741 = arith.constant 1 : i32
        %get3A_742 = arith.index_cast %get3A_741 : i32 to index
        %get3A_743 = arith.index_cast %add3A_740 : i32 to index
        %get3A_744 = arith.constant 48 : index
        %get3A_745 = tpu.vector_load %arg6[%get3A_742, %get3A_743, %get3A_744] {strides = array<i32>} : memref<2x80x128xf32, #tpu.memory_space<vmem>>, vector<1x1x16xf32>,
        %get3A_746 = vector.shape_cast %get3A_745 : vector<1x1x16xf32> to vector<16xf32>
        %add3A_747 = arith.addf %add3A_738, %get3A_746 : vector<16xf32>
        %add3A_748 = arith.constant 12 : i32
        %add3A_749 = arith.addi %mul3A_80, %add3A_748 : i32
        %get3A_750 = arith.constant 1 : i32
        %get3A_751 = arith.index_cast %get3A_750 : i32 to index
        %get3A_752 = arith.index_cast %add3A_749 : i32 to index
        %get3A_753 = arith.constant 48 : index
        %get3A_754 = tpu.vector_load %arg6[%get3A_751, %get3A_752, %get3A_753] {strides = array<i32>} : memref<2x80x128xf32, #tpu.memory_space<vmem>>, vector<1x1x16xf32>,
        %get3A_755 = vector.shape_cast %get3A_754 : vector<1x1x16xf32> to vector<16xf32>
        %add3A_756 = arith.addf %add3A_747, %get3A_755 : vector<16xf32>
        %add3A_757 = arith.constant 13 : i32
        %add3A_758 = arith.addi %mul3A_80, %add3A_757 : i32
        %get3A_759 = arith.constant 1 : i32
        %get3A_760 = arith.index_cast %get3A_759 : i32 to index
        %get3A_761 = arith.index_cast %add3A_758 : i32 to index
        %get3A_762 = arith.constant 48 : index
        %get3A_763 = tpu.vector_load %arg6[%get3A_760, %get3A_761, %get3A_762] {strides = array<i32>} : memref<2x80x128xf32, #tpu.memory_space<vmem>>, vector<1x1x16xf32>,
        %get3A_764 = vector.shape_cast %get3A_763 : vector<1x1x16xf32> to vector<16xf32>
        %add3A_765 = arith.addf %add3A_756, %get3A_764 : vector<16xf32>
        %add3A_766 = arith.constant 14 : i32
        %add3A_767 = arith.addi %mul3A_80, %add3A_766 : i32
        %get3A_768 = arith.constant 1 : i32
        %get3A_769 = arith.index_cast %get3A_768 : i32 to index
        %get3A_770 = arith.index_cast %add3A_767 : i32 to index
        %get3A_771 = arith.constant 48 : index
        %get3A_772 = tpu.vector_load %arg6[%get3A_769, %get3A_770, %get3A_771] {strides = array<i32>} : memref<2x80x128xf32, #tpu.memory_space<vmem>>, vector<1x1x16xf32>,
        %get3A_773 = vector.shape_cast %get3A_772 : vector<1x1x16xf32> to vector<16xf32>
        %add3A_774 = arith.addf %add3A_765, %get3A_773 : vector<16xf32>
        %add3A_775 = arith.constant 15 : i32
        %add3A_776 = arith.addi %mul3A_80, %add3A_775 : i32
        %get3A_777 = arith.constant 1 : i32
        %get3A_778 = arith.index_cast %get3A_777 : i32 to index
        %get3A_779 = arith.index_cast %add3A_776 : i32 to index
        %get3A_780 = arith.constant 48 : index
        %get3A_781 = tpu.vector_load %arg6[%get3A_778, %get3A_779, %get3A_780] {strides = array<i32>} : memref<2x80x128xf32, #tpu.memory_space<vmem>>, vector<1x1x16xf32>,
        %get3A_782 = vector.shape_cast %get3A_781 : vector<1x1x16xf32> to vector<16xf32>
        %add3A_783 = arith.addf %add3A_774, %get3A_782 : vector<16xf32>
        %add3A_784 = arith.constant 16 : i32
        %add3A_785 = arith.addi %mul3A_80, %add3A_784 : i32
        %get3A_786 = arith.constant 1 : i32
        %get3A_787 = arith.index_cast %get3A_786 : i32 to index
        %get3A_788 = arith.index_cast %add3A_785 : i32 to index
        %get3A_789 = arith.constant 48 : index
        %get3A_790 = tpu.vector_load %arg6[%get3A_787, %get3A_788, %get3A_789] {strides = array<i32>} : memref<2x80x128xf32, #tpu.memory_space<vmem>>, vector<1x1x16xf32>,
        %get3A_791 = vector.shape_cast %get3A_790 : vector<1x1x16xf32> to vector<16xf32>
        %add3A_792 = arith.addf %add3A_783, %get3A_791 : vector<16xf32>
        %add3A_793 = arith.constant 17 : i32
        %add3A_794 = arith.addi %mul3A_80, %add3A_793 : i32
        %get3A_795 = arith.constant 1 : i32
        %get3A_796 = arith.index_cast %get3A_795 : i32 to index
        %get3A_797 = arith.index_cast %add3A_794 : i32 to index
        %get3A_798 = arith.constant 48 : index
        %get3A_799 = tpu.vector_load %arg6[%get3A_796, %get3A_797, %get3A_798] {strides = array<i32>} : memref<2x80x128xf32, #tpu.memory_space<vmem>>, vector<1x1x16xf32>,
        %get3A_800 = vector.shape_cast %get3A_799 : vector<1x1x16xf32> to vector<16xf32>
        %add3A_801 = arith.addf %add3A_792, %get3A_800 : vector<16xf32>
        %add3A_802 = arith.constant 18 : i32
        %add3A_803 = arith.addi %mul3A_80, %add3A_802 : i32
        %get3A_804 = arith.constant 1 : i32
        %get3A_805 = arith.index_cast %get3A_804 : i32 to index
        %get3A_806 = arith.index_cast %add3A_803 : i32 to index
        %get3A_807 = arith.constant 48 : index
        %get3A_808 = tpu.vector_load %arg6[%get3A_805, %get3A_806, %get3A_807] {strides = array<i32>} : memref<2x80x128xf32, #tpu.memory_space<vmem>>, vector<1x1x16xf32>,
        %get3A_809 = vector.shape_cast %get3A_808 : vector<1x1x16xf32> to vector<16xf32>
        %add3A_810 = arith.addf %add3A_801, %get3A_809 : vector<16xf32>
        %add3A_811 = arith.constant 19 : i32
        %add3A_812 = arith.addi %mul3A_80, %add3A_811 : i32
        %get3A_813 = arith.constant 1 : i32
        %get3A_814 = arith.index_cast %get3A_813 : i32 to index
        %get3A_815 = arith.index_cast %add3A_812 : i32 to index
        %get3A_816 = arith.constant 48 : index
        %get3A_817 = tpu.vector_load %arg6[%get3A_814, %get3A_815, %get3A_816] {strides = array<i32>} : memref<2x80x128xf32, #tpu.memory_space<vmem>>, vector<1x1x16xf32>,
        %get3A_818 = vector.shape_cast %get3A_817 : vector<1x1x16xf32> to vector<16xf32>
        %add3A_819 = arith.addf %add3A_810, %get3A_818 : vector<16xf32>
        %mul3A_820 = arith.constant 5.000000e-02 : f32
        %mul3A_821 = vector.broadcast %mul3A_820 : f32 to vector<16xf32>
        %mul3A_822 = arith.mulf %add3A_819, %mul3A_821 : vector<16xf32>
        %mul3A_823 = arith.constant 4 : i32
        %mul3A_824 = arith.muli %add3A_25, %mul3A_823 : i32
        %add3A_825 = arith.addi %mul3A_824, %scan3A_77 : i32
        %swap3A_826 = arith.index_cast %add3A_825 : i32 to index
        %swap3A_827 = arith.constant 48 : index
        %swap3A_828 = tpu.vector_load %arg7[%swap3A_826, %swap3A_827] {strides = array<i32>} : memref<128x128xf32, #tpu.memory_space<vmem>>, vector<1x16xf32>,
        %swap3A_829 = vector.shape_cast %swap3A_828 : vector<1x16xf32> to vector<16xf32>
        %swap3A_830 = vector.shape_cast %mul3A_822 : vector<16xf32> to vector<1x16xf32>
        tpu.vector_store %arg7[%swap3A_826, %swap3A_827], %swap3A_830 {strides = array<i32>} : memref<128x128xf32, #tpu.memory_space<vmem>>, vector<1x16xf32>,
        %get3A_831 = arith.constant 1 : i32
        %get3A_832 = arith.index_cast %get3A_831 : i32 to index
        %get3A_833 = arith.index_cast %mul3A_80 : i32 to index
        %get3A_834 = arith.constant 64 : index
        %get3A_835 = tpu.vector_load %arg6[%get3A_832, %get3A_833, %get3A_834] {strides = array<i32>} : memref<2x80x128xf32, #tpu.memory_space<vmem>>, vector<1x1x16xf32>,
        %get3A_836 = vector.shape_cast %get3A_835 : vector<1x1x16xf32> to vector<16xf32>
        %add3A_837 = arith.constant 1 : i32
        %add3A_838 = arith.addi %mul3A_80, %add3A_837 : i32
        %get3A_839 = arith.constant 1 : i32
        %get3A_840 = arith.index_cast %get3A_839 : i32 to index
        %get3A_841 = arith.index_cast %add3A_838 : i32 to index
        %get3A_842 = arith.constant 64 : index
        %get3A_843 = tpu.vector_load %arg6[%get3A_840, %get3A_841, %get3A_842] {strides = array<i32>} : memref<2x80x128xf32, #tpu.memory_space<vmem>>, vector<1x1x16xf32>,
        %get3A_844 = vector.shape_cast %get3A_843 : vector<1x1x16xf32> to vector<16xf32>
        %add3A_845 = arith.addf %get3A_836, %get3A_844 : vector<16xf32>
        %add3A_846 = arith.constant 2 : i32
        %add3A_847 = arith.addi %mul3A_80, %add3A_846 : i32
        %get3A_848 = arith.constant 1 : i32
        %get3A_849 = arith.index_cast %get3A_848 : i32 to index
        %get3A_850 = arith.index_cast %add3A_847 : i32 to index
        %get3A_851 = arith.constant 64 : index
        %get3A_852 = tpu.vector_load %arg6[%get3A_849, %get3A_850, %get3A_851] {strides = array<i32>} : memref<2x80x128xf32, #tpu.memory_space<vmem>>, vector<1x1x16xf32>,
        %get3A_853 = vector.shape_cast %get3A_852 : vector<1x1x16xf32> to vector<16xf32>
        %add3A_854 = arith.addf %add3A_845, %get3A_853 : vector<16xf32>
        %add3A_855 = arith.constant 3 : i32
        %add3A_856 = arith.addi %mul3A_80, %add3A_855 : i32
        %get3A_857 = arith.constant 1 : i32
        %get3A_858 = arith.index_cast %get3A_857 : i32 to index
        %get3A_859 = arith.index_cast %add3A_856 : i32 to index
        %get3A_860 = arith.constant 64 : index
        %get3A_861 = tpu.vector_load %arg6[%get3A_858, %get3A_859, %get3A_860] {strides = array<i32>} : memref<2x80x128xf32, #tpu.memory_space<vmem>>, vector<1x1x16xf32>,
        %get3A_862 = vector.shape_cast %get3A_861 : vector<1x1x16xf32> to vector<16xf32>
        %add3A_863 = arith.addf %add3A_854, %get3A_862 : vector<16xf32>
        %add3A_864 = arith.constant 4 : i32
        %add3A_865 = arith.addi %mul3A_80, %add3A_864 : i32
        %get3A_866 = arith.constant 1 : i32
        %get3A_867 = arith.index_cast %get3A_866 : i32 to index
        %get3A_868 = arith.index_cast %add3A_865 : i32 to index
        %get3A_869 = arith.constant 64 : index
        %get3A_870 = tpu.vector_load %arg6[%get3A_867, %get3A_868, %get3A_869] {strides = array<i32>} : memref<2x80x128xf32, #tpu.memory_space<vmem>>, vector<1x1x16xf32>,
        %get3A_871 = vector.shape_cast %get3A_870 : vector<1x1x16xf32> to vector<16xf32>
        %add3A_872 = arith.addf %add3A_863, %get3A_871 : vector<16xf32>
        %add3A_873 = arith.constant 5 : i32
        %add3A_874 = arith.addi %mul3A_80, %add3A_873 : i32
        %get3A_875 = arith.constant 1 : i32
        %get3A_876 = arith.index_cast %get3A_875 : i32 to index
        %get3A_877 = arith.index_cast %add3A_874 : i32 to index
        %get3A_878 = arith.constant 64 : index
        %get3A_879 = tpu.vector_load %arg6[%get3A_876, %get3A_877, %get3A_878] {strides = array<i32>} : memref<2x80x128xf32, #tpu.memory_space<vmem>>, vector<1x1x16xf32>,
        %get3A_880 = vector.shape_cast %get3A_879 : vector<1x1x16xf32> to vector<16xf32>
        %add3A_881 = arith.addf %add3A_872, %get3A_880 : vector<16xf32>
        %add3A_882 = arith.constant 6 : i32
        %add3A_883 = arith.addi %mul3A_80, %add3A_882 : i32
        %get3A_884 = arith.constant 1 : i32
        %get3A_885 = arith.index_cast %get3A_884 : i32 to index
        %get3A_886 = arith.index_cast %add3A_883 : i32 to index
        %get3A_887 = arith.constant 64 : index
        %get3A_888 = tpu.vector_load %arg6[%get3A_885, %get3A_886, %get3A_887] {strides = array<i32>} : memref<2x80x128xf32, #tpu.memory_space<vmem>>, vector<1x1x16xf32>,
        %get3A_889 = vector.shape_cast %get3A_888 : vector<1x1x16xf32> to vector<16xf32>
        %add3A_890 = arith.addf %add3A_881, %get3A_889 : vector<16xf32>
        %add3A_891 = arith.constant 7 : i32
        %add3A_892 = arith.addi %mul3A_80, %add3A_891 : i32
        %get3A_893 = arith.constant 1 : i32
        %get3A_894 = arith.index_cast %get3A_893 : i32 to index
        %get3A_895 = arith.index_cast %add3A_892 : i32 to index
        %get3A_896 = arith.constant 64 : index
        %get3A_897 = tpu.vector_load %arg6[%get3A_894, %get3A_895, %get3A_896] {strides = array<i32>} : memref<2x80x128xf32, #tpu.memory_space<vmem>>, vector<1x1x16xf32>,
        %get3A_898 = vector.shape_cast %get3A_897 : vector<1x1x16xf32> to vector<16xf32>
        %add3A_899 = arith.addf %add3A_890, %get3A_898 : vector<16xf32>
        %add3A_900 = arith.constant 8 : i32
        %add3A_901 = arith.addi %mul3A_80, %add3A_900 : i32
        %get3A_902 = arith.constant 1 : i32
        %get3A_903 = arith.index_cast %get3A_902 : i32 to index
        %get3A_904 = arith.index_cast %add3A_901 : i32 to index
        %get3A_905 = arith.constant 64 : index
        %get3A_906 = tpu.vector_load %arg6[%get3A_903, %get3A_904, %get3A_905] {strides = array<i32>} : memref<2x80x128xf32, #tpu.memory_space<vmem>>, vector<1x1x16xf32>,
        %get3A_907 = vector.shape_cast %get3A_906 : vector<1x1x16xf32> to vector<16xf32>
        %add3A_908 = arith.addf %add3A_899, %get3A_907 : vector<16xf32>
        %add3A_909 = arith.constant 9 : i32
        %add3A_910 = arith.addi %mul3A_80, %add3A_909 : i32
        %get3A_911 = arith.constant 1 : i32
        %get3A_912 = arith.index_cast %get3A_911 : i32 to index
        %get3A_913 = arith.index_cast %add3A_910 : i32 to index
        %get3A_914 = arith.constant 64 : index
        %get3A_915 = tpu.vector_load %arg6[%get3A_912, %get3A_913, %get3A_914] {strides = array<i32>} : memref<2x80x128xf32, #tpu.memory_space<vmem>>, vector<1x1x16xf32>,
        %get3A_916 = vector.shape_cast %get3A_915 : vector<1x1x16xf32> to vector<16xf32>
        %add3A_917 = arith.addf %add3A_908, %get3A_916 : vector<16xf32>
        %add3A_918 = arith.constant 10 : i32
        %add3A_919 = arith.addi %mul3A_80, %add3A_918 : i32
        %get3A_920 = arith.constant 1 : i32
        %get3A_921 = arith.index_cast %get3A_920 : i32 to index
        %get3A_922 = arith.index_cast %add3A_919 : i32 to index
        %get3A_923 = arith.constant 64 : index
        %get3A_924 = tpu.vector_load %arg6[%get3A_921, %get3A_922, %get3A_923] {strides = array<i32>} : memref<2x80x128xf32, #tpu.memory_space<vmem>>, vector<1x1x16xf32>,
        %get3A_925 = vector.shape_cast %get3A_924 : vector<1x1x16xf32> to vector<16xf32>
        %add3A_926 = arith.addf %add3A_917, %get3A_925 : vector<16xf32>
        %add3A_927 = arith.constant 11 : i32
        %add3A_928 = arith.addi %mul3A_80, %add3A_927 : i32
        %get3A_929 = arith.constant 1 : i32
        %get3A_930 = arith.index_cast %get3A_929 : i32 to index
        %get3A_931 = arith.index_cast %add3A_928 : i32 to index
        %get3A_932 = arith.constant 64 : index
        %get3A_933 = tpu.vector_load %arg6[%get3A_930, %get3A_931, %get3A_932] {strides = array<i32>} : memref<2x80x128xf32, #tpu.memory_space<vmem>>, vector<1x1x16xf32>,
        %get3A_934 = vector.shape_cast %get3A_933 : vector<1x1x16xf32> to vector<16xf32>
        %add3A_935 = arith.addf %add3A_926, %get3A_934 : vector<16xf32>
        %add3A_936 = arith.constant 12 : i32
        %add3A_937 = arith.addi %mul3A_80, %add3A_936 : i32
        %get3A_938 = arith.constant 1 : i32
        %get3A_939 = arith.index_cast %get3A_938 : i32 to index
        %get3A_940 = arith.index_cast %add3A_937 : i32 to index
        %get3A_941 = arith.constant 64 : index
        %get3A_942 = tpu.vector_load %arg6[%get3A_939, %get3A_940, %get3A_941] {strides = array<i32>} : memref<2x80x128xf32, #tpu.memory_space<vmem>>, vector<1x1x16xf32>,
        %get3A_943 = vector.shape_cast %get3A_942 : vector<1x1x16xf32> to vector<16xf32>
        %add3A_944 = arith.addf %add3A_935, %get3A_943 : vector<16xf32>
        %add3A_945 = arith.constant 13 : i32
        %add3A_946 = arith.addi %mul3A_80, %add3A_945 : i32
        %get3A_947 = arith.constant 1 : i32
        %get3A_948 = arith.index_cast %get3A_947 : i32 to index
        %get3A_949 = arith.index_cast %add3A_946 : i32 to index
        %get3A_950 = arith.constant 64 : index
        %get3A_951 = tpu.vector_load %arg6[%get3A_948, %get3A_949, %get3A_950] {strides = array<i32>} : memref<2x80x128xf32, #tpu.memory_space<vmem>>, vector<1x1x16xf32>,
        %get3A_952 = vector.shape_cast %get3A_951 : vector<1x1x16xf32> to vector<16xf32>
        %add3A_953 = arith.addf %add3A_944, %get3A_952 : vector<16xf32>
        %add3A_954 = arith.constant 14 : i32
        %add3A_955 = arith.addi %mul3A_80, %add3A_954 : i32
        %get3A_956 = arith.constant 1 : i32
        %get3A_957 = arith.index_cast %get3A_956 : i32 to index
        %get3A_958 = arith.index_cast %add3A_955 : i32 to index
        %get3A_959 = arith.constant 64 : index
        %get3A_960 = tpu.vector_load %arg6[%get3A_957, %get3A_958, %get3A_959] {strides = array<i32>} : memref<2x80x128xf32, #tpu.memory_space<vmem>>, vector<1x1x16xf32>,
        %get3A_961 = vector.shape_cast %get3A_960 : vector<1x1x16xf32> to vector<16xf32>
        %add3A_962 = arith.addf %add3A_953, %get3A_961 : vector<16xf32>
        %add3A_963 = arith.constant 15 : i32
        %add3A_964 = arith.addi %mul3A_80, %add3A_963 : i32
        %get3A_965 = arith.constant 1 : i32
        %get3A_966 = arith.index_cast %get3A_965 : i32 to index
        %get3A_967 = arith.index_cast %add3A_964 : i32 to index
        %get3A_968 = arith.constant 64 : index
        %get3A_969 = tpu.vector_load %arg6[%get3A_966, %get3A_967, %get3A_968] {strides = array<i32>} : memref<2x80x128xf32, #tpu.memory_space<vmem>>, vector<1x1x16xf32>,
        %get3A_970 = vector.shape_cast %get3A_969 : vector<1x1x16xf32> to vector<16xf32>
        %add3A_971 = arith.addf %add3A_962, %get3A_970 : vector<16xf32>
        %add3A_972 = arith.constant 16 : i32
        %add3A_973 = arith.addi %mul3A_80, %add3A_972 : i32
        %get3A_974 = arith.constant 1 : i32
        %get3A_975 = arith.index_cast %get3A_974 : i32 to index
        %get3A_976 = arith.index_cast %add3A_973 : i32 to index
        %get3A_977 = arith.constant 64 : index
        %get3A_978 = tpu.vector_load %arg6[%get3A_975, %get3A_976, %get3A_977] {strides = array<i32>} : memref<2x80x128xf32, #tpu.memory_space<vmem>>, vector<1x1x16xf32>,
        %get3A_979 = vector.shape_cast %get3A_978 : vector<1x1x16xf32> to vector<16xf32>
        %add3A_980 = arith.addf %add3A_971, %get3A_979 : vector<16xf32>
        %add3A_981 = arith.constant 17 : i32
        %add3A_982 = arith.addi %mul3A_80, %add3A_981 : i32
        %get3A_983 = arith.constant 1 : i32
        %get3A_984 = arith.index_cast %get3A_983 : i32 to index
        %get3A_985 = arith.index_cast %add3A_982 : i32 to index
        %get3A_986 = arith.constant 64 : index
        %get3A_987 = tpu.vector_load %arg6[%get3A_984, %get3A_985, %get3A_986] {strides = array<i32>} : memref<2x80x128xf32, #tpu.memory_space<vmem>>, vector<1x1x16xf32>,
        %get3A_988 = vector.shape_cast %get3A_987 : vector<1x1x16xf32> to vector<16xf32>
        %add3A_989 = arith.addf %add3A_980, %get3A_988 : vector<16xf32>
        %add3A_990 = arith.constant 18 : i32
        %add3A_991 = arith.addi %mul3A_80, %add3A_990 : i32
        %get3A_992 = arith.constant 1 : i32
        %get3A_993 = arith.index_cast %get3A_992 : i32 to index
        %get3A_994 = arith.index_cast %add3A_991 : i32 to index
        %get3A_995 = arith.constant 64 : index
        %get3A_996 = tpu.vector_load %arg6[%get3A_993, %get3A_994, %get3A_995] {strides = array<i32>} : memref<2x80x128xf32, #tpu.memory_space<vmem>>, vector<1x1x16xf32>,
        %get3A_997 = vector.shape_cast %get3A_996 : vector<1x1x16xf32> to vector<16xf32>
        %add3A_998 = arith.addf %add3A_989, %get3A_997 : vector<16xf32>
        %add3A_999 = arith.constant 19 : i32
        %add3A_1000 = arith.addi %mul3A_80, %add3A_999 : i32
        %get3A_1001 = arith.constant 1 : i32
        %get3A_1002 = arith.index_cast %get3A_1001 : i32 to index
        %get3A_1003 = arith.index_cast %add3A_1000 : i32 to index
        %get3A_1004 = arith.constant 64 : index
        %get3A_1005 = tpu.vector_load %arg6[%get3A_1002, %get3A_1003, %get3A_1004] {strides = array<i32>} : memref<2x80x128xf32, #tpu.memory_space<vmem>>, vector<1x1x16xf32>,
        %get3A_1006 = vector.shape_cast %get3A_1005 : vector<1x1x16xf32> to vector<16xf32>
        %add3A_1007 = arith.addf %add3A_998, %get3A_1006 : vector<16xf32>
        %mul3A_1008 = arith.constant 5.000000e-02 : f32
        %mul3A_1009 = vector.broadcast %mul3A_1008 : f32 to vector<16xf32>
        %mul3A_1010 = arith.mulf %add3A_1007, %mul3A_1009 : vector<16xf32>
        %mul3A_1011 = arith.constant 4 : i32
        %mul3A_1012 = arith.muli %add3A_25, %mul3A_1011 : i32
        %add3A_1013 = arith.addi %mul3A_1012, %scan3A_77 : i32
        %swap3A_1014 = arith.index_cast %add3A_1013 : i32 to index
        %swap3A_1015 = arith.constant 64 : index
        %swap3A_1016 = tpu.vector_load %arg7[%swap3A_1014, %swap3A_1015] {strides = array<i32>} : memref<128x128xf32, #tpu.memory_space<vmem>>, vector<1x16xf32>,
        %swap3A_1017 = vector.shape_cast %swap3A_1016 : vector<1x16xf32> to vector<16xf32>
        %swap3A_1018 = vector.shape_cast %mul3A_1010 : vector<16xf32> to vector<1x16xf32>
        tpu.vector_store %arg7[%swap3A_1014, %swap3A_1015], %swap3A_1018 {strides = array<i32>} : memref<128x128xf32, #tpu.memory_space<vmem>>, vector<1x16xf32>,
        %get3A_1019 = arith.constant 1 : i32
        %get3A_1020 = arith.index_cast %get3A_1019 : i32 to index
        %get3A_1021 = arith.index_cast %mul3A_80 : i32 to index
        %get3A_1022 = arith.constant 80 : index
        %get3A_1023 = tpu.vector_load %arg6[%get3A_1020, %get3A_1021, %get3A_1022] {strides = array<i32>} : memref<2x80x128xf32, #tpu.memory_space<vmem>>, vector<1x1x16xf32>,
        %get3A_1024 = vector.shape_cast %get3A_1023 : vector<1x1x16xf32> to vector<16xf32>
        %add3A_1025 = arith.constant 1 : i32
        %add3A_1026 = arith.addi %mul3A_80, %add3A_1025 : i32
        %get3A_1027 = arith.constant 1 : i32
        %get3A_1028 = arith.index_cast %get3A_1027 : i32 to index
        %get3A_1029 = arith.index_cast %add3A_1026 : i32 to index
        %get3A_1030 = arith.constant 80 : index
        %get3A_1031 = tpu.vector_load %arg6[%get3A_1028, %get3A_1029, %get3A_1030] {strides = array<i32>} : memref<2x80x128xf32, #tpu.memory_space<vmem>>, vector<1x1x16xf32>,
        %get3A_1032 = vector.shape_cast %get3A_1031 : vector<1x1x16xf32> to vector<16xf32>
        %add3A_1033 = arith.addf %get3A_1024, %get3A_1032 : vector<16xf32>
        %add3A_1034 = arith.constant 2 : i32
        %add3A_1035 = arith.addi %mul3A_80, %add3A_1034 : i32
        %get3A_1036 = arith.constant 1 : i32
        %get3A_1037 = arith.index_cast %get3A_1036 : i32 to index
        %get3A_1038 = arith.index_cast %add3A_1035 : i32 to index
        %get3A_1039 = arith.constant 80 : index
        %get3A_1040 = tpu.vector_load %arg6[%get3A_1037, %get3A_1038, %get3A_1039] {strides = array<i32>} : memref<2x80x128xf32, #tpu.memory_space<vmem>>, vector<1x1x16xf32>,
        %get3A_1041 = vector.shape_cast %get3A_1040 : vector<1x1x16xf32> to vector<16xf32>
        %add3A_1042 = arith.addf %add3A_1033, %get3A_1041 : vector<16xf32>
        %add3A_1043 = arith.constant 3 : i32
        %add3A_1044 = arith.addi %mul3A_80, %add3A_1043 : i32
        %get3A_1045 = arith.constant 1 : i32
        %get3A_1046 = arith.index_cast %get3A_1045 : i32 to index
        %get3A_1047 = arith.index_cast %add3A_1044 : i32 to index
        %get3A_1048 = arith.constant 80 : index
        %get3A_1049 = tpu.vector_load %arg6[%get3A_1046, %get3A_1047, %get3A_1048] {strides = array<i32>} : memref<2x80x128xf32, #tpu.memory_space<vmem>>, vector<1x1x16xf32>,
        %get3A_1050 = vector.shape_cast %get3A_1049 : vector<1x1x16xf32> to vector<16xf32>
        %add3A_1051 = arith.addf %add3A_1042, %get3A_1050 : vector<16xf32>
        %add3A_1052 = arith.constant 4 : i32
        %add3A_1053 = arith.addi %mul3A_80, %add3A_1052 : i32
        %get3A_1054 = arith.constant 1 : i32
        %get3A_1055 = arith.index_cast %get3A_1054 : i32 to index
        %get3A_1056 = arith.index_cast %add3A_1053 : i32 to index
        %get3A_1057 = arith.constant 80 : index
        %get3A_1058 = tpu.vector_load %arg6[%get3A_1055, %get3A_1056, %get3A_1057] {strides = array<i32>} : memref<2x80x128xf32, #tpu.memory_space<vmem>>, vector<1x1x16xf32>,
        %get3A_1059 = vector.shape_cast %get3A_1058 : vector<1x1x16xf32> to vector<16xf32>
        %add3A_1060 = arith.addf %add3A_1051, %get3A_1059 : vector<16xf32>
        %add3A_1061 = arith.constant 5 : i32
        %add3A_1062 = arith.addi %mul3A_80, %add3A_1061 : i32
        %get3A_1063 = arith.constant 1 : i32
        %get3A_1064 = arith.index_cast %get3A_1063 : i32 to index
        %get3A_1065 = arith.index_cast %add3A_1062 : i32 to index
        %get3A_1066 = arith.constant 80 : index
        %get3A_1067 = tpu.vector_load %arg6[%get3A_1064, %get3A_1065, %get3A_1066] {strides = array<i32>} : memref<2x80x128xf32, #tpu.memory_space<vmem>>, vector<1x1x16xf32>,
        %get3A_1068 = vector.shape_cast %get3A_1067 : vector<1x1x16xf32> to vector<16xf32>
        %add3A_1069 = arith.addf %add3A_1060, %get3A_1068 : vector<16xf32>
        %add3A_1070 = arith.constant 6 : i32
        %add3A_1071 = arith.addi %mul3A_80, %add3A_1070 : i32
        %get3A_1072 = arith.constant 1 : i32
        %get3A_1073 = arith.index_cast %get3A_1072 : i32 to index
        %get3A_1074 = arith.index_cast %add3A_1071 : i32 to index
        %get3A_1075 = arith.constant 80 : index
        %get3A_1076 = tpu.vector_load %arg6[%get3A_1073, %get3A_1074, %get3A_1075] {strides = array<i32>} : memref<2x80x128xf32, #tpu.memory_space<vmem>>, vector<1x1x16xf32>,
        %get3A_1077 = vector.shape_cast %get3A_1076 : vector<1x1x16xf32> to vector<16xf32>
        %add3A_1078 = arith.addf %add3A_1069, %get3A_1077 : vector<16xf32>
        %add3A_1079 = arith.constant 7 : i32
        %add3A_1080 = arith.addi %mul3A_80, %add3A_1079 : i32
        %get3A_1081 = arith.constant 1 : i32
        %get3A_1082 = arith.index_cast %get3A_1081 : i32 to index
        %get3A_1083 = arith.index_cast %add3A_1080 : i32 to index
        %get3A_1084 = arith.constant 80 : index
        %get3A_1085 = tpu.vector_load %arg6[%get3A_1082, %get3A_1083, %get3A_1084] {strides = array<i32>} : memref<2x80x128xf32, #tpu.memory_space<vmem>>, vector<1x1x16xf32>,
        %get3A_1086 = vector.shape_cast %get3A_1085 : vector<1x1x16xf32> to vector<16xf32>
        %add3A_1087 = arith.addf %add3A_1078, %get3A_1086 : vector<16xf32>
        %add3A_1088 = arith.constant 8 : i32
        %add3A_1089 = arith.addi %mul3A_80, %add3A_1088 : i32
        %get3A_1090 = arith.constant 1 : i32
        %get3A_1091 = arith.index_cast %get3A_1090 : i32 to index
        %get3A_1092 = arith.index_cast %add3A_1089 : i32 to index
        %get3A_1093 = arith.constant 80 : index
        %get3A_1094 = tpu.vector_load %arg6[%get3A_1091, %get3A_1092, %get3A_1093] {strides = array<i32>} : memref<2x80x128xf32, #tpu.memory_space<vmem>>, vector<1x1x16xf32>,
        %get3A_1095 = vector.shape_cast %get3A_1094 : vector<1x1x16xf32> to vector<16xf32>
        %add3A_1096 = arith.addf %add3A_1087, %get3A_1095 : vector<16xf32>
        %add3A_1097 = arith.constant 9 : i32
        %add3A_1098 = arith.addi %mul3A_80, %add3A_1097 : i32
        %get3A_1099 = arith.constant 1 : i32
        %get3A_1100 = arith.index_cast %get3A_1099 : i32 to index
        %get3A_1101 = arith.index_cast %add3A_1098 : i32 to index
        %get3A_1102 = arith.constant 80 : index
        %get3A_1103 = tpu.vector_load %arg6[%get3A_1100, %get3A_1101, %get3A_1102] {strides = array<i32>} : memref<2x80x128xf32, #tpu.memory_space<vmem>>, vector<1x1x16xf32>,
        %get3A_1104 = vector.shape_cast %get3A_1103 : vector<1x1x16xf32> to vector<16xf32>
        %add3A_1105 = arith.addf %add3A_1096, %get3A_1104 : vector<16xf32>
        %add3A_1106 = arith.constant 10 : i32
        %add3A_1107 = arith.addi %mul3A_80, %add3A_1106 : i32
        %get3A_1108 = arith.constant 1 : i32
        %get3A_1109 = arith.index_cast %get3A_1108 : i32 to index
        %get3A_1110 = arith.index_cast %add3A_1107 : i32 to index
        %get3A_1111 = arith.constant 80 : index
        %get3A_1112 = tpu.vector_load %arg6[%get3A_1109, %get3A_1110, %get3A_1111] {strides = array<i32>} : memref<2x80x128xf32, #tpu.memory_space<vmem>>, vector<1x1x16xf32>,
        %get3A_1113 = vector.shape_cast %get3A_1112 : vector<1x1x16xf32> to vector<16xf32>
        %add3A_1114 = arith.addf %add3A_1105, %get3A_1113 : vector<16xf32>
        %add3A_1115 = arith.constant 11 : i32
        %add3A_1116 = arith.addi %mul3A_80, %add3A_1115 : i32
        %get3A_1117 = arith.constant 1 : i32
        %get3A_1118 = arith.index_cast %get3A_1117 : i32 to index
        %get3A_1119 = arith.index_cast %add3A_1116 : i32 to index
        %get3A_1120 = arith.constant 80 : index
        %get3A_1121 = tpu.vector_load %arg6[%get3A_1118, %get3A_1119, %get3A_1120] {strides = array<i32>} : memref<2x80x128xf32, #tpu.memory_space<vmem>>, vector<1x1x16xf32>,
        %get3A_1122 = vector.shape_cast %get3A_1121 : vector<1x1x16xf32> to vector<16xf32>
        %add3A_1123 = arith.addf %add3A_1114, %get3A_1122 : vector<16xf32>
        %add3A_1124 = arith.constant 12 : i32
        %add3A_1125 = arith.addi %mul3A_80, %add3A_1124 : i32
        %get3A_1126 = arith.constant 1 : i32
        %get3A_1127 = arith.index_cast %get3A_1126 : i32 to index
        %get3A_1128 = arith.index_cast %add3A_1125 : i32 to index
        %get3A_1129 = arith.constant 80 : index
        %get3A_1130 = tpu.vector_load %arg6[%get3A_1127, %get3A_1128, %get3A_1129] {strides = array<i32>} : memref<2x80x128xf32, #tpu.memory_space<vmem>>, vector<1x1x16xf32>,
        %get3A_1131 = vector.shape_cast %get3A_1130 : vector<1x1x16xf32> to vector<16xf32>
        %add3A_1132 = arith.addf %add3A_1123, %get3A_1131 : vector<16xf32>
        %add3A_1133 = arith.constant 13 : i32
        %add3A_1134 = arith.addi %mul3A_80, %add3A_1133 : i32
        %get3A_1135 = arith.constant 1 : i32
        %get3A_1136 = arith.index_cast %get3A_1135 : i32 to index
        %get3A_1137 = arith.index_cast %add3A_1134 : i32 to index
        %get3A_1138 = arith.constant 80 : index
        %get3A_1139 = tpu.vector_load %arg6[%get3A_1136, %get3A_1137, %get3A_1138] {strides = array<i32>} : memref<2x80x128xf32, #tpu.memory_space<vmem>>, vector<1x1x16xf32>,
        %get3A_1140 = vector.shape_cast %get3A_1139 : vector<1x1x16xf32> to vector<16xf32>
        %add3A_1141 = arith.addf %add3A_1132, %get3A_1140 : vector<16xf32>
        %add3A_1142 = arith.constant 14 : i32
        %add3A_1143 = arith.addi %mul3A_80, %add3A_1142 : i32
        %get3A_1144 = arith.constant 1 : i32
        %get3A_1145 = arith.index_cast %get3A_1144 : i32 to index
        %get3A_1146 = arith.index_cast %add3A_1143 : i32 to index
        %get3A_1147 = arith.constant 80 : index
        %get3A_1148 = tpu.vector_load %arg6[%get3A_1145, %get3A_1146, %get3A_1147] {strides = array<i32>} : memref<2x80x128xf32, #tpu.memory_space<vmem>>, vector<1x1x16xf32>,
        %get3A_1149 = vector.shape_cast %get3A_1148 : vector<1x1x16xf32> to vector<16xf32>
        %add3A_1150 = arith.addf %add3A_1141, %get3A_1149 : vector<16xf32>
        %add3A_1151 = arith.constant 15 : i32
        %add3A_1152 = arith.addi %mul3A_80, %add3A_1151 : i32
        %get3A_1153 = arith.constant 1 : i32
        %get3A_1154 = arith.index_cast %get3A_1153 : i32 to index
        %get3A_1155 = arith.index_cast %add3A_1152 : i32 to index
        %get3A_1156 = arith.constant 80 : index
        %get3A_1157 = tpu.vector_load %arg6[%get3A_1154, %get3A_1155, %get3A_1156] {strides = array<i32>} : memref<2x80x128xf32, #tpu.memory_space<vmem>>, vector<1x1x16xf32>,
        %get3A_1158 = vector.shape_cast %get3A_1157 : vector<1x1x16xf32> to vector<16xf32>
        %add3A_1159 = arith.addf %add3A_1150, %get3A_1158 : vector<16xf32>
        %add3A_1160 = arith.constant 16 : i32
        %add3A_1161 = arith.addi %mul3A_80, %add3A_1160 : i32
        %get3A_1162 = arith.constant 1 : i32
        %get3A_1163 = arith.index_cast %get3A_1162 : i32 to index
        %get3A_1164 = arith.index_cast %add3A_1161 : i32 to index
        %get3A_1165 = arith.constant 80 : index
        %get3A_1166 = tpu.vector_load %arg6[%get3A_1163, %get3A_1164, %get3A_1165] {strides = array<i32>} : memref<2x80x128xf32, #tpu.memory_space<vmem>>, vector<1x1x16xf32>,
        %get3A_1167 = vector.shape_cast %get3A_1166 : vector<1x1x16xf32> to vector<16xf32>
        %add3A_1168 = arith.addf %add3A_1159, %get3A_1167 : vector<16xf32>
        %add3A_1169 = arith.constant 17 : i32
        %add3A_1170 = arith.addi %mul3A_80, %add3A_1169 : i32
        %get3A_1171 = arith.constant 1 : i32
        %get3A_1172 = arith.index_cast %get3A_1171 : i32 to index
        %get3A_1173 = arith.index_cast %add3A_1170 : i32 to index
        %get3A_1174 = arith.constant 80 : index
        %get3A_1175 = tpu.vector_load %arg6[%get3A_1172, %get3A_1173, %get3A_1174] {strides = array<i32>} : memref<2x80x128xf32, #tpu.memory_space<vmem>>, vector<1x1x16xf32>,
        %get3A_1176 = vector.shape_cast %get3A_1175 : vector<1x1x16xf32> to vector<16xf32>
        %add3A_1177 = arith.addf %add3A_1168, %get3A_1176 : vector<16xf32>
        %add3A_1178 = arith.constant 18 : i32
        %add3A_1179 = arith.addi %mul3A_80, %add3A_1178 : i32
        %get3A_1180 = arith.constant 1 : i32
        %get3A_1181 = arith.index_cast %get3A_1180 : i32 to index
        %get3A_1182 = arith.index_cast %add3A_1179 : i32 to index
        %get3A_1183 = arith.constant 80 : index
        %get3A_1184 = tpu.vector_load %arg6[%get3A_1181, %get3A_1182, %get3A_1183] {strides = array<i32>} : memref<2x80x128xf32, #tpu.memory_space<vmem>>, vector<1x1x16xf32>,
        %get3A_1185 = vector.shape_cast %get3A_1184 : vector<1x1x16xf32> to vector<16xf32>
        %add3A_1186 = arith.addf %add3A_1177, %get3A_1185 : vector<16xf32>
        %add3A_1187 = arith.constant 19 : i32
        %add3A_1188 = arith.addi %mul3A_80, %add3A_1187 : i32
        %get3A_1189 = arith.constant 1 : i32
        %get3A_1190 = arith.index_cast %get3A_1189 : i32 to index
        %get3A_1191 = arith.index_cast %add3A_1188 : i32 to index
        %get3A_1192 = arith.constant 80 : index
        %get3A_1193 = tpu.vector_load %arg6[%get3A_1190, %get3A_1191, %get3A_1192] {strides = array<i32>} : memref<2x80x128xf32, #tpu.memory_space<vmem>>, vector<1x1x16xf32>,
        %get3A_1194 = vector.shape_cast %get3A_1193 : vector<1x1x16xf32> to vector<16xf32>
        %add3A_1195 = arith.addf %add3A_1186, %get3A_1194 : vector<16xf32>
        %mul3A_1196 = arith.constant 5.000000e-02 : f32
        %mul3A_1197 = vector.broadcast %mul3A_1196 : f32 to vector<16xf32>
        %mul3A_1198 = arith.mulf %add3A_1195, %mul3A_1197 : vector<16xf32>
        %mul3A_1199 = arith.constant 4 : i32
        %mul3A_1200 = arith.muli %add3A_25, %mul3A_1199 : i32
        %add3A_1201 = arith.addi %mul3A_1200, %scan3A_77 : i32
        %swap3A_1202 = arith.index_cast %add3A_1201 : i32 to index
        %swap3A_1203 = arith.constant 80 : index
        %swap3A_1204 = tpu.vector_load %arg7[%swap3A_1202, %swap3A_1203] {strides = array<i32>} : memref<128x128xf32, #tpu.memory_space<vmem>>, vector<1x16xf32>,
        %swap3A_1205 = vector.shape_cast %swap3A_1204 : vector<1x16xf32> to vector<16xf32>
        %swap3A_1206 = vector.shape_cast %mul3A_1198 : vector<16xf32> to vector<1x16xf32>
        tpu.vector_store %arg7[%swap3A_1202, %swap3A_1203], %swap3A_1206 {strides = array<i32>} : memref<128x128xf32, #tpu.memory_space<vmem>>, vector<1x16xf32>,
        %get3A_1207 = arith.constant 1 : i32
        %get3A_1208 = arith.index_cast %get3A_1207 : i32 to index
        %get3A_1209 = arith.index_cast %mul3A_80 : i32 to index
        %get3A_1210 = arith.constant 96 : index
        %get3A_1211 = tpu.vector_load %arg6[%get3A_1208, %get3A_1209, %get3A_1210] {strides = array<i32>} : memref<2x80x128xf32, #tpu.memory_space<vmem>>, vector<1x1x16xf32>,
        %get3A_1212 = vector.shape_cast %get3A_1211 : vector<1x1x16xf32> to vector<16xf32>
        %add3A_1213 = arith.constant 1 : i32
        %add3A_1214 = arith.addi %mul3A_80, %add3A_1213 : i32
        %get3A_1215 = arith.constant 1 : i32
        %get3A_1216 = arith.index_cast %get3A_1215 : i32 to index
        %get3A_1217 = arith.index_cast %add3A_1214 : i32 to index
        %get3A_1218 = arith.constant 96 : index
        %get3A_1219 = tpu.vector_load %arg6[%get3A_1216, %get3A_1217, %get3A_1218] {strides = array<i32>} : memref<2x80x128xf32, #tpu.memory_space<vmem>>, vector<1x1x16xf32>,
        %get3A_1220 = vector.shape_cast %get3A_1219 : vector<1x1x16xf32> to vector<16xf32>
        %add3A_1221 = arith.addf %get3A_1212, %get3A_1220 : vector<16xf32>
        %add3A_1222 = arith.constant 2 : i32
        %add3A_1223 = arith.addi %mul3A_80, %add3A_1222 : i32
        %get3A_1224 = arith.constant 1 : i32
        %get3A_1225 = arith.index_cast %get3A_1224 : i32 to index
        %get3A_1226 = arith.index_cast %add3A_1223 : i32 to index
        %get3A_1227 = arith.constant 96 : index
        %get3A_1228 = tpu.vector_load %arg6[%get3A_1225, %get3A_1226, %get3A_1227] {strides = array<i32>} : memref<2x80x128xf32, #tpu.memory_space<vmem>>, vector<1x1x16xf32>,
        %get3A_1229 = vector.shape_cast %get3A_1228 : vector<1x1x16xf32> to vector<16xf32>
        %add3A_1230 = arith.addf %add3A_1221, %get3A_1229 : vector<16xf32>
        %add3A_1231 = arith.constant 3 : i32
        %add3A_1232 = arith.addi %mul3A_80, %add3A_1231 : i32
        %get3A_1233 = arith.constant 1 : i32
        %get3A_1234 = arith.index_cast %get3A_1233 : i32 to index
        %get3A_1235 = arith.index_cast %add3A_1232 : i32 to index
        %get3A_1236 = arith.constant 96 : index
        %get3A_1237 = tpu.vector_load %arg6[%get3A_1234, %get3A_1235, %get3A_1236] {strides = array<i32>} : memref<2x80x128xf32, #tpu.memory_space<vmem>>, vector<1x1x16xf32>,
        %get3A_1238 = vector.shape_cast %get3A_1237 : vector<1x1x16xf32> to vector<16xf32>
        %add3A_1239 = arith.addf %add3A_1230, %get3A_1238 : vector<16xf32>
        %add3A_1240 = arith.constant 4 : i32
        %add3A_1241 = arith.addi %mul3A_80, %add3A_1240 : i32
        %get3A_1242 = arith.constant 1 : i32
        %get3A_1243 = arith.index_cast %get3A_1242 : i32 to index
        %get3A_1244 = arith.index_cast %add3A_1241 : i32 to index
        %get3A_1245 = arith.constant 96 : index
        %get3A_1246 = tpu.vector_load %arg6[%get3A_1243, %get3A_1244, %get3A_1245] {strides = array<i32>} : memref<2x80x128xf32, #tpu.memory_space<vmem>>, vector<1x1x16xf32>,
        %get3A_1247 = vector.shape_cast %get3A_1246 : vector<1x1x16xf32> to vector<16xf32>
        %add3A_1248 = arith.addf %add3A_1239, %get3A_1247 : vector<16xf32>
        %add3A_1249 = arith.constant 5 : i32
        %add3A_1250 = arith.addi %mul3A_80, %add3A_1249 : i32
        %get3A_1251 = arith.constant 1 : i32
        %get3A_1252 = arith.index_cast %get3A_1251 : i32 to index
        %get3A_1253 = arith.index_cast %add3A_1250 : i32 to index
        %get3A_1254 = arith.constant 96 : index
        %get3A_1255 = tpu.vector_load %arg6[%get3A_1252, %get3A_1253, %get3A_1254] {strides = array<i32>} : memref<2x80x128xf32, #tpu.memory_space<vmem>>, vector<1x1x16xf32>,
        %get3A_1256 = vector.shape_cast %get3A_1255 : vector<1x1x16xf32> to vector<16xf32>
        %add3A_1257 = arith.addf %add3A_1248, %get3A_1256 : vector<16xf32>
        %add3A_1258 = arith.constant 6 : i32
        %add3A_1259 = arith.addi %mul3A_80, %add3A_1258 : i32
        %get3A_1260 = arith.constant 1 : i32
        %get3A_1261 = arith.index_cast %get3A_1260 : i32 to index
        %get3A_1262 = arith.index_cast %add3A_1259 : i32 to index
        %get3A_1263 = arith.constant 96 : index
        %get3A_1264 = tpu.vector_load %arg6[%get3A_1261, %get3A_1262, %get3A_1263] {strides = array<i32>} : memref<2x80x128xf32, #tpu.memory_space<vmem>>, vector<1x1x16xf32>,
        %get3A_1265 = vector.shape_cast %get3A_1264 : vector<1x1x16xf32> to vector<16xf32>
        %add3A_1266 = arith.addf %add3A_1257, %get3A_1265 : vector<16xf32>
        %add3A_1267 = arith.constant 7 : i32
        %add3A_1268 = arith.addi %mul3A_80, %add3A_1267 : i32
        %get3A_1269 = arith.constant 1 : i32
        %get3A_1270 = arith.index_cast %get3A_1269 : i32 to index
        %get3A_1271 = arith.index_cast %add3A_1268 : i32 to index
        %get3A_1272 = arith.constant 96 : index
        %get3A_1273 = tpu.vector_load %arg6[%get3A_1270, %get3A_1271, %get3A_1272] {strides = array<i32>} : memref<2x80x128xf32, #tpu.memory_space<vmem>>, vector<1x1x16xf32>,
        %get3A_1274 = vector.shape_cast %get3A_1273 : vector<1x1x16xf32> to vector<16xf32>
        %add3A_1275 = arith.addf %add3A_1266, %get3A_1274 : vector<16xf32>
        %add3A_1276 = arith.constant 8 : i32
        %add3A_1277 = arith.addi %mul3A_80, %add3A_1276 : i32
        %get3A_1278 = arith.constant 1 : i32
        %get3A_1279 = arith.index_cast %get3A_1278 : i32 to index
        %get3A_1280 = arith.index_cast %add3A_1277 : i32 to index
        %get3A_1281 = arith.constant 96 : index
        %get3A_1282 = tpu.vector_load %arg6[%get3A_1279, %get3A_1280, %get3A_1281] {strides = array<i32>} : memref<2x80x128xf32, #tpu.memory_space<vmem>>, vector<1x1x16xf32>,
        %get3A_1283 = vector.shape_cast %get3A_1282 : vector<1x1x16xf32> to vector<16xf32>
        %add3A_1284 = arith.addf %add3A_1275, %get3A_1283 : vector<16xf32>
        %add3A_1285 = arith.constant 9 : i32
        %add3A_1286 = arith.addi %mul3A_80, %add3A_1285 : i32
        %get3A_1287 = arith.constant 1 : i32
        %get3A_1288 = arith.index_cast %get3A_1287 : i32 to index
        %get3A_1289 = arith.index_cast %add3A_1286 : i32 to index
        %get3A_1290 = arith.constant 96 : index
        %get3A_1291 = tpu.vector_load %arg6[%get3A_1288, %get3A_1289, %get3A_1290] {strides = array<i32>} : memref<2x80x128xf32, #tpu.memory_space<vmem>>, vector<1x1x16xf32>,
        %get3A_1292 = vector.shape_cast %get3A_1291 : vector<1x1x16xf32> to vector<16xf32>
        %add3A_1293 = arith.addf %add3A_1284, %get3A_1292 : vector<16xf32>
        %add3A_1294 = arith.constant 10 : i32
        %add3A_1295 = arith.addi %mul3A_80, %add3A_1294 : i32
        %get3A_1296 = arith.constant 1 : i32
        %get3A_1297 = arith.index_cast %get3A_1296 : i32 to index
        %get3A_1298 = arith.index_cast %add3A_1295 : i32 to index
        %get3A_1299 = arith.constant 96 : index
        %get3A_1300 = tpu.vector_load %arg6[%get3A_1297, %get3A_1298, %get3A_1299] {strides = array<i32>} : memref<2x80x128xf32, #tpu.memory_space<vmem>>, vector<1x1x16xf32>,
        %get3A_1301 = vector.shape_cast %get3A_1300 : vector<1x1x16xf32> to vector<16xf32>
        %add3A_1302 = arith.addf %add3A_1293, %get3A_1301 : vector<16xf32>
        %add3A_1303 = arith.constant 11 : i32
        %add3A_1304 = arith.addi %mul3A_80, %add3A_1303 : i32
        %get3A_1305 = arith.constant 1 : i32
        %get3A_1306 = arith.index_cast %get3A_1305 : i32 to index
        %get3A_1307 = arith.index_cast %add3A_1304 : i32 to index
        %get3A_1308 = arith.constant 96 : index
        %get3A_1309 = tpu.vector_load %arg6[%get3A_1306, %get3A_1307, %get3A_1308] {strides = array<i32>} : memref<2x80x128xf32, #tpu.memory_space<vmem>>, vector<1x1x16xf32>,
        %get3A_1310 = vector.shape_cast %get3A_1309 : vector<1x1x16xf32> to vector<16xf32>
        %add3A_1311 = arith.addf %add3A_1302, %get3A_1310 : vector<16xf32>
        %add3A_1312 = arith.constant 12 : i32
        %add3A_1313 = arith.addi %mul3A_80, %add3A_1312 : i32
        %get3A_1314 = arith.constant 1 : i32
        %get3A_1315 = arith.index_cast %get3A_1314 : i32 to index
        %get3A_1316 = arith.index_cast %add3A_1313 : i32 to index
        %get3A_1317 = arith.constant 96 : index
        %get3A_1318 = tpu.vector_load %arg6[%get3A_1315, %get3A_1316, %get3A_1317] {strides = array<i32>} : memref<2x80x128xf32, #tpu.memory_space<vmem>>, vector<1x1x16xf32>,
        %get3A_1319 = vector.shape_cast %get3A_1318 : vector<1x1x16xf32> to vector<16xf32>
        %add3A_1320 = arith.addf %add3A_1311, %get3A_1319 : vector<16xf32>
        %add3A_1321 = arith.constant 13 : i32
        %add3A_1322 = arith.addi %mul3A_80, %add3A_1321 : i32
        %get3A_1323 = arith.constant 1 : i32
        %get3A_1324 = arith.index_cast %get3A_1323 : i32 to index
        %get3A_1325 = arith.index_cast %add3A_1322 : i32 to index
        %get3A_1326 = arith.constant 96 : index
        %get3A_1327 = tpu.vector_load %arg6[%get3A_1324, %get3A_1325, %get3A_1326] {strides = array<i32>} : memref<2x80x128xf32, #tpu.memory_space<vmem>>, vector<1x1x16xf32>,
        %get3A_1328 = vector.shape_cast %get3A_1327 : vector<1x1x16xf32> to vector<16xf32>
        %add3A_1329 = arith.addf %add3A_1320, %get3A_1328 : vector<16xf32>
        %add3A_1330 = arith.constant 14 : i32
        %add3A_1331 = arith.addi %mul3A_80, %add3A_1330 : i32
        %get3A_1332 = arith.constant 1 : i32
        %get3A_1333 = arith.index_cast %get3A_1332 : i32 to index
        %get3A_1334 = arith.index_cast %add3A_1331 : i32 to index
        %get3A_1335 = arith.constant 96 : index
        %get3A_1336 = tpu.vector_load %arg6[%get3A_1333, %get3A_1334, %get3A_1335] {strides = array<i32>} : memref<2x80x128xf32, #tpu.memory_space<vmem>>, vector<1x1x16xf32>,
        %get3A_1337 = vector.shape_cast %get3A_1336 : vector<1x1x16xf32> to vector<16xf32>
        %add3A_1338 = arith.addf %add3A_1329, %get3A_1337 : vector<16xf32>
        %add3A_1339 = arith.constant 15 : i32
        %add3A_1340 = arith.addi %mul3A_80, %add3A_1339 : i32
        %get3A_1341 = arith.constant 1 : i32
        %get3A_1342 = arith.index_cast %get3A_1341 : i32 to index
        %get3A_1343 = arith.index_cast %add3A_1340 : i32 to index
        %get3A_1344 = arith.constant 96 : index
        %get3A_1345 = tpu.vector_load %arg6[%get3A_1342, %get3A_1343, %get3A_1344] {strides = array<i32>} : memref<2x80x128xf32, #tpu.memory_space<vmem>>, vector<1x1x16xf32>,
        %get3A_1346 = vector.shape_cast %get3A_1345 : vector<1x1x16xf32> to vector<16xf32>
        %add3A_1347 = arith.addf %add3A_1338, %get3A_1346 : vector<16xf32>
        %add3A_1348 = arith.constant 16 : i32
        %add3A_1349 = arith.addi %mul3A_80, %add3A_1348 : i32
        %get3A_1350 = arith.constant 1 : i32
        %get3A_1351 = arith.index_cast %get3A_1350 : i32 to index
        %get3A_1352 = arith.index_cast %add3A_1349 : i32 to index
        %get3A_1353 = arith.constant 96 : index
        %get3A_1354 = tpu.vector_load %arg6[%get3A_1351, %get3A_1352, %get3A_1353] {strides = array<i32>} : memref<2x80x128xf32, #tpu.memory_space<vmem>>, vector<1x1x16xf32>,
        %get3A_1355 = vector.shape_cast %get3A_1354 : vector<1x1x16xf32> to vector<16xf32>
        %add3A_1356 = arith.addf %add3A_1347, %get3A_1355 : vector<16xf32>
        %add3A_1357 = arith.constant 17 : i32
        %add3A_1358 = arith.addi %mul3A_80, %add3A_1357 : i32
        %get3A_1359 = arith.constant 1 : i32
        %get3A_1360 = arith.index_cast %get3A_1359 : i32 to index
        %get3A_1361 = arith.index_cast %add3A_1358 : i32 to index
        %get3A_1362 = arith.constant 96 : index
        %get3A_1363 = tpu.vector_load %arg6[%get3A_1360, %get3A_1361, %get3A_1362] {strides = array<i32>} : memref<2x80x128xf32, #tpu.memory_space<vmem>>, vector<1x1x16xf32>,
        %get3A_1364 = vector.shape_cast %get3A_1363 : vector<1x1x16xf32> to vector<16xf32>
        %add3A_1365 = arith.addf %add3A_1356, %get3A_1364 : vector<16xf32>
        %add3A_1366 = arith.constant 18 : i32
        %add3A_1367 = arith.addi %mul3A_80, %add3A_1366 : i32
        %get3A_1368 = arith.constant 1 : i32
        %get3A_1369 = arith.index_cast %get3A_1368 : i32 to index
        %get3A_1370 = arith.index_cast %add3A_1367 : i32 to index
        %get3A_1371 = arith.constant 96 : index
        %get3A_1372 = tpu.vector_load %arg6[%get3A_1369, %get3A_1370, %get3A_1371] {strides = array<i32>} : memref<2x80x128xf32, #tpu.memory_space<vmem>>, vector<1x1x16xf32>,
        %get3A_1373 = vector.shape_cast %get3A_1372 : vector<1x1x16xf32> to vector<16xf32>
        %add3A_1374 = arith.addf %add3A_1365, %get3A_1373 : vector<16xf32>
        %add3A_1375 = arith.constant 19 : i32
        %add3A_1376 = arith.addi %mul3A_80, %add3A_1375 : i32
        %get3A_1377 = arith.constant 1 : i32
        %get3A_1378 = arith.index_cast %get3A_1377 : i32 to index
        %get3A_1379 = arith.index_cast %add3A_1376 : i32 to index
        %get3A_1380 = arith.constant 96 : index
        %get3A_1381 = tpu.vector_load %arg6[%get3A_1378, %get3A_1379, %get3A_1380] {strides = array<i32>} : memref<2x80x128xf32, #tpu.memory_space<vmem>>, vector<1x1x16xf32>,
        %get3A_1382 = vector.shape_cast %get3A_1381 : vector<1x1x16xf32> to vector<16xf32>
        %add3A_1383 = arith.addf %add3A_1374, %get3A_1382 : vector<16xf32>
        %mul3A_1384 = arith.constant 5.000000e-02 : f32
        %mul3A_1385 = vector.broadcast %mul3A_1384 : f32 to vector<16xf32>
        %mul3A_1386 = arith.mulf %add3A_1383, %mul3A_1385 : vector<16xf32>
        %mul3A_1387 = arith.constant 4 : i32
        %mul3A_1388 = arith.muli %add3A_25, %mul3A_1387 : i32
        %add3A_1389 = arith.addi %mul3A_1388, %scan3A_77 : i32
        %swap3A_1390 = arith.index_cast %add3A_1389 : i32 to index
        %swap3A_1391 = arith.constant 96 : index
        %swap3A_1392 = tpu.vector_load %arg7[%swap3A_1390, %swap3A_1391] {strides = array<i32>} : memref<128x128xf32, #tpu.memory_space<vmem>>, vector<1x16xf32>,
        %swap3A_1393 = vector.shape_cast %swap3A_1392 : vector<1x16xf32> to vector<16xf32>
        %swap3A_1394 = vector.shape_cast %mul3A_1386 : vector<16xf32> to vector<1x16xf32>
        tpu.vector_store %arg7[%swap3A_1390, %swap3A_1391], %swap3A_1394 {strides = array<i32>} : memref<128x128xf32, #tpu.memory_space<vmem>>, vector<1x16xf32>,
        %get3A_1395 = arith.constant 1 : i32
        %get3A_1396 = arith.index_cast %get3A_1395 : i32 to index
        %get3A_1397 = arith.index_cast %mul3A_80 : i32 to index
        %get3A_1398 = arith.constant 112 : index
        %get3A_1399 = tpu.vector_load %arg6[%get3A_1396, %get3A_1397, %get3A_1398] {strides = array<i32>} : memref<2x80x128xf32, #tpu.memory_space<vmem>>, vector<1x1x16xf32>,
        %get3A_1400 = vector.shape_cast %get3A_1399 : vector<1x1x16xf32> to vector<16xf32>
        %add3A_1401 = arith.constant 1 : i32
        %add3A_1402 = arith.addi %mul3A_80, %add3A_1401 : i32
        %get3A_1403 = arith.constant 1 : i32
        %get3A_1404 = arith.index_cast %get3A_1403 : i32 to index
        %get3A_1405 = arith.index_cast %add3A_1402 : i32 to index
        %get3A_1406 = arith.constant 112 : index
        %get3A_1407 = tpu.vector_load %arg6[%get3A_1404, %get3A_1405, %get3A_1406] {strides = array<i32>} : memref<2x80x128xf32, #tpu.memory_space<vmem>>, vector<1x1x16xf32>,
        %get3A_1408 = vector.shape_cast %get3A_1407 : vector<1x1x16xf32> to vector<16xf32>
        %add3A_1409 = arith.addf %get3A_1400, %get3A_1408 : vector<16xf32>
        %add3A_1410 = arith.constant 2 : i32
        %add3A_1411 = arith.addi %mul3A_80, %add3A_1410 : i32
        %get3A_1412 = arith.constant 1 : i32
        %get3A_1413 = arith.index_cast %get3A_1412 : i32 to index
        %get3A_1414 = arith.index_cast %add3A_1411 : i32 to index
        %get3A_1415 = arith.constant 112 : index
        %get3A_1416 = tpu.vector_load %arg6[%get3A_1413, %get3A_1414, %get3A_1415] {strides = array<i32>} : memref<2x80x128xf32, #tpu.memory_space<vmem>>, vector<1x1x16xf32>,
        %get3A_1417 = vector.shape_cast %get3A_1416 : vector<1x1x16xf32> to vector<16xf32>
        %add3A_1418 = arith.addf %add3A_1409, %get3A_1417 : vector<16xf32>
        %add3A_1419 = arith.constant 3 : i32
        %add3A_1420 = arith.addi %mul3A_80, %add3A_1419 : i32
        %get3A_1421 = arith.constant 1 : i32
        %get3A_1422 = arith.index_cast %get3A_1421 : i32 to index
        %get3A_1423 = arith.index_cast %add3A_1420 : i32 to index
        %get3A_1424 = arith.constant 112 : index
        %get3A_1425 = tpu.vector_load %arg6[%get3A_1422, %get3A_1423, %get3A_1424] {strides = array<i32>} : memref<2x80x128xf32, #tpu.memory_space<vmem>>, vector<1x1x16xf32>,
        %get3A_1426 = vector.shape_cast %get3A_1425 : vector<1x1x16xf32> to vector<16xf32>
        %add3A_1427 = arith.addf %add3A_1418, %get3A_1426 : vector<16xf32>
        %add3A_1428 = arith.constant 4 : i32
        %add3A_1429 = arith.addi %mul3A_80, %add3A_1428 : i32
        %get3A_1430 = arith.constant 1 : i32
        %get3A_1431 = arith.index_cast %get3A_1430 : i32 to index
        %get3A_1432 = arith.index_cast %add3A_1429 : i32 to index
        %get3A_1433 = arith.constant 112 : index
        %get3A_1434 = tpu.vector_load %arg6[%get3A_1431, %get3A_1432, %get3A_1433] {strides = array<i32>} : memref<2x80x128xf32, #tpu.memory_space<vmem>>, vector<1x1x16xf32>,
        %get3A_1435 = vector.shape_cast %get3A_1434 : vector<1x1x16xf32> to vector<16xf32>
        %add3A_1436 = arith.addf %add3A_1427, %get3A_1435 : vector<16xf32>
        %add3A_1437 = arith.constant 5 : i32
        %add3A_1438 = arith.addi %mul3A_80, %add3A_1437 : i32
        %get3A_1439 = arith.constant 1 : i32
        %get3A_1440 = arith.index_cast %get3A_1439 : i32 to index
        %get3A_1441 = arith.index_cast %add3A_1438 : i32 to index
        %get3A_1442 = arith.constant 112 : index
        %get3A_1443 = tpu.vector_load %arg6[%get3A_1440, %get3A_1441, %get3A_1442] {strides = array<i32>} : memref<2x80x128xf32, #tpu.memory_space<vmem>>, vector<1x1x16xf32>,
        %get3A_1444 = vector.shape_cast %get3A_1443 : vector<1x1x16xf32> to vector<16xf32>
        %add3A_1445 = arith.addf %add3A_1436, %get3A_1444 : vector<16xf32>
        %add3A_1446 = arith.constant 6 : i32
        %add3A_1447 = arith.addi %mul3A_80, %add3A_1446 : i32
        %get3A_1448 = arith.constant 1 : i32
        %get3A_1449 = arith.index_cast %get3A_1448 : i32 to index
        %get3A_1450 = arith.index_cast %add3A_1447 : i32 to index
        %get3A_1451 = arith.constant 112 : index
        %get3A_1452 = tpu.vector_load %arg6[%get3A_1449, %get3A_1450, %get3A_1451] {strides = array<i32>} : memref<2x80x128xf32, #tpu.memory_space<vmem>>, vector<1x1x16xf32>,
        %get3A_1453 = vector.shape_cast %get3A_1452 : vector<1x1x16xf32> to vector<16xf32>
        %add3A_1454 = arith.addf %add3A_1445, %get3A_1453 : vector<16xf32>
        %add3A_1455 = arith.constant 7 : i32
        %add3A_1456 = arith.addi %mul3A_80, %add3A_1455 : i32
        %get3A_1457 = arith.constant 1 : i32
        %get3A_1458 = arith.index_cast %get3A_1457 : i32 to index
        %get3A_1459 = arith.index_cast %add3A_1456 : i32 to index
        %get3A_1460 = arith.constant 112 : index
        %get3A_1461 = tpu.vector_load %arg6[%get3A_1458, %get3A_1459, %get3A_1460] {strides = array<i32>} : memref<2x80x128xf32, #tpu.memory_space<vmem>>, vector<1x1x16xf32>,
        %get3A_1462 = vector.shape_cast %get3A_1461 : vector<1x1x16xf32> to vector<16xf32>
        %add3A_1463 = arith.addf %add3A_1454, %get3A_1462 : vector<16xf32>
        %add3A_1464 = arith.constant 8 : i32
        %add3A_1465 = arith.addi %mul3A_80, %add3A_1464 : i32
        %get3A_1466 = arith.constant 1 : i32
        %get3A_1467 = arith.index_cast %get3A_1466 : i32 to index
        %get3A_1468 = arith.index_cast %add3A_1465 : i32 to index
        %get3A_1469 = arith.constant 112 : index
        %get3A_1470 = tpu.vector_load %arg6[%get3A_1467, %get3A_1468, %get3A_1469] {strides = array<i32>} : memref<2x80x128xf32, #tpu.memory_space<vmem>>, vector<1x1x16xf32>,
        %get3A_1471 = vector.shape_cast %get3A_1470 : vector<1x1x16xf32> to vector<16xf32>
        %add3A_1472 = arith.addf %add3A_1463, %get3A_1471 : vector<16xf32>
        %add3A_1473 = arith.constant 9 : i32
        %add3A_1474 = arith.addi %mul3A_80, %add3A_1473 : i32
        %get3A_1475 = arith.constant 1 : i32
        %get3A_1476 = arith.index_cast %get3A_1475 : i32 to index
        %get3A_1477 = arith.index_cast %add3A_1474 : i32 to index
        %get3A_1478 = arith.constant 112 : index
        %get3A_1479 = tpu.vector_load %arg6[%get3A_1476, %get3A_1477, %get3A_1478] {strides = array<i32>} : memref<2x80x128xf32, #tpu.memory_space<vmem>>, vector<1x1x16xf32>,
        %get3A_1480 = vector.shape_cast %get3A_1479 : vector<1x1x16xf32> to vector<16xf32>
        %add3A_1481 = arith.addf %add3A_1472, %get3A_1480 : vector<16xf32>
        %add3A_1482 = arith.constant 10 : i32
        %add3A_1483 = arith.addi %mul3A_80, %add3A_1482 : i32
        %get3A_1484 = arith.constant 1 : i32
        %get3A_1485 = arith.index_cast %get3A_1484 : i32 to index
        %get3A_1486 = arith.index_cast %add3A_1483 : i32 to index
        %get3A_1487 = arith.constant 112 : index
        %get3A_1488 = tpu.vector_load %arg6[%get3A_1485, %get3A_1486, %get3A_1487] {strides = array<i32>} : memref<2x80x128xf32, #tpu.memory_space<vmem>>, vector<1x1x16xf32>,
        %get3A_1489 = vector.shape_cast %get3A_1488 : vector<1x1x16xf32> to vector<16xf32>
        %add3A_1490 = arith.addf %add3A_1481, %get3A_1489 : vector<16xf32>
        %add3A_1491 = arith.constant 11 : i32
        %add3A_1492 = arith.addi %mul3A_80, %add3A_1491 : i32
        %get3A_1493 = arith.constant 1 : i32
        %get3A_1494 = arith.index_cast %get3A_1493 : i32 to index
        %get3A_1495 = arith.index_cast %add3A_1492 : i32 to index
        %get3A_1496 = arith.constant 112 : index
        %get3A_1497 = tpu.vector_load %arg6[%get3A_1494, %get3A_1495, %get3A_1496] {strides = array<i32>} : memref<2x80x128xf32, #tpu.memory_space<vmem>>, vector<1x1x16xf32>,
        %get3A_1498 = vector.shape_cast %get3A_1497 : vector<1x1x16xf32> to vector<16xf32>
        %add3A_1499 = arith.addf %add3A_1490, %get3A_1498 : vector<16xf32>
        %add3A_1500 = arith.constant 12 : i32
        %add3A_1501 = arith.addi %mul3A_80, %add3A_1500 : i32
        %get3A_1502 = arith.constant 1 : i32
        %get3A_1503 = arith.index_cast %get3A_1502 : i32 to index
        %get3A_1504 = arith.index_cast %add3A_1501 : i32 to index
        %get3A_1505 = arith.constant 112 : index
        %get3A_1506 = tpu.vector_load %arg6[%get3A_1503, %get3A_1504, %get3A_1505] {strides = array<i32>} : memref<2x80x128xf32, #tpu.memory_space<vmem>>, vector<1x1x16xf32>,
        %get3A_1507 = vector.shape_cast %get3A_1506 : vector<1x1x16xf32> to vector<16xf32>
        %add3A_1508 = arith.addf %add3A_1499, %get3A_1507 : vector<16xf32>
        %add3A_1509 = arith.constant 13 : i32
        %add3A_1510 = arith.addi %mul3A_80, %add3A_1509 : i32
        %get3A_1511 = arith.constant 1 : i32
        %get3A_1512 = arith.index_cast %get3A_1511 : i32 to index
        %get3A_1513 = arith.index_cast %add3A_1510 : i32 to index
        %get3A_1514 = arith.constant 112 : index
        %get3A_1515 = tpu.vector_load %arg6[%get3A_1512, %get3A_1513, %get3A_1514] {strides = array<i32>} : memref<2x80x128xf32, #tpu.memory_space<vmem>>, vector<1x1x16xf32>,
        %get3A_1516 = vector.shape_cast %get3A_1515 : vector<1x1x16xf32> to vector<16xf32>
        %add3A_1517 = arith.addf %add3A_1508, %get3A_1516 : vector<16xf32>
        %add3A_1518 = arith.constant 14 : i32
        %add3A_1519 = arith.addi %mul3A_80, %add3A_1518 : i32
        %get3A_1520 = arith.constant 1 : i32
        %get3A_1521 = arith.index_cast %get3A_1520 : i32 to index
        %get3A_1522 = arith.index_cast %add3A_1519 : i32 to index
        %get3A_1523 = arith.constant 112 : index
        %get3A_1524 = tpu.vector_load %arg6[%get3A_1521, %get3A_1522, %get3A_1523] {strides = array<i32>} : memref<2x80x128xf32, #tpu.memory_space<vmem>>, vector<1x1x16xf32>,
        %get3A_1525 = vector.shape_cast %get3A_1524 : vector<1x1x16xf32> to vector<16xf32>
        %add3A_1526 = arith.addf %add3A_1517, %get3A_1525 : vector<16xf32>
        %add3A_1527 = arith.constant 15 : i32
        %add3A_1528 = arith.addi %mul3A_80, %add3A_1527 : i32
        %get3A_1529 = arith.constant 1 : i32
        %get3A_1530 = arith.index_cast %get3A_1529 : i32 to index
        %get3A_1531 = arith.index_cast %add3A_1528 : i32 to index
        %get3A_1532 = arith.constant 112 : index
        %get3A_1533 = tpu.vector_load %arg6[%get3A_1530, %get3A_1531, %get3A_1532] {strides = array<i32>} : memref<2x80x128xf32, #tpu.memory_space<vmem>>, vector<1x1x16xf32>,
        %get3A_1534 = vector.shape_cast %get3A_1533 : vector<1x1x16xf32> to vector<16xf32>
        %add3A_1535 = arith.addf %add3A_1526, %get3A_1534 : vector<16xf32>
        %add3A_1536 = arith.constant 16 : i32
        %add3A_1537 = arith.addi %mul3A_80, %add3A_1536 : i32
        %get3A_1538 = arith.constant 1 : i32
        %get3A_1539 = arith.index_cast %get3A_1538 : i32 to index
        %get3A_1540 = arith.index_cast %add3A_1537 : i32 to index
        %get3A_1541 = arith.constant 112 : index
        %get3A_1542 = tpu.vector_load %arg6[%get3A_1539, %get3A_1540, %get3A_1541] {strides = array<i32>} : memref<2x80x128xf32, #tpu.memory_space<vmem>>, vector<1x1x16xf32>,
        %get3A_1543 = vector.shape_cast %get3A_1542 : vector<1x1x16xf32> to vector<16xf32>
        %add3A_1544 = arith.addf %add3A_1535, %get3A_1543 : vector<16xf32>
        %add3A_1545 = arith.constant 17 : i32
        %add3A_1546 = arith.addi %mul3A_80, %add3A_1545 : i32
        %get3A_1547 = arith.constant 1 : i32
        %get3A_1548 = arith.index_cast %get3A_1547 : i32 to index
        %get3A_1549 = arith.index_cast %add3A_1546 : i32 to index
        %get3A_1550 = arith.constant 112 : index
        %get3A_1551 = tpu.vector_load %arg6[%get3A_1548, %get3A_1549, %get3A_1550] {strides = array<i32>} : memref<2x80x128xf32, #tpu.memory_space<vmem>>, vector<1x1x16xf32>,
        %get3A_1552 = vector.shape_cast %get3A_1551 : vector<1x1x16xf32> to vector<16xf32>
        %add3A_1553 = arith.addf %add3A_1544, %get3A_1552 : vector<16xf32>
        %add3A_1554 = arith.constant 18 : i32
        %add3A_1555 = arith.addi %mul3A_80, %add3A_1554 : i32
        %get3A_1556 = arith.constant 1 : i32
        %get3A_1557 = arith.index_cast %get3A_1556 : i32 to index
        %get3A_1558 = arith.index_cast %add3A_1555 : i32 to index
        %get3A_1559 = arith.constant 112 : index
        %get3A_1560 = tpu.vector_load %arg6[%get3A_1557, %get3A_1558, %get3A_1559] {strides = array<i32>} : memref<2x80x128xf32, #tpu.memory_space<vmem>>, vector<1x1x16xf32>,
        %get3A_1561 = vector.shape_cast %get3A_1560 : vector<1x1x16xf32> to vector<16xf32>
        %add3A_1562 = arith.addf %add3A_1553, %get3A_1561 : vector<16xf32>
        %add3A_1563 = arith.constant 19 : i32
        %add3A_1564 = arith.addi %mul3A_80, %add3A_1563 : i32
        %get3A_1565 = arith.constant 1 : i32
        %get3A_1566 = arith.index_cast %get3A_1565 : i32 to index
        %get3A_1567 = arith.index_cast %add3A_1564 : i32 to index
        %get3A_1568 = arith.constant 112 : index
        %get3A_1569 = tpu.vector_load %arg6[%get3A_1566, %get3A_1567, %get3A_1568] {strides = array<i32>} : memref<2x80x128xf32, #tpu.memory_space<vmem>>, vector<1x1x16xf32>,
        %get3A_1570 = vector.shape_cast %get3A_1569 : vector<1x1x16xf32> to vector<16xf32>
        %add3A_1571 = arith.addf %add3A_1562, %get3A_1570 : vector<16xf32>
        %mul3A_1572 = arith.constant 5.000000e-02 : f32
        %mul3A_1573 = vector.broadcast %mul3A_1572 : f32 to vector<16xf32>
        %mul3A_1574 = arith.mulf %add3A_1571, %mul3A_1573 : vector<16xf32>
        %mul3A_1575 = arith.constant 4 : i32
        %mul3A_1576 = arith.muli %add3A_25, %mul3A_1575 : i32
        %add3A_1577 = arith.addi %mul3A_1576, %scan3A_77 : i32
        %swap3A_1578 = arith.index_cast %add3A_1577 : i32 to index
        %swap3A_1579 = arith.constant 112 : index
        %swap3A_1580 = tpu.vector_load %arg7[%swap3A_1578, %swap3A_1579] {strides = array<i32>} : memref<128x128xf32, #tpu.memory_space<vmem>>, vector<1x16xf32>,
        %swap3A_1581 = vector.shape_cast %swap3A_1580 : vector<1x16xf32> to vector<16xf32>
        %swap3A_1582 = vector.shape_cast %mul3A_1574 : vector<16xf32> to vector<1x16xf32>
        tpu.vector_store %arg7[%swap3A_1578, %swap3A_1579], %swap3A_1582 {strides = array<i32>} : memref<128x128xf32, #tpu.memory_space<vmem>>, vector<1x16xf32>,
        %scan3A_1583 = arith.constant 0 : i32
        scf.yield %scan3A_1583 : i32
      }
      %scan3A_75 = arith.constant 4 : i32
      %scan3A_76 = arith.constant 0 : i32
      scf.yield %scan3A_76 : i32
    }
    %scan3A_19 = arith.constant 16 : i32
    "tpu.region"() ({
      %run_scoped3A = tpu.sem_alloc : memref<!tpu.dma_semaphore, #tpu.memory_space<semaphore_mem>>
      %dma_start3A_20 = arith.constant 0 : i32
      %dma_start3A_21 = tpu.memref_slice %arg4[%mul3A_2, %dma_start3A_20] : memref<4096x128xf32, #tpu.memory_space<hbm>> -> memref<128x128xf32, #tpu.memory_space<hbm>>
      %dma_start3A_22 = arith.constant 0 : i32
      %dma_start3A_23 = tpu.memref_slice %arg4[%mul3A_2, %dma_start3A_22] : memref<4096x128xf32, #tpu.memory_space<hbm>> -> memref<128x128xf32, #tpu.memory_space<hbm>>
      tpu.enqueue_dma source(%arg7 : memref<128x128xf32, #tpu.memory_space<vmem>>) target(%dma_start3A_23 : memref<128x128xf32, #tpu.memory_space<hbm>>) target_semaphore(%run_scoped3A : memref<!tpu.dma_semaphore, #tpu.memory_space<semaphore_mem>>)
      %dma_wait3A = arith.constant 0 : i32
      %dma_wait3A_24 = tpu.memref_slice %arg4[%mul3A_2, %dma_wait3A] : memref<4096x128xf32, #tpu.memory_space<hbm>> -> memref<128x128xf32, #tpu.memory_space<hbm>>
      %dma_wait3A_25 = arith.constant 0 : i32
      %dma_wait3A_26 = tpu.memref_slice %arg4[%mul3A_2, %dma_wait3A_25] : memref<4096x128xf32, #tpu.memory_space<hbm>> -> memref<128x128xf32, #tpu.memory_space<hbm>>
      tpu.wait_dma2 semaphore(%run_scoped3A : memref<!tpu.dma_semaphore, #tpu.memory_space<semaphore_mem>>) src(%arg7 : memref<128x128xf32, #tpu.memory_space<vmem>>) dst(%dma_wait3A_26 : memref<128x128xf32, #tpu.memory_space<hbm>>)
      tpu.yield
    }) : () -> ()
    return
  }
}

module attributes {stable_mosaic.version = 14 : i64} {
  func.func @_proj_kernel(%arg0: i32, %arg1: memref<1792x128xf32, #tpu.memory_space<vmem>>, %arg2: memref<4096x128xf32, #tpu.memory_space<vmem>>, %arg3: memref<8x1792xf32, #tpu.memory_space<vmem>>, %arg4: memref<1792x4096xf32, #tpu.memory_space<vmem>>) attributes {dimension_semantics = [#tpu.dimension_semantics<parallel>], iteration_bounds = array<i64: 56>, scalar_prefetch = 0 : i64, scratch_operands = 0 : i64, tpu.core_type = #tpu.core_type<tc>, window_params = [{transform_indices = @transform_0, window_bounds = array<i64: 1792, 128>}, {pipeline_mode = #tpu.pipeline_mode<synchronous>, transform_indices = @transform_1, window_bounds = array<i64: 4096, 128>}, {transform_indices = @transform_2, window_bounds = array<i64: 8, 1792>}, {transform_indices = @transform_3, window_bounds = array<i64: 1792, 4096>}]} {
    %get3A = arith.constant 0 : index
    %get3A_0 = arith.constant 0 : index
    %get3A_1 = vector.load %arg2[%get3A, %get3A_0] : memref<4096x128xf32, #tpu.memory_space<vmem>>, vector<4096x128xf32>
    %convert_element_type3A = arith.truncf %get3A_1 : vector<4096x128xf32> to vector<4096x128xbf16>
    %get3A_2 = arith.constant 0 : index
    %get3A_3 = arith.constant 0 : index
    %get3A_4 = vector.load %arg1[%get3A_2, %get3A_3] : memref<1792x128xf32, #tpu.memory_space<vmem>>, vector<1792x128xf32>
    %convert_element_type3A_5 = arith.truncf %get3A_4 : vector<1792x128xf32> to vector<1792x128xbf16>
    %dot_general3A = arith.constant dense<0.000000e+00> : vector<1792x4096xf32>
    %dot_general3A_6 = tpu.matmul %convert_element_type3A_5, %convert_element_type3A, %dot_general3A {dimension_numbers = #tpu.dot_dimension_numbers<[1], [1], [0], [0], [0, 0, 1, 0], [], []>, transpose_lhs_hint = false} : vector<1792x128xbf16>, vector<4096x128xbf16>, vector<1792x4096xf32> -> vector<1792x4096xf32>
    %get3A_7 = arith.constant 0 : index
    %get3A_8 = arith.constant 0 : index
    %get3A_9 = vector.load %arg3[%get3A_7, %get3A_8] : memref<8x1792xf32, #tpu.memory_space<vmem>>, vector<8x1792xf32>
    %transpose3A = tpu.transpose %get3A_9, [1, 0] : vector<8x1792xf32> -> vector<1792x8xf32>
    %slice3A = vector.extract_strided_slice %transpose3A {offsets = [0, 0], sizes = [1792, 1], strides = [1, 1]} : vector<1792x8xf32> to vector<1792x1xf32>
    %add3A = vector.broadcast %slice3A : vector<1792x1xf32> to vector<1792x4096xf32>
    %add3A_10 = arith.addf %dot_general3A_6, %add3A : vector<1792x4096xf32>
    %swap3A = arith.constant 0 : index
    %swap3A_11 = arith.constant 0 : index
    %swap3A_12 = vector.load %arg4[%swap3A, %swap3A_11] : memref<1792x4096xf32, #tpu.memory_space<vmem>>, vector<1792x4096xf32>
    tpu.vector_store %arg4[%swap3A, %swap3A_11], %add3A_10 {strides = array<i32>} : memref<1792x4096xf32, #tpu.memory_space<vmem>>, vector<1792x4096xf32>,
    return
  }
  func.func @transform_0(%arg0: i32) -> (i32, i32) {
    %c0_i32 = arith.constant 0 : i32
    %c0_i32_0 = arith.constant 0 : i32
    return %arg0, %c0_i32 : i32, i32
  }
  func.func @transform_1(%arg0: i32) -> (i32, i32) {
    %c0_i32 = arith.constant 0 : i32
    %c0_i32_0 = arith.constant 0 : i32
    %c0_i32_1 = arith.constant 0 : i32
    return %c0_i32, %c0_i32_0 : i32, i32
  }
  func.func @transform_2(%arg0: i32) -> (i32, i32) {
    %c0_i32 = arith.constant 0 : i32
    %c0_i32_0 = arith.constant 0 : i32
    return %c0_i32, %arg0 : i32, i32
  }
  func.func @transform_3(%arg0: i32) -> (i32, i32) {
    %c0_i32 = arith.constant 0 : i32
    %c0_i32_0 = arith.constant 0 : i32
    return %arg0, %c0_i32 : i32, i32
  }
}

</mosaic_0001>

<sc_bundles>
// kernel: kernel.4.cloned.1.call-start
scs
__scs_entry_jumppad:
0x0: {  	(pc) =	sbr.rel $0x88, $3  }
0x1: {  	(tag) =	ssettag $0x0;
	lr =	simm.s32 $0x1  }
0x2: {  	[smem:$0x3F9D] =	sst lr;
	_ =	strace $0xD0000000  }
0x3: {  	_ = 	snop  }
0x4: {  	_ = 	snop  }
0x5: {  	_ = 	snop  }
0x6: {  	_ = 	snop  }
0x7: {  	_ = 	snop  }
__scs_overlays_trampoline_lowered:
0x8: {  	[smem:$0x3FAC] =	sst s0  }
0x9: {  	[smem:$0x3FAD] =	sst s1  }
0xa: {  	[smem:$0x3FAE] =	sst s2  }
0xb: {  	[smem:$0x3FAF] =	sst s3  }
0xc: {  	[smem:$0x3FB0] =	sst s4  }
0xd: {  	[smem:$0x3FB1] =	sst s5  }
0xe: {  	[smem:$0x3FB2] =	sst s6  }
0xf: {  	[smem:$0x3FB3] =	sst s7  }
0x10: {  	[smem:$0x3FB4] =	sst s8  }
0x11: {  	[smem:$0x3FB5] =	sst s9;
	s0 =	simm.s32 @!p0 $0x0  }
0x12: {  	s1 =	sld [smem:$0x3F9B];
	s0 =	simm.s32 @p0 $0x1  }
0x13: {  	[smem:$0x3FB6] =	sst s0;
	s0 =	simm.s32 @!p1 $0x0  }
0x14: {  	s2 =	sld [smem:$0x3F9A];
	s0 =	simm.s32 @p1 $0x1  }
0x15: {  	[smem:$0x3FB7] =	sst s0;
	s0 =	simm.s32 @!p2 $0x0  }
0x16: {  	s3 =	sld [smem:$0x3FDB];
	s0 =	simm.s32 @p2 $0x1  }
0x17: {  	s4 =	simm.s32 $0x1BF5;
	[smem:$0x3FB9] =	sst s0  }
0x18: {  	s0 =	sld [smem:$0x3F9C];
	_ =	swait.ge [sflag:s4], $0x0  }
0x19: {  	s7 =	sld [smem:$0x3F9D]  }
0x1a: {  	s8 =	sadd.s32 $0xFFFFE003, lr  }
0x1b: {  	s9 =	sadd.s32 $0xFFFFFEF7, lr;
	s5 =	simm.s32 $0xFFFFFFFF;
	p2 =	slt.u32 s8, $0xFFFFF086  }
0x1c: {  	p1 =	slt.u32 s9, $0xF7A;
	s5 =	simm.s32 @!p2 $0x0  }
0x1d: {  	s5 =	simm.s32 @p1 $0x1;
	p0 =	seq.s32 s7, s2  }
0x1e: {  	s7 =	smul.u32 @!p0 $0xF7A, s2;
	p2 =	seq.s32 @!p0 s5, $0x0  }
0x1f: {  	s9 =	smul.u32 $0xF7A, s1;
	s8 =	simm.s32 @!p0 $0x1BF5;
	p2 =	por !p2, p0  }
0x20: {  	[sflag:s8] =	ssyncset.s32 @!p0 $0xFFFFF086;
	s6 =	sadd.s32 @!p0 s3, s7;
	s7 =	simm.s32 @!p0 $0x108  }
0x21: {  	s3 =	sadd.s32 s3, s9;
	s6 =	sadd.s32 @!p0 $0x88, s6;
	s7 =	simm.s32 @p2 $0x1082  }
0x22: {  	[simem:s7], [sflag:s8] =	dma.local @!p0 [hbm:s6], $0xF7A  }
0x23: {  	s9 =	sor.u32 $0xD0000000, s2;
	s6 =	simm.s32 $0x108;
	_ =	swait.ge @!p0 [sflag:s8], $0x0  }
0x24: {  	s3 =	sadd.s32 $0x88, s3;
	s6 =	simm.s32 @!p1 $0x1082;
	[sflag:s4] =	ssyncset.s32 $0xFFFFF086  }
0x25: {  	[simem:s6], [sflag:s4] =	dma.local [hbm:s3], $0xF7A  }
0x26: {  	[smem:$0x3F9D] =	sst s1;
	(tag) =	ssettag s2;
	_ =	strace s9  }
0x27: {  	s1 =	sld [smem:$0x3FAD]  }
0x28: {  	s2 =	sld [smem:$0x3FAE]  }
0x29: {  	s4 =	sld [smem:$0x3FB0]  }
0x2a: {  	p0 =	seq.s32 s5, $0x0;
	s5 =	sld [smem:$0x3FB1]  }
0x2b: {  	s6 =	sld [smem:$0x3FB2]  }
0x2c: {  	s7 =	sld [smem:$0x3FB3]  }
0x2d: {  	s3 =	simm.s32 $0x108;
	s8 =	sld [smem:$0x3FB4]  }
0x2e: {  	s3 =	simm.s32 @!p0 $0x1082;
	s9 =	sld [smem:$0x3FB5]  }
0x2f: {  	lr =	sadd.s32 s0, s3;
	s0 =	sld [smem:$0x3FAC]  }
0x30: {  	s3 =	sld [smem:$0x3FAF]  }
0x31: {  	[smem:$0x3FB8] =	sst s10  }
0x32: {  	s10 =	sld [smem:$0x3FB6];
	_ =	sdelay $0x3  }
0x33: {  	p0 =	seq.s32 s10, $0x1;
	s10 =	sld [smem:$0x3FB8];
	_ =	sdelay $0x3  }
0x34: {  	[smem:$0x3FB8] =	sst s10  }
0x35: {  	s10 =	sld [smem:$0x3FB7];
	_ =	sdelay $0x3  }
0x36: {  	p1 =	seq.s32 s10, $0x1;
	s10 =	sld [smem:$0x3FB8];
	_ =	sdelay $0x3  }
0x37: {  	[smem:$0x3FB8] =	sst s10  }
0x38: {  	s10 =	sld [smem:$0x3FB9]  }
0x39: {  	_ = 	snop;
	(pc) =	sbr.ind lr, $3  }
0x3a: {  	_ = 	snop  }
0x3b: {  	_ = 	snop  }
0x3c: {  	p2 =	seq.s32 s10, $0x1;
	s10 =	sld [smem:$0x3FB8]  }
0x3d: {  	_ =	shalt  }
0x3e: {  	_ =	shalt  }
0x3f: {  	_ =	shalt  }
0x40: {  	_ =	shalt  }
0x41: {  	_ =	shalt  }
0x42: {  	_ =	shalt  }
0x43: {  	_ =	shalt  }
0x44: {  	_ =	shalt  }
0x45: {  	_ =	shalt  }
0x46: {  	_ =	shalt  }
0x47: {  	_ =	shalt  }
0x48: {  	_ =	shalt  }
0x49: {  	_ =	shalt  }
0x4a: {  	_ =	shalt  }
0x4b: {  	_ =	shalt  }
0x4c: {  	_ =	shalt  }
0x4d: {  	_ =	shalt  }
0x4e: {  	_ =	shalt  }
0x4f: {  	_ =	shalt  }
0x50: {  	_ =	shalt  }
0x51: {  	_ =	shalt  }
0x52: {  	_ =	shalt  }
0x53: {  	_ =	shalt  }
0x54: {  	_ =	shalt  }
0x55: {  	_ =	shalt  }
0x56: {  	_ =	shalt  }
0x57: {  	_ =	shalt  }
0x58: {  	_ =	shalt  }
0x59: {  	_ =	shalt  }
0x5a: {  	_ =	shalt  }
0x5b: {  	_ =	shalt  }
0x5c: {  	_ =	shalt  }
0x5d: {  	_ =	shalt  }
0x5e: {  	_ =	shalt  }
0x5f: {  	_ =	shalt  }
0x60: {  	_ =	shalt  }
0x61: {  	_ =	shalt  }
0x62: {  	_ =	shalt  }
0x63: {  	_ =	shalt  }
0x64: {  	_ =	shalt  }
0x65: {  	_ =	shalt  }
0x66: {  	_ =	shalt  }
0x67: {  	_ =	shalt  }
0x68: {  	_ =	shalt  }
0x69: {  	_ =	shalt  }
0x6a: {  	_ =	shalt  }
0x6b: {  	_ =	shalt  }
0x6c: {  	_ =	shalt  }
0x6d: {  	_ =	shalt  }
0x6e: {  	_ =	shalt  }
0x6f: {  	_ =	shalt  }
0x70: {  	_ =	shalt  }
0x71: {  	_ =	shalt  }
0x72: {  	_ =	shalt  }
0x73: {  	_ =	shalt  }
0x74: {  	_ =	shalt  }
0x75: {  	_ =	shalt  }
0x76: {  	_ =	shalt  }
0x77: {  	_ =	shalt  }
0x78: {  	_ =	shalt  }
0x79: {  	_ =	shalt  }
0x7a: {  	_ =	shalt  }
0x7b: {  	_ =	shalt  }
0x7c: {  	_ =	shalt  }
0x7d: {  	_ =	shalt  }
0x7e: {  	_ =	shalt  }
0x7f: {  	_ =	shalt  }
0x80: {  	_ =	shalt  }
0x81: {  	_ =	shalt  }
0x82: {  	_ =	shalt  }
0x83: {  	_ =	shalt  }
0x84: {  	_ =	shalt  }
0x85: {  	_ =	shalt  }
0x86: {  	_ =	shalt  }
0x87: {  	_ =	shalt  }
.Lfunc_end0:
.L_simem_size_0:
called_computation_lowered:
.L_overlay_start_0:
0x88: {  	s2 =	sld [smem:$0x3FD9]  }
0x89: {  	s3 =	sld [smem:$0x3FFE];
	_ =	sdelay $0x1  }
0x8a: {  	s1 =	srdreg.scid  }
0x8b: {  	s0 =	sand.u32 $0x1, s1  }
0x8c: {  	s17 =	sshll.u32 s0, $0xA;
	s2 =	sadd.s32 s3, s2  }
0x8d: {  	s2 =	sadd.s32 s2, s17  }
0x8e: {  	[smem:$0x3FC4] =	sst s2  }
0x8f: {  	_ = 	snop  }
0x90: {  	s2 =	sld [smem:$0x3FC8]  }
0x91: {  	s18 =	sld [smem:$0x3FD0];
	(tm) =	ssettm $0x1  }
0x92: {  	s4 =	sld [smem:$0x3FFB];
	_ =	sdelay $0x3  }
0x93: {  	_ =	strace s4  }
0x94: {  	s4 =	sld [smem:$0x3FFC];
	_ =	sdelay $0x3  }
0x95: {  	_ =	strace s4  }
0x96: {  	s4 =	sld [smem:$0x3FFD];
	_ =	sdelay $0x3  }
0x97: {  	_ =	strace s4  }
0x98: {  	_ =	strace $0x8FFFFFFF  }
0x99: {  	s19 =	sld [smem:$0x3FDB];
	_ =	sdelay $0x1  }
0x9a: {  	s5 =	simm.s32 $_scs_section_size  }
0x9b: {  	s6 =	simm.s32 $_size__tile_overlayer_lowered;
	s7 =	simm.s32 $_tile_overlayer_lowered  }
0x9c: {  	s22 =	simm.s32 $0x1BFF;
	s21 =	sshll.u32 s7, $0x1;
	s4 =	sadd.s32 s5, s19  }
0x9d: {  	s8 =	simm.s32 $0x0;
	s20 =	sshll.u32 s6, $0x1;
	s6 =	sadd.s32 s21, s4  }
0x9e: {  	[timem:s8], [sflag:s22] =	dma.local [hbm:s6], s20  }
0x9f: {  	_ =	swait.ge [sflag:s22], s20  }
0xa0: {  	s5 =	ssub.s32 $0x0, s20;
	[sflag:s22] =	ssyncset.done $0x0  }
0xa1: {  	[sflag:s22] =	ssyncadd.s32 s5;
	_ =	sdelay $0x1  }
0xa2: {  	s23 =	simm.s32 $0x1B8B  }
0xa3: {  	_ =	swait.ge [sflag:s23], $0x1  }
0xa4: {  	[sflag:s23] =	ssyncset.done $0x0  }
0xa5: {  	s25 =	simm.s32 $0x1B8E;
	s24 =	sld [smem:$0x3FFE];
	[sflag:s23] =	ssyncadd.s32 $0xFFFFFFFF  }
0xa6: {  	s26 =	simm.s32 $execute0_lowered;
	[smem:$0x3FD2] =	sst s25  }
0xa7: {  	s6 =	sshll.u32 s26, $0x1;
	_ =	strace $0x80000046;
	[dreg:$0x1] =	wrdreg $0xFFFFFFFF  }
0xa8: {  	s28 =	simm.s32 $_size_execute0_lowered;
	s4 =	sadd.s32 s4, s6;
	[dreg:$0x0] =	wrdreg $0x0  }
0xa9: {  	s6 =	sshll.u32 s28, $0x1;
	[dreg:$0x2] =	wrdreg s4  }
0xaa: {  	[dreg:$0x3] =	wrdreg s6  }
0xab: {  	[dreg:$0x4] =	wrdreg $0xC0  }
0xac: {  	_ =	task [dreg:s8], $0x5FFFF  }
0xad: {  	[dreg:$0x1] =	wrdreg $0xFFFFFFFF  }
0xae: {  	[dreg:$0x0] =	wrdreg $0x60  }
0xaf: {  	[dreg:$0x2] =	wrdreg s18  }
0xb0: {  	[dreg:$0x3] =	wrdreg s2  }
0xb1: {  	[dreg:$0x4] =	wrdreg s24  }
0xb2: {  	[dreg:$0x5] =	wrdreg $0x9  }
0xb3: {  	_ =	task.clear_ibuf [dreg:s8], $0x6FFFF;
	_ =	strace $0x90000046  }
0xb4: {  	s29 =	simm.s32 $0x9;
	_ =	strace $0x80000048  }
0xb5: {  	_ =	swait.ge [sflag:s29], $0x1  }
0xb6: {  	[sflag:s29] =	ssyncadd.s32 $0xFFFFFFFF  }
0xb7: {  	_ =	strace $0x90000048  }
0xb8: {  	_ =	sfence  }
0xb9: {  	s30 =	sld [smem:$0x0];
	_ =	sdelay $0x2  }
0xba: {  	s31 =	sshll.u32 s1, $0xD;
	s1 =	sshrl.u32 s1, $0x2  }
0xbb: {  	s3 =	sand.u32 $0x4000, s31;
	s1 =	sadd.s32 s1, s30  }
0xbc: {  	s0 =	sor.u32 s3, s0;
	s1 =	sshll.u32 s1, $0x11  }
0xbd: {  	s0 =	sor.u32 s1, s0  }
0xbe: {  	s0 =	sadd.s32 $0x8F2B, s0  }
0xbf: {  	[sflag:s0] =	ssyncadd.remote.s32 $0x1  }
0xc0: {  	_ =	sfence.sel $0xFFFF  }
0xc1: {  	[dreg:$0x0] =	wrdreg $0xFFFFFFFF;
	(pc) =	sbr.abs _section_cstart, $3  }
0xc2: {  	[dreg:$0x1] =	wrdreg $0xFFFFFFFF  }
0xc3: {  	_ =	task.clear_ibuf [dreg:s8], $0x2FFFF;
	_ =	strace $0x9FFFFFFF  }
0xc4: {  	(tm) =	ssettm $0x7FFFFFFF  }
0xc5: {  	_ =	shalt  }
tec
execute0_lowered:
.L_overlay_start_1:
0x0: {  	(tag) =	ssettag $0x1  }
0x1: {  	s4 =	rddreg [dreg:$0x0]  }
0x2: {  	s2 =	rddreg [dreg:$0x1]  }
0x3: {  	s5 =	rddreg [dreg:$0x2]  }
0x4: {  	s0 =	rddreg [dreg:$0x3];
	s6 =	srdreg.scid  }
0x5: {  	s1 =	stileid.u32;
	s3 =	simm.s32 $0x0;
	s9 =	simm.s32 $0xA00  }
0x6: {  	s10 =	simm.s32 $0x3200;
	s11 =	simm.s32 $0x1;
	s12 =	simm.s32 $0x2  }
0x7: {  	s13 =	simm.s32 $0x5A00;
	s6 =	sand.u32 $0x1, s6;
	s7 =	sshll.u32 s1, $0x1  }
0x8: {  	s14 =	simm.s32 $0x0;
	[smem:$0x7FF] =	sst s3;
	s7 =	sor.u32 s6, s7  }
0x9: {  	s6 =	ssub.s32 $0x2, s6;
	s8 =	sshll.u32 s7, $0xB;
	s7 =	smul.u32 $0x140, s7  }
0xa: {  	_ =	strace $0x80000047;
	s31 =	sshrl.u32 s6, $0x1;
	s5 =	sadd.s32 s8, s5  }
0xb: {  	s6 =	ssub.s32 s6, s31;
	s8 =	simm.s32 $0x50;
	s4 =	sadd.s32 s4, s7  }
0xc: {  	s5 =	sadd.s32 $0x600, s5;
	s6 =	smax.u32 s6, $0x1;
	s7 =	simm.s32 $0x3  }
.LBB2_1:
0xd: {  	[tilespmem:s3], [sflag:$0x3] =	stream.linear.gather [hbm4b:s4+s3], $0xA00, $0x38;
	[tilespmem:$0x9A00] =	vst v63  }
0xe: {  	_ =	swait.ge [sflag:s7], $0xA00  }
0xf: {  	s15 =	simm.s32 $0x5A70;
	[sflag:s7] =	ssyncset.done $0x0  }
0x10: {  	s16 =	simm.s32 $0x5C70;
	s17 =	simm.s32 $0x0;
	[sflag:s7] =	ssyncadd.s32 $0xFFFFF600  }
0x11: {  	[tilespmem:s9], [sflag:$0x1] =	stream.indirect.gather [hbm4b:s2+s8], $0x80, s3, s8, $0xb8;
	[tilespmem:$0x9A00] =	vst v63  }
.LBB2_2:
0x12: {  	s18 =	sshllo.u32 s17, $0x1  }
0x13: {  	s18 =	smul.u32 $0x140, s18;
	_ =	sdelay $0x1  }
0x14: {  	s18 =	sshra.s32 s18, $0x2  }
0x15: {  	[tilespmem:s10], [sflag:$0x2] =	stream.indirect.gather [hbm4b:s2+s8], $0x80, s18, s8, $0xb8;
	[tilespmem:$0x9A00] =	vst v63  }
0x16: {  	_ =	swait.ge [sflag:s11], $0x2800  }
0x17: {  	[sflag:s11] =	ssyncset.done $0x0  }
0x18: {  	s18 =	simm.s32 $0xF00;
	[sflag:s11] =	ssyncadd.s32 $0xFFFFD800  }
0x19: {  	v0 =	vld [tilespmem:s18+$0xFFFFFB80]  }
0x1a: {  	v1 =	vld [tilespmem:s18+$0xFFFFFB00];
	_ =	sdelay $0x1  }
0x1b: {  	v2 =	vld [tilespmem:s18+$0xFFFFFC00];
	_ =	sdelay $0x1  }
0x1c: {  	v3 =	vld [tilespmem:s18+$0xFFFFFC80]  }
0x1d: {  	v0 =	vadd.f32 v0, v1  }
0x1e: {  	v1 =	vld [tilespmem:s18+$0xFFFFFD00]  }
0x1f: {  	v0 =	vadd.f32 v2, v0  }
0x20: {  	v2 =	vld [tilespmem:s18+$0xFFFFFD80]  }
0x21: {  	v0 =	vadd.f32 v3, v0  }
0x22: {  	v3 =	vld [tilespmem:s18+$0xFFFFFE00]  }
0x23: {  	v0 =	vadd.f32 v1, v0  }
0x24: {  	v1 =	vld [tilespmem:s18+$0xFFFFFE80]  }
0x25: {  	v0 =	vadd.f32 v2, v0  }
0x26: {  	v2 =	vld [tilespmem:s18+$0xFFFFFF00]  }
0x27: {  	v0 =	vadd.f32 v3, v0  }
0x28: {  	v3 =	vld [tilespmem:s18+$0xFFFFFF80]  }
0x29: {  	v0 =	vadd.f32 v1, v0  }
0x2a: {  	v1 =	vld [tilespmem:s18+$0x0]  }
0x2b: {  	v0 =	vadd.f32 v2, v0  }
0x2c: {  	v2 =	vld [tilespmem:s18+$0x80]  }
0x2d: {  	v0 =	vadd.f32 v3, v0  }
0x2e: {  	v3 =	vld [tilespmem:s18+$0x100]  }
0x2f: {  	v0 =	vadd.f32 v1, v0  }
0x30: {  	v1 =	vld [tilespmem:s18+$0x180]  }
0x31: {  	v0 =	vadd.f32 v2, v0  }
0x32: {  	v2 =	vld [tilespmem:s18+$0x200]  }
0x33: {  	v0 =	vadd.f32 v3, v0  }
0x34: {  	v3 =	vld [tilespmem:s18+$0x280]  }
0x35: {  	v0 =	vadd.f32 v1, v0  }
0x36: {  	v1 =	vld [tilespmem:s18+$0x300]  }
0x37: {  	v0 =	vadd.f32 v2, v0  }
0x38: {  	v2 =	vld [tilespmem:s18+$0x380]  }
0x39: {  	v0 =	vadd.f32 v3, v0  }
0x3a: {  	v3 =	vld [tilespmem:s18+$0x400]  }
0x3b: {  	v0 =	vadd.f32 v1, v0  }
0x3c: {  	v1 =	vld [tilespmem:s18+$0x480]  }
0x3d: {  	v0 =	vadd.f32 v2, v0;
	_ =	sdelay $0x1  }
0x3e: {  	v2 =	vadd.f32 v3, v0  }
0x3f: {  	v0 =	vmov s15  }
0x40: {  	v1 =	vadd.f32 v1, v2;
	_ =	sdelay $0x1  }
0x41: {  	v1 =	vmul.f32 $5.000000070e-02, v1  }
0x42: {  	s19 =	simm.s32 $0x0  }
0x43: {  	[tilespmem:v0+s19+$0xFFFFFF90 ss:$0x1] =	vst.idx.msk $0xffff, v1  }
0x44: {  	v1 =	vld [tilespmem:s18+$0xFFFFFB10]  }
0x45: {  	v2 =	vld [tilespmem:s18+$0xFFFFFB90];
	_ =	sdelay $0x1  }
0x46: {  	v3 =	vld [tilespmem:s18+$0xFFFFFC10];
	_ =	sdelay $0x1  }
0x47: {  	v4 =	vld [tilespmem:s18+$0xFFFFFC90]  }
0x48: {  	v1 =	vadd.f32 v2, v1  }
0x49: {  	v2 =	vld [tilespmem:s18+$0xFFFFFD10]  }
0x4a: {  	v1 =	vadd.f32 v3, v1  }
0x4b: {  	v3 =	vld [tilespmem:s18+$0xFFFFFD90]  }
0x4c: {  	v1 =	vadd.f32 v4, v1  }
0x4d: {  	v4 =	vld [tilespmem:s18+$0xFFFFFE10]  }
0x4e: {  	v1 =	vadd.f32 v2, v1  }
0x4f: {  	v2 =	vld [tilespmem:s18+$0xFFFFFE90]  }
0x50: {  	v1 =	vadd.f32 v3, v1  }
0x51: {  	v3 =	vld [tilespmem:s18+$0xFFFFFF10]  }
0x52: {  	v1 =	vadd.f32 v4, v1  }
0x53: {  	v4 =	vld [tilespmem:s18+$0xFFFFFF90]  }
0x54: {  	v1 =	vadd.f32 v2, v1  }
0x55: {  	v2 =	vld [tilespmem:s18+$0x10]  }
0x56: {  	v1 =	vadd.f32 v3, v1  }
0x57: {  	v3 =	vld [tilespmem:s18+$0x90]  }
0x58: {  	v1 =	vadd.f32 v4, v1  }
0x59: {  	v4 =	vld [tilespmem:s18+$0x110]  }
0x5a: {  	v1 =	vadd.f32 v2, v1  }
0x5b: {  	v2 =	vld [tilespmem:s18+$0x190]  }
0x5c: {  	v1 =	vadd.f32 v3, v1  }
0x5d: {  	v3 =	vld [tilespmem:s18+$0x210]  }
0x5e: {  	v1 =	vadd.f32 v4, v1  }
0x5f: {  	v4 =	vld [tilespmem:s18+$0x290]  }
0x60: {  	v1 =	vadd.f32 v2, v1  }
0x61: {  	v2 =	vld [tilespmem:s18+$0x310]  }
0x62: {  	v1 =	vadd.f32 v3, v1  }
0x63: {  	v3 =	vld [tilespmem:s18+$0x390]  }
0x64: {  	v1 =	vadd.f32 v4, v1  }
0x65: {  	v4 =	vld [tilespmem:s18+$0x410]  }
0x66: {  	v1 =	vadd.f32 v2, v1  }
0x67: {  	v2 =	vld [tilespmem:s18+$0x490]  }
0x68: {  	v1 =	vadd.f32 v3, v1;
	_ =	sdelay $0x1  }
0x69: {  	v1 =	vadd.f32 v4, v1;
	_ =	sdelay $0x1  }
0x6a: {  	v1 =	vadd.f32 v2, v1;
	_ =	sdelay $0x1  }
0x6b: {  	v1 =	vmul.f32 $5.000000070e-02, v1;
	_ =	sdelay $0x1  }
0x6c: {  	[tilespmem:v0+s19+$0xFFFFFFA0 ss:$0x1] =	vst.idx.msk $0xffff, v1  }
0x6d: {  	v1 =	vld [tilespmem:s18+$0xFFFFFB20]  }
0x6e: {  	v2 =	vld [tilespmem:s18+$0xFFFFFBA0];
	_ =	sdelay $0x1  }
0x6f: {  	v3 =	vld [tilespmem:s18+$0xFFFFFC20];
	_ =	sdelay $0x1  }
0x70: {  	v4 =	vld [tilespmem:s18+$0xFFFFFCA0]  }
0x71: {  	v1 =	vadd.f32 v2, v1  }
0x72: {  	v2 =	vld [tilespmem:s18+$0xFFFFFD20]  }
0x73: {  	v1 =	vadd.f32 v3, v1  }
0x74: {  	v3 =	vld [tilespmem:s18+$0xFFFFFDA0]  }
0x75: {  	v1 =	vadd.f32 v4, v1  }
0x76: {  	v4 =	vld [tilespmem:s18+$0xFFFFFE20]  }
0x77: {  	v1 =	vadd.f32 v2, v1  }
0x78: {  	v2 =	vld [tilespmem:s18+$0xFFFFFEA0]  }
0x79: {  	v1 =	vadd.f32 v3, v1  }
0x7a: {  	v3 =	vld [tilespmem:s18+$0xFFFFFF20]  }
0x7b: {  	v1 =	vadd.f32 v4, v1  }
0x7c: {  	v4 =	vld [tilespmem:s18+$0xFFFFFFA0]  }
0x7d: {  	v1 =	vadd.f32 v2, v1  }
0x7e: {  	v2 =	vld [tilespmem:s18+$0x20]  }
0x7f: {  	v1 =	vadd.f32 v3, v1  }
0x80: {  	v3 =	vld [tilespmem:s18+$0xA0]  }
0x81: {  	v1 =	vadd.f32 v4, v1  }
0x82: {  	v4 =	vld [tilespmem:s18+$0x120]  }
0x83: {  	v1 =	vadd.f32 v2, v1  }
0x84: {  	v2 =	vld [tilespmem:s18+$0x1A0]  }
0x85: {  	v1 =	vadd.f32 v3, v1  }
0x86: {  	v3 =	vld [tilespmem:s18+$0x220]  }
0x87: {  	v1 =	vadd.f32 v4, v1  }
0x88: {  	v4 =	vld [tilespmem:s18+$0x2A0]  }
0x89: {  	v1 =	vadd.f32 v2, v1  }
0x8a: {  	v2 =	vld [tilespmem:s18+$0x320]  }
0x8b: {  	v1 =	vadd.f32 v3, v1  }
0x8c: {  	v3 =	vld [tilespmem:s18+$0x3A0]  }
0x8d: {  	v1 =	vadd.f32 v4, v1  }
0x8e: {  	v4 =	vld [tilespmem:s18+$0x420]  }
0x8f: {  	v1 =	vadd.f32 v2, v1  }
0x90: {  	v2 =	vld [tilespmem:s18+$0x4A0]  }
0x91: {  	v1 =	vadd.f32 v3, v1;
	_ =	sdelay $0x1  }
0x92: {  	v1 =	vadd.f32 v4, v1;
	_ =	sdelay $0x1  }
0x93: {  	v1 =	vadd.f32 v2, v1;
	_ =	sdelay $0x1  }
0x94: {  	v1 =	vmul.f32 $5.000000070e-02, v1;
	_ =	sdelay $0x1  }
0x95: {  	[tilespmem:v0+s19+$0xFFFFFFB0 ss:$0x1] =	vst.idx.msk $0xffff, v1  }
0x96: {  	v1 =	vld [tilespmem:s18+$0xFFFFFB30]  }
0x97: {  	v2 =	vld [tilespmem:s18+$0xFFFFFBB0];
	_ =	sdelay $0x1  }
0x98: {  	v3 =	vld [tilespmem:s18+$0xFFFFFC30];
	_ =	sdelay $0x1  }
0x99: {  	v4 =	vld [tilespmem:s18+$0xFFFFFCB0]  }
0x9a: {  	v1 =	vadd.f32 v2, v1  }
0x9b: {  	v2 =	vld [tilespmem:s18+$0xFFFFFD30]  }
0x9c: {  	v1 =	vadd.f32 v3, v1  }
0x9d: {  	v3 =	vld [tilespmem:s18+$0xFFFFFDB0]  }
0x9e: {  	v1 =	vadd.f32 v4, v1  }
0x9f: {  	v4 =	vld [tilespmem:s18+$0xFFFFFE30]  }
0xa0: {  	v1 =	vadd.f32 v2, v1  }
0xa1: {  	v2 =	vld [tilespmem:s18+$0xFFFFFEB0]  }
0xa2: {  	v1 =	vadd.f32 v3, v1  }
0xa3: {  	v3 =	vld [tilespmem:s18+$0xFFFFFF30]  }
0xa4: {  	v1 =	vadd.f32 v4, v1  }
0xa5: {  	v4 =	vld [tilespmem:s18+$0xFFFFFFB0]  }
0xa6: {  	v1 =	vadd.f32 v2, v1  }
0xa7: {  	v2 =	vld [tilespmem:s18+$0x30]  }
0xa8: {  	v1 =	vadd.f32 v3, v1  }
0xa9: {  	v3 =	vld [tilespmem:s18+$0xB0]  }
0xaa: {  	v1 =	vadd.f32 v4, v1  }
0xab: {  	v4 =	vld [tilespmem:s18+$0x130]  }
0xac: {  	v1 =	vadd.f32 v2, v1  }
0xad: {  	v2 =	vld [tilespmem:s18+$0x1B0]  }
0xae: {  	v1 =	vadd.f32 v3, v1  }
0xaf: {  	v3 =	vld [tilespmem:s18+$0x230]  }
0xb0: {  	v1 =	vadd.f32 v4, v1  }
0xb1: {  	v4 =	vld [tilespmem:s18+$0x2B0]  }
0xb2: {  	v1 =	vadd.f32 v2, v1  }
0xb3: {  	v2 =	vld [tilespmem:s18+$0x330]  }
0xb4: {  	v1 =	vadd.f32 v3, v1  }
0xb5: {  	v3 =	vld [tilespmem:s18+$0x3B0]  }
0xb6: {  	v1 =	vadd.f32 v4, v1  }
0xb7: {  	v4 =	vld [tilespmem:s18+$0x430]  }
0xb8: {  	v1 =	vadd.f32 v2, v1  }
0xb9: {  	v2 =	vld [tilespmem:s18+$0x4B0]  }
0xba: {  	v1 =	vadd.f32 v3, v1;
	_ =	sdelay $0x1  }
0xbb: {  	v1 =	vadd.f32 v4, v1;
	_ =	sdelay $0x1  }
0xbc: {  	v1 =	vadd.f32 v2, v1;
	_ =	sdelay $0x1  }
0xbd: {  	v1 =	vmul.f32 $5.000000070e-02, v1;
	_ =	sdelay $0x1  }
0xbe: {  	[tilespmem:v0+s19+$0xFFFFFFC0 ss:$0x1] =	vst.idx.msk $0xffff, v1  }
0xbf: {  	v1 =	vld [tilespmem:s18+$0xFFFFFB40]  }
0xc0: {  	v2 =	vld [tilespmem:s18+$0xFFFFFBC0];
	_ =	sdelay $0x1  }
0xc1: {  	v3 =	vld [tilespmem:s18+$0xFFFFFC40];
	_ =	sdelay $0x1  }
0xc2: {  	v4 =	vld [tilespmem:s18+$0xFFFFFCC0]  }
0xc3: {  	v1 =	vadd.f32 v2, v1  }
0xc4: {  	v2 =	vld [tilespmem:s18+$0xFFFFFD40]  }
0xc5: {  	v1 =	vadd.f32 v3, v1  }
0xc6: {  	v3 =	vld [tilespmem:s18+$0xFFFFFDC0]  }
0xc7: {  	v1 =	vadd.f32 v4, v1  }
0xc8: {  	v4 =	vld [tilespmem:s18+$0xFFFFFE40]  }
0xc9: {  	v1 =	vadd.f32 v2, v1  }
0xca: {  	v2 =	vld [tilespmem:s18+$0xFFFFFEC0]  }
0xcb: {  	v1 =	vadd.f32 v3, v1  }
0xcc: {  	v3 =	vld [tilespmem:s18+$0xFFFFFF40]  }
0xcd: {  	v1 =	vadd.f32 v4, v1  }
0xce: {  	v4 =	vld [tilespmem:s18+$0xFFFFFFC0]  }
0xcf: {  	v1 =	vadd.f32 v2, v1  }
0xd0: {  	v2 =	vld [tilespmem:s18+$0x40]  }
0xd1: {  	v1 =	vadd.f32 v3, v1  }
0xd2: {  	v3 =	vld [tilespmem:s18+$0xC0]  }
0xd3: {  	v1 =	vadd.f32 v4, v1  }
0xd4: {  	v4 =	vld [tilespmem:s18+$0x140]  }
0xd5: {  	v1 =	vadd.f32 v2, v1  }
0xd6: {  	v2 =	vld [tilespmem:s18+$0x1C0]  }
0xd7: {  	v1 =	vadd.f32 v3, v1  }
0xd8: {  	v3 =	vld [tilespmem:s18+$0x240]  }
0xd9: {  	v1 =	vadd.f32 v4, v1  }
0xda: {  	v4 =	vld [tilespmem:s18+$0x2C0]  }
0xdb: {  	v1 =	vadd.f32 v2, v1  }
0xdc: {  	v2 =	vld [tilespmem:s18+$0x340]  }
0xdd: {  	v1 =	vadd.f32 v3, v1  }
0xde: {  	v3 =	vld [tilespmem:s18+$0x3C0]  }
0xdf: {  	v1 =	vadd.f32 v4, v1  }
0xe0: {  	v4 =	vld [tilespmem:s18+$0x440]  }
0xe1: {  	v1 =	vadd.f32 v2, v1  }
0xe2: {  	v2 =	vld [tilespmem:s18+$0x4C0]  }
0xe3: {  	v1 =	vadd.f32 v3, v1;
	_ =	sdelay $0x1  }
0xe4: {  	v1 =	vadd.f32 v4, v1;
	_ =	sdelay $0x1  }
0xe5: {  	v1 =	vadd.f32 v2, v1;
	_ =	sdelay $0x1  }
0xe6: {  	v1 =	vmul.f32 $5.000000070e-02, v1;
	_ =	sdelay $0x1  }
0xe7: {  	[tilespmem:v0+s19+$0xFFFFFFD0 ss:$0x1] =	vst.idx.msk $0xffff, v1  }
0xe8: {  	v1 =	vld [tilespmem:s18+$0xFFFFFB50]  }
0xe9: {  	v2 =	vld [tilespmem:s18+$0xFFFFFBD0];
	_ =	sdelay $0x1  }
0xea: {  	v3 =	vld [tilespmem:s18+$0xFFFFFC50];
	_ =	sdelay $0x1  }
0xeb: {  	v4 =	vld [tilespmem:s18+$0xFFFFFCD0]  }
0xec: {  	v1 =	vadd.f32 v2, v1  }
0xed: {  	v2 =	vld [tilespmem:s18+$0xFFFFFD50]  }
0xee: {  	v1 =	vadd.f32 v3, v1  }
0xef: {  	v3 =	vld [tilespmem:s18+$0xFFFFFDD0]  }
0xf0: {  	v1 =	vadd.f32 v4, v1  }
0xf1: {  	v4 =	vld [tilespmem:s18+$0xFFFFFE50]  }
0xf2: {  	v1 =	vadd.f32 v2, v1  }
0xf3: {  	v2 =	vld [tilespmem:s18+$0xFFFFFED0]  }
0xf4: {  	v1 =	vadd.f32 v3, v1  }
0xf5: {  	v3 =	vld [tilespmem:s18+$0xFFFFFF50]  }
0xf6: {  	v1 =	vadd.f32 v4, v1  }
0xf7: {  	v4 =	vld [tilespmem:s18+$0xFFFFFFD0]  }
0xf8: {  	v1 =	vadd.f32 v2, v1  }
0xf9: {  	v2 =	vld [tilespmem:s18+$0x50]  }
0xfa: {  	v1 =	vadd.f32 v3, v1  }
0xfb: {  	v3 =	vld [tilespmem:s18+$0xD0]  }
0xfc: {  	v1 =	vadd.f32 v4, v1  }
0xfd: {  	v4 =	vld [tilespmem:s18+$0x150]  }
0xfe: {  	v1 =	vadd.f32 v2, v1  }
0xff: {  	v2 =	vld [tilespmem:s18+$0x1D0]  }
0x100: {  	v1 =	vadd.f32 v3, v1  }
0x101: {  	v3 =	vld [tilespmem:s18+$0x250]  }
0x102: {  	v1 =	vadd.f32 v4, v1  }
0x103: {  	v4 =	vld [tilespmem:s18+$0x2D0]  }
0x104: {  	v1 =	vadd.f32 v2, v1  }
0x105: {  	v2 =	vld [tilespmem:s18+$0x350]  }
0x106: {  	v1 =	vadd.f32 v3, v1  }
0x107: {  	v3 =	vld [tilespmem:s18+$0x3D0]  }
0x108: {  	v1 =	vadd.f32 v4, v1  }
0x109: {  	v4 =	vld [tilespmem:s18+$0x450]  }
0x10a: {  	v1 =	vadd.f32 v2, v1  }
0x10b: {  	v2 =	vld [tilespmem:s18+$0x4D0]  }
0x10c: {  	v1 =	vadd.f32 v3, v1;
	_ =	sdelay $0x1  }
0x10d: {  	v1 =	vadd.f32 v4, v1;
	_ =	sdelay $0x1  }
0x10e: {  	v1 =	vadd.f32 v2, v1;
	_ =	sdelay $0x1  }
0x10f: {  	v1 =	vmul.f32 $5.000000070e-02, v1;
	_ =	sdelay $0x1  }
0x110: {  	[tilespmem:v0+s19+$0xFFFFFFE0 ss:$0x1] =	vst.idx.msk $0xffff, v1  }
0x111: {  	v1 =	vld [tilespmem:s18+$0xFFFFFB60]  }
0x112: {  	v2 =	vld [tilespmem:s18+$0xFFFFFBE0];
	_ =	sdelay $0x1  }
0x113: {  	v3 =	vld [tilespmem:s18+$0xFFFFFC60];
	_ =	sdelay $0x1  }
0x114: {  	v4 =	vld [tilespmem:s18+$0xFFFFFCE0]  }
0x115: {  	v1 =	vadd.f32 v2, v1  }
0x116: {  	v2 =	vld [tilespmem:s18+$0xFFFFFD60]  }
0x117: {  	v1 =	vadd.f32 v3, v1  }
0x118: {  	v3 =	vld [tilespmem:s18+$0xFFFFFDE0]  }
0x119: {  	v1 =	vadd.f32 v4, v1  }
0x11a: {  	v4 =	vld [tilespmem:s18+$0xFFFFFE60]  }
0x11b: {  	v1 =	vadd.f32 v2, v1  }
0x11c: {  	v2 =	vld [tilespmem:s18+$0xFFFFFEE0]  }
0x11d: {  	v1 =	vadd.f32 v3, v1  }
0x11e: {  	v3 =	vld [tilespmem:s18+$0xFFFFFF60]  }
0x11f: {  	v1 =	vadd.f32 v4, v1  }
0x120: {  	v4 =	vld [tilespmem:s18+$0xFFFFFFE0]  }
0x121: {  	v1 =	vadd.f32 v2, v1  }
0x122: {  	v2 =	vld [tilespmem:s18+$0x60]  }
0x123: {  	v1 =	vadd.f32 v3, v1  }
0x124: {  	v3 =	vld [tilespmem:s18+$0xE0]  }
0x125: {  	v1 =	vadd.f32 v4, v1  }
0x126: {  	v4 =	vld [tilespmem:s18+$0x160]  }
0x127: {  	v1 =	vadd.f32 v2, v1  }
0x128: {  	v2 =	vld [tilespmem:s18+$0x1E0]  }
0x129: {  	v1 =	vadd.f32 v3, v1  }
0x12a: {  	v3 =	vld [tilespmem:s18+$0x260]  }
0x12b: {  	v1 =	vadd.f32 v4, v1  }
0x12c: {  	v4 =	vld [tilespmem:s18+$0x2E0]  }
0x12d: {  	v1 =	vadd.f32 v2, v1  }
0x12e: {  	v2 =	vld [tilespmem:s18+$0x360]  }
0x12f: {  	v1 =	vadd.f32 v3, v1  }
0x130: {  	v3 =	vld [tilespmem:s18+$0x3E0]  }
0x131: {  	v1 =	vadd.f32 v4, v1  }
0x132: {  	v4 =	vld [tilespmem:s18+$0x460]  }
0x133: {  	v1 =	vadd.f32 v2, v1  }
0x134: {  	v2 =	vld [tilespmem:s18+$0x4E0]  }
0x135: {  	v1 =	vadd.f32 v3, v1;
	_ =	sdelay $0x1  }
0x136: {  	v1 =	vadd.f32 v4, v1;
	_ =	sdelay $0x1  }
0x137: {  	v1 =	vadd.f32 v2, v1;
	_ =	sdelay $0x1  }
0x138: {  	v1 =	vmul.f32 $5.000000070e-02, v1;
	_ =	sdelay $0x1  }
0x139: {  	[tilespmem:v0+s19+$0xFFFFFFF0 ss:$0x1] =	vst.idx.msk $0xffff, v1  }
0x13a: {  	v1 =	vld [tilespmem:s18+$0xFFFFFB70]  }
0x13b: {  	v2 =	vld [tilespmem:s18+$0xFFFFFBF0];
	_ =	sdelay $0x1  }
0x13c: {  	v3 =	vld [tilespmem:s18+$0xFFFFFC70];
	_ =	sdelay $0x1  }
0x13d: {  	v4 =	vld [tilespmem:s18+$0xFFFFFCF0]  }
0x13e: {  	v1 =	vadd.f32 v2, v1  }
0x13f: {  	v2 =	vld [tilespmem:s18+$0xFFFFFD70]  }
0x140: {  	v1 =	vadd.f32 v3, v1  }
0x141: {  	v3 =	vld [tilespmem:s18+$0xFFFFFDF0]  }
0x142: {  	v1 =	vadd.f32 v4, v1  }
0x143: {  	v4 =	vld [tilespmem:s18+$0xFFFFFE70]  }
0x144: {  	v1 =	vadd.f32 v2, v1  }
0x145: {  	v2 =	vld [tilespmem:s18+$0xFFFFFEF0]  }
0x146: {  	v1 =	vadd.f32 v3, v1  }
0x147: {  	v3 =	vld [tilespmem:s18+$0xFFFFFF70]  }
0x148: {  	v1 =	vadd.f32 v4, v1  }
0x149: {  	v4 =	vld [tilespmem:s18+$0xFFFFFFF0]  }
0x14a: {  	v1 =	vadd.f32 v2, v1  }
0x14b: {  	v2 =	vld [tilespmem:s18+$0x70]  }
0x14c: {  	v1 =	vadd.f32 v3, v1  }
0x14d: {  	v3 =	vld [tilespmem:s18+$0xF0]  }
0x14e: {  	v1 =	vadd.f32 v4, v1  }
0x14f: {  	v4 =	vld [tilespmem:s18+$0x170]  }
0x150: {  	v1 =	vadd.f32 v2, v1  }
0x151: {  	v2 =	vld [tilespmem:s18+$0x1F0]  }
0x152: {  	v1 =	vadd.f32 v3, v1  }
0x153: {  	v3 =	vld [tilespmem:s18+$0x270]  }
0x154: {  	v1 =	vadd.f32 v4, v1  }
0x155: {  	v4 =	vld [tilespmem:s18+$0x2F0]  }
0x156: {  	v1 =	vadd.f32 v2, v1  }
0x157: {  	v5 =	vld [tilespmem:s18+$0x370]  }
0x158: {  	v1 =	vadd.f32 v3, v1  }
0x159: {  	v3 =	vld [tilespmem:s18+$0x3F0]  }
0x15a: {  	v4 =	vadd.f32 v4, v1  }
0x15b: {  	v1 =	vld [tilespmem:s18+$0x470]  }
0x15c: {  	s20 =	simm.s32 $0x200;
	v2 =	vld [tilespmem:s18+$0x4F0];
	v4 =	vadd.f32 v5, v4  }
.LBB2_3:
0x15d: {  	p0 =	sne.s32 s20, $0x600  }
0x15e: {  	s18 =	sadd.s32 $0xA00, s18;
	s21 =	smov.u32 s20;
	s20 =	sadd.s32 $0x200, s20;
	v3 =	vadd.f32 v3, v4  }
0x15f: {  	_ = 	snop  }
0x160: {  	v1 =	vadd.f32 v1, v3;
	_ =	sdelay $0x1  }
0x161: {  	v1 =	vadd.f32 v2, v1;
	_ =	sdelay $0x1  }
0x162: {  	v1 =	vmul.f32 $5.000000070e-02, v1;
	_ =	sdelay $0x1  }
0x163: {  	[tilespmem:v0+s19+$0x0 ss:$0x1] =	vst.idx.msk $0xffff, v1  }
0x164: {  	v1 =	vld [tilespmem:s18+$0xFFFFFB80]  }
0x165: {  	v2 =	vld [tilespmem:s18+$0xFFFFFB00]  }
0x166: {  	v3 =	vld [tilespmem:s18+$0xFFFFFC00];
	_ =	sdelay $0x2  }
0x167: {  	v4 =	vld [tilespmem:s18+$0xFFFFFC80]  }
0x168: {  	v1 =	vadd.f32 v1, v2  }
0x169: {  	v2 =	vld [tilespmem:s18+$0xFFFFFD00]  }
0x16a: {  	v1 =	vadd.f32 v3, v1  }
0x16b: {  	v3 =	vld [tilespmem:s18+$0xFFFFFD80]  }
0x16c: {  	v1 =	vadd.f32 v4, v1  }
0x16d: {  	v4 =	vld [tilespmem:s18+$0xFFFFFE00]  }
0x16e: {  	v1 =	vadd.f32 v2, v1  }
0x16f: {  	v2 =	vld [tilespmem:s18+$0xFFFFFE80]  }
0x170: {  	v1 =	vadd.f32 v3, v1  }
0x171: {  	v3 =	vld [tilespmem:s18+$0xFFFFFF00]  }
0x172: {  	v1 =	vadd.f32 v4, v1  }
0x173: {  	v4 =	vld [tilespmem:s18+$0xFFFFFF80]  }
0x174: {  	v1 =	vadd.f32 v2, v1  }
0x175: {  	v2 =	vld [tilespmem:s18+$0x0]  }
0x176: {  	v1 =	vadd.f32 v3, v1  }
0x177: {  	v3 =	vld [tilespmem:s18+$0x80]  }
0x178: {  	v1 =	vadd.f32 v4, v1  }
0x179: {  	v4 =	vld [tilespmem:s18+$0x100]  }
0x17a: {  	v1 =	vadd.f32 v2, v1  }
0x17b: {  	v2 =	vld [tilespmem:s18+$0x180]  }
0x17c: {  	v1 =	vadd.f32 v3, v1  }
0x17d: {  	v3 =	vld [tilespmem:s18+$0x200]  }
0x17e: {  	v1 =	vadd.f32 v4, v1  }
0x17f: {  	v4 =	vld [tilespmem:s18+$0x280]  }
0x180: {  	v1 =	vadd.f32 v2, v1  }
0x181: {  	v2 =	vld [tilespmem:s18+$0x300]  }
0x182: {  	v1 =	vadd.f32 v3, v1  }
0x183: {  	v3 =	vld [tilespmem:s18+$0x380]  }
0x184: {  	v1 =	vadd.f32 v4, v1  }
0x185: {  	v4 =	vld [tilespmem:s18+$0x400]  }
0x186: {  	v1 =	vadd.f32 v2, v1  }
0x187: {  	v2 =	vld [tilespmem:s18+$0x480]  }
0x188: {  	v1 =	vadd.f32 v3, v1;
	_ =	sdelay $0x1  }
0x189: {  	v1 =	vadd.f32 v4, v1;
	_ =	sdelay $0x1  }
0x18a: {  	v1 =	vadd.f32 v2, v1;
	_ =	sdelay $0x1  }
0x18b: {  	v1 =	vmul.f32 $5.000000070e-02, v1  }
0x18c: {  	s19 =	sshra.s32 s21, $0x2  }
0x18d: {  	[tilespmem:v0+s19+$0xFFFFFF90 ss:$0x1] =	vst.idx.msk $0xffff, v1  }
0x18e: {  	v1 =	vld [tilespmem:s18+$0xFFFFFB10]  }
0x18f: {  	v2 =	vld [tilespmem:s18+$0xFFFFFB90];
	_ =	sdelay $0x1  }
0x190: {  	v3 =	vld [tilespmem:s18+$0xFFFFFC10];
	_ =	sdelay $0x1  }
0x191: {  	v4 =	vld [tilespmem:s18+$0xFFFFFC90]  }
0x192: {  	v1 =	vadd.f32 v2, v1  }
0x193: {  	v2 =	vld [tilespmem:s18+$0xFFFFFD10]  }
0x194: {  	v1 =	vadd.f32 v3, v1  }
0x195: {  	v3 =	vld [tilespmem:s18+$0xFFFFFD90]  }
0x196: {  	v1 =	vadd.f32 v4, v1  }
0x197: {  	v4 =	vld [tilespmem:s18+$0xFFFFFE10]  }
0x198: {  	v1 =	vadd.f32 v2, v1  }
0x199: {  	v2 =	vld [tilespmem:s18+$0xFFFFFE90]  }
0x19a: {  	v1 =	vadd.f32 v3, v1  }
0x19b: {  	v3 =	vld [tilespmem:s18+$0xFFFFFF10]  }
0x19c: {  	v1 =	vadd.f32 v4, v1  }
0x19d: {  	v4 =	vld [tilespmem:s18+$0xFFFFFF90]  }
0x19e: {  	v1 =	vadd.f32 v2, v1  }
0x19f: {  	v2 =	vld [tilespmem:s18+$0x10]  }
0x1a0: {  	v1 =	vadd.f32 v3, v1  }
0x1a1: {  	v3 =	vld [tilespmem:s18+$0x90]  }
0x1a2: {  	v1 =	vadd.f32 v4, v1  }
0x1a3: {  	v4 =	vld [tilespmem:s18+$0x110]  }
0x1a4: {  	v1 =	vadd.f32 v2, v1  }
0x1a5: {  	v2 =	vld [tilespmem:s18+$0x190]  }
0x1a6: {  	v1 =	vadd.f32 v3, v1  }
0x1a7: {  	v3 =	vld [tilespmem:s18+$0x210]  }
0x1a8: {  	v1 =	vadd.f32 v4, v1  }
0x1a9: {  	v4 =	vld [tilespmem:s18+$0x290]  }
0x1aa: {  	v1 =	vadd.f32 v2, v1  }
0x1ab: {  	v2 =	vld [tilespmem:s18+$0x310]  }
0x1ac: {  	v1 =	vadd.f32 v3, v1  }
0x1ad: {  	v3 =	vld [tilespmem:s18+$0x390]  }
0x1ae: {  	v1 =	vadd.f32 v4, v1  }
0x1af: {  	v4 =	vld [tilespmem:s18+$0x410]  }
0x1b0: {  	v1 =	vadd.f32 v2, v1  }
0x1b1: {  	v2 =	vld [tilespmem:s18+$0x490]  }
0x1b2: {  	v1 =	vadd.f32 v3, v1;
	_ =	sdelay $0x1  }
0x1b3: {  	v1 =	vadd.f32 v4, v1;
	_ =	sdelay $0x1  }
0x1b4: {  	v1 =	vadd.f32 v2, v1;
	_ =	sdelay $0x1  }
0x1b5: {  	v1 =	vmul.f32 $5.000000070e-02, v1;
	_ =	sdelay $0x1  }
0x1b6: {  	[tilespmem:v0+s19+$0xFFFFFFA0 ss:$0x1] =	vst.idx.msk $0xffff, v1  }
0x1b7: {  	v1 =	vld [tilespmem:s18+$0xFFFFFB20]  }
0x1b8: {  	v2 =	vld [tilespmem:s18+$0xFFFFFBA0];
	_ =	sdelay $0x1  }
0x1b9: {  	v3 =	vld [tilespmem:s18+$0xFFFFFC20];
	_ =	sdelay $0x1  }
0x1ba: {  	v4 =	vld [tilespmem:s18+$0xFFFFFCA0]  }
0x1bb: {  	v1 =	vadd.f32 v2, v1  }
0x1bc: {  	v2 =	vld [tilespmem:s18+$0xFFFFFD20]  }
0x1bd: {  	v1 =	vadd.f32 v3, v1  }
0x1be: {  	v3 =	vld [tilespmem:s18+$0xFFFFFDA0]  }
0x1bf: {  	v1 =	vadd.f32 v4, v1  }
0x1c0: {  	v4 =	vld [tilespmem:s18+$0xFFFFFE20]  }
0x1c1: {  	v1 =	vadd.f32 v2, v1  }
0x1c2: {  	v2 =	vld [tilespmem:s18+$0xFFFFFEA0]  }
0x1c3: {  	v1 =	vadd.f32 v3, v1  }
0x1c4: {  	v3 =	vld [tilespmem:s18+$0xFFFFFF20]  }
0x1c5: {  	v1 =	vadd.f32 v4, v1  }
0x1c6: {  	v4 =	vld [tilespmem:s18+$0xFFFFFFA0]  }
0x1c7: {  	v1 =	vadd.f32 v2, v1  }
0x1c8: {  	v2 =	vld [tilespmem:s18+$0x20]  }
0x1c9: {  	v1 =	vadd.f32 v3, v1  }
0x1ca: {  	v3 =	vld [tilespmem:s18+$0xA0]  }
0x1cb: {  	v1 =	vadd.f32 v4, v1  }
0x1cc: {  	v4 =	vld [tilespmem:s18+$0x120]  }
0x1cd: {  	v1 =	vadd.f32 v2, v1  }
0x1ce: {  	v2 =	vld [tilespmem:s18+$0x1A0]  }
0x1cf: {  	v1 =	vadd.f32 v3, v1  }
0x1d0: {  	v3 =	vld [tilespmem:s18+$0x220]  }
0x1d1: {  	v1 =	vadd.f32 v4, v1  }
0x1d2: {  	v4 =	vld [tilespmem:s18+$0x2A0]  }
0x1d3: {  	v1 =	vadd.f32 v2, v1  }
0x1d4: {  	v2 =	vld [tilespmem:s18+$0x320]  }
0x1d5: {  	v1 =	vadd.f32 v3, v1  }
0x1d6: {  	v3 =	vld [tilespmem:s18+$0x3A0]  }
0x1d7: {  	v1 =	vadd.f32 v4, v1  }
0x1d8: {  	v4 =	vld [tilespmem:s18+$0x420]  }
0x1d9: {  	v1 =	vadd.f32 v2, v1  }
0x1da: {  	v2 =	vld [tilespmem:s18+$0x4A0]  }
0x1db: {  	v1 =	vadd.f32 v3, v1;
	_ =	sdelay $0x1  }
0x1dc: {  	v1 =	vadd.f32 v4, v1;
	_ =	sdelay $0x1  }
0x1dd: {  	v1 =	vadd.f32 v2, v1;
	_ =	sdelay $0x1  }
0x1de: {  	v1 =	vmul.f32 $5.000000070e-02, v1;
	_ =	sdelay $0x1  }
0x1df: {  	[tilespmem:v0+s19+$0xFFFFFFB0 ss:$0x1] =	vst.idx.msk $0xffff, v1  }
0x1e0: {  	v1 =	vld [tilespmem:s18+$0xFFFFFB30]  }
0x1e1: {  	v2 =	vld [tilespmem:s18+$0xFFFFFBB0];
	_ =	sdelay $0x1  }
0x1e2: {  	v3 =	vld [tilespmem:s18+$0xFFFFFC30];
	_ =	sdelay $0x1  }
0x1e3: {  	v4 =	vld [tilespmem:s18+$0xFFFFFCB0]  }
0x1e4: {  	v1 =	vadd.f32 v2, v1  }
0x1e5: {  	v2 =	vld [tilespmem:s18+$0xFFFFFD30]  }
0x1e6: {  	v1 =	vadd.f32 v3, v1  }
0x1e7: {  	v3 =	vld [tilespmem:s18+$0xFFFFFDB0]  }
0x1e8: {  	v1 =	vadd.f32 v4, v1  }
0x1e9: {  	v4 =	vld [tilespmem:s18+$0xFFFFFE30]  }
0x1ea: {  	v1 =	vadd.f32 v2, v1  }
0x1eb: {  	v2 =	vld [tilespmem:s18+$0xFFFFFEB0]  }
0x1ec: {  	v1 =	vadd.f32 v3, v1  }
0x1ed: {  	v3 =	vld [tilespmem:s18+$0xFFFFFF30]  }
0x1ee: {  	v1 =	vadd.f32 v4, v1  }
0x1ef: {  	v4 =	vld [tilespmem:s18+$0xFFFFFFB0]  }
0x1f0: {  	v1 =	vadd.f32 v2, v1  }
0x1f1: {  	v2 =	vld [tilespmem:s18+$0x30]  }
0x1f2: {  	v1 =	vadd.f32 v3, v1  }
0x1f3: {  	v3 =	vld [tilespmem:s18+$0xB0]  }
0x1f4: {  	v1 =	vadd.f32 v4, v1  }
0x1f5: {  	v4 =	vld [tilespmem:s18+$0x130]  }
0x1f6: {  	v1 =	vadd.f32 v2, v1  }
0x1f7: {  	v2 =	vld [tilespmem:s18+$0x1B0]  }
0x1f8: {  	v1 =	vadd.f32 v3, v1  }
0x1f9: {  	v3 =	vld [tilespmem:s18+$0x230]  }
0x1fa: {  	v1 =	vadd.f32 v4, v1  }
0x1fb: {  	v4 =	vld [tilespmem:s18+$0x2B0]  }
0x1fc: {  	v1 =	vadd.f32 v2, v1  }
0x1fd: {  	v2 =	vld [tilespmem:s18+$0x330]  }
0x1fe: {  	v1 =	vadd.f32 v3, v1  }
0x1ff: {  	v3 =	vld [tilespmem:s18+$0x3B0]  }
0x200: {  	v1 =	vadd.f32 v4, v1  }
0x201: {  	v4 =	vld [tilespmem:s18+$0x430]  }
0x202: {  	v1 =	vadd.f32 v2, v1  }
0x203: {  	v2 =	vld [tilespmem:s18+$0x4B0]  }
0x204: {  	v1 =	vadd.f32 v3, v1;
	_ =	sdelay $0x1  }
0x205: {  	v1 =	vadd.f32 v4, v1;
	_ =	sdelay $0x1  }
0x206: {  	v1 =	vadd.f32 v2, v1;
	_ =	sdelay $0x1  }
0x207: {  	v1 =	vmul.f32 $5.000000070e-02, v1;
	_ =	sdelay $0x1  }
0x208: {  	[tilespmem:v0+s19+$0xFFFFFFC0 ss:$0x1] =	vst.idx.msk $0xffff, v1  }
0x209: {  	v1 =	vld [tilespmem:s18+$0xFFFFFB40]  }
0x20a: {  	v2 =	vld [tilespmem:s18+$0xFFFFFBC0];
	_ =	sdelay $0x1  }
0x20b: {  	v3 =	vld [tilespmem:s18+$0xFFFFFC40];
	_ =	sdelay $0x1  }
0x20c: {  	v4 =	vld [tilespmem:s18+$0xFFFFFCC0]  }
0x20d: {  	v1 =	vadd.f32 v2, v1  }
0x20e: {  	v2 =	vld [tilespmem:s18+$0xFFFFFD40]  }
0x20f: {  	v1 =	vadd.f32 v3, v1  }
0x210: {  	v3 =	vld [tilespmem:s18+$0xFFFFFDC0]  }
0x211: {  	v1 =	vadd.f32 v4, v1  }
0x212: {  	v4 =	vld [tilespmem:s18+$0xFFFFFE40]  }
0x213: {  	v1 =	vadd.f32 v2, v1  }
0x214: {  	v2 =	vld [tilespmem:s18+$0xFFFFFEC0]  }
0x215: {  	v1 =	vadd.f32 v3, v1  }
0x216: {  	v3 =	vld [tilespmem:s18+$0xFFFFFF40]  }
0x217: {  	v1 =	vadd.f32 v4, v1  }
0x218: {  	v4 =	vld [tilespmem:s18+$0xFFFFFFC0]  }
0x219: {  	v1 =	vadd.f32 v2, v1  }
0x21a: {  	v2 =	vld [tilespmem:s18+$0x40]  }
0x21b: {  	v1 =	vadd.f32 v3, v1  }
0x21c: {  	v3 =	vld [tilespmem:s18+$0xC0]  }
0x21d: {  	v1 =	vadd.f32 v4, v1  }
0x21e: {  	v4 =	vld [tilespmem:s18+$0x140]  }
0x21f: {  	v1 =	vadd.f32 v2, v1  }
0x220: {  	v2 =	vld [tilespmem:s18+$0x1C0]  }
0x221: {  	v1 =	vadd.f32 v3, v1  }
0x222: {  	v3 =	vld [tilespmem:s18+$0x240]  }
0x223: {  	v1 =	vadd.f32 v4, v1  }
0x224: {  	v4 =	vld [tilespmem:s18+$0x2C0]  }
0x225: {  	v1 =	vadd.f32 v2, v1  }
0x226: {  	v2 =	vld [tilespmem:s18+$0x340]  }
0x227: {  	v1 =	vadd.f32 v3, v1  }
0x228: {  	v3 =	vld [tilespmem:s18+$0x3C0]  }
0x229: {  	v1 =	vadd.f32 v4, v1  }
0x22a: {  	v4 =	vld [tilespmem:s18+$0x440]  }
0x22b: {  	v1 =	vadd.f32 v2, v1  }
0x22c: {  	v2 =	vld [tilespmem:s18+$0x4C0]  }
0x22d: {  	v1 =	vadd.f32 v3, v1;
	_ =	sdelay $0x1  }
0x22e: {  	v1 =	vadd.f32 v4, v1;
	_ =	sdelay $0x1  }
0x22f: {  	v1 =	vadd.f32 v2, v1;
	_ =	sdelay $0x1  }
0x230: {  	v1 =	vmul.f32 $5.000000070e-02, v1;
	_ =	sdelay $0x1  }
0x231: {  	[tilespmem:v0+s19+$0xFFFFFFD0 ss:$0x1] =	vst.idx.msk $0xffff, v1  }
0x232: {  	v1 =	vld [tilespmem:s18+$0xFFFFFB50]  }
0x233: {  	v2 =	vld [tilespmem:s18+$0xFFFFFBD0]  }
0x234: {  	v3 =	vld [tilespmem:s18+$0xFFFFFC50]  }
0x235: {  	v4 =	vld [tilespmem:s18+$0xFFFFFCD0]  }
0x236: {  	v5 =	vld [tilespmem:s18+$0xFFFFFD50]  }
0x237: {  	v6 =	vld [tilespmem:s18+$0xFFFFFDD0]  }
0x238: {  	v1 =	vadd.f32 v2, v1;
	v2 =	vld [tilespmem:s18+$0xFFFFFE50]  }
0x239: {  	v7 =	vld [tilespmem:s18+$0xFFFFFED0]  }
0x23a: {  	v1 =	vadd.f32 v3, v1;
	v3 =	vld [tilespmem:s18+$0xFFFFFF50]  }
0x23b: {  	v8 =	vld [tilespmem:s18+$0xFFFFFFD0]  }
0x23c: {  	v1 =	vadd.f32 v4, v1;
	v4 =	vld [tilespmem:s18+$0x50]  }
0x23d: {  	v9 =	vld [tilespmem:s18+$0xD0]  }
0x23e: {  	v1 =	vadd.f32 v5, v1;
	v5 =	vld [tilespmem:s18+$0x150]  }
0x23f: {  	v10 =	vld [tilespmem:s18+$0x1D0]  }
0x240: {  	v1 =	vadd.f32 v6, v1;
	v6 =	vld [tilespmem:s18+$0x250]  }
0x241: {  	v11 =	vld [tilespmem:s18+$0x2D0]  }
0x242: {  	v1 =	vadd.f32 v2, v1;
	v2 =	vld [tilespmem:s18+$0x350]  }
0x243: {  	v12 =	vld [tilespmem:s18+$0x3D0]  }
0x244: {  	v1 =	vadd.f32 v7, v1;
	v7 =	vld [tilespmem:s18+$0x450]  }
0x245: {  	v13 =	vld [tilespmem:s18+$0x4D0]  }
0x246: {  	v1 =	vadd.f32 v3, v1;
	_ =	sdelay $0x1  }
0x247: {  	v1 =	vadd.f32 v8, v1;
	_ =	sdelay $0x1  }
0x248: {  	v1 =	vadd.f32 v4, v1;
	_ =	sdelay $0x1  }
0x249: {  	v1 =	vadd.f32 v9, v1;
	_ =	sdelay $0x1  }
0x24a: {  	v1 =	vadd.f32 v5, v1;
	_ =	sdelay $0x1  }
0x24b: {  	v1 =	vadd.f32 v10, v1;
	_ =	sdelay $0x1  }
0x24c: {  	v1 =	vadd.f32 v6, v1;
	_ =	sdelay $0x1  }
0x24d: {  	v1 =	vadd.f32 v11, v1;
	_ =	sdelay $0x1  }
0x24e: {  	v1 =	vadd.f32 v2, v1;
	_ =	sdelay $0x1  }
0x24f: {  	v1 =	vadd.f32 v12, v1;
	_ =	sdelay $0x1  }
0x250: {  	v1 =	vadd.f32 v7, v1;
	_ =	sdelay $0x1  }
0x251: {  	v1 =	vadd.f32 v13, v1;
	_ =	sdelay $0x1  }
0x252: {  	v1 =	vmul.f32 $5.000000070e-02, v1;
	_ =	sdelay $0x1  }
0x253: {  	[tilespmem:v0+s19+$0xFFFFFFE0 ss:$0x1] =	vst.idx.msk $0xffff, v1  }
0x254: {  	v1 =	vld [tilespmem:s18+$0xFFFFFB60]  }
0x255: {  	v2 =	vld [tilespmem:s18+$0xFFFFFBE0]  }
0x256: {  	v3 =	vld [tilespmem:s18+$0xFFFFFC60]  }
0x257: {  	v4 =	vld [tilespmem:s18+$0xFFFFFCE0]  }
0x258: {  	v5 =	vld [tilespmem:s18+$0xFFFFFD60]  }
0x259: {  	v6 =	vld [tilespmem:s18+$0xFFFFFDE0]  }
0x25a: {  	v1 =	vadd.f32 v2, v1;
	v2 =	vld [tilespmem:s18+$0xFFFFFE60]  }
0x25b: {  	v7 =	vld [tilespmem:s18+$0xFFFFFEE0]  }
0x25c: {  	v1 =	vadd.f32 v3, v1;
	v3 =	vld [tilespmem:s18+$0xFFFFFF60]  }
0x25d: {  	v8 =	vld [tilespmem:s18+$0xFFFFFFE0]  }
0x25e: {  	v1 =	vadd.f32 v4, v1;
	v4 =	vld [tilespmem:s18+$0x60]  }
0x25f: {  	v9 =	vld [tilespmem:s18+$0xE0]  }
0x260: {  	v1 =	vadd.f32 v5, v1;
	v5 =	vld [tilespmem:s18+$0x160]  }
0x261: {  	v10 =	vld [tilespmem:s18+$0x1E0]  }
0x262: {  	v1 =	vadd.f32 v6, v1;
	v6 =	vld [tilespmem:s18+$0x260]  }
0x263: {  	v11 =	vld [tilespmem:s18+$0x2E0]  }
0x264: {  	v1 =	vadd.f32 v2, v1;
	v2 =	vld [tilespmem:s18+$0x360]  }
0x265: {  	v12 =	vld [tilespmem:s18+$0x3E0]  }
0x266: {  	v1 =	vadd.f32 v7, v1;
	v7 =	vld [tilespmem:s18+$0x460]  }
0x267: {  	v13 =	vld [tilespmem:s18+$0x4E0]  }
0x268: {  	v1 =	vadd.f32 v3, v1;
	_ =	sdelay $0x1  }
0x269: {  	v1 =	vadd.f32 v8, v1;
	_ =	sdelay $0x1  }
0x26a: {  	v1 =	vadd.f32 v4, v1;
	_ =	sdelay $0x1  }
0x26b: {  	v1 =	vadd.f32 v9, v1;
	_ =	sdelay $0x1  }
0x26c: {  	v1 =	vadd.f32 v5, v1;
	_ =	sdelay $0x1  }
0x26d: {  	v1 =	vadd.f32 v10, v1;
	_ =	sdelay $0x1  }
0x26e: {  	v1 =	vadd.f32 v6, v1;
	_ =	sdelay $0x1  }
0x26f: {  	v1 =	vadd.f32 v11, v1;
	_ =	sdelay $0x1  }
0x270: {  	v1 =	vadd.f32 v2, v1;
	_ =	sdelay $0x1  }
0x271: {  	v1 =	vadd.f32 v12, v1;
	_ =	sdelay $0x1  }
0x272: {  	v1 =	vadd.f32 v7, v1;
	_ =	sdelay $0x1  }
0x273: {  	v1 =	vadd.f32 v13, v1;
	_ =	sdelay $0x1  }
0x274: {  	v1 =	vmul.f32 $5.000000070e-02, v1;
	_ =	sdelay $0x1  }
0x275: {  	[tilespmem:v0+s19+$0xFFFFFFF0 ss:$0x1] =	vst.idx.msk $0xffff, v1  }
0x276: {  	v1 =	vld [tilespmem:s18+$0xFFFFFB70]  }
0x277: {  	v2 =	vld [tilespmem:s18+$0xFFFFFBF0]  }
0x278: {  	v3 =	vld [tilespmem:s18+$0xFFFFFC70]  }
0x279: {  	v4 =	vld [tilespmem:s18+$0xFFFFFCF0]  }
0x27a: {  	v5 =	vld [tilespmem:s18+$0xFFFFFD70]  }
0x27b: {  	v6 =	vld [tilespmem:s18+$0xFFFFFDF0]  }
0x27c: {  	v1 =	vadd.f32 v2, v1;
	v2 =	vld [tilespmem:s18+$0xFFFFFE70]  }
0x27d: {  	v7 =	vld [tilespmem:s18+$0xFFFFFEF0]  }
0x27e: {  	v1 =	vadd.f32 v3, v1;
	v8 =	vld [tilespmem:s18+$0xFFFFFF70]  }
0x27f: {  	v9 =	vld [tilespmem:s18+$0xFFFFFFF0]  }
0x280: {  	v1 =	vadd.f32 v4, v1;
	v4 =	vld [tilespmem:s18+$0x70]  }
0x281: {  	v10 =	vld [tilespmem:s18+$0xF0]  }
0x282: {  	v1 =	vadd.f32 v5, v1;
	v5 =	vld [tilespmem:s18+$0x170]  }
0x283: {  	v11 =	vld [tilespmem:s18+$0x1F0]  }
0x284: {  	v1 =	vadd.f32 v6, v1;
	v6 =	vld [tilespmem:s18+$0x270]  }
0x285: {  	v12 =	vld [tilespmem:s18+$0x2F0]  }
0x286: {  	v1 =	vadd.f32 v2, v1;
	v13 =	vld [tilespmem:s18+$0x370]  }
0x287: {  	v3 =	vld [tilespmem:s18+$0x3F0]  }
0x288: {  	v7 =	vadd.f32 v7, v1;
	v1 =	vld [tilespmem:s18+$0x470]  }
0x289: {  	v2 =	vld [tilespmem:s18+$0x4F0]  }
0x28a: {  	v7 =	vadd.f32 v8, v7;
	_ =	sdelay $0x1  }
0x28b: {  	v7 =	vadd.f32 v9, v7;
	_ =	sdelay $0x1  }
0x28c: {  	v4 =	vadd.f32 v4, v7;
	_ =	sdelay $0x1  }
0x28d: {  	v4 =	vadd.f32 v10, v4;
	_ =	sdelay $0x1  }
0x28e: {  	v4 =	vadd.f32 v5, v4;
	_ =	sdelay $0x1  }
0x28f: {  	v4 =	vadd.f32 v11, v4;
	_ =	sdelay $0x1  }
.Ltmp0:
0x290: {  	v4 =	vadd.f32 v6, v4;
	(pc) =	sbr.rel @p0 .LBB2_3-.Ltmp0, $3  }
0x291: {  	_ = 	snop  }
0x292: {  	v4 =	vadd.f32 v12, v4;
	_ =	sdelay $0x1  }
0x293: {  	v4 =	vadd.f32 v13, v4  }
0x294: {  	_ = 	snop  }
0x295: {  	v3 =	vadd.f32 v3, v4;
	_ =	sdelay $0x1  }
0x296: {  	v1 =	vadd.f32 v1, v3;
	_ =	sdelay $0x1  }
0x297: {  	p0 =	seq.s32 s17, $0xF;
	v1 =	vadd.f32 v2, v1  }
0x298: {  	s18 =	smul.u32 @!p0 $0x280, s17  }
0x299: {  	v1 =	vmul.f32 $5.000000070e-02, v1  }
0x29a: {  	s18 =	sshra.s32 @!p0 s18, $0x2  }
0x29b: {  	s20 =	simm.s32 @!p0 $0xA00;
	s18 =	sadd.s32 @!p0 $0xA0, s18;
	[tilespmem:v0+s19+$0x0 ss:$0x1] =	vst.idx.msk $0xffff, v1;
	s19 =	simm.s32 @!p0 $0x50  }
0x29c: {  	[tilespmem:s20], [sflag:$0x1] =	stream.indirect.gather @!p0 [hbm4b:s2+s19], $0x80, s18, s19, $0xb8;
	[tilespmem:$0x9A00] =	vst v63  }
0x29d: {  	_ =	swait.ge [sflag:s12], $0x2800  }
0x29e: {  	[sflag:s12] =	ssyncset.done $0x0  }
0x29f: {  	s18 =	simm.s32 $0x3BF0;
	[sflag:s12] =	ssyncadd.s32 $0xFFFFD800  }
0x2a0: {  	v0 =	vld [tilespmem:s18+$0xFFFFF690]  }
0x2a1: {  	v1 =	vld [tilespmem:s18+$0xFFFFF610];
	_ =	sdelay $0x1  }
0x2a2: {  	v2 =	vld [tilespmem:s18+$0xFFFFF710];
	_ =	sdelay $0x1  }
0x2a3: {  	v3 =	vld [tilespmem:s18+$0xFFFFF790]  }
0x2a4: {  	v0 =	vadd.f32 v0, v1  }
0x2a5: {  	v1 =	vld [tilespmem:s18+$0xFFFFF810]  }
0x2a6: {  	v0 =	vadd.f32 v2, v0  }
0x2a7: {  	v2 =	vld [tilespmem:s18+$0xFFFFF890]  }
0x2a8: {  	v0 =	vadd.f32 v3, v0  }
0x2a9: {  	v3 =	vld [tilespmem:s18+$0xFFFFF910]  }
0x2aa: {  	v0 =	vadd.f32 v1, v0  }
0x2ab: {  	v1 =	vld [tilespmem:s18+$0xFFFFF990]  }
0x2ac: {  	v0 =	vadd.f32 v2, v0  }
0x2ad: {  	v2 =	vld [tilespmem:s18+$0xFFFFFA10]  }
0x2ae: {  	v0 =	vadd.f32 v3, v0  }
0x2af: {  	v3 =	vld [tilespmem:s18+$0xFFFFFA90]  }
0x2b0: {  	v0 =	vadd.f32 v1, v0  }
0x2b1: {  	v1 =	vld [tilespmem:s18+$0xFFFFFB10]  }
0x2b2: {  	v0 =	vadd.f32 v2, v0  }
0x2b3: {  	v2 =	vld [tilespmem:s18+$0xFFFFFB90]  }
0x2b4: {  	v0 =	vadd.f32 v3, v0  }
0x2b5: {  	v3 =	vld [tilespmem:s18+$0xFFFFFC10]  }
0x2b6: {  	v0 =	vadd.f32 v1, v0  }
0x2b7: {  	v1 =	vld [tilespmem:s18+$0xFFFFFC90]  }
0x2b8: {  	v0 =	vadd.f32 v2, v0  }
0x2b9: {  	v2 =	vld [tilespmem:s18+$0xFFFFFD10]  }
0x2ba: {  	v0 =	vadd.f32 v3, v0  }
0x2bb: {  	v3 =	vld [tilespmem:s18+$0xFFFFFD90]  }
0x2bc: {  	v0 =	vadd.f32 v1, v0  }
0x2bd: {  	v1 =	vld [tilespmem:s18+$0xFFFFFE10]  }
0x2be: {  	v0 =	vadd.f32 v2, v0  }
0x2bf: {  	v2 =	vld [tilespmem:s18+$0xFFFFFE90]  }
0x2c0: {  	v0 =	vadd.f32 v3, v0  }
0x2c1: {  	v3 =	vld [tilespmem:s18+$0xFFFFFF10]  }
0x2c2: {  	v0 =	vadd.f32 v1, v0  }
0x2c3: {  	v1 =	vld [tilespmem:s18+$0xFFFFFF90]  }
0x2c4: {  	v0 =	vadd.f32 v2, v0;
	_ =	sdelay $0x1  }
0x2c5: {  	v2 =	vadd.f32 v3, v0  }
0x2c6: {  	v0 =	vmov s16  }
0x2c7: {  	v1 =	vadd.f32 v1, v2;
	_ =	sdelay $0x1  }
0x2c8: {  	v1 =	vmul.f32 $5.000000070e-02, v1  }
0x2c9: {  	s19 =	simm.s32 $0x0  }
0x2ca: {  	[tilespmem:v0+s19+$0xFFFFFF90 ss:$0x1] =	vst.idx.msk $0xffff, v1  }
0x2cb: {  	v1 =	vld [tilespmem:s18+$0xFFFFF620]  }
0x2cc: {  	v2 =	vld [tilespmem:s18+$0xFFFFF6A0];
	_ =	sdelay $0x1  }
0x2cd: {  	v3 =	vld [tilespmem:s18+$0xFFFFF720];
	_ =	sdelay $0x1  }
0x2ce: {  	v4 =	vld [tilespmem:s18+$0xFFFFF7A0]  }
0x2cf: {  	v1 =	vadd.f32 v2, v1  }
0x2d0: {  	v2 =	vld [tilespmem:s18+$0xFFFFF820]  }
0x2d1: {  	v1 =	vadd.f32 v3, v1  }
0x2d2: {  	v3 =	vld [tilespmem:s18+$0xFFFFF8A0]  }
0x2d3: {  	v1 =	vadd.f32 v4, v1  }
0x2d4: {  	v4 =	vld [tilespmem:s18+$0xFFFFF920]  }
0x2d5: {  	v1 =	vadd.f32 v2, v1  }
0x2d6: {  	v2 =	vld [tilespmem:s18+$0xFFFFF9A0]  }
0x2d7: {  	v1 =	vadd.f32 v3, v1  }
0x2d8: {  	v3 =	vld [tilespmem:s18+$0xFFFFFA20]  }
0x2d9: {  	v1 =	vadd.f32 v4, v1  }
0x2da: {  	v4 =	vld [tilespmem:s18+$0xFFFFFAA0]  }
0x2db: {  	v1 =	vadd.f32 v2, v1  }
0x2dc: {  	v2 =	vld [tilespmem:s18+$0xFFFFFB20]  }
0x2dd: {  	v1 =	vadd.f32 v3, v1  }
0x2de: {  	v3 =	vld [tilespmem:s18+$0xFFFFFBA0]  }
0x2df: {  	v1 =	vadd.f32 v4, v1  }
0x2e0: {  	v4 =	vld [tilespmem:s18+$0xFFFFFC20]  }
0x2e1: {  	v1 =	vadd.f32 v2, v1  }
0x2e2: {  	v2 =	vld [tilespmem:s18+$0xFFFFFCA0]  }
0x2e3: {  	v1 =	vadd.f32 v3, v1  }
0x2e4: {  	v3 =	vld [tilespmem:s18+$0xFFFFFD20]  }
0x2e5: {  	v1 =	vadd.f32 v4, v1  }
0x2e6: {  	v4 =	vld [tilespmem:s18+$0xFFFFFDA0]  }
0x2e7: {  	v1 =	vadd.f32 v2, v1  }
0x2e8: {  	v2 =	vld [tilespmem:s18+$0xFFFFFE20]  }
0x2e9: {  	v1 =	vadd.f32 v3, v1  }
0x2ea: {  	v3 =	vld [tilespmem:s18+$0xFFFFFEA0]  }
0x2eb: {  	v1 =	vadd.f32 v4, v1  }
0x2ec: {  	v4 =	vld [tilespmem:s18+$0xFFFFFF20]  }
0x2ed: {  	v1 =	vadd.f32 v2, v1  }
0x2ee: {  	v2 =	vld [tilespmem:s18+$0xFFFFFFA0]  }
0x2ef: {  	v1 =	vadd.f32 v3, v1;
	_ =	sdelay $0x1  }
0x2f0: {  	v1 =	vadd.f32 v4, v1;
	_ =	sdelay $0x1  }
0x2f1: {  	v1 =	vadd.f32 v2, v1;
	_ =	sdelay $0x1  }
0x2f2: {  	v1 =	vmul.f32 $5.000000070e-02, v1;
	_ =	sdelay $0x1  }
0x2f3: {  	[tilespmem:v0+s19+$0xFFFFFFA0 ss:$0x1] =	vst.idx.msk $0xffff, v1  }
0x2f4: {  	v1 =	vld [tilespmem:s18+$0xFFFFF630]  }
0x2f5: {  	v2 =	vld [tilespmem:s18+$0xFFFFF6B0];
	_ =	sdelay $0x1  }
0x2f6: {  	v3 =	vld [tilespmem:s18+$0xFFFFF730];
	_ =	sdelay $0x1  }
0x2f7: {  	v4 =	vld [tilespmem:s18+$0xFFFFF7B0]  }
0x2f8: {  	v1 =	vadd.f32 v2, v1  }
0x2f9: {  	v2 =	vld [tilespmem:s18+$0xFFFFF830]  }
0x2fa: {  	v1 =	vadd.f32 v3, v1  }
0x2fb: {  	v3 =	vld [tilespmem:s18+$0xFFFFF8B0]  }
0x2fc: {  	v1 =	vadd.f32 v4, v1  }
0x2fd: {  	v4 =	vld [tilespmem:s18+$0xFFFFF930]  }
0x2fe: {  	v1 =	vadd.f32 v2, v1  }
0x2ff: {  	v2 =	vld [tilespmem:s18+$0xFFFFF9B0]  }
0x300: {  	v1 =	vadd.f32 v3, v1  }
0x301: {  	v3 =	vld [tilespmem:s18+$0xFFFFFA30]  }
0x302: {  	v1 =	vadd.f32 v4, v1  }
0x303: {  	v4 =	vld [tilespmem:s18+$0xFFFFFAB0]  }
0x304: {  	v1 =	vadd.f32 v2, v1  }
0x305: {  	v2 =	vld [tilespmem:s18+$0xFFFFFB30]  }
0x306: {  	v1 =	vadd.f32 v3, v1  }
0x307: {  	v3 =	vld [tilespmem:s18+$0xFFFFFBB0]  }
0x308: {  	v1 =	vadd.f32 v4, v1  }
0x309: {  	v4 =	vld [tilespmem:s18+$0xFFFFFC30]  }
0x30a: {  	v1 =	vadd.f32 v2, v1  }
0x30b: {  	v2 =	vld [tilespmem:s18+$0xFFFFFCB0]  }
0x30c: {  	v1 =	vadd.f32 v3, v1  }
0x30d: {  	v3 =	vld [tilespmem:s18+$0xFFFFFD30]  }
0x30e: {  	v1 =	vadd.f32 v4, v1  }
0x30f: {  	v4 =	vld [tilespmem:s18+$0xFFFFFDB0]  }
0x310: {  	v1 =	vadd.f32 v2, v1  }
0x311: {  	v2 =	vld [tilespmem:s18+$0xFFFFFE30]  }
0x312: {  	v1 =	vadd.f32 v3, v1  }
0x313: {  	v3 =	vld [tilespmem:s18+$0xFFFFFEB0]  }
0x314: {  	v1 =	vadd.f32 v4, v1  }
0x315: {  	v4 =	vld [tilespmem:s18+$0xFFFFFF30]  }
0x316: {  	v1 =	vadd.f32 v2, v1  }
0x317: {  	v2 =	vld [tilespmem:s18+$0xFFFFFFB0]  }
0x318: {  	v1 =	vadd.f32 v3, v1;
	_ =	sdelay $0x1  }
0x319: {  	v1 =	vadd.f32 v4, v1;
	_ =	sdelay $0x1  }
0x31a: {  	v1 =	vadd.f32 v2, v1;
	_ =	sdelay $0x1  }
0x31b: {  	v1 =	vmul.f32 $5.000000070e-02, v1;
	_ =	sdelay $0x1  }
0x31c: {  	[tilespmem:v0+s19+$0xFFFFFFB0 ss:$0x1] =	vst.idx.msk $0xffff, v1  }
0x31d: {  	v1 =	vld [tilespmem:s18+$0xFFFFF640]  }
0x31e: {  	v2 =	vld [tilespmem:s18+$0xFFFFF6C0];
	_ =	sdelay $0x1  }
0x31f: {  	v3 =	vld [tilespmem:s18+$0xFFFFF740];
	_ =	sdelay $0x1  }
0x320: {  	v4 =	vld [tilespmem:s18+$0xFFFFF7C0]  }
0x321: {  	v1 =	vadd.f32 v2, v1  }
0x322: {  	v2 =	vld [tilespmem:s18+$0xFFFFF840]  }
0x323: {  	v1 =	vadd.f32 v3, v1  }
0x324: {  	v3 =	vld [tilespmem:s18+$0xFFFFF8C0]  }
0x325: {  	v1 =	vadd.f32 v4, v1  }
0x326: {  	v4 =	vld [tilespmem:s18+$0xFFFFF940]  }
0x327: {  	v1 =	vadd.f32 v2, v1  }
0x328: {  	v2 =	vld [tilespmem:s18+$0xFFFFF9C0]  }
0x329: {  	v1 =	vadd.f32 v3, v1  }
0x32a: {  	v3 =	vld [tilespmem:s18+$0xFFFFFA40]  }
0x32b: {  	v1 =	vadd.f32 v4, v1  }
0x32c: {  	v4 =	vld [tilespmem:s18+$0xFFFFFAC0]  }
0x32d: {  	v1 =	vadd.f32 v2, v1  }
0x32e: {  	v2 =	vld [tilespmem:s18+$0xFFFFFB40]  }
0x32f: {  	v1 =	vadd.f32 v3, v1  }
0x330: {  	v3 =	vld [tilespmem:s18+$0xFFFFFBC0]  }
0x331: {  	v1 =	vadd.f32 v4, v1  }
0x332: {  	v4 =	vld [tilespmem:s18+$0xFFFFFC40]  }
0x333: {  	v1 =	vadd.f32 v2, v1  }
0x334: {  	v2 =	vld [tilespmem:s18+$0xFFFFFCC0]  }
0x335: {  	v1 =	vadd.f32 v3, v1  }
0x336: {  	v3 =	vld [tilespmem:s18+$0xFFFFFD40]  }
0x337: {  	v1 =	vadd.f32 v4, v1  }
0x338: {  	v4 =	vld [tilespmem:s18+$0xFFFFFDC0]  }
0x339: {  	v1 =	vadd.f32 v2, v1  }
0x33a: {  	v2 =	vld [tilespmem:s18+$0xFFFFFE40]  }
0x33b: {  	v1 =	vadd.f32 v3, v1  }
0x33c: {  	v3 =	vld [tilespmem:s18+$0xFFFFFEC0]  }
0x33d: {  	v1 =	vadd.f32 v4, v1  }
0x33e: {  	v4 =	vld [tilespmem:s18+$0xFFFFFF40]  }
0x33f: {  	v1 =	vadd.f32 v2, v1  }
0x340: {  	v2 =	vld [tilespmem:s18+$0xFFFFFFC0]  }
0x341: {  	v1 =	vadd.f32 v3, v1;
	_ =	sdelay $0x1  }
0x342: {  	v1 =	vadd.f32 v4, v1;
	_ =	sdelay $0x1  }
0x343: {  	v1 =	vadd.f32 v2, v1;
	_ =	sdelay $0x1  }
0x344: {  	v1 =	vmul.f32 $5.000000070e-02, v1;
	_ =	sdelay $0x1  }
0x345: {  	[tilespmem:v0+s19+$0xFFFFFFC0 ss:$0x1] =	vst.idx.msk $0xffff, v1  }
0x346: {  	v1 =	vld [tilespmem:s18+$0xFFFFF650]  }
0x347: {  	v2 =	vld [tilespmem:s18+$0xFFFFF6D0];
	_ =	sdelay $0x1  }
0x348: {  	v3 =	vld [tilespmem:s18+$0xFFFFF750];
	_ =	sdelay $0x1  }
0x349: {  	v4 =	vld [tilespmem:s18+$0xFFFFF7D0]  }
0x34a: {  	v1 =	vadd.f32 v2, v1  }
0x34b: {  	v2 =	vld [tilespmem:s18+$0xFFFFF850]  }
0x34c: {  	v1 =	vadd.f32 v3, v1  }
0x34d: {  	v3 =	vld [tilespmem:s18+$0xFFFFF8D0]  }
0x34e: {  	v1 =	vadd.f32 v4, v1  }
0x34f: {  	v4 =	vld [tilespmem:s18+$0xFFFFF950]  }
0x350: {  	v1 =	vadd.f32 v2, v1  }
0x351: {  	v2 =	vld [tilespmem:s18+$0xFFFFF9D0]  }
0x352: {  	v1 =	vadd.f32 v3, v1  }
0x353: {  	v3 =	vld [tilespmem:s18+$0xFFFFFA50]  }
0x354: {  	v1 =	vadd.f32 v4, v1  }
0x355: {  	v4 =	vld [tilespmem:s18+$0xFFFFFAD0]  }
0x356: {  	v1 =	vadd.f32 v2, v1  }
0x357: {  	v2 =	vld [tilespmem:s18+$0xFFFFFB50]  }
0x358: {  	v1 =	vadd.f32 v3, v1  }
0x359: {  	v3 =	vld [tilespmem:s18+$0xFFFFFBD0]  }
0x35a: {  	v1 =	vadd.f32 v4, v1  }
0x35b: {  	v4 =	vld [tilespmem:s18+$0xFFFFFC50]  }
0x35c: {  	v1 =	vadd.f32 v2, v1  }
0x35d: {  	v2 =	vld [tilespmem:s18+$0xFFFFFCD0]  }
0x35e: {  	v1 =	vadd.f32 v3, v1  }
0x35f: {  	v3 =	vld [tilespmem:s18+$0xFFFFFD50]  }
0x360: {  	v1 =	vadd.f32 v4, v1  }
0x361: {  	v4 =	vld [tilespmem:s18+$0xFFFFFDD0]  }
0x362: {  	v1 =	vadd.f32 v2, v1  }
0x363: {  	v2 =	vld [tilespmem:s18+$0xFFFFFE50]  }
0x364: {  	v1 =	vadd.f32 v3, v1  }
0x365: {  	v3 =	vld [tilespmem:s18+$0xFFFFFED0]  }
0x366: {  	v1 =	vadd.f32 v4, v1  }
0x367: {  	v4 =	vld [tilespmem:s18+$0xFFFFFF50]  }
0x368: {  	v1 =	vadd.f32 v2, v1  }
0x369: {  	v2 =	vld [tilespmem:s18+$0xFFFFFFD0]  }
0x36a: {  	v1 =	vadd.f32 v3, v1;
	_ =	sdelay $0x1  }
0x36b: {  	v1 =	vadd.f32 v4, v1;
	_ =	sdelay $0x1  }
0x36c: {  	v1 =	vadd.f32 v2, v1;
	_ =	sdelay $0x1  }
0x36d: {  	v1 =	vmul.f32 $5.000000070e-02, v1;
	_ =	sdelay $0x1  }
0x36e: {  	[tilespmem:v0+s19+$0xFFFFFFD0 ss:$0x1] =	vst.idx.msk $0xffff, v1  }
0x36f: {  	v1 =	vld [tilespmem:s18+$0xFFFFF660]  }
0x370: {  	v2 =	vld [tilespmem:s18+$0xFFFFF6E0];
	_ =	sdelay $0x1  }
0x371: {  	v3 =	vld [tilespmem:s18+$0xFFFFF760];
	_ =	sdelay $0x1  }
0x372: {  	v4 =	vld [tilespmem:s18+$0xFFFFF7E0]  }
0x373: {  	v1 =	vadd.f32 v2, v1  }
0x374: {  	v2 =	vld [tilespmem:s18+$0xFFFFF860]  }
0x375: {  	v1 =	vadd.f32 v3, v1  }
0x376: {  	v3 =	vld [tilespmem:s18+$0xFFFFF8E0]  }
0x377: {  	v1 =	vadd.f32 v4, v1  }
0x378: {  	v4 =	vld [tilespmem:s18+$0xFFFFF960]  }
0x379: {  	v1 =	vadd.f32 v2, v1  }
0x37a: {  	v2 =	vld [tilespmem:s18+$0xFFFFF9E0]  }
0x37b: {  	v1 =	vadd.f32 v3, v1  }
0x37c: {  	v3 =	vld [tilespmem:s18+$0xFFFFFA60]  }
0x37d: {  	v1 =	vadd.f32 v4, v1  }
0x37e: {  	v4 =	vld [tilespmem:s18+$0xFFFFFAE0]  }
0x37f: {  	v1 =	vadd.f32 v2, v1  }
0x380: {  	v2 =	vld [tilespmem:s18+$0xFFFFFB60]  }
0x381: {  	v1 =	vadd.f32 v3, v1  }
0x382: {  	v3 =	vld [tilespmem:s18+$0xFFFFFBE0]  }
0x383: {  	v1 =	vadd.f32 v4, v1  }
0x384: {  	v4 =	vld [tilespmem:s18+$0xFFFFFC60]  }
0x385: {  	v1 =	vadd.f32 v2, v1  }
0x386: {  	v2 =	vld [tilespmem:s18+$0xFFFFFCE0]  }
0x387: {  	v1 =	vadd.f32 v3, v1  }
0x388: {  	v3 =	vld [tilespmem:s18+$0xFFFFFD60]  }
0x389: {  	v1 =	vadd.f32 v4, v1  }
0x38a: {  	v4 =	vld [tilespmem:s18+$0xFFFFFDE0]  }
0x38b: {  	v1 =	vadd.f32 v2, v1  }
0x38c: {  	v2 =	vld [tilespmem:s18+$0xFFFFFE60]  }
0x38d: {  	v1 =	vadd.f32 v3, v1  }
0x38e: {  	v3 =	vld [tilespmem:s18+$0xFFFFFEE0]  }
0x38f: {  	v1 =	vadd.f32 v4, v1  }
0x390: {  	v4 =	vld [tilespmem:s18+$0xFFFFFF60]  }
0x391: {  	v1 =	vadd.f32 v2, v1  }
0x392: {  	v2 =	vld [tilespmem:s18+$0xFFFFFFE0]  }
0x393: {  	v1 =	vadd.f32 v3, v1;
	_ =	sdelay $0x1  }
0x394: {  	v1 =	vadd.f32 v4, v1;
	_ =	sdelay $0x1  }
0x395: {  	v1 =	vadd.f32 v2, v1;
	_ =	sdelay $0x1  }
0x396: {  	v1 =	vmul.f32 $5.000000070e-02, v1;
	_ =	sdelay $0x1  }
0x397: {  	[tilespmem:v0+s19+$0xFFFFFFE0 ss:$0x1] =	vst.idx.msk $0xffff, v1  }
0x398: {  	v1 =	vld [tilespmem:s18+$0xFFFFF670]  }
0x399: {  	v2 =	vld [tilespmem:s18+$0xFFFFF6F0];
	_ =	sdelay $0x1  }
0x39a: {  	v3 =	vld [tilespmem:s18+$0xFFFFF770];
	_ =	sdelay $0x1  }
0x39b: {  	v4 =	vld [tilespmem:s18+$0xFFFFF7F0]  }
0x39c: {  	v1 =	vadd.f32 v2, v1  }
0x39d: {  	v2 =	vld [tilespmem:s18+$0xFFFFF870]  }
0x39e: {  	v1 =	vadd.f32 v3, v1  }
0x39f: {  	v3 =	vld [tilespmem:s18+$0xFFFFF8F0]  }
0x3a0: {  	v1 =	vadd.f32 v4, v1  }
0x3a1: {  	v4 =	vld [tilespmem:s18+$0xFFFFF970]  }
0x3a2: {  	v1 =	vadd.f32 v2, v1  }
0x3a3: {  	v2 =	vld [tilespmem:s18+$0xFFFFF9F0]  }
0x3a4: {  	v1 =	vadd.f32 v3, v1  }
0x3a5: {  	v3 =	vld [tilespmem:s18+$0xFFFFFA70]  }
0x3a6: {  	v1 =	vadd.f32 v4, v1  }
0x3a7: {  	v4 =	vld [tilespmem:s18+$0xFFFFFAF0]  }
0x3a8: {  	v1 =	vadd.f32 v2, v1  }
0x3a9: {  	v2 =	vld [tilespmem:s18+$0xFFFFFB70]  }
0x3aa: {  	v1 =	vadd.f32 v3, v1  }
0x3ab: {  	v3 =	vld [tilespmem:s18+$0xFFFFFBF0]  }
0x3ac: {  	v1 =	vadd.f32 v4, v1  }
0x3ad: {  	v4 =	vld [tilespmem:s18+$0xFFFFFC70]  }
0x3ae: {  	v1 =	vadd.f32 v2, v1  }
0x3af: {  	v2 =	vld [tilespmem:s18+$0xFFFFFCF0]  }
0x3b0: {  	v1 =	vadd.f32 v3, v1  }
0x3b1: {  	v3 =	vld [tilespmem:s18+$0xFFFFFD70]  }
0x3b2: {  	v1 =	vadd.f32 v4, v1  }
0x3b3: {  	v4 =	vld [tilespmem:s18+$0xFFFFFDF0]  }
0x3b4: {  	v1 =	vadd.f32 v2, v1  }
0x3b5: {  	v2 =	vld [tilespmem:s18+$0xFFFFFE70]  }
0x3b6: {  	v1 =	vadd.f32 v3, v1  }
0x3b7: {  	v3 =	vld [tilespmem:s18+$0xFFFFFEF0]  }
0x3b8: {  	v1 =	vadd.f32 v4, v1  }
0x3b9: {  	v4 =	vld [tilespmem:s18+$0xFFFFFF70]  }
0x3ba: {  	v1 =	vadd.f32 v2, v1  }
0x3bb: {  	v2 =	vld [tilespmem:s18+$0xFFFFFFF0]  }
0x3bc: {  	v1 =	vadd.f32 v3, v1;
	_ =	sdelay $0x1  }
0x3bd: {  	v1 =	vadd.f32 v4, v1;
	_ =	sdelay $0x1  }
0x3be: {  	v1 =	vadd.f32 v2, v1;
	_ =	sdelay $0x1  }
0x3bf: {  	v1 =	vmul.f32 $5.000000070e-02, v1;
	_ =	sdelay $0x1  }
0x3c0: {  	[tilespmem:v0+s19+$0xFFFFFFF0 ss:$0x1] =	vst.idx.msk $0xffff, v1  }
0x3c1: {  	v1 =	vld [tilespmem:s18+$0xFFFFF680]  }
0x3c2: {  	v2 =	vld [tilespmem:s18+$0xFFFFF700];
	_ =	sdelay $0x1  }
0x3c3: {  	v3 =	vld [tilespmem:s18+$0xFFFFF780];
	_ =	sdelay $0x1  }
0x3c4: {  	v4 =	vld [tilespmem:s18+$0xFFFFF800]  }
0x3c5: {  	v1 =	vadd.f32 v2, v1  }
0x3c6: {  	v2 =	vld [tilespmem:s18+$0xFFFFF880]  }
0x3c7: {  	v1 =	vadd.f32 v3, v1  }
0x3c8: {  	v3 =	vld [tilespmem:s18+$0xFFFFF900]  }
0x3c9: {  	v1 =	vadd.f32 v4, v1  }
0x3ca: {  	v4 =	vld [tilespmem:s18+$0xFFFFF980]  }
0x3cb: {  	v1 =	vadd.f32 v2, v1  }
0x3cc: {  	v2 =	vld [tilespmem:s18+$0xFFFFFA00]  }
0x3cd: {  	v1 =	vadd.f32 v3, v1  }
0x3ce: {  	v3 =	vld [tilespmem:s18+$0xFFFFFA80]  }
0x3cf: {  	v1 =	vadd.f32 v4, v1  }
0x3d0: {  	v4 =	vld [tilespmem:s18+$0xFFFFFB00]  }
0x3d1: {  	v1 =	vadd.f32 v2, v1  }
0x3d2: {  	v2 =	vld [tilespmem:s18+$0xFFFFFB80]  }
0x3d3: {  	v1 =	vadd.f32 v3, v1  }
0x3d4: {  	v3 =	vld [tilespmem:s18+$0xFFFFFC00]  }
0x3d5: {  	v1 =	vadd.f32 v4, v1  }
0x3d6: {  	v4 =	vld [tilespmem:s18+$0xFFFFFC80]  }
0x3d7: {  	v1 =	vadd.f32 v2, v1  }
0x3d8: {  	v2 =	vld [tilespmem:s18+$0xFFFFFD00]  }
0x3d9: {  	v1 =	vadd.f32 v3, v1  }
0x3da: {  	v3 =	vld [tilespmem:s18+$0xFFFFFD80]  }
0x3db: {  	v1 =	vadd.f32 v4, v1  }
0x3dc: {  	v4 =	vld [tilespmem:s18+$0xFFFFFE00]  }
0x3dd: {  	v1 =	vadd.f32 v2, v1  }
0x3de: {  	v5 =	vld [tilespmem:s18+$0xFFFFFE80]  }
0x3df: {  	v1 =	vadd.f32 v3, v1  }
0x3e0: {  	v3 =	vld [tilespmem:s18+$0xFFFFFF00]  }
0x3e1: {  	v4 =	vadd.f32 v4, v1  }
0x3e2: {  	v1 =	vld [tilespmem:s18+$0xFFFFFF80]  }
0x3e3: {  	s20 =	simm.s32 $0x200;
	v2 =	vld [tilespmem:s18+$0x0];
	v4 =	vadd.f32 v5, v4  }
.LBB2_5:
0x3e4: {  	p0 =	sne.s32 s20, $0x600  }
0x3e5: {  	s18 =	sadd.s32 $0xA00, s18;
	s21 =	smov.u32 s20;
	s20 =	sadd.s32 $0x200, s20;
	v3 =	vadd.f32 v3, v4  }
0x3e6: {  	_ = 	snop  }
0x3e7: {  	v1 =	vadd.f32 v1, v3;
	_ =	sdelay $0x1  }
0x3e8: {  	v1 =	vadd.f32 v2, v1;
	_ =	sdelay $0x1  }
0x3e9: {  	v1 =	vmul.f32 $5.000000070e-02, v1;
	_ =	sdelay $0x1  }
0x3ea: {  	[tilespmem:v0+s19+$0x0 ss:$0x1] =	vst.idx.msk $0xffff, v1  }
0x3eb: {  	v1 =	vld [tilespmem:s18+$0xFFFFF690]  }
0x3ec: {  	v2 =	vld [tilespmem:s18+$0xFFFFF610]  }
0x3ed: {  	v3 =	vld [tilespmem:s18+$0xFFFFF710];
	_ =	sdelay $0x2  }
0x3ee: {  	v4 =	vld [tilespmem:s18+$0xFFFFF790]  }
0x3ef: {  	v1 =	vadd.f32 v1, v2  }
0x3f0: {  	v2 =	vld [tilespmem:s18+$0xFFFFF810]  }
0x3f1: {  	v1 =	vadd.f32 v3, v1  }
0x3f2: {  	v3 =	vld [tilespmem:s18+$0xFFFFF890]  }
0x3f3: {  	v1 =	vadd.f32 v4, v1  }
0x3f4: {  	v4 =	vld [tilespmem:s18+$0xFFFFF910]  }
0x3f5: {  	v1 =	vadd.f32 v2, v1  }
0x3f6: {  	v2 =	vld [tilespmem:s18+$0xFFFFF990]  }
0x3f7: {  	v1 =	vadd.f32 v3, v1  }
0x3f8: {  	v3 =	vld [tilespmem:s18+$0xFFFFFA10]  }
0x3f9: {  	v1 =	vadd.f32 v4, v1  }
0x3fa: {  	v4 =	vld [tilespmem:s18+$0xFFFFFA90]  }
0x3fb: {  	v1 =	vadd.f32 v2, v1  }
0x3fc: {  	v2 =	vld [tilespmem:s18+$0xFFFFFB10]  }
0x3fd: {  	v1 =	vadd.f32 v3, v1  }
0x3fe: {  	v3 =	vld [tilespmem:s18+$0xFFFFFB90]  }
0x3ff: {  	v1 =	vadd.f32 v4, v1  }
0x400: {  	v4 =	vld [tilespmem:s18+$0xFFFFFC10]  }
0x401: {  	v1 =	vadd.f32 v2, v1  }
0x402: {  	v2 =	vld [tilespmem:s18+$0xFFFFFC90]  }
0x403: {  	v1 =	vadd.f32 v3, v1  }
0x404: {  	v3 =	vld [tilespmem:s18+$0xFFFFFD10]  }
0x405: {  	v1 =	vadd.f32 v4, v1  }
0x406: {  	v4 =	vld [tilespmem:s18+$0xFFFFFD90]  }
0x407: {  	v1 =	vadd.f32 v2, v1  }
0x408: {  	v2 =	vld [tilespmem:s18+$0xFFFFFE10]  }
0x409: {  	v1 =	vadd.f32 v3, v1  }
0x40a: {  	v3 =	vld [tilespmem:s18+$0xFFFFFE90]  }
0x40b: {  	v1 =	vadd.f32 v4, v1  }
0x40c: {  	v4 =	vld [tilespmem:s18+$0xFFFFFF10]  }
0x40d: {  	v1 =	vadd.f32 v2, v1  }
0x40e: {  	v2 =	vld [tilespmem:s18+$0xFFFFFF90]  }
0x40f: {  	v1 =	vadd.f32 v3, v1;
	_ =	sdelay $0x1  }
0x410: {  	v1 =	vadd.f32 v4, v1;
	_ =	sdelay $0x1  }
0x411: {  	v1 =	vadd.f32 v2, v1;
	_ =	sdelay $0x1  }
0x412: {  	v1 =	vmul.f32 $5.000000070e-02, v1  }
0x413: {  	s19 =	sshra.s32 s21, $0x2  }
0x414: {  	[tilespmem:v0+s19+$0xFFFFFF90 ss:$0x1] =	vst.idx.msk $0xffff, v1  }
0x415: {  	v1 =	vld [tilespmem:s18+$0xFFFFF620]  }
0x416: {  	v2 =	vld [tilespmem:s18+$0xFFFFF6A0];
	_ =	sdelay $0x1  }
0x417: {  	v3 =	vld [tilespmem:s18+$0xFFFFF720];
	_ =	sdelay $0x1  }
0x418: {  	v4 =	vld [tilespmem:s18+$0xFFFFF7A0]  }
0x419: {  	v1 =	vadd.f32 v2, v1  }
0x41a: {  	v2 =	vld [tilespmem:s18+$0xFFFFF820]  }
0x41b: {  	v1 =	vadd.f32 v3, v1  }
0x41c: {  	v3 =	vld [tilespmem:s18+$0xFFFFF8A0]  }
0x41d: {  	v1 =	vadd.f32 v4, v1  }
0x41e: {  	v4 =	vld [tilespmem:s18+$0xFFFFF920]  }
0x41f: {  	v1 =	vadd.f32 v2, v1  }
0x420: {  	v2 =	vld [tilespmem:s18+$0xFFFFF9A0]  }
0x421: {  	v1 =	vadd.f32 v3, v1  }
0x422: {  	v3 =	vld [tilespmem:s18+$0xFFFFFA20]  }
0x423: {  	v1 =	vadd.f32 v4, v1  }
0x424: {  	v4 =	vld [tilespmem:s18+$0xFFFFFAA0]  }
0x425: {  	v1 =	vadd.f32 v2, v1  }
0x426: {  	v2 =	vld [tilespmem:s18+$0xFFFFFB20]  }
0x427: {  	v1 =	vadd.f32 v3, v1  }
0x428: {  	v3 =	vld [tilespmem:s18+$0xFFFFFBA0]  }
0x429: {  	v1 =	vadd.f32 v4, v1  }
0x42a: {  	v4 =	vld [tilespmem:s18+$0xFFFFFC20]  }
0x42b: {  	v1 =	vadd.f32 v2, v1  }
0x42c: {  	v2 =	vld [tilespmem:s18+$0xFFFFFCA0]  }
0x42d: {  	v1 =	vadd.f32 v3, v1  }
0x42e: {  	v3 =	vld [tilespmem:s18+$0xFFFFFD20]  }
0x42f: {  	v1 =	vadd.f32 v4, v1  }
0x430: {  	v4 =	vld [tilespmem:s18+$0xFFFFFDA0]  }
0x431: {  	v1 =	vadd.f32 v2, v1  }
0x432: {  	v2 =	vld [tilespmem:s18+$0xFFFFFE20]  }
0x433: {  	v1 =	vadd.f32 v3, v1  }
0x434: {  	v3 =	vld [tilespmem:s18+$0xFFFFFEA0]  }
0x435: {  	v1 =	vadd.f32 v4, v1  }
0x436: {  	v4 =	vld [tilespmem:s18+$0xFFFFFF20]  }
0x437: {  	v1 =	vadd.f32 v2, v1  }
0x438: {  	v2 =	vld [tilespmem:s18+$0xFFFFFFA0]  }
0x439: {  	v1 =	vadd.f32 v3, v1;
	_ =	sdelay $0x1  }
0x43a: {  	v1 =	vadd.f32 v4, v1;
	_ =	sdelay $0x1  }
0x43b: {  	v1 =	vadd.f32 v2, v1;
	_ =	sdelay $0x1  }
0x43c: {  	v1 =	vmul.f32 $5.000000070e-02, v1;
	_ =	sdelay $0x1  }
0x43d: {  	[tilespmem:v0+s19+$0xFFFFFFA0 ss:$0x1] =	vst.idx.msk $0xffff, v1  }
0x43e: {  	v1 =	vld [tilespmem:s18+$0xFFFFF630]  }
0x43f: {  	v2 =	vld [tilespmem:s18+$0xFFFFF6B0];
	_ =	sdelay $0x1  }
0x440: {  	v3 =	vld [tilespmem:s18+$0xFFFFF730];
	_ =	sdelay $0x1  }
0x441: {  	v4 =	vld [tilespmem:s18+$0xFFFFF7B0]  }
0x442: {  	v1 =	vadd.f32 v2, v1  }
0x443: {  	v2 =	vld [tilespmem:s18+$0xFFFFF830]  }
0x444: {  	v1 =	vadd.f32 v3, v1  }
0x445: {  	v3 =	vld [tilespmem:s18+$0xFFFFF8B0]  }
0x446: {  	v1 =	vadd.f32 v4, v1  }
0x447: {  	v4 =	vld [tilespmem:s18+$0xFFFFF930]  }
0x448: {  	v1 =	vadd.f32 v2, v1  }
0x449: {  	v2 =	vld [tilespmem:s18+$0xFFFFF9B0]  }
0x44a: {  	v1 =	vadd.f32 v3, v1  }
0x44b: {  	v3 =	vld [tilespmem:s18+$0xFFFFFA30]  }
0x44c: {  	v1 =	vadd.f32 v4, v1  }
0x44d: {  	v4 =	vld [tilespmem:s18+$0xFFFFFAB0]  }
0x44e: {  	v1 =	vadd.f32 v2, v1  }
0x44f: {  	v2 =	vld [tilespmem:s18+$0xFFFFFB30]  }
0x450: {  	v1 =	vadd.f32 v3, v1  }
0x451: {  	v3 =	vld [tilespmem:s18+$0xFFFFFBB0]  }
0x452: {  	v1 =	vadd.f32 v4, v1  }
0x453: {  	v4 =	vld [tilespmem:s18+$0xFFFFFC30]  }
0x454: {  	v1 =	vadd.f32 v2, v1  }
0x455: {  	v2 =	vld [tilespmem:s18+$0xFFFFFCB0]  }
0x456: {  	v1 =	vadd.f32 v3, v1  }
0x457: {  	v3 =	vld [tilespmem:s18+$0xFFFFFD30]  }
0x458: {  	v1 =	vadd.f32 v4, v1  }
0x459: {  	v4 =	vld [tilespmem:s18+$0xFFFFFDB0]  }
0x45a: {  	v1 =	vadd.f32 v2, v1  }
0x45b: {  	v2 =	vld [tilespmem:s18+$0xFFFFFE30]  }
0x45c: {  	v1 =	vadd.f32 v3, v1  }
0x45d: {  	v3 =	vld [tilespmem:s18+$0xFFFFFEB0]  }
0x45e: {  	v1 =	vadd.f32 v4, v1  }
0x45f: {  	v4 =	vld [tilespmem:s18+$0xFFFFFF30]  }
0x460: {  	v1 =	vadd.f32 v2, v1  }
0x461: {  	v2 =	vld [tilespmem:s18+$0xFFFFFFB0]  }
0x462: {  	v1 =	vadd.f32 v3, v1;
	_ =	sdelay $0x1  }
0x463: {  	v1 =	vadd.f32 v4, v1;
	_ =	sdelay $0x1  }
0x464: {  	v1 =	vadd.f32 v2, v1;
	_ =	sdelay $0x1  }
0x465: {  	v1 =	vmul.f32 $5.000000070e-02, v1;
	_ =	sdelay $0x1  }
0x466: {  	[tilespmem:v0+s19+$0xFFFFFFB0 ss:$0x1] =	vst.idx.msk $0xffff, v1  }
0x467: {  	v1 =	vld [tilespmem:s18+$0xFFFFF640]  }
0x468: {  	v2 =	vld [tilespmem:s18+$0xFFFFF6C0];
	_ =	sdelay $0x1  }
0x469: {  	v3 =	vld [tilespmem:s18+$0xFFFFF740];
	_ =	sdelay $0x1  }
0x46a: {  	v4 =	vld [tilespmem:s18+$0xFFFFF7C0]  }
0x46b: {  	v1 =	vadd.f32 v2, v1  }
0x46c: {  	v2 =	vld [tilespmem:s18+$0xFFFFF840]  }
0x46d: {  	v1 =	vadd.f32 v3, v1  }
0x46e: {  	v3 =	vld [tilespmem:s18+$0xFFFFF8C0]  }
0x46f: {  	v1 =	vadd.f32 v4, v1  }
0x470: {  	v4 =	vld [tilespmem:s18+$0xFFFFF940]  }
0x471: {  	v1 =	vadd.f32 v2, v1  }
0x472: {  	v2 =	vld [tilespmem:s18+$0xFFFFF9C0]  }
0x473: {  	v1 =	vadd.f32 v3, v1  }
0x474: {  	v3 =	vld [tilespmem:s18+$0xFFFFFA40]  }
0x475: {  	v1 =	vadd.f32 v4, v1  }
0x476: {  	v4 =	vld [tilespmem:s18+$0xFFFFFAC0]  }
0x477: {  	v1 =	vadd.f32 v2, v1  }
0x478: {  	v2 =	vld [tilespmem:s18+$0xFFFFFB40]  }
0x479: {  	v1 =	vadd.f32 v3, v1  }
0x47a: {  	v3 =	vld [tilespmem:s18+$0xFFFFFBC0]  }
0x47b: {  	v1 =	vadd.f32 v4, v1  }
0x47c: {  	v4 =	vld [tilespmem:s18+$0xFFFFFC40]  }
0x47d: {  	v1 =	vadd.f32 v2, v1  }
0x47e: {  	v2 =	vld [tilespmem:s18+$0xFFFFFCC0]  }
0x47f: {  	v1 =	vadd.f32 v3, v1  }
0x480: {  	v3 =	vld [tilespmem:s18+$0xFFFFFD40]  }
0x481: {  	v1 =	vadd.f32 v4, v1  }
0x482: {  	v4 =	vld [tilespmem:s18+$0xFFFFFDC0]  }
0x483: {  	v1 =	vadd.f32 v2, v1  }
0x484: {  	v2 =	vld [tilespmem:s18+$0xFFFFFE40]  }
0x485: {  	v1 =	vadd.f32 v3, v1  }
0x486: {  	v3 =	vld [tilespmem:s18+$0xFFFFFEC0]  }
0x487: {  	v1 =	vadd.f32 v4, v1  }
0x488: {  	v4 =	vld [tilespmem:s18+$0xFFFFFF40]  }
0x489: {  	v1 =	vadd.f32 v2, v1  }
0x48a: {  	v2 =	vld [tilespmem:s18+$0xFFFFFFC0]  }
0x48b: {  	v1 =	vadd.f32 v3, v1;
	_ =	sdelay $0x1  }
0x48c: {  	v1 =	vadd.f32 v4, v1;
	_ =	sdelay $0x1  }
0x48d: {  	v1 =	vadd.f32 v2, v1;
	_ =	sdelay $0x1  }
0x48e: {  	v1 =	vmul.f32 $5.000000070e-02, v1;
	_ =	sdelay $0x1  }
0x48f: {  	[tilespmem:v0+s19+$0xFFFFFFC0 ss:$0x1] =	vst.idx.msk $0xffff, v1  }
0x490: {  	v1 =	vld [tilespmem:s18+$0xFFFFF650]  }
0x491: {  	v2 =	vld [tilespmem:s18+$0xFFFFF6D0];
	_ =	sdelay $0x1  }
0x492: {  	v3 =	vld [tilespmem:s18+$0xFFFFF750];
	_ =	sdelay $0x1  }
0x493: {  	v4 =	vld [tilespmem:s18+$0xFFFFF7D0]  }
0x494: {  	v1 =	vadd.f32 v2, v1  }
0x495: {  	v2 =	vld [tilespmem:s18+$0xFFFFF850]  }
0x496: {  	v1 =	vadd.f32 v3, v1  }
0x497: {  	v3 =	vld [tilespmem:s18+$0xFFFFF8D0]  }
0x498: {  	v1 =	vadd.f32 v4, v1  }
0x499: {  	v4 =	vld [tilespmem:s18+$0xFFFFF950]  }
0x49a: {  	v1 =	vadd.f32 v2, v1  }
0x49b: {  	v2 =	vld [tilespmem:s18+$0xFFFFF9D0]  }
0x49c: {  	v1 =	vadd.f32 v3, v1  }
0x49d: {  	v3 =	vld [tilespmem:s18+$0xFFFFFA50]  }
0x49e: {  	v1 =	vadd.f32 v4, v1  }
0x49f: {  	v4 =	vld [tilespmem:s18+$0xFFFFFAD0]  }
0x4a0: {  	v1 =	vadd.f32 v2, v1  }
0x4a1: {  	v2 =	vld [tilespmem:s18+$0xFFFFFB50]  }
0x4a2: {  	v1 =	vadd.f32 v3, v1  }
0x4a3: {  	v3 =	vld [tilespmem:s18+$0xFFFFFBD0]  }
0x4a4: {  	v1 =	vadd.f32 v4, v1  }
0x4a5: {  	v4 =	vld [tilespmem:s18+$0xFFFFFC50]  }
0x4a6: {  	v1 =	vadd.f32 v2, v1  }
0x4a7: {  	v2 =	vld [tilespmem:s18+$0xFFFFFCD0]  }
0x4a8: {  	v1 =	vadd.f32 v3, v1  }
0x4a9: {  	v3 =	vld [tilespmem:s18+$0xFFFFFD50]  }
0x4aa: {  	v1 =	vadd.f32 v4, v1  }
0x4ab: {  	v4 =	vld [tilespmem:s18+$0xFFFFFDD0]  }
0x4ac: {  	v1 =	vadd.f32 v2, v1  }
0x4ad: {  	v2 =	vld [tilespmem:s18+$0xFFFFFE50]  }
0x4ae: {  	v1 =	vadd.f32 v3, v1  }
0x4af: {  	v3 =	vld [tilespmem:s18+$0xFFFFFED0]  }
0x4b0: {  	v1 =	vadd.f32 v4, v1  }
0x4b1: {  	v4 =	vld [tilespmem:s18+$0xFFFFFF50]  }
0x4b2: {  	v1 =	vadd.f32 v2, v1  }
0x4b3: {  	v2 =	vld [tilespmem:s18+$0xFFFFFFD0]  }
0x4b4: {  	v1 =	vadd.f32 v3, v1;
	_ =	sdelay $0x1  }
0x4b5: {  	v1 =	vadd.f32 v4, v1;
	_ =	sdelay $0x1  }
0x4b6: {  	v1 =	vadd.f32 v2, v1;
	_ =	sdelay $0x1  }
0x4b7: {  	v1 =	vmul.f32 $5.000000070e-02, v1;
	_ =	sdelay $0x1  }
0x4b8: {  	[tilespmem:v0+s19+$0xFFFFFFD0 ss:$0x1] =	vst.idx.msk $0xffff, v1  }
0x4b9: {  	v1 =	vld [tilespmem:s18+$0xFFFFF660]  }
0x4ba: {  	v2 =	vld [tilespmem:s18+$0xFFFFF6E0]  }
0x4bb: {  	v3 =	vld [tilespmem:s18+$0xFFFFF760]  }
0x4bc: {  	v4 =	vld [tilespmem:s18+$0xFFFFF7E0]  }
0x4bd: {  	v5 =	vld [tilespmem:s18+$0xFFFFF860]  }
0x4be: {  	v6 =	vld [tilespmem:s18+$0xFFFFF8E0]  }
0x4bf: {  	v1 =	vadd.f32 v2, v1;
	v2 =	vld [tilespmem:s18+$0xFFFFF960]  }
0x4c0: {  	v7 =	vld [tilespmem:s18+$0xFFFFF9E0]  }
0x4c1: {  	v1 =	vadd.f32 v3, v1;
	v3 =	vld [tilespmem:s18+$0xFFFFFA60]  }
0x4c2: {  	v8 =	vld [tilespmem:s18+$0xFFFFFAE0]  }
0x4c3: {  	v1 =	vadd.f32 v4, v1;
	v4 =	vld [tilespmem:s18+$0xFFFFFB60]  }
0x4c4: {  	v9 =	vld [tilespmem:s18+$0xFFFFFBE0]  }
0x4c5: {  	v1 =	vadd.f32 v5, v1;
	v5 =	vld [tilespmem:s18+$0xFFFFFC60]  }
0x4c6: {  	v10 =	vld [tilespmem:s18+$0xFFFFFCE0]  }
0x4c7: {  	v1 =	vadd.f32 v6, v1;
	v6 =	vld [tilespmem:s18+$0xFFFFFD60]  }
0x4c8: {  	v11 =	vld [tilespmem:s18+$0xFFFFFDE0]  }
0x4c9: {  	v1 =	vadd.f32 v2, v1;
	v2 =	vld [tilespmem:s18+$0xFFFFFE60]  }
0x4ca: {  	v12 =	vld [tilespmem:s18+$0xFFFFFEE0]  }
0x4cb: {  	v1 =	vadd.f32 v7, v1;
	v7 =	vld [tilespmem:s18+$0xFFFFFF60]  }
0x4cc: {  	v13 =	vld [tilespmem:s18+$0xFFFFFFE0]  }
0x4cd: {  	v1 =	vadd.f32 v3, v1;
	_ =	sdelay $0x1  }
0x4ce: {  	v1 =	vadd.f32 v8, v1;
	_ =	sdelay $0x1  }
0x4cf: {  	v1 =	vadd.f32 v4, v1;
	_ =	sdelay $0x1  }
0x4d0: {  	v1 =	vadd.f32 v9, v1;
	_ =	sdelay $0x1  }
0x4d1: {  	v1 =	vadd.f32 v5, v1;
	_ =	sdelay $0x1  }
0x4d2: {  	v1 =	vadd.f32 v10, v1;
	_ =	sdelay $0x1  }
0x4d3: {  	v1 =	vadd.f32 v6, v1;
	_ =	sdelay $0x1  }
0x4d4: {  	v1 =	vadd.f32 v11, v1;
	_ =	sdelay $0x1  }
0x4d5: {  	v1 =	vadd.f32 v2, v1;
	_ =	sdelay $0x1  }
0x4d6: {  	v1 =	vadd.f32 v12, v1;
	_ =	sdelay $0x1  }
0x4d7: {  	v1 =	vadd.f32 v7, v1;
	_ =	sdelay $0x1  }
0x4d8: {  	v1 =	vadd.f32 v13, v1;
	_ =	sdelay $0x1  }
0x4d9: {  	v1 =	vmul.f32 $5.000000070e-02, v1;
	_ =	sdelay $0x1  }
0x4da: {  	[tilespmem:v0+s19+$0xFFFFFFE0 ss:$0x1] =	vst.idx.msk $0xffff, v1  }
0x4db: {  	v1 =	vld [tilespmem:s18+$0xFFFFF670]  }
0x4dc: {  	v2 =	vld [tilespmem:s18+$0xFFFFF6F0]  }
0x4dd: {  	v3 =	vld [tilespmem:s18+$0xFFFFF770]  }
0x4de: {  	v4 =	vld [tilespmem:s18+$0xFFFFF7F0]  }
0x4df: {  	v5 =	vld [tilespmem:s18+$0xFFFFF870]  }
0x4e0: {  	v6 =	vld [tilespmem:s18+$0xFFFFF8F0]  }
0x4e1: {  	v1 =	vadd.f32 v2, v1;
	v2 =	vld [tilespmem:s18+$0xFFFFF970]  }
0x4e2: {  	v7 =	vld [tilespmem:s18+$0xFFFFF9F0]  }
0x4e3: {  	v1 =	vadd.f32 v3, v1;
	v3 =	vld [tilespmem:s18+$0xFFFFFA70]  }
0x4e4: {  	v8 =	vld [tilespmem:s18+$0xFFFFFAF0]  }
0x4e5: {  	v1 =	vadd.f32 v4, v1;
	v4 =	vld [tilespmem:s18+$0xFFFFFB70]  }
0x4e6: {  	v9 =	vld [tilespmem:s18+$0xFFFFFBF0]  }
0x4e7: {  	v1 =	vadd.f32 v5, v1;
	v5 =	vld [tilespmem:s18+$0xFFFFFC70]  }
0x4e8: {  	v10 =	vld [tilespmem:s18+$0xFFFFFCF0]  }
0x4e9: {  	v1 =	vadd.f32 v6, v1;
	v6 =	vld [tilespmem:s18+$0xFFFFFD70]  }
0x4ea: {  	v11 =	vld [tilespmem:s18+$0xFFFFFDF0]  }
0x4eb: {  	v1 =	vadd.f32 v2, v1;
	v2 =	vld [tilespmem:s18+$0xFFFFFE70]  }
0x4ec: {  	v12 =	vld [tilespmem:s18+$0xFFFFFEF0]  }
0x4ed: {  	v1 =	vadd.f32 v7, v1;
	v7 =	vld [tilespmem:s18+$0xFFFFFF70]  }
0x4ee: {  	v13 =	vld [tilespmem:s18+$0xFFFFFFF0]  }
0x4ef: {  	v1 =	vadd.f32 v3, v1;
	_ =	sdelay $0x1  }
0x4f0: {  	v1 =	vadd.f32 v8, v1;
	_ =	sdelay $0x1  }
0x4f1: {  	v1 =	vadd.f32 v4, v1;
	_ =	sdelay $0x1  }
0x4f2: {  	v1 =	vadd.f32 v9, v1;
	_ =	sdelay $0x1  }
0x4f3: {  	v1 =	vadd.f32 v5, v1;
	_ =	sdelay $0x1  }
0x4f4: {  	v1 =	vadd.f32 v10, v1;
	_ =	sdelay $0x1  }
0x4f5: {  	v1 =	vadd.f32 v6, v1;
	_ =	sdelay $0x1  }
0x4f6: {  	v1 =	vadd.f32 v11, v1;
	_ =	sdelay $0x1  }
0x4f7: {  	v1 =	vadd.f32 v2, v1;
	_ =	sdelay $0x1  }
0x4f8: {  	v1 =	vadd.f32 v12, v1;
	_ =	sdelay $0x1  }
0x4f9: {  	v1 =	vadd.f32 v7, v1;
	_ =	sdelay $0x1  }
0x4fa: {  	v1 =	vadd.f32 v13, v1;
	_ =	sdelay $0x1  }
0x4fb: {  	v1 =	vmul.f32 $5.000000070e-02, v1;
	_ =	sdelay $0x1  }
0x4fc: {  	[tilespmem:v0+s19+$0xFFFFFFF0 ss:$0x1] =	vst.idx.msk $0xffff, v1  }
0x4fd: {  	v1 =	vld [tilespmem:s18+$0xFFFFF680]  }
0x4fe: {  	v2 =	vld [tilespmem:s18+$0xFFFFF700]  }
0x4ff: {  	v3 =	vld [tilespmem:s18+$0xFFFFF780]  }
0x500: {  	v4 =	vld [tilespmem:s18+$0xFFFFF800]  }
0x501: {  	v5 =	vld [tilespmem:s18+$0xFFFFF880]  }
0x502: {  	v6 =	vld [tilespmem:s18+$0xFFFFF900]  }
0x503: {  	v1 =	vadd.f32 v2, v1;
	v2 =	vld [tilespmem:s18+$0xFFFFF980]  }
0x504: {  	v7 =	vld [tilespmem:s18+$0xFFFFFA00]  }
0x505: {  	v1 =	vadd.f32 v3, v1;
	v8 =	vld [tilespmem:s18+$0xFFFFFA80]  }
0x506: {  	v9 =	vld [tilespmem:s18+$0xFFFFFB00]  }
0x507: {  	v1 =	vadd.f32 v4, v1;
	v4 =	vld [tilespmem:s18+$0xFFFFFB80]  }
0x508: {  	v10 =	vld [tilespmem:s18+$0xFFFFFC00]  }
0x509: {  	v1 =	vadd.f32 v5, v1;
	v5 =	vld [tilespmem:s18+$0xFFFFFC80]  }
0x50a: {  	v11 =	vld [tilespmem:s18+$0xFFFFFD00]  }
0x50b: {  	v1 =	vadd.f32 v6, v1;
	v6 =	vld [tilespmem:s18+$0xFFFFFD80]  }
0x50c: {  	v12 =	vld [tilespmem:s18+$0xFFFFFE00]  }
0x50d: {  	v1 =	vadd.f32 v2, v1;
	v13 =	vld [tilespmem:s18+$0xFFFFFE80]  }
0x50e: {  	v3 =	vld [tilespmem:s18+$0xFFFFFF00]  }
0x50f: {  	v7 =	vadd.f32 v7, v1;
	v1 =	vld [tilespmem:s18+$0xFFFFFF80]  }
0x510: {  	v2 =	vld [tilespmem:s18+$0x0]  }
0x511: {  	v7 =	vadd.f32 v8, v7;
	_ =	sdelay $0x1  }
0x512: {  	v7 =	vadd.f32 v9, v7;
	_ =	sdelay $0x1  }
0x513: {  	v4 =	vadd.f32 v4, v7;
	_ =	sdelay $0x1  }
0x514: {  	v4 =	vadd.f32 v10, v4;
	_ =	sdelay $0x1  }
0x515: {  	v4 =	vadd.f32 v5, v4;
	_ =	sdelay $0x1  }
0x516: {  	v4 =	vadd.f32 v11, v4;
	_ =	sdelay $0x1  }
.Ltmp1:
0x517: {  	v4 =	vadd.f32 v6, v4;
	(pc) =	sbr.rel @p0 .LBB2_5-.Ltmp1, $3  }
0x518: {  	_ = 	snop  }
0x519: {  	v4 =	vadd.f32 v12, v4;
	_ =	sdelay $0x1  }
0x51a: {  	v4 =	vadd.f32 v13, v4  }
0x51b: {  	_ = 	snop  }
0x51c: {  	v3 =	vadd.f32 v3, v4;
	_ =	sdelay $0x1  }
0x51d: {  	s17 =	sadd.s32 $0x1, s17;
	v1 =	vadd.f32 v1, v3  }
0x51e: {  	p0 =	sne.s32 s17, $0x10  }
.Ltmp2:
0x51f: {  	v1 =	vadd.f32 v2, v1;
	(pc) =	sbr.rel @p0 .LBB2_2-.Ltmp2, $3  }
0x520: {  	_ = 	snop  }
0x521: {  	v1 =	vmul.f32 $5.000000070e-02, v1;
	_ =	sdelay $0x1  }
0x522: {  	s15 =	sadd.s32 $0x400, s15;
	s16 =	sadd.s32 $0x400, s16;
	[tilespmem:v0+s19+$0x0 ss:$0x1] =	vst.idx.msk $0xffff, v1  }
0x523: {  	s14 =	sadd.s32 $0x1, s14  }
0x524: {  	p0 =	sne.s32 s14, s6  }
.Ltmp3:
0x525: {  	_ = 	snop;
	(pc) =	sbr.rel @p0 .LBB2_1-.Ltmp3, $4  }
0x526: {  	[hbm4b:s5+s3] =	stream.linear.scatter [tilespmem:s13], [sflag:$0x3], $0x4000, $0x38;
	[tilespmem:$0x9A00] =	vst v63  }
0x527: {  	_ =	swait.ge [sflag:s7], $0x4000  }
0x528: {  	[sflag:s7] =	ssyncset.done $0x0  }
0x529: {  	[sflag:s7] =	ssyncadd.s32 $0xFFFFC000  }
0x52a: {  	_ =	sfence.sel $0x180000  }
0x52b: {  	[bflag:$0x0] =	sbarrier.arrive $0xFFFF  }
0x52c: {  	p0 =	sne.s32 s1, $0x0;
	_ =	strace $0x90000047  }
0x52d: {  	s0 =	sadd.s32 @!p0 $0x100000, s0;
	[bflag:$0x2] =	sbarrier.arrive $0xFFFF  }
0x52e: {  	[sflag:s0] =	ssyncadd.tile.s32 @!p0 $0x1;
	_ =	shalt  }
.Lfunc_end2:
_tile_overlayer_lowered:
.L_overlay_start_2:
0x52f: {  	(tag) =	ssettag $0x2  }
0x530: {  	s0 =	rddreg [dreg:$0x0];
	s2 =	stileid.u32  }
0x531: {  	s1 =	rddreg [dreg:$0x1];
	p0 =	sne.s32 s2, $0x0  }
0x532: {  	s3 =	rddreg [dreg:$0x2];
	[bflag:$0x3] =	sbarrier.arrive $0xFFFF;
	s2 =	simm.s32 @!p0 $0x1C03  }
0x533: {  	[timem:s3], [sflag:s2] =	dma.local @!p0 [hbm:s0], s1  }
0x534: {  	s0 =	simm.s32 @!p0 $0x3  }
0x535: {  	_ =	swait.ge @!p0 [sflag:s0], s1  }
0x536: {  	s1 =	ssub.s32 @!p0 $0x0, s1;
	[sflag:s0] =	ssyncset.done @!p0 $0x0  }
0x537: {  	[sflag:s0] =	ssyncadd.s32 @!p0 s1  }
0x538: {  	[bflag:$0x3] =	sbarrier.arrive $0xFFFF  }
0x539: {  	_ =	shalt  }

</sc_bundles>
